<compile_context>
chip_gen: v7x
topology: tpu7x:2x2x1
jax: 0.10.2.dev20260603
libtpu: 0.0.44.dev20260713+nightly
codegen_flags: <defaults>
</compile_context>

<pallas_src>
import numpy as np
import jax
import jax.numpy as jnp
from jax import lax
from jax.experimental import pallas as pl
from jax.experimental.pallas import tpu as pltpu
from jax.experimental.pallas import tpu_sc as plsc

_M = 262144
_ALPHA = 0.1
_REG = 0.01
_TOL = 1e-4
_CUTOFF = int(_ALPHA * _M)
_SURPLUS = 1.0 - _CUTOFF / (_ALPHA * _M)
_LOG_M = float(np.log(_M))
_INV_AM = 1.0 / (_ALPHA * _M)
_KL_HARD = _LOG_M + _CUTOFF * _INV_AM * np.log(_INV_AM) + _SURPLUS * np.log(_SURPLUS)
_LOG_INV_ALPHA = float(np.log(1.0 / _ALPHA))
_IMIN = np.int32(-(2**31))
_XMASK = np.int32(0x7FFFFFFF)

_NS = 16
_NPT = _M // _NS
_NV = _NPT // 16
_BINS = 256


def _scalar(x):
    return x if x.ndim == 0 else lax.squeeze(lax.slice(x, (0,), (1,)), (0,))


def _sc_body(v_hbm, ts_hbm, out_hbm, vv, cand, hist, stg, csbuf, cbbuf, hbuf,
             fstg, istg, fbuf, ibuf, ostg, tstg, sh_hist, sh_f, sh_i, dma_sem):
    wid = lax.axis_index("s")
    lane = lax.iota(jnp.int32, 16)
    laneb = lane * _BINS
    ones = jnp.ones((16,), jnp.int32)
    izero = jnp.zeros((16,), jnp.int32)
    fzero = jnp.zeros((16,), jnp.float32)
    iminv = jnp.full((16,), _IMIN, jnp.int32)

    in_dma = pltpu.async_copy(v_hbm.at[pl.ds(wid * _NPT, _NPT)], vv, dma_sem)

    def keyu(x):
        b = lax.bitcast_convert_type(x, jnp.int32)
        k = jnp.where(b >= 0, b, b ^ _XMASK)
        return k, k ^ _IMIN

    def _clear_hist():
        @plsc.parallel_loop(0, (16 * _BINS) // 16, unroll=8)
        def _cl(i):
            hist[pl.ds(i * 16, 16)] = izero

    def _publish_hist(lvl):
        @plsc.parallel_loop(0, _BINS // 16, unroll=2)
        def _lr(c):
            acc = izero
            for l in range(16):
                acc = acc + hist[pl.ds(l * _BINS + c * 16, 16)]
                hist[pl.ds(l * _BINS + c * 16, 16)] = izero
            stg[pl.ds(c * 16, 16)] = acc
        pltpu.sync_copy(stg, sh_hist.at[lvl, pl.ds(wid * _BINS, _BINS)])
        plsc.subcore_barrier()

    def _combine(lvl, k_rem):
        pltpu.sync_copy(sh_hist.at[lvl], hbuf)

        def _ca(c, run):
            acc = izero
            for l in range(_NS):
                acc = acc + hbuf[pl.ds(l * _BINS + c * 16, 16)]
            s = plsc.cumsum(acc) + run
            cbbuf[pl.ds(c * 16, 16)] = acc
            csbuf[pl.ds(c * 16, 16)] = s
            return _scalar(lax.slice(s, (15,), (16,)))
        T = lax.fori_loop(0, _BINS // 16, _ca, jnp.int32(0))
        thresh = T - k_rem

        def _cb(c, bstar):
            s = csbuf[pl.ds(c * 16, 16)]
            idxv = lane + c * 16
            cnd = jnp.where(s > thresh, idxv, jnp.int32(_BINS))
            return jnp.minimum(bstar, jnp.min(cnd))
        bstar = lax.fori_loop(0, _BINS // 16, _cb, jnp.int32(_BINS))

        bsplat = izero + bstar
        n_eq = _scalar(plsc.load_gather(cbbuf, [bsplat]))
        cs_at = _scalar(plsc.load_gather(csbuf, [bsplat]))
        above = T - cs_at
        return bstar, above, n_eq, k_rem - above

    _clear_hist()
    in_dma.wait()

    @plsc.parallel_loop(0, _NV, unroll=8)
    def _p1(i):
        x = vv[pl.ds(i * 16, 16)]
        _, u = keyu(x)
        b1 = lax.shift_right_logical(u, 24)
        plsc.addupdate_scatter(hist, [laneb + b1], ones)
    _publish_hist(0)
    bstar1, above1, _, k_rem = _combine(0, jnp.int32(_CUTOFF))

    @plsc.parallel_loop(0, _NV, unroll=8,
                        carry=(jnp.int32(0), fzero, iminv))
    def _p2(i, carry):
        wptr, s_ab, mb = carry
        x = vv[pl.ds(i * 16, 16)]
        k, u = keyu(x)
        b1 = lax.shift_right_logical(u, 24)
        s_ab = s_ab + jnp.where(b1 > bstar1, x, fzero)
        mb = jnp.maximum(mb, jnp.where(b1 < bstar1, k, iminv))
        keep = b1 == bstar1
        b2 = lax.shift_right_logical(u, 16) & 0xFF
        plsc.addupdate_scatter(hist, [laneb + b2], ones, mask=keep)
        plsc.store_compressed(cand.at[pl.ds(wptr, 16)], x, mask=keep)
        wptr = wptr + _scalar(plsc.all_reduce_population_count(keep))
        return (wptr, s_ab, mb)
    n_cand, s_ab, mb = _p2
    _publish_hist(1)
    bstar2, above2, _, k_rem = _combine(1, k_rem)

    nvc = ((n_cand + 63) // 64) * 4

    @plsc.parallel_loop(0, nvc, unroll=4, carry=(s_ab, mb))
    def _p3(i, carry):
        s_ab, mb = carry
        x = cand[pl.ds(i * 16, 16)]
        valid = (i * 16 + lane) < n_cand
        k, u = keyu(x)
        b2 = lax.shift_right_logical(u, 16) & 0xFF
        s_ab = s_ab + jnp.where(valid & (b2 > bstar2), x, fzero)
        mb = jnp.maximum(mb, jnp.where(valid & (b2 < bstar2), k, iminv))
        keep = valid & (b2 == bstar2)
        b3 = lax.shift_right_logical(u, 8) & 0xFF
        plsc.addupdate_scatter(hist, [laneb + b3], ones, mask=keep)
        return (s_ab, mb)
    s_ab, mb = _p3
    _publish_hist(2)
    bstar3, above3, _, k_rem = _combine(2, k_rem)

    @plsc.parallel_loop(0, nvc, unroll=4, carry=(s_ab, mb))
    def _p4(i, carry):
        s_ab, mb = carry
        x = cand[pl.ds(i * 16, 16)]
        valid = (i * 16 + lane) < n_cand
        k, u = keyu(x)
        b2 = lax.shift_right_logical(u, 16) & 0xFF
        b3 = lax.shift_right_logical(u, 8) & 0xFF
        m2 = valid & (b2 == bstar2)
        s_ab = s_ab + jnp.where(m2 & (b3 > bstar3), x, fzero)
        mb = jnp.maximum(mb, jnp.where(m2 & (b3 < bstar3), k, iminv))
        keep = m2 & (b3 == bstar3)
        b4 = u & 0xFF
        plsc.addupdate_scatter(hist, [laneb + b4], ones, mask=keep)
        return (s_ab, mb)
    s_ab, mb = _p4
    fstg[...] = s_ab
    istg[...] = mb
    pltpu.sync_copy(fstg, sh_f.at[pl.ds(wid * 16, 16)])
    pltpu.sync_copy(istg, sh_i.at[pl.ds(wid * 16, 16)])
    _publish_hist(3)
    bstar4, above4, n_eq4, k_rem = _combine(3, k_rem)

    pfx_base = (((bstar1 << 8) | bstar2) << 8 | bstar3) << 8

    def _l4(c, carry):
        s4, bel = carry
        cnt = cbbuf[pl.ds(c * 16, 16)]
        idxv = lane + c * 16
        kk = (pfx_base | idxv) ^ _IMIN
        vals = lax.bitcast_convert_type(jnp.where(kk >= 0, kk, kk ^ _XMASK), jnp.float32)
        s4 = s4 + jnp.sum(jnp.where(idxv > bstar4,
                                    vals * cnt.astype(jnp.float32), fzero))
        m = (idxv < bstar4) & (cnt > 0)
        bel = jnp.maximum(bel, jnp.max(jnp.where(m, idxv,
                                                 jnp.full((16,), -1, jnp.int32))))
        return (s4, bel)
    s4, bel4 = lax.fori_loop(0, _BINS // 16, _l4, (jnp.float32(0), jnp.int32(-1)))

    @pl.when(wid == 0)
    def _final():
        pltpu.sync_copy(sh_f, fbuf)
        pltpu.sync_copy(sh_i, ibuf)

        def _fr(t, carry):
            sg, mm = carry
            sg = sg + jnp.sum(fbuf[pl.ds(t * 16, 16)])
            mm = jnp.maximum(mm, ibuf[pl.ds(t * 16, 16)])
            return (sg, mm)
        sgt, mbg_vec = lax.fori_loop(0, _NS, _fr, (jnp.float32(0), iminv))
        mbk = jnp.max(mbg_vec)
        sgt = sgt + s4
        c_gt = above1 + above2 + above3 + above4
        c_ge = c_gt + n_eq4
        t1k = (pfx_base | bstar4) ^ _IMIN
        bel4k = jnp.where(bel4 >= 0, (pfx_base | bel4) ^ _IMIN, _IMIN)
        t2k = jnp.where(c_ge >= _CUTOFF + 1, t1k, jnp.maximum(mbk, bel4k))

        def unkey_splat(kscalar):
            kv = izero + kscalar
            return lax.bitcast_convert_type(jnp.where(kv >= 0, kv, kv ^ _XMASK), jnp.float32)
        t1v = unkey_splat(t1k)
        t2v = unkey_splat(t2k)
        s_top = sgt + (jnp.float32(_CUTOFF) - c_gt.astype(jnp.float32)) * t1v
        hard = s_top * _INV_AM + _SURPLUS * t2v - _REG * _KL_HARD
        pltpu.sync_copy(ts_hbm.at[pl.ds(0, 16)], tstg)
        tsv = tstg[...]
        target = _scalar(lax.slice(tsv, (0,), (1,)))
        soft = _scalar(lax.slice(tsv, (1,), (2,)))
        ostg[...] = jnp.where(jnp.abs(target) <= _TOL, fzero + soft, hard)
        pltpu.sync_copy(ostg, out_hbm)


def _tc_body(v_ref, out_ref):
    v = v_ref[...]
    vmax = jnp.max(v)
    e = jnp.exp((v - vmax) * (1.0 / _REG))
    S = jnp.sum(e)
    w = jnp.minimum(e * (_M / S), 1.0 / _ALPHA)
    target = 1.0 - jnp.sum(w) * (1.0 / _M)
    dot_soft = jnp.sum(w * v) * (1.0 / _M)
    x = (v - vmax) * (1.0 / _REG) - jnp.log(S) + _LOG_M
    ent = jnp.sum(w * (jnp.minimum(x, _LOG_INV_ALPHA) - _LOG_M)) * (1.0 / _M)
    soft_val = dot_soft - _REG * (_LOG_M + ent)
    il = lax.broadcasted_iota(jnp.int32, (1, 128), 1)
    out_ref[...] = jnp.where(il == 0, target, soft_val)


_SC_SCRATCH = [
    pltpu.VMEM((_NPT,), jnp.float32),
    pltpu.VMEM((_NPT + 128,), jnp.float32),
    pltpu.VMEM((16 * _BINS,), jnp.int32),
    pltpu.VMEM((_BINS,), jnp.int32),
    pltpu.VMEM((_BINS,), jnp.int32),
    pltpu.VMEM((_BINS,), jnp.int32),
    pltpu.VMEM((_NS * _BINS,), jnp.int32),
    pltpu.VMEM((16,), jnp.float32),
    pltpu.VMEM((16,), jnp.int32),
    pltpu.VMEM((_NS * 16,), jnp.float32),
    pltpu.VMEM((_NS * 16,), jnp.int32),
    pltpu.VMEM((16,), jnp.float32),
    pltpu.VMEM((16,), jnp.float32),
    pltpu.VMEM_SHARED((4, _NS * _BINS), jnp.int32),
    pltpu.VMEM_SHARED((_NS * 16,), jnp.float32),
    pltpu.VMEM_SHARED((_NS * 16,), jnp.int32),
    pltpu.SemaphoreType.DMA,
]


def kernel(v):
    sc_fn = pl.kernel(
        _sc_body,
        out_type=jax.ShapeDtypeStruct((16,), jnp.float32),
        mesh=plsc.VectorSubcoreMesh(core_axis_name="c", subcore_axis_name="s",
                                    num_cores=1),
        scratch_types=_SC_SCRATCH,
        compiler_params=pltpu.CompilerParams(needs_layout_passes=False),
    )
    ts = pl.pallas_call(
        _tc_body,
        out_shape=jax.ShapeDtypeStruct((1, 128), jnp.float32),
    )(v.reshape(2048, 128))
    out16 = sc_fn(v, ts.reshape(128))
    return out16[0]

# --- scband reference (transcript-rebuilt; emitter-appended) ---
"""Pipeline reference for scband-loss-15642270892169 (READ-ONLY COPY).

The authoritative reference and input builder live on the scoring server;
editing this copy changes nothing except your own understanding.
"""

import jax, jax.numpy as jnp
import numpy as np

M = 262144
ALPHA = 0.1
REG = 0.01
TOL = 1e-4


def setup_inputs(seed: int = 0) -> dict:
    key = jax.random.key(seed)
    v = jax.random.normal(key, (M,), dtype=jnp.float32)
    return {"v": v}


def _forward(v):
    alpha = ALPHA
    reg = REG
    tol = TOL
    m = v.shape[0]

    def p_soft(eta):
        x = (v - eta) / reg
        return jnp.minimum(jnp.exp(x), 1.0 / alpha) / m

    # eta_min = reg * logsumexp(v/reg - log(m))
    eta_min = reg * jax.nn.logsumexp(v / reg - np.log(m))
    ps = p_soft(eta_min)
    target = 1.0 - jnp.sum(ps)

    # hard (sorted / truncated) branch
    cutoff = int(alpha * m)  # static python int
    surplus = 1.0 - cutoff / (alpha * m)
    idx = jnp.argsort(v)[::-1]  # descending
    p_hard = jnp.zeros_like(v).at[idx[:cutoff]].set(1.0 / (alpha * m))
    if cutoff < m:
        p_hard = p_hard.at[idx[cutoff]].set(jnp.asarray(surplus, dtype=v.dtype))

    # select branch per |bisection_target| <= tol
    p = jnp.where(jnp.abs(target) <= tol, ps, p_hard)

    # cvar_value: <p, v> - reg * KL(p || uniform), KL over nonzero entries of p
    safe_p = jnp.where(p > 0, p, 1.0)
    kl = np.log(m) + jnp.sum(jnp.where(p > 0, p * jnp.log(safe_p), 0.0))
    return jnp.dot(p, v) - reg * kl


def reference(v):
    return _forward(v)

if __name__ == "__main__":
    import jax
    _d = setup_inputs()
    print(jax.jit(kernel)(*tuple(_d.values())))

</pallas_src>

<mosaic_0001>
#map = affine_map<(d0, d1) -> (0)>
module attributes {stable_mosaic.version = 14 : i64} {
  func.func @_sc_body(%arg0: i32, %arg1: i32, %arg2: memref<262144xf32, #tpu.memory_space<hbm>>, %arg3: memref<128xf32, #tpu.memory_space<hbm>>, %arg4: memref<16xf32, #tpu.memory_space<hbm>>, %arg5: memref<16384xf32, #tpu.memory_space<vmem>>, %arg6: memref<16512xf32, #tpu.memory_space<vmem>>, %arg7: memref<4096xi32, #tpu.memory_space<vmem>>, %arg8: memref<256xi32, #tpu.memory_space<vmem>>, %arg9: memref<256xi32, #tpu.memory_space<vmem>>, %arg10: memref<256xi32, #tpu.memory_space<vmem>>, %arg11: memref<4096xi32, #tpu.memory_space<vmem>>, %arg12: memref<16xf32, #tpu.memory_space<vmem>>, %arg13: memref<16xi32, #tpu.memory_space<vmem>>, %arg14: memref<256xf32, #tpu.memory_space<vmem>>, %arg15: memref<256xi32, #tpu.memory_space<vmem>>, %arg16: memref<16xf32, #tpu.memory_space<vmem>>, %arg17: memref<16xf32, #tpu.memory_space<vmem>>, %arg18: memref<4x4096xi32, #tpu.memory_space<vmem_shared>>, %arg19: memref<256xf32, #tpu.memory_space<vmem_shared>>, %arg20: memref<256xi32, #tpu.memory_space<vmem_shared>>, %arg21: memref<!tpu.dma_semaphore, #tpu.memory_space<semaphore_mem>>) attributes {dimension_semantics = [#tpu.dimension_semantics<core_parallel>, #tpu.dimension_semantics<subcore_parallel>], iteration_bounds = array<i64: 1, 16>, scalar_prefetch = 0 : i64, scratch_operands = 17 : i64, tpu.core_type = #tpu.core_type<sc_vector_subcore>, window_params = [{transform_indices = #map}, {transform_indices = #map}, {transform_indices = #map}]} {
    %iota3A = tpu.iota {dimensions = array<i32: 0>} : vector<16xi32>
    %mul3A = arith.constant 256 : i32
    %mul3A_0 = vector.broadcast %mul3A : i32 to vector<16xi32>
    %mul3A_1 = arith.muli %iota3A, %mul3A_0 : vector<16xi32>
    %broadcast_in_dim3A = arith.constant 1 : i32
    %broadcast_in_dim3A_2 = vector.broadcast %broadcast_in_dim3A : i32 to vector<16xi32>
    %broadcast_in_dim3A_3 = arith.constant 0 : i32
    %broadcast_in_dim3A_4 = vector.broadcast %broadcast_in_dim3A_3 : i32 to vector<16xi32>
    %broadcast_in_dim3A_5 = arith.constant 0.000000e+00 : f32
    %broadcast_in_dim3A_6 = vector.broadcast %broadcast_in_dim3A_5 : f32 to vector<16xf32>
    %broadcast_in_dim3A_7 = arith.constant -2147483648 : i32
    %broadcast_in_dim3A_8 = vector.broadcast %broadcast_in_dim3A_7 : i32 to vector<16xi32>
    %mul3A_9 = arith.constant 16384 : i32
    %mul3A_10 = arith.muli %arg1, %mul3A_9 : i32
    %dma_start3A = tpu.memref_slice %arg2[%mul3A_10] : memref<262144xf32, #tpu.memory_space<hbm>> -> memref<16384xf32, #tpu.memory_space<hbm>>
    %dma_start3A_11 = tpu.memref_slice %arg2[%mul3A_10] : memref<262144xf32, #tpu.memory_space<hbm>> -> memref<16384xf32, #tpu.memory_space<hbm>>
    tpu.enqueue_dma source(%dma_start3A_11 : memref<16384xf32, #tpu.memory_space<hbm>>) target(%arg5 : memref<16384xf32, #tpu.memory_space<vmem>>) target_semaphore(%arg21 : memref<!tpu.dma_semaphore, #tpu.memory_space<semaphore_mem>>)
    %parallel_loop3A = arith.constant 0 : i32
    %parallel_loop3A_12 = arith.constant 256 : i32
    %parallel_loop3A_13 = arith.constant 1 : i32
    scf.for %parallel_loop3A_199 = %parallel_loop3A to %parallel_loop3A_12 step %parallel_loop3A_13  : i32 {
      %parallel_loop3A_200 = arith.constant 16 : i32
      %parallel_loop3A_201 = arith.muli %parallel_loop3A_199, %parallel_loop3A_200 : i32
      %parallel_loop3A_202 = arith.index_cast %parallel_loop3A_201 : i32 to index
      %parallel_loop3A_203 = tpu.vector_load %arg7[%parallel_loop3A_202] {strides = array<i32>} : memref<4096xi32, #tpu.memory_space<vmem>>, vector<16xi32>,
      tpu.vector_store %arg7[%parallel_loop3A_202], %broadcast_in_dim3A_4 {strides = array<i32>} : memref<4096xi32, #tpu.memory_space<vmem>>, vector<16xi32>,
    } {sc.loop_unroll_factor = 8 : i64, sc.parallel_access}
    %dma_wait3A = tpu.memref_slice %arg2[%mul3A_10] : memref<262144xf32, #tpu.memory_space<hbm>> -> memref<16384xf32, #tpu.memory_space<hbm>>
    %dma_wait3A_14 = tpu.memref_slice %arg2[%mul3A_10] : memref<262144xf32, #tpu.memory_space<hbm>> -> memref<16384xf32, #tpu.memory_space<hbm>>
    tpu.wait_dma2 semaphore(%arg21 : memref<!tpu.dma_semaphore, #tpu.memory_space<semaphore_mem>>) src(%dma_wait3A_14 : memref<16384xf32, #tpu.memory_space<hbm>>) dst(%arg5 : memref<16384xf32, #tpu.memory_space<vmem>>)
    %parallel_loop3A_15 = arith.constant 0 : i32
    %parallel_loop3A_16 = arith.constant 1024 : i32
    %parallel_loop3A_17 = arith.constant 1 : i32
    scf.for %parallel_loop3A_199 = %parallel_loop3A_15 to %parallel_loop3A_16 step %parallel_loop3A_17  : i32 {
      %parallel_loop3A_200 = arith.constant 16 : i32
      %parallel_loop3A_201 = arith.muli %parallel_loop3A_199, %parallel_loop3A_200 : i32
      %parallel_loop3A_202 = arith.index_cast %parallel_loop3A_201 : i32 to index
      %parallel_loop3A_203 = tpu.vector_load %arg5[%parallel_loop3A_202] {strides = array<i32>} : memref<16384xf32, #tpu.memory_space<vmem>>, vector<16xf32>,
      %parallel_loop3A_204 = tpu.bitcast %parallel_loop3A_203 : vector<16xf32> -> vector<16xi32>
      %parallel_loop3A_205 = arith.constant 0 : i32
      %parallel_loop3A_206 = vector.broadcast %parallel_loop3A_205 : i32 to vector<16xi32>
      %parallel_loop3A_207 = arith.cmpi sge, %parallel_loop3A_204, %parallel_loop3A_206 : vector<16xi32>
      %parallel_loop3A_208 = arith.constant 2147483647 : i32
      %parallel_loop3A_209 = vector.broadcast %parallel_loop3A_208 : i32 to vector<16xi32>
      %parallel_loop3A_210 = arith.xori %parallel_loop3A_204, %parallel_loop3A_209 : vector<16xi32>
      %parallel_loop3A_211 = arith.select %parallel_loop3A_207, %parallel_loop3A_204, %parallel_loop3A_210 : vector<16xi1>, vector<16xi32>
      %parallel_loop3A_212 = arith.constant -2147483648 : i32
      %parallel_loop3A_213 = vector.broadcast %parallel_loop3A_212 : i32 to vector<16xi32>
      %parallel_loop3A_214 = arith.xori %parallel_loop3A_211, %parallel_loop3A_213 : vector<16xi32>
      %parallel_loop3A_215 = arith.constant 24 : i32
      %parallel_loop3A_216 = vector.broadcast %parallel_loop3A_215 : i32 to vector<16xi32>
      %parallel_loop3A_217 = arith.shrui %parallel_loop3A_214, %parallel_loop3A_216 : vector<16xi32>
      %parallel_loop3A_218 = arith.addi %mul3A_1, %parallel_loop3A_217 : vector<16xi32>
      tpu.vector_store_idx %arg7[%parallel_loop3A_218], %broadcast_in_dim3A_2 {add = true} : memref<4096xi32, #tpu.memory_space<vmem>>[vector<16xi32>], vector<16xi32>,
    } {sc.loop_unroll_factor = 8 : i64, sc.parallel_access}
    %parallel_loop3A_18 = arith.constant 0 : i32
    %parallel_loop3A_19 = arith.constant 16 : i32
    %parallel_loop3A_20 = arith.constant 1 : i32
    scf.for %parallel_loop3A_199 = %parallel_loop3A_18 to %parallel_loop3A_19 step %parallel_loop3A_20  : i32 {
      %parallel_loop3A_200 = arith.constant 16 : i32
      %parallel_loop3A_201 = arith.muli %parallel_loop3A_199, %parallel_loop3A_200 : i32
      %parallel_loop3A_202 = arith.constant 0 : i32
      %parallel_loop3A_203 = arith.addi %parallel_loop3A_202, %parallel_loop3A_201 : i32
      %parallel_loop3A_204 = arith.index_cast %parallel_loop3A_203 : i32 to index
      %parallel_loop3A_205 = tpu.vector_load %arg7[%parallel_loop3A_204] {strides = array<i32>} : memref<4096xi32, #tpu.memory_space<vmem>>, vector<16xi32>,
      %parallel_loop3A_206 = arith.addi %broadcast_in_dim3A_4, %parallel_loop3A_205 : vector<16xi32>
      %parallel_loop3A_207 = arith.constant 16 : i32
      %parallel_loop3A_208 = arith.muli %parallel_loop3A_199, %parallel_loop3A_207 : i32
      %parallel_loop3A_209 = arith.constant 0 : i32
      %parallel_loop3A_210 = arith.addi %parallel_loop3A_209, %parallel_loop3A_208 : i32
      %parallel_loop3A_211 = arith.index_cast %parallel_loop3A_210 : i32 to index
      %parallel_loop3A_212 = tpu.vector_load %arg7[%parallel_loop3A_211] {strides = array<i32>} : memref<4096xi32, #tpu.memory_space<vmem>>, vector<16xi32>,
      tpu.vector_store %arg7[%parallel_loop3A_211], %broadcast_in_dim3A_4 {strides = array<i32>} : memref<4096xi32, #tpu.memory_space<vmem>>, vector<16xi32>,
      %parallel_loop3A_213 = arith.constant 16 : i32
      %parallel_loop3A_214 = arith.muli %parallel_loop3A_199, %parallel_loop3A_213 : i32
      %parallel_loop3A_215 = arith.constant 256 : i32
      %parallel_loop3A_216 = arith.addi %parallel_loop3A_215, %parallel_loop3A_214 : i32
      %parallel_loop3A_217 = arith.index_cast %parallel_loop3A_216 : i32 to index
      %parallel_loop3A_218 = tpu.vector_load %arg7[%parallel_loop3A_217] {strides = array<i32>} : memref<4096xi32, #tpu.memory_space<vmem>>, vector<16xi32>,
      %parallel_loop3A_219 = arith.addi %parallel_loop3A_206, %parallel_loop3A_218 : vector<16xi32>
      %parallel_loop3A_220 = arith.constant 16 : i32
      %parallel_loop3A_221 = arith.muli %parallel_loop3A_199, %parallel_loop3A_220 : i32
      %parallel_loop3A_222 = arith.constant 256 : i32
      %parallel_loop3A_223 = arith.addi %parallel_loop3A_222, %parallel_loop3A_221 : i32
      %parallel_loop3A_224 = arith.index_cast %parallel_loop3A_223 : i32 to index
      %parallel_loop3A_225 = tpu.vector_load %arg7[%parallel_loop3A_224] {strides = array<i32>} : memref<4096xi32, #tpu.memory_space<vmem>>, vector<16xi32>,
      tpu.vector_store %arg7[%parallel_loop3A_224], %broadcast_in_dim3A_4 {strides = array<i32>} : memref<4096xi32, #tpu.memory_space<vmem>>, vector<16xi32>,
      %parallel_loop3A_226 = arith.constant 16 : i32
      %parallel_loop3A_227 = arith.muli %parallel_loop3A_199, %parallel_loop3A_226 : i32
      %parallel_loop3A_228 = arith.constant 512 : i32
      %parallel_loop3A_229 = arith.addi %parallel_loop3A_228, %parallel_loop3A_227 : i32
      %parallel_loop3A_230 = arith.index_cast %parallel_loop3A_229 : i32 to index
      %parallel_loop3A_231 = tpu.vector_load %arg7[%parallel_loop3A_230] {strides = array<i32>} : memref<4096xi32, #tpu.memory_space<vmem>>, vector<16xi32>,
      %parallel_loop3A_232 = arith.addi %parallel_loop3A_219, %parallel_loop3A_231 : vector<16xi32>
      %parallel_loop3A_233 = arith.constant 16 : i32
      %parallel_loop3A_234 = arith.muli %parallel_loop3A_199, %parallel_loop3A_233 : i32
      %parallel_loop3A_235 = arith.constant 512 : i32
      %parallel_loop3A_236 = arith.addi %parallel_loop3A_235, %parallel_loop3A_234 : i32
      %parallel_loop3A_237 = arith.index_cast %parallel_loop3A_236 : i32 to index
      %parallel_loop3A_238 = tpu.vector_load %arg7[%parallel_loop3A_237] {strides = array<i32>} : memref<4096xi32, #tpu.memory_space<vmem>>, vector<16xi32>,
      tpu.vector_store %arg7[%parallel_loop3A_237], %broadcast_in_dim3A_4 {strides = array<i32>} : memref<4096xi32, #tpu.memory_space<vmem>>, vector<16xi32>,
      %parallel_loop3A_239 = arith.constant 16 : i32
      %parallel_loop3A_240 = arith.muli %parallel_loop3A_199, %parallel_loop3A_239 : i32
      %parallel_loop3A_241 = arith.constant 768 : i32
      %parallel_loop3A_242 = arith.addi %parallel_loop3A_241, %parallel_loop3A_240 : i32
      %parallel_loop3A_243 = arith.index_cast %parallel_loop3A_242 : i32 to index
      %parallel_loop3A_244 = tpu.vector_load %arg7[%parallel_loop3A_243] {strides = array<i32>} : memref<4096xi32, #tpu.memory_space<vmem>>, vector<16xi32>,
      %parallel_loop3A_245 = arith.addi %parallel_loop3A_232, %parallel_loop3A_244 : vector<16xi32>
      %parallel_loop3A_246 = arith.constant 16 : i32
      %parallel_loop3A_247 = arith.muli %parallel_loop3A_199, %parallel_loop3A_246 : i32
      %parallel_loop3A_248 = arith.constant 768 : i32
      %parallel_loop3A_249 = arith.addi %parallel_loop3A_248, %parallel_loop3A_247 : i32
      %parallel_loop3A_250 = arith.index_cast %parallel_loop3A_249 : i32 to index
      %parallel_loop3A_251 = tpu.vector_load %arg7[%parallel_loop3A_250] {strides = array<i32>} : memref<4096xi32, #tpu.memory_space<vmem>>, vector<16xi32>,
      tpu.vector_store %arg7[%parallel_loop3A_250], %broadcast_in_dim3A_4 {strides = array<i32>} : memref<4096xi32, #tpu.memory_space<vmem>>, vector<16xi32>,
      %parallel_loop3A_252 = arith.constant 16 : i32
      %parallel_loop3A_253 = arith.muli %parallel_loop3A_199, %parallel_loop3A_252 : i32
      %parallel_loop3A_254 = arith.constant 1024 : i32
      %parallel_loop3A_255 = arith.addi %parallel_loop3A_254, %parallel_loop3A_253 : i32
      %parallel_loop3A_256 = arith.index_cast %parallel_loop3A_255 : i32 to index
      %parallel_loop3A_257 = tpu.vector_load %arg7[%parallel_loop3A_256] {strides = array<i32>} : memref<4096xi32, #tpu.memory_space<vmem>>, vector<16xi32>,
      %parallel_loop3A_258 = arith.addi %parallel_loop3A_245, %parallel_loop3A_257 : vector<16xi32>
      %parallel_loop3A_259 = arith.constant 16 : i32
      %parallel_loop3A_260 = arith.muli %parallel_loop3A_199, %parallel_loop3A_259 : i32
      %parallel_loop3A_261 = arith.constant 1024 : i32
      %parallel_loop3A_262 = arith.addi %parallel_loop3A_261, %parallel_loop3A_260 : i32
      %parallel_loop3A_263 = arith.index_cast %parallel_loop3A_262 : i32 to index
      %parallel_loop3A_264 = tpu.vector_load %arg7[%parallel_loop3A_263] {strides = array<i32>} : memref<4096xi32, #tpu.memory_space<vmem>>, vector<16xi32>,
      tpu.vector_store %arg7[%parallel_loop3A_263], %broadcast_in_dim3A_4 {strides = array<i32>} : memref<4096xi32, #tpu.memory_space<vmem>>, vector<16xi32>,
      %parallel_loop3A_265 = arith.constant 16 : i32
      %parallel_loop3A_266 = arith.muli %parallel_loop3A_199, %parallel_loop3A_265 : i32
      %parallel_loop3A_267 = arith.constant 1280 : i32
      %parallel_loop3A_268 = arith.addi %parallel_loop3A_267, %parallel_loop3A_266 : i32
      %parallel_loop3A_269 = arith.index_cast %parallel_loop3A_268 : i32 to index
      %parallel_loop3A_270 = tpu.vector_load %arg7[%parallel_loop3A_269] {strides = array<i32>} : memref<4096xi32, #tpu.memory_space<vmem>>, vector<16xi32>,
      %parallel_loop3A_271 = arith.addi %parallel_loop3A_258, %parallel_loop3A_270 : vector<16xi32>
      %parallel_loop3A_272 = arith.constant 16 : i32
      %parallel_loop3A_273 = arith.muli %parallel_loop3A_199, %parallel_loop3A_272 : i32
      %parallel_loop3A_274 = arith.constant 1280 : i32
      %parallel_loop3A_275 = arith.addi %parallel_loop3A_274, %parallel_loop3A_273 : i32
      %parallel_loop3A_276 = arith.index_cast %parallel_loop3A_275 : i32 to index
      %parallel_loop3A_277 = tpu.vector_load %arg7[%parallel_loop3A_276] {strides = array<i32>} : memref<4096xi32, #tpu.memory_space<vmem>>, vector<16xi32>,
      tpu.vector_store %arg7[%parallel_loop3A_276], %broadcast_in_dim3A_4 {strides = array<i32>} : memref<4096xi32, #tpu.memory_space<vmem>>, vector<16xi32>,
      %parallel_loop3A_278 = arith.constant 16 : i32
      %parallel_loop3A_279 = arith.muli %parallel_loop3A_199, %parallel_loop3A_278 : i32
      %parallel_loop3A_280 = arith.constant 1536 : i32
      %parallel_loop3A_281 = arith.addi %parallel_loop3A_280, %parallel_loop3A_279 : i32
      %parallel_loop3A_282 = arith.index_cast %parallel_loop3A_281 : i32 to index
      %parallel_loop3A_283 = tpu.vector_load %arg7[%parallel_loop3A_282] {strides = array<i32>} : memref<4096xi32, #tpu.memory_space<vmem>>, vector<16xi32>,
      %parallel_loop3A_284 = arith.addi %parallel_loop3A_271, %parallel_loop3A_283 : vector<16xi32>
      %parallel_loop3A_285 = arith.constant 16 : i32
      %parallel_loop3A_286 = arith.muli %parallel_loop3A_199, %parallel_loop3A_285 : i32
      %parallel_loop3A_287 = arith.constant 1536 : i32
      %parallel_loop3A_288 = arith.addi %parallel_loop3A_287, %parallel_loop3A_286 : i32
      %parallel_loop3A_289 = arith.index_cast %parallel_loop3A_288 : i32 to index
      %parallel_loop3A_290 = tpu.vector_load %arg7[%parallel_loop3A_289] {strides = array<i32>} : memref<4096xi32, #tpu.memory_space<vmem>>, vector<16xi32>,
      tpu.vector_store %arg7[%parallel_loop3A_289], %broadcast_in_dim3A_4 {strides = array<i32>} : memref<4096xi32, #tpu.memory_space<vmem>>, vector<16xi32>,
      %parallel_loop3A_291 = arith.constant 16 : i32
      %parallel_loop3A_292 = arith.muli %parallel_loop3A_199, %parallel_loop3A_291 : i32
      %parallel_loop3A_293 = arith.constant 1792 : i32
      %parallel_loop3A_294 = arith.addi %parallel_loop3A_293, %parallel_loop3A_292 : i32
      %parallel_loop3A_295 = arith.index_cast %parallel_loop3A_294 : i32 to index
      %parallel_loop3A_296 = tpu.vector_load %arg7[%parallel_loop3A_295] {strides = array<i32>} : memref<4096xi32, #tpu.memory_space<vmem>>, vector<16xi32>,
      %parallel_loop3A_297 = arith.addi %parallel_loop3A_284, %parallel_loop3A_296 : vector<16xi32>
      %parallel_loop3A_298 = arith.constant 16 : i32
      %parallel_loop3A_299 = arith.muli %parallel_loop3A_199, %parallel_loop3A_298 : i32
      %parallel_loop3A_300 = arith.constant 1792 : i32
      %parallel_loop3A_301 = arith.addi %parallel_loop3A_300, %parallel_loop3A_299 : i32
      %parallel_loop3A_302 = arith.index_cast %parallel_loop3A_301 : i32 to index
      %parallel_loop3A_303 = tpu.vector_load %arg7[%parallel_loop3A_302] {strides = array<i32>} : memref<4096xi32, #tpu.memory_space<vmem>>, vector<16xi32>,
      tpu.vector_store %arg7[%parallel_loop3A_302], %broadcast_in_dim3A_4 {strides = array<i32>} : memref<4096xi32, #tpu.memory_space<vmem>>, vector<16xi32>,
      %parallel_loop3A_304 = arith.constant 16 : i32
      %parallel_loop3A_305 = arith.muli %parallel_loop3A_199, %parallel_loop3A_304 : i32
      %parallel_loop3A_306 = arith.constant 2048 : i32
      %parallel_loop3A_307 = arith.addi %parallel_loop3A_306, %parallel_loop3A_305 : i32
      %parallel_loop3A_308 = arith.index_cast %parallel_loop3A_307 : i32 to index
      %parallel_loop3A_309 = tpu.vector_load %arg7[%parallel_loop3A_308] {strides = array<i32>} : memref<4096xi32, #tpu.memory_space<vmem>>, vector<16xi32>,
      %parallel_loop3A_310 = arith.addi %parallel_loop3A_297, %parallel_loop3A_309 : vector<16xi32>
      %parallel_loop3A_311 = arith.constant 16 : i32
      %parallel_loop3A_312 = arith.muli %parallel_loop3A_199, %parallel_loop3A_311 : i32
      %parallel_loop3A_313 = arith.constant 2048 : i32
      %parallel_loop3A_314 = arith.addi %parallel_loop3A_313, %parallel_loop3A_312 : i32
      %parallel_loop3A_315 = arith.index_cast %parallel_loop3A_314 : i32 to index
      %parallel_loop3A_316 = tpu.vector_load %arg7[%parallel_loop3A_315] {strides = array<i32>} : memref<4096xi32, #tpu.memory_space<vmem>>, vector<16xi32>,
      tpu.vector_store %arg7[%parallel_loop3A_315], %broadcast_in_dim3A_4 {strides = array<i32>} : memref<4096xi32, #tpu.memory_space<vmem>>, vector<16xi32>,
      %parallel_loop3A_317 = arith.constant 16 : i32
      %parallel_loop3A_318 = arith.muli %parallel_loop3A_199, %parallel_loop3A_317 : i32
      %parallel_loop3A_319 = arith.constant 2304 : i32
      %parallel_loop3A_320 = arith.addi %parallel_loop3A_319, %parallel_loop3A_318 : i32
      %parallel_loop3A_321 = arith.index_cast %parallel_loop3A_320 : i32 to index
      %parallel_loop3A_322 = tpu.vector_load %arg7[%parallel_loop3A_321] {strides = array<i32>} : memref<4096xi32, #tpu.memory_space<vmem>>, vector<16xi32>,
      %parallel_loop3A_323 = arith.addi %parallel_loop3A_310, %parallel_loop3A_322 : vector<16xi32>
      %parallel_loop3A_324 = arith.constant 16 : i32
      %parallel_loop3A_325 = arith.muli %parallel_loop3A_199, %parallel_loop3A_324 : i32
      %parallel_loop3A_326 = arith.constant 2304 : i32
      %parallel_loop3A_327 = arith.addi %parallel_loop3A_326, %parallel_loop3A_325 : i32
      %parallel_loop3A_328 = arith.index_cast %parallel_loop3A_327 : i32 to index
      %parallel_loop3A_329 = tpu.vector_load %arg7[%parallel_loop3A_328] {strides = array<i32>} : memref<4096xi32, #tpu.memory_space<vmem>>, vector<16xi32>,
      tpu.vector_store %arg7[%parallel_loop3A_328], %broadcast_in_dim3A_4 {strides = array<i32>} : memref<4096xi32, #tpu.memory_space<vmem>>, vector<16xi32>,
      %parallel_loop3A_330 = arith.constant 16 : i32
      %parallel_loop3A_331 = arith.muli %parallel_loop3A_199, %parallel_loop3A_330 : i32
      %parallel_loop3A_332 = arith.constant 2560 : i32
      %parallel_loop3A_333 = arith.addi %parallel_loop3A_332, %parallel_loop3A_331 : i32
      %parallel_loop3A_334 = arith.index_cast %parallel_loop3A_333 : i32 to index
      %parallel_loop3A_335 = tpu.vector_load %arg7[%parallel_loop3A_334] {strides = array<i32>} : memref<4096xi32, #tpu.memory_space<vmem>>, vector<16xi32>,
      %parallel_loop3A_336 = arith.addi %parallel_loop3A_323, %parallel_loop3A_335 : vector<16xi32>
      %parallel_loop3A_337 = arith.constant 16 : i32
      %parallel_loop3A_338 = arith.muli %parallel_loop3A_199, %parallel_loop3A_337 : i32
      %parallel_loop3A_339 = arith.constant 2560 : i32
      %parallel_loop3A_340 = arith.addi %parallel_loop3A_339, %parallel_loop3A_338 : i32
      %parallel_loop3A_341 = arith.index_cast %parallel_loop3A_340 : i32 to index
      %parallel_loop3A_342 = tpu.vector_load %arg7[%parallel_loop3A_341] {strides = array<i32>} : memref<4096xi32, #tpu.memory_space<vmem>>, vector<16xi32>,
      tpu.vector_store %arg7[%parallel_loop3A_341], %broadcast_in_dim3A_4 {strides = array<i32>} : memref<4096xi32, #tpu.memory_space<vmem>>, vector<16xi32>,
      %parallel_loop3A_343 = arith.constant 16 : i32
      %parallel_loop3A_344 = arith.muli %parallel_loop3A_199, %parallel_loop3A_343 : i32
      %parallel_loop3A_345 = arith.constant 2816 : i32
      %parallel_loop3A_346 = arith.addi %parallel_loop3A_345, %parallel_loop3A_344 : i32
      %parallel_loop3A_347 = arith.index_cast %parallel_loop3A_346 : i32 to index
      %parallel_loop3A_348 = tpu.vector_load %arg7[%parallel_loop3A_347] {strides = array<i32>} : memref<4096xi32, #tpu.memory_space<vmem>>, vector<16xi32>,
      %parallel_loop3A_349 = arith.addi %parallel_loop3A_336, %parallel_loop3A_348 : vector<16xi32>
      %parallel_loop3A_350 = arith.constant 16 : i32
      %parallel_loop3A_351 = arith.muli %parallel_loop3A_199, %parallel_loop3A_350 : i32
      %parallel_loop3A_352 = arith.constant 2816 : i32
      %parallel_loop3A_353 = arith.addi %parallel_loop3A_352, %parallel_loop3A_351 : i32
      %parallel_loop3A_354 = arith.index_cast %parallel_loop3A_353 : i32 to index
      %parallel_loop3A_355 = tpu.vector_load %arg7[%parallel_loop3A_354] {strides = array<i32>} : memref<4096xi32, #tpu.memory_space<vmem>>, vector<16xi32>,
      tpu.vector_store %arg7[%parallel_loop3A_354], %broadcast_in_dim3A_4 {strides = array<i32>} : memref<4096xi32, #tpu.memory_space<vmem>>, vector<16xi32>,
      %parallel_loop3A_356 = arith.constant 16 : i32
      %parallel_loop3A_357 = arith.muli %parallel_loop3A_199, %parallel_loop3A_356 : i32
      %parallel_loop3A_358 = arith.constant 3072 : i32
      %parallel_loop3A_359 = arith.addi %parallel_loop3A_358, %parallel_loop3A_357 : i32
      %parallel_loop3A_360 = arith.index_cast %parallel_loop3A_359 : i32 to index
      %parallel_loop3A_361 = tpu.vector_load %arg7[%parallel_loop3A_360] {strides = array<i32>} : memref<4096xi32, #tpu.memory_space<vmem>>, vector<16xi32>,
      %parallel_loop3A_362 = arith.addi %parallel_loop3A_349, %parallel_loop3A_361 : vector<16xi32>
      %parallel_loop3A_363 = arith.constant 16 : i32
      %parallel_loop3A_364 = arith.muli %parallel_loop3A_199, %parallel_loop3A_363 : i32
      %parallel_loop3A_365 = arith.constant 3072 : i32
      %parallel_loop3A_366 = arith.addi %parallel_loop3A_365, %parallel_loop3A_364 : i32
      %parallel_loop3A_367 = arith.index_cast %parallel_loop3A_366 : i32 to index
      %parallel_loop3A_368 = tpu.vector_load %arg7[%parallel_loop3A_367] {strides = array<i32>} : memref<4096xi32, #tpu.memory_space<vmem>>, vector<16xi32>,
      tpu.vector_store %arg7[%parallel_loop3A_367], %broadcast_in_dim3A_4 {strides = array<i32>} : memref<4096xi32, #tpu.memory_space<vmem>>, vector<16xi32>,
      %parallel_loop3A_369 = arith.constant 16 : i32
      %parallel_loop3A_370 = arith.muli %parallel_loop3A_199, %parallel_loop3A_369 : i32
      %parallel_loop3A_371 = arith.constant 3328 : i32
      %parallel_loop3A_372 = arith.addi %parallel_loop3A_371, %parallel_loop3A_370 : i32
      %parallel_loop3A_373 = arith.index_cast %parallel_loop3A_372 : i32 to index
      %parallel_loop3A_374 = tpu.vector_load %arg7[%parallel_loop3A_373] {strides = array<i32>} : memref<4096xi32, #tpu.memory_space<vmem>>, vector<16xi32>,
      %parallel_loop3A_375 = arith.addi %parallel_loop3A_362, %parallel_loop3A_374 : vector<16xi32>
      %parallel_loop3A_376 = arith.constant 16 : i32
      %parallel_loop3A_377 = arith.muli %parallel_loop3A_199, %parallel_loop3A_376 : i32
      %parallel_loop3A_378 = arith.constant 3328 : i32
      %parallel_loop3A_379 = arith.addi %parallel_loop3A_378, %parallel_loop3A_377 : i32
      %parallel_loop3A_380 = arith.index_cast %parallel_loop3A_379 : i32 to index
      %parallel_loop3A_381 = tpu.vector_load %arg7[%parallel_loop3A_380] {strides = array<i32>} : memref<4096xi32, #tpu.memory_space<vmem>>, vector<16xi32>,
      tpu.vector_store %arg7[%parallel_loop3A_380], %broadcast_in_dim3A_4 {strides = array<i32>} : memref<4096xi32, #tpu.memory_space<vmem>>, vector<16xi32>,
      %parallel_loop3A_382 = arith.constant 16 : i32
      %parallel_loop3A_383 = arith.muli %parallel_loop3A_199, %parallel_loop3A_382 : i32
      %parallel_loop3A_384 = arith.constant 3584 : i32
      %parallel_loop3A_385 = arith.addi %parallel_loop3A_384, %parallel_loop3A_383 : i32
      %parallel_loop3A_386 = arith.index_cast %parallel_loop3A_385 : i32 to index
      %parallel_loop3A_387 = tpu.vector_load %arg7[%parallel_loop3A_386] {strides = array<i32>} : memref<4096xi32, #tpu.memory_space<vmem>>, vector<16xi32>,
      %parallel_loop3A_388 = arith.addi %parallel_loop3A_375, %parallel_loop3A_387 : vector<16xi32>
      %parallel_loop3A_389 = arith.constant 16 : i32
      %parallel_loop3A_390 = arith.muli %parallel_loop3A_199, %parallel_loop3A_389 : i32
      %parallel_loop3A_391 = arith.constant 3584 : i32
      %parallel_loop3A_392 = arith.addi %parallel_loop3A_391, %parallel_loop3A_390 : i32
      %parallel_loop3A_393 = arith.index_cast %parallel_loop3A_392 : i32 to index
      %parallel_loop3A_394 = tpu.vector_load %arg7[%parallel_loop3A_393] {strides = array<i32>} : memref<4096xi32, #tpu.memory_space<vmem>>, vector<16xi32>,
      tpu.vector_store %arg7[%parallel_loop3A_393], %broadcast_in_dim3A_4 {strides = array<i32>} : memref<4096xi32, #tpu.memory_space<vmem>>, vector<16xi32>,
      %parallel_loop3A_395 = arith.constant 16 : i32
      %parallel_loop3A_396 = arith.muli %parallel_loop3A_199, %parallel_loop3A_395 : i32
      %parallel_loop3A_397 = arith.constant 3840 : i32
      %parallel_loop3A_398 = arith.addi %parallel_loop3A_397, %parallel_loop3A_396 : i32
      %parallel_loop3A_399 = arith.index_cast %parallel_loop3A_398 : i32 to index
      %parallel_loop3A_400 = tpu.vector_load %arg7[%parallel_loop3A_399] {strides = array<i32>} : memref<4096xi32, #tpu.memory_space<vmem>>, vector<16xi32>,
      %parallel_loop3A_401 = arith.addi %parallel_loop3A_388, %parallel_loop3A_400 : vector<16xi32>
      %parallel_loop3A_402 = arith.constant 16 : i32
      %parallel_loop3A_403 = arith.muli %parallel_loop3A_199, %parallel_loop3A_402 : i32
      %parallel_loop3A_404 = arith.constant 3840 : i32
      %parallel_loop3A_405 = arith.addi %parallel_loop3A_404, %parallel_loop3A_403 : i32
      %parallel_loop3A_406 = arith.index_cast %parallel_loop3A_405 : i32 to index
      %parallel_loop3A_407 = tpu.vector_load %arg7[%parallel_loop3A_406] {strides = array<i32>} : memref<4096xi32, #tpu.memory_space<vmem>>, vector<16xi32>,
      tpu.vector_store %arg7[%parallel_loop3A_406], %broadcast_in_dim3A_4 {strides = array<i32>} : memref<4096xi32, #tpu.memory_space<vmem>>, vector<16xi32>,
      %parallel_loop3A_408 = arith.constant 16 : i32
      %parallel_loop3A_409 = arith.muli %parallel_loop3A_199, %parallel_loop3A_408 : i32
      %parallel_loop3A_410 = arith.index_cast %parallel_loop3A_409 : i32 to index
      %parallel_loop3A_411 = tpu.vector_load %arg8[%parallel_loop3A_410] {strides = array<i32>} : memref<256xi32, #tpu.memory_space<vmem>>, vector<16xi32>,
      tpu.vector_store %arg8[%parallel_loop3A_410], %parallel_loop3A_401 {strides = array<i32>} : memref<256xi32, #tpu.memory_space<vmem>>, vector<16xi32>,
    } {sc.loop_unroll_factor = 2 : i64, sc.parallel_access}
    %mul3A_21 = arith.constant 256 : i32
    %mul3A_22 = arith.muli %arg1, %mul3A_21 : i32
    %run_scoped3A = arith.constant 0 : i32
    "tpu.region"() ({
      %run_scoped3A_199 = tpu.sem_alloc : memref<!tpu.dma_semaphore, #tpu.memory_space<semaphore_mem>>
      %dma_start3A_200 = tpu.memref_slice %arg18[%run_scoped3A, %mul3A_22] : memref<4x4096xi32, #tpu.memory_space<vmem_shared>> -> memref<1x256xi32, #tpu.memory_space<vmem_shared>>
      %dma_start3A_201 = tpu.memref_squeeze %dma_start3A_200 : memref<1x256xi32, #tpu.memory_space<vmem_shared>> -> memref<256xi32, #tpu.memory_space<vmem_shared>>
      %dma_start3A_202 = tpu.memref_slice %arg18[%run_scoped3A, %mul3A_22] : memref<4x4096xi32, #tpu.memory_space<vmem_shared>> -> memref<1x256xi32, #tpu.memory_space<vmem_shared>>
      %dma_start3A_203 = tpu.memref_squeeze %dma_start3A_202 : memref<1x256xi32, #tpu.memory_space<vmem_shared>> -> memref<256xi32, #tpu.memory_space<vmem_shared>>
      tpu.enqueue_dma source(%arg8 : memref<256xi32, #tpu.memory_space<vmem>>) target(%dma_start3A_203 : memref<256xi32, #tpu.memory_space<vmem_shared>>) target_semaphore(%run_scoped3A_199 : memref<!tpu.dma_semaphore, #tpu.memory_space<semaphore_mem>>)
      %dma_wait3A_204 = tpu.memref_slice %arg18[%run_scoped3A, %mul3A_22] : memref<4x4096xi32, #tpu.memory_space<vmem_shared>> -> memref<1x256xi32, #tpu.memory_space<vmem_shared>>
      %dma_wait3A_205 = tpu.memref_squeeze %dma_wait3A_204 : memref<1x256xi32, #tpu.memory_space<vmem_shared>> -> memref<256xi32, #tpu.memory_space<vmem_shared>>
      %dma_wait3A_206 = tpu.memref_slice %arg18[%run_scoped3A, %mul3A_22] : memref<4x4096xi32, #tpu.memory_space<vmem_shared>> -> memref<1x256xi32, #tpu.memory_space<vmem_shared>>
      %dma_wait3A_207 = tpu.memref_squeeze %dma_wait3A_206 : memref<1x256xi32, #tpu.memory_space<vmem_shared>> -> memref<256xi32, #tpu.memory_space<vmem_shared>>
      tpu.wait_dma2 semaphore(%run_scoped3A_199 : memref<!tpu.dma_semaphore, #tpu.memory_space<semaphore_mem>>) src(%arg8 : memref<256xi32, #tpu.memory_space<vmem>>) dst(%dma_wait3A_207 : memref<256xi32, #tpu.memory_space<vmem_shared>>)
      tpu.yield
    }) : () -> ()
    %barrier3A = arith.constant 0 : index
    tpu.barrier barrier_id(%barrier3A)
    %run_scoped3A_23 = arith.constant 0 : i32
    "tpu.region"() ({
      %run_scoped3A_199 = tpu.sem_alloc : memref<!tpu.dma_semaphore, #tpu.memory_space<semaphore_mem>>
      %dma_start3A_200 = arith.constant 0 : i32
      %dma_start3A_201 = tpu.memref_slice %arg18[%run_scoped3A_23, %dma_start3A_200] : memref<4x4096xi32, #tpu.memory_space<vmem_shared>> -> memref<1x4096xi32, #tpu.memory_space<vmem_shared>>
      %dma_start3A_202 = tpu.memref_squeeze %dma_start3A_201 : memref<1x4096xi32, #tpu.memory_space<vmem_shared>> -> memref<4096xi32, #tpu.memory_space<vmem_shared>>
      %dma_start3A_203 = arith.constant 0 : i32
      %dma_start3A_204 = tpu.memref_slice %arg18[%run_scoped3A_23, %dma_start3A_203] : memref<4x4096xi32, #tpu.memory_space<vmem_shared>> -> memref<1x4096xi32, #tpu.memory_space<vmem_shared>>
      %dma_start3A_205 = tpu.memref_squeeze %dma_start3A_204 : memref<1x4096xi32, #tpu.memory_space<vmem_shared>> -> memref<4096xi32, #tpu.memory_space<vmem_shared>>
      tpu.enqueue_dma source(%dma_start3A_205 : memref<4096xi32, #tpu.memory_space<vmem_shared>>) target(%arg11 : memref<4096xi32, #tpu.memory_space<vmem>>) target_semaphore(%run_scoped3A_199 : memref<!tpu.dma_semaphore, #tpu.memory_space<semaphore_mem>>)
      %dma_wait3A_206 = arith.constant 0 : i32
      %dma_wait3A_207 = tpu.memref_slice %arg18[%run_scoped3A_23, %dma_wait3A_206] : memref<4x4096xi32, #tpu.memory_space<vmem_shared>> -> memref<1x4096xi32, #tpu.memory_space<vmem_shared>>
      %dma_wait3A_208 = tpu.memref_squeeze %dma_wait3A_207 : memref<1x4096xi32, #tpu.memory_space<vmem_shared>> -> memref<4096xi32, #tpu.memory_space<vmem_shared>>
      %dma_wait3A_209 = arith.constant 0 : i32
      %dma_wait3A_210 = tpu.memref_slice %arg18[%run_scoped3A_23, %dma_wait3A_209] : memref<4x4096xi32, #tpu.memory_space<vmem_shared>> -> memref<1x4096xi32, #tpu.memory_space<vmem_shared>>
      %dma_wait3A_211 = tpu.memref_squeeze %dma_wait3A_210 : memref<1x4096xi32, #tpu.memory_space<vmem_shared>> -> memref<4096xi32, #tpu.memory_space<vmem_shared>>
      tpu.wait_dma2 semaphore(%run_scoped3A_199 : memref<!tpu.dma_semaphore, #tpu.memory_space<semaphore_mem>>) src(%dma_wait3A_211 : memref<4096xi32, #tpu.memory_space<vmem_shared>>) dst(%arg11 : memref<4096xi32, #tpu.memory_space<vmem>>)
      tpu.yield
    }) : () -> ()
    %scan3A = arith.constant 0 : i32
    %scan3A_24 = arith.constant 0 : i32
    %scan3A_25 = arith.constant 16 : i32
    %scan3A_26 = arith.addi %scan3A_24, %scan3A_25 : i32
    %scan3A_27 = arith.constant 1 : i32
    %scan3A_28 = scf.for %scan3A_199 = %scan3A_24 to %scan3A_26 step %scan3A_27 iter_args(%scan3A_200 = %scan3A) -> (i32)  : i32 {
      %mul3A_201 = arith.constant 16 : i32
      %mul3A_202 = arith.muli %scan3A_199, %mul3A_201 : i32
      %add3A_203 = arith.constant 0 : i32
      %add3A_204 = arith.addi %add3A_203, %mul3A_202 : i32
      %get3A = arith.index_cast %add3A_204 : i32 to index
      %get3A_205 = tpu.vector_load %arg11[%get3A] {strides = array<i32>} : memref<4096xi32, #tpu.memory_space<vmem>>, vector<16xi32>,
      %add3A_206 = arith.addi %broadcast_in_dim3A_4, %get3A_205 : vector<16xi32>
      %mul3A_207 = arith.constant 16 : i32
      %mul3A_208 = arith.muli %scan3A_199, %mul3A_207 : i32
      %add3A_209 = arith.constant 256 : i32
      %add3A_210 = arith.addi %add3A_209, %mul3A_208 : i32
      %get3A_211 = arith.index_cast %add3A_210 : i32 to index
      %get3A_212 = tpu.vector_load %arg11[%get3A_211] {strides = array<i32>} : memref<4096xi32, #tpu.memory_space<vmem>>, vector<16xi32>,
      %add3A_213 = arith.addi %add3A_206, %get3A_212 : vector<16xi32>
      %mul3A_214 = arith.constant 16 : i32
      %mul3A_215 = arith.muli %scan3A_199, %mul3A_214 : i32
      %add3A_216 = arith.constant 512 : i32
      %add3A_217 = arith.addi %add3A_216, %mul3A_215 : i32
      %get3A_218 = arith.index_cast %add3A_217 : i32 to index
      %get3A_219 = tpu.vector_load %arg11[%get3A_218] {strides = array<i32>} : memref<4096xi32, #tpu.memory_space<vmem>>, vector<16xi32>,
      %add3A_220 = arith.addi %add3A_213, %get3A_219 : vector<16xi32>
      %mul3A_221 = arith.constant 16 : i32
      %mul3A_222 = arith.muli %scan3A_199, %mul3A_221 : i32
      %add3A_223 = arith.constant 768 : i32
      %add3A_224 = arith.addi %add3A_223, %mul3A_222 : i32
      %get3A_225 = arith.index_cast %add3A_224 : i32 to index
      %get3A_226 = tpu.vector_load %arg11[%get3A_225] {strides = array<i32>} : memref<4096xi32, #tpu.memory_space<vmem>>, vector<16xi32>,
      %add3A_227 = arith.addi %add3A_220, %get3A_226 : vector<16xi32>
      %mul3A_228 = arith.constant 16 : i32
      %mul3A_229 = arith.muli %scan3A_199, %mul3A_228 : i32
      %add3A_230 = arith.constant 1024 : i32
      %add3A_231 = arith.addi %add3A_230, %mul3A_229 : i32
      %get3A_232 = arith.index_cast %add3A_231 : i32 to index
      %get3A_233 = tpu.vector_load %arg11[%get3A_232] {strides = array<i32>} : memref<4096xi32, #tpu.memory_space<vmem>>, vector<16xi32>,
      %add3A_234 = arith.addi %add3A_227, %get3A_233 : vector<16xi32>
      %mul3A_235 = arith.constant 16 : i32
      %mul3A_236 = arith.muli %scan3A_199, %mul3A_235 : i32
      %add3A_237 = arith.constant 1280 : i32
      %add3A_238 = arith.addi %add3A_237, %mul3A_236 : i32
      %get3A_239 = arith.index_cast %add3A_238 : i32 to index
      %get3A_240 = tpu.vector_load %arg11[%get3A_239] {strides = array<i32>} : memref<4096xi32, #tpu.memory_space<vmem>>, vector<16xi32>,
      %add3A_241 = arith.addi %add3A_234, %get3A_240 : vector<16xi32>
      %mul3A_242 = arith.constant 16 : i32
      %mul3A_243 = arith.muli %scan3A_199, %mul3A_242 : i32
      %add3A_244 = arith.constant 1536 : i32
      %add3A_245 = arith.addi %add3A_244, %mul3A_243 : i32
      %get3A_246 = arith.index_cast %add3A_245 : i32 to index
      %get3A_247 = tpu.vector_load %arg11[%get3A_246] {strides = array<i32>} : memref<4096xi32, #tpu.memory_space<vmem>>, vector<16xi32>,
      %add3A_248 = arith.addi %add3A_241, %get3A_247 : vector<16xi32>
      %mul3A_249 = arith.constant 16 : i32
      %mul3A_250 = arith.muli %scan3A_199, %mul3A_249 : i32
      %add3A_251 = arith.constant 1792 : i32
      %add3A_252 = arith.addi %add3A_251, %mul3A_250 : i32
      %get3A_253 = arith.index_cast %add3A_252 : i32 to index
      %get3A_254 = tpu.vector_load %arg11[%get3A_253] {strides = array<i32>} : memref<4096xi32, #tpu.memory_space<vmem>>, vector<16xi32>,
      %add3A_255 = arith.addi %add3A_248, %get3A_254 : vector<16xi32>
      %mul3A_256 = arith.constant 16 : i32
      %mul3A_257 = arith.muli %scan3A_199, %mul3A_256 : i32
      %add3A_258 = arith.constant 2048 : i32
      %add3A_259 = arith.addi %add3A_258, %mul3A_257 : i32
      %get3A_260 = arith.index_cast %add3A_259 : i32 to index
      %get3A_261 = tpu.vector_load %arg11[%get3A_260] {strides = array<i32>} : memref<4096xi32, #tpu.memory_space<vmem>>, vector<16xi32>,
      %add3A_262 = arith.addi %add3A_255, %get3A_261 : vector<16xi32>
      %mul3A_263 = arith.constant 16 : i32
      %mul3A_264 = arith.muli %scan3A_199, %mul3A_263 : i32
      %add3A_265 = arith.constant 2304 : i32
      %add3A_266 = arith.addi %add3A_265, %mul3A_264 : i32
      %get3A_267 = arith.index_cast %add3A_266 : i32 to index
      %get3A_268 = tpu.vector_load %arg11[%get3A_267] {strides = array<i32>} : memref<4096xi32, #tpu.memory_space<vmem>>, vector<16xi32>,
      %add3A_269 = arith.addi %add3A_262, %get3A_268 : vector<16xi32>
      %mul3A_270 = arith.constant 16 : i32
      %mul3A_271 = arith.muli %scan3A_199, %mul3A_270 : i32
      %add3A_272 = arith.constant 2560 : i32
      %add3A_273 = arith.addi %add3A_272, %mul3A_271 : i32
      %get3A_274 = arith.index_cast %add3A_273 : i32 to index
      %get3A_275 = tpu.vector_load %arg11[%get3A_274] {strides = array<i32>} : memref<4096xi32, #tpu.memory_space<vmem>>, vector<16xi32>,
      %add3A_276 = arith.addi %add3A_269, %get3A_275 : vector<16xi32>
      %mul3A_277 = arith.constant 16 : i32
      %mul3A_278 = arith.muli %scan3A_199, %mul3A_277 : i32
      %add3A_279 = arith.constant 2816 : i32
      %add3A_280 = arith.addi %add3A_279, %mul3A_278 : i32
      %get3A_281 = arith.index_cast %add3A_280 : i32 to index
      %get3A_282 = tpu.vector_load %arg11[%get3A_281] {strides = array<i32>} : memref<4096xi32, #tpu.memory_space<vmem>>, vector<16xi32>,
      %add3A_283 = arith.addi %add3A_276, %get3A_282 : vector<16xi32>
      %mul3A_284 = arith.constant 16 : i32
      %mul3A_285 = arith.muli %scan3A_199, %mul3A_284 : i32
      %add3A_286 = arith.constant 3072 : i32
      %add3A_287 = arith.addi %add3A_286, %mul3A_285 : i32
      %get3A_288 = arith.index_cast %add3A_287 : i32 to index
      %get3A_289 = tpu.vector_load %arg11[%get3A_288] {strides = array<i32>} : memref<4096xi32, #tpu.memory_space<vmem>>, vector<16xi32>,
      %add3A_290 = arith.addi %add3A_283, %get3A_289 : vector<16xi32>
      %mul3A_291 = arith.constant 16 : i32
      %mul3A_292 = arith.muli %scan3A_199, %mul3A_291 : i32
      %add3A_293 = arith.constant 3328 : i32
      %add3A_294 = arith.addi %add3A_293, %mul3A_292 : i32
      %get3A_295 = arith.index_cast %add3A_294 : i32 to index
      %get3A_296 = tpu.vector_load %arg11[%get3A_295] {strides = array<i32>} : memref<4096xi32, #tpu.memory_space<vmem>>, vector<16xi32>,
      %add3A_297 = arith.addi %add3A_290, %get3A_296 : vector<16xi32>
      %mul3A_298 = arith.constant 16 : i32
      %mul3A_299 = arith.muli %scan3A_199, %mul3A_298 : i32
      %add3A_300 = arith.constant 3584 : i32
      %add3A_301 = arith.addi %add3A_300, %mul3A_299 : i32
      %get3A_302 = arith.index_cast %add3A_301 : i32 to index
      %get3A_303 = tpu.vector_load %arg11[%get3A_302] {strides = array<i32>} : memref<4096xi32, #tpu.memory_space<vmem>>, vector<16xi32>,
      %add3A_304 = arith.addi %add3A_297, %get3A_303 : vector<16xi32>
      %mul3A_305 = arith.constant 16 : i32
      %mul3A_306 = arith.muli %scan3A_199, %mul3A_305 : i32
      %add3A_307 = arith.constant 3840 : i32
      %add3A_308 = arith.addi %add3A_307, %mul3A_306 : i32
      %get3A_309 = arith.index_cast %add3A_308 : i32 to index
      %get3A_310 = tpu.vector_load %arg11[%get3A_309] {strides = array<i32>} : memref<4096xi32, #tpu.memory_space<vmem>>, vector<16xi32>,
      %add3A_311 = arith.addi %add3A_304, %get3A_310 : vector<16xi32>
      %broadcast_in_dim3A_312 = arith.constant true
      %broadcast_in_dim3A_313 = vector.broadcast %broadcast_in_dim3A_312 : i1 to vector<16xi1>
      %masked_cumsum3A = tpu.scan <sum>, %add3A_311 masked %broadcast_in_dim3A_313 : vector<16xi32>, vector<16xi1> -> vector<16xi32>
      %add3A_314 = vector.broadcast %scan3A_200 : i32 to vector<16xi32>
      %add3A_315 = arith.addi %masked_cumsum3A, %add3A_314 : vector<16xi32>
      %mul3A_316 = arith.constant 16 : i32
      %mul3A_317 = arith.muli %scan3A_199, %mul3A_316 : i32
      %swap3A_318 = arith.index_cast %mul3A_317 : i32 to index
      %swap3A_319 = tpu.vector_load %arg10[%swap3A_318] {strides = array<i32>} : memref<256xi32, #tpu.memory_space<vmem>>, vector<16xi32>,
      tpu.vector_store %arg10[%swap3A_318], %add3A_311 {strides = array<i32>} : memref<256xi32, #tpu.memory_space<vmem>>, vector<16xi32>,
      %mul3A_320 = arith.constant 16 : i32
      %mul3A_321 = arith.muli %scan3A_199, %mul3A_320 : i32
      %swap3A_322 = arith.index_cast %mul3A_321 : i32 to index
      %swap3A_323 = tpu.vector_load %arg9[%swap3A_322] {strides = array<i32>} : memref<256xi32, #tpu.memory_space<vmem>>, vector<16xi32>,
      tpu.vector_store %arg9[%swap3A_322], %add3A_315 {strides = array<i32>} : memref<256xi32, #tpu.memory_space<vmem>>, vector<16xi32>,
      %slice3A_324 = vector.extract_strided_slice %add3A_315 {offsets = [15], sizes = [1], strides = [1]} : vector<16xi32> to vector<1xi32>
      %slice3A_325 = vector.extract_strided_slice %slice3A_324 {offsets = [0], sizes = [1], strides = [1]} : vector<1xi32> to vector<1xi32>
      %squeeze3A_326 = vector.extract %slice3A_325[0] : i32 from vector<1xi32>
      scf.yield %squeeze3A_326 : i32
    }
    %scan3A_29 = arith.constant 16 : i32
    %sub3A = arith.constant 26214 : i32
    %sub3A_30 = arith.subi %scan3A_28, %sub3A : i32
    %scan3A_31 = arith.constant 256 : i32
    %scan3A_32 = arith.constant 0 : i32
    %scan3A_33 = arith.constant 16 : i32
    %scan3A_34 = arith.addi %scan3A_32, %scan3A_33 : i32
    %scan3A_35 = arith.constant 1 : i32
    %scan3A_36 = scf.for %scan3A_199 = %scan3A_32 to %scan3A_34 step %scan3A_35 iter_args(%scan3A_200 = %scan3A_31) -> (i32)  : i32 {
      %mul3A_201 = arith.constant 16 : i32
      %mul3A_202 = arith.muli %scan3A_199, %mul3A_201 : i32
      %get3A = arith.index_cast %mul3A_202 : i32 to index
      %get3A_203 = tpu.vector_load %arg9[%get3A] {strides = array<i32>} : memref<256xi32, #tpu.memory_space<vmem>>, vector<16xi32>,
      %mul3A_204 = arith.constant 16 : i32
      %mul3A_205 = arith.muli %scan3A_199, %mul3A_204 : i32
      %add3A_206 = vector.broadcast %mul3A_205 : i32 to vector<16xi32>
      %add3A_207 = arith.addi %iota3A, %add3A_206 : vector<16xi32>
      %gt3A = vector.broadcast %sub3A_30 : i32 to vector<16xi32>
      %gt3A_208 = arith.cmpi sgt, %get3A_203, %gt3A : vector<16xi32>
      %jit3A_209 = arith.constant 256 : i32
      %broadcast_in_dim3A_210 = vector.broadcast %jit3A_209 : i32 to vector<16xi32>
      %select_n3A_211 = arith.select %gt3A_208, %add3A_207, %broadcast_in_dim3A_210 : vector<16xi1>, vector<16xi32>
      %reduce_min3A = arith.constant true
      %reduce_min3A_212 = vector.broadcast %reduce_min3A : i1 to vector<16xi1>
      %reduce_min3A_213 = arith.constant -2147483648 : i32
      %reduce_min3A_214 = vector.broadcast %reduce_min3A_213 : i32 to vector<16xi32>
      %reduce_min3A_215 = arith.xori %select_n3A_211, %reduce_min3A_214 : vector<16xi32>
      %reduce_min3A_216 = tpu.scan <min>, %reduce_min3A_215 masked %reduce_min3A_212 : vector<16xi32>, vector<16xi1> -> vector<16xi32>
      %reduce_min3A_217 = arith.xori %reduce_min3A_216, %reduce_min3A_214 : vector<16xi32>
      %reduce_min3A_218 = vector.extract %reduce_min3A_217[15] : i32 from vector<16xi32>
      %min3A = arith.minsi %scan3A_200, %reduce_min3A_218 : i32
      scf.yield %min3A : i32
    }
    %scan3A_37 = arith.constant 16 : i32
    %add3A = vector.broadcast %scan3A_36 : i32 to vector<16xi32>
    %add3A_38 = arith.addi %broadcast_in_dim3A_4, %add3A : vector<16xi32>
    %gather3A = tpu.vector_load_idx %arg10[%add3A_38] : memref<256xi32, #tpu.memory_space<vmem>>[vector<16xi32>], vector<16xi32>,
    %slice3A = vector.extract_strided_slice %gather3A {offsets = [0], sizes = [1], strides = [1]} : vector<16xi32> to vector<1xi32>
    %squeeze3A = vector.extract %slice3A[0] : i32 from vector<1xi32>
    %gather3A_39 = tpu.vector_load_idx %arg9[%add3A_38] : memref<256xi32, #tpu.memory_space<vmem>>[vector<16xi32>], vector<16xi32>,
    %slice3A_40 = vector.extract_strided_slice %gather3A_39 {offsets = [0], sizes = [1], strides = [1]} : vector<16xi32> to vector<1xi32>
    %squeeze3A_41 = vector.extract %slice3A_40[0] : i32 from vector<1xi32>
    %sub3A_42 = arith.subi %scan3A_28, %squeeze3A_41 : i32
    %sub3A_43 = arith.constant 26214 : i32
    %sub3A_44 = arith.subi %sub3A_43, %sub3A_42 : i32
    %parallel_loop3A_45 = arith.constant 0 : i32
    %parallel_loop3A_46 = arith.constant 1024 : i32
    %parallel_loop3A_47 = arith.constant 1 : i32
    %parallel_loop3A_48 = arith.constant 0 : i32
    %parallel_loop3A_49:3 = scf.for %parallel_loop3A_199 = %parallel_loop3A_45 to %parallel_loop3A_46 step %parallel_loop3A_47 iter_args(%parallel_loop3A_200 = %parallel_loop3A_48, %parallel_loop3A_201 = %broadcast_in_dim3A_6, %parallel_loop3A_202 = %broadcast_in_dim3A_8) -> (i32, vector<16xf32>, vector<16xi32>)  : i32 {
      %parallel_loop3A_203 = arith.constant 16 : i32
      %parallel_loop3A_204 = arith.muli %parallel_loop3A_199, %parallel_loop3A_203 : i32
      %parallel_loop3A_205 = arith.index_cast %parallel_loop3A_204 : i32 to index
      %parallel_loop3A_206 = tpu.vector_load %arg5[%parallel_loop3A_205] {strides = array<i32>} : memref<16384xf32, #tpu.memory_space<vmem>>, vector<16xf32>,
      %parallel_loop3A_207 = tpu.bitcast %parallel_loop3A_206 : vector<16xf32> -> vector<16xi32>
      %parallel_loop3A_208 = arith.constant 0 : i32
      %parallel_loop3A_209 = vector.broadcast %parallel_loop3A_208 : i32 to vector<16xi32>
      %parallel_loop3A_210 = arith.cmpi sge, %parallel_loop3A_207, %parallel_loop3A_209 : vector<16xi32>
      %parallel_loop3A_211 = arith.constant 2147483647 : i32
      %parallel_loop3A_212 = vector.broadcast %parallel_loop3A_211 : i32 to vector<16xi32>
      %parallel_loop3A_213 = arith.xori %parallel_loop3A_207, %parallel_loop3A_212 : vector<16xi32>
      %parallel_loop3A_214 = arith.select %parallel_loop3A_210, %parallel_loop3A_207, %parallel_loop3A_213 : vector<16xi1>, vector<16xi32>
      %parallel_loop3A_215 = arith.constant -2147483648 : i32
      %parallel_loop3A_216 = vector.broadcast %parallel_loop3A_215 : i32 to vector<16xi32>
      %parallel_loop3A_217 = arith.xori %parallel_loop3A_214, %parallel_loop3A_216 : vector<16xi32>
      %parallel_loop3A_218 = arith.constant 24 : i32
      %parallel_loop3A_219 = vector.broadcast %parallel_loop3A_218 : i32 to vector<16xi32>
      %parallel_loop3A_220 = arith.shrui %parallel_loop3A_217, %parallel_loop3A_219 : vector<16xi32>
      %parallel_loop3A_221 = vector.broadcast %scan3A_36 : i32 to vector<16xi32>
      %parallel_loop3A_222 = arith.cmpi sgt, %parallel_loop3A_220, %parallel_loop3A_221 : vector<16xi32>
      %parallel_loop3A_223 = arith.select %parallel_loop3A_222, %parallel_loop3A_206, %broadcast_in_dim3A_6 : vector<16xi1>, vector<16xf32>
      %parallel_loop3A_224 = arith.addf %parallel_loop3A_201, %parallel_loop3A_223 : vector<16xf32>
      %parallel_loop3A_225 = vector.broadcast %scan3A_36 : i32 to vector<16xi32>
      %parallel_loop3A_226 = arith.cmpi slt, %parallel_loop3A_220, %parallel_loop3A_225 : vector<16xi32>
      %parallel_loop3A_227 = arith.select %parallel_loop3A_226, %parallel_loop3A_214, %broadcast_in_dim3A_8 : vector<16xi1>, vector<16xi32>
      %parallel_loop3A_228 = arith.maxsi %parallel_loop3A_202, %parallel_loop3A_227 : vector<16xi32>
      %parallel_loop3A_229 = vector.broadcast %scan3A_36 : i32 to vector<16xi32>
      %parallel_loop3A_230 = arith.cmpi eq, %parallel_loop3A_220, %parallel_loop3A_229 : vector<16xi32>
      %parallel_loop3A_231 = arith.constant 16 : i32
      %parallel_loop3A_232 = vector.broadcast %parallel_loop3A_231 : i32 to vector<16xi32>
      %parallel_loop3A_233 = arith.shrui %parallel_loop3A_217, %parallel_loop3A_232 : vector<16xi32>
      %parallel_loop3A_234 = arith.constant 255 : i32
      %parallel_loop3A_235 = vector.broadcast %parallel_loop3A_234 : i32 to vector<16xi32>
      %parallel_loop3A_236 = arith.andi %parallel_loop3A_233, %parallel_loop3A_235 : vector<16xi32>
      %parallel_loop3A_237 = arith.addi %mul3A_1, %parallel_loop3A_236 : vector<16xi32>
      tpu.vector_store_idx %arg7[%parallel_loop3A_237], %broadcast_in_dim3A_2 masked %parallel_loop3A_230 {add = true} : memref<4096xi32, #tpu.memory_space<vmem>>[vector<16xi32>], vector<16xi32>, vector<16xi1>
      %parallel_loop3A_238 = arith.index_cast %parallel_loop3A_200 : i32 to index
      %parallel_loop3A_239 = tpu.vector_load %arg6[%parallel_loop3A_238] masked %parallel_loop3A_230 {strides = array<i32>} : memref<16512xf32, #tpu.memory_space<vmem>>, vector<16xf32>, vector<16xi1>
      tpu.vector_store %arg6[%parallel_loop3A_238], %parallel_loop3A_206 masked %parallel_loop3A_230 {strides = array<i32>} : memref<16512xf32, #tpu.memory_space<vmem>>, vector<16xf32>, vector<16xi1>
      %parallel_loop3A_240 = tpu.all_reduce %parallel_loop3A_230 {dim = 0 : i64, kind = #tpu.reduction_kind<sum>} : vector<16xi1> -> vector<16xi32>
      %parallel_loop3A_241 = vector.extract_strided_slice %parallel_loop3A_240 {offsets = [0], sizes = [1], strides = [1]} : vector<16xi32> to vector<1xi32>
      %parallel_loop3A_242 = vector.extract %parallel_loop3A_241[0] : i32 from vector<1xi32>
      %parallel_loop3A_243 = arith.addi %parallel_loop3A_200, %parallel_loop3A_242 : i32
      scf.yield %parallel_loop3A_243, %parallel_loop3A_224, %parallel_loop3A_228 : i32, vector<16xf32>, vector<16xi32>
    } {sc.loop_unroll_factor = 8 : i64, sc.parallel_access}
    %parallel_loop3A_50 = arith.constant 0 : i32
    %parallel_loop3A_51 = arith.constant 16 : i32
    %parallel_loop3A_52 = arith.constant 1 : i32
    scf.for %parallel_loop3A_199 = %parallel_loop3A_50 to %parallel_loop3A_51 step %parallel_loop3A_52  : i32 {
      %parallel_loop3A_200 = arith.constant 16 : i32
      %parallel_loop3A_201 = arith.muli %parallel_loop3A_199, %parallel_loop3A_200 : i32
      %parallel_loop3A_202 = arith.constant 0 : i32
      %parallel_loop3A_203 = arith.addi %parallel_loop3A_202, %parallel_loop3A_201 : i32
      %parallel_loop3A_204 = arith.index_cast %parallel_loop3A_203 : i32 to index
      %parallel_loop3A_205 = tpu.vector_load %arg7[%parallel_loop3A_204] {strides = array<i32>} : memref<4096xi32, #tpu.memory_space<vmem>>, vector<16xi32>,
      %parallel_loop3A_206 = arith.addi %broadcast_in_dim3A_4, %parallel_loop3A_205 : vector<16xi32>
      %parallel_loop3A_207 = arith.constant 16 : i32
      %parallel_loop3A_208 = arith.muli %parallel_loop3A_199, %parallel_loop3A_207 : i32
      %parallel_loop3A_209 = arith.constant 0 : i32
      %parallel_loop3A_210 = arith.addi %parallel_loop3A_209, %parallel_loop3A_208 : i32
      %parallel_loop3A_211 = arith.index_cast %parallel_loop3A_210 : i32 to index
      %parallel_loop3A_212 = tpu.vector_load %arg7[%parallel_loop3A_211] {strides = array<i32>} : memref<4096xi32, #tpu.memory_space<vmem>>, vector<16xi32>,
      tpu.vector_store %arg7[%parallel_loop3A_211], %broadcast_in_dim3A_4 {strides = array<i32>} : memref<4096xi32, #tpu.memory_space<vmem>>, vector<16xi32>,
      %parallel_loop3A_213 = arith.constant 16 : i32
      %parallel_loop3A_214 = arith.muli %parallel_loop3A_199, %parallel_loop3A_213 : i32
      %parallel_loop3A_215 = arith.constant 256 : i32
      %parallel_loop3A_216 = arith.addi %parallel_loop3A_215, %parallel_loop3A_214 : i32
      %parallel_loop3A_217 = arith.index_cast %parallel_loop3A_216 : i32 to index
      %parallel_loop3A_218 = tpu.vector_load %arg7[%parallel_loop3A_217] {strides = array<i32>} : memref<4096xi32, #tpu.memory_space<vmem>>, vector<16xi32>,
      %parallel_loop3A_219 = arith.addi %parallel_loop3A_206, %parallel_loop3A_218 : vector<16xi32>
      %parallel_loop3A_220 = arith.constant 16 : i32
      %parallel_loop3A_221 = arith.muli %parallel_loop3A_199, %parallel_loop3A_220 : i32
      %parallel_loop3A_222 = arith.constant 256 : i32
      %parallel_loop3A_223 = arith.addi %parallel_loop3A_222, %parallel_loop3A_221 : i32
      %parallel_loop3A_224 = arith.index_cast %parallel_loop3A_223 : i32 to index
      %parallel_loop3A_225 = tpu.vector_load %arg7[%parallel_loop3A_224] {strides = array<i32>} : memref<4096xi32, #tpu.memory_space<vmem>>, vector<16xi32>,
      tpu.vector_store %arg7[%parallel_loop3A_224], %broadcast_in_dim3A_4 {strides = array<i32>} : memref<4096xi32, #tpu.memory_space<vmem>>, vector<16xi32>,
      %parallel_loop3A_226 = arith.constant 16 : i32
      %parallel_loop3A_227 = arith.muli %parallel_loop3A_199, %parallel_loop3A_226 : i32
      %parallel_loop3A_228 = arith.constant 512 : i32
      %parallel_loop3A_229 = arith.addi %parallel_loop3A_228, %parallel_loop3A_227 : i32
      %parallel_loop3A_230 = arith.index_cast %parallel_loop3A_229 : i32 to index
      %parallel_loop3A_231 = tpu.vector_load %arg7[%parallel_loop3A_230] {strides = array<i32>} : memref<4096xi32, #tpu.memory_space<vmem>>, vector<16xi32>,
      %parallel_loop3A_232 = arith.addi %parallel_loop3A_219, %parallel_loop3A_231 : vector<16xi32>
      %parallel_loop3A_233 = arith.constant 16 : i32
      %parallel_loop3A_234 = arith.muli %parallel_loop3A_199, %parallel_loop3A_233 : i32
      %parallel_loop3A_235 = arith.constant 512 : i32
      %parallel_loop3A_236 = arith.addi %parallel_loop3A_235, %parallel_loop3A_234 : i32
      %parallel_loop3A_237 = arith.index_cast %parallel_loop3A_236 : i32 to index
      %parallel_loop3A_238 = tpu.vector_load %arg7[%parallel_loop3A_237] {strides = array<i32>} : memref<4096xi32, #tpu.memory_space<vmem>>, vector<16xi32>,
      tpu.vector_store %arg7[%parallel_loop3A_237], %broadcast_in_dim3A_4 {strides = array<i32>} : memref<4096xi32, #tpu.memory_space<vmem>>, vector<16xi32>,
      %parallel_loop3A_239 = arith.constant 16 : i32
      %parallel_loop3A_240 = arith.muli %parallel_loop3A_199, %parallel_loop3A_239 : i32
      %parallel_loop3A_241 = arith.constant 768 : i32
      %parallel_loop3A_242 = arith.addi %parallel_loop3A_241, %parallel_loop3A_240 : i32
      %parallel_loop3A_243 = arith.index_cast %parallel_loop3A_242 : i32 to index
      %parallel_loop3A_244 = tpu.vector_load %arg7[%parallel_loop3A_243] {strides = array<i32>} : memref<4096xi32, #tpu.memory_space<vmem>>, vector<16xi32>,
      %parallel_loop3A_245 = arith.addi %parallel_loop3A_232, %parallel_loop3A_244 : vector<16xi32>
      %parallel_loop3A_246 = arith.constant 16 : i32
      %parallel_loop3A_247 = arith.muli %parallel_loop3A_199, %parallel_loop3A_246 : i32
      %parallel_loop3A_248 = arith.constant 768 : i32
      %parallel_loop3A_249 = arith.addi %parallel_loop3A_248, %parallel_loop3A_247 : i32
      %parallel_loop3A_250 = arith.index_cast %parallel_loop3A_249 : i32 to index
      %parallel_loop3A_251 = tpu.vector_load %arg7[%parallel_loop3A_250] {strides = array<i32>} : memref<4096xi32, #tpu.memory_space<vmem>>, vector<16xi32>,
      tpu.vector_store %arg7[%parallel_loop3A_250], %broadcast_in_dim3A_4 {strides = array<i32>} : memref<4096xi32, #tpu.memory_space<vmem>>, vector<16xi32>,
      %parallel_loop3A_252 = arith.constant 16 : i32
      %parallel_loop3A_253 = arith.muli %parallel_loop3A_199, %parallel_loop3A_252 : i32
      %parallel_loop3A_254 = arith.constant 1024 : i32
      %parallel_loop3A_255 = arith.addi %parallel_loop3A_254, %parallel_loop3A_253 : i32
      %parallel_loop3A_256 = arith.index_cast %parallel_loop3A_255 : i32 to index
      %parallel_loop3A_257 = tpu.vector_load %arg7[%parallel_loop3A_256] {strides = array<i32>} : memref<4096xi32, #tpu.memory_space<vmem>>, vector<16xi32>,
      %parallel_loop3A_258 = arith.addi %parallel_loop3A_245, %parallel_loop3A_257 : vector<16xi32>
      %parallel_loop3A_259 = arith.constant 16 : i32
      %parallel_loop3A_260 = arith.muli %parallel_loop3A_199, %parallel_loop3A_259 : i32
      %parallel_loop3A_261 = arith.constant 1024 : i32
      %parallel_loop3A_262 = arith.addi %parallel_loop3A_261, %parallel_loop3A_260 : i32
      %parallel_loop3A_263 = arith.index_cast %parallel_loop3A_262 : i32 to index
      %parallel_loop3A_264 = tpu.vector_load %arg7[%parallel_loop3A_263] {strides = array<i32>} : memref<4096xi32, #tpu.memory_space<vmem>>, vector<16xi32>,
      tpu.vector_store %arg7[%parallel_loop3A_263], %broadcast_in_dim3A_4 {strides = array<i32>} : memref<4096xi32, #tpu.memory_space<vmem>>, vector<16xi32>,
      %parallel_loop3A_265 = arith.constant 16 : i32
      %parallel_loop3A_266 = arith.muli %parallel_loop3A_199, %parallel_loop3A_265 : i32
      %parallel_loop3A_267 = arith.constant 1280 : i32
      %parallel_loop3A_268 = arith.addi %parallel_loop3A_267, %parallel_loop3A_266 : i32
      %parallel_loop3A_269 = arith.index_cast %parallel_loop3A_268 : i32 to index
      %parallel_loop3A_270 = tpu.vector_load %arg7[%parallel_loop3A_269] {strides = array<i32>} : memref<4096xi32, #tpu.memory_space<vmem>>, vector<16xi32>,
      %parallel_loop3A_271 = arith.addi %parallel_loop3A_258, %parallel_loop3A_270 : vector<16xi32>
      %parallel_loop3A_272 = arith.constant 16 : i32
      %parallel_loop3A_273 = arith.muli %parallel_loop3A_199, %parallel_loop3A_272 : i32
      %parallel_loop3A_274 = arith.constant 1280 : i32
      %parallel_loop3A_275 = arith.addi %parallel_loop3A_274, %parallel_loop3A_273 : i32
      %parallel_loop3A_276 = arith.index_cast %parallel_loop3A_275 : i32 to index
      %parallel_loop3A_277 = tpu.vector_load %arg7[%parallel_loop3A_276] {strides = array<i32>} : memref<4096xi32, #tpu.memory_space<vmem>>, vector<16xi32>,
      tpu.vector_store %arg7[%parallel_loop3A_276], %broadcast_in_dim3A_4 {strides = array<i32>} : memref<4096xi32, #tpu.memory_space<vmem>>, vector<16xi32>,
      %parallel_loop3A_278 = arith.constant 16 : i32
      %parallel_loop3A_279 = arith.muli %parallel_loop3A_199, %parallel_loop3A_278 : i32
      %parallel_loop3A_280 = arith.constant 1536 : i32
      %parallel_loop3A_281 = arith.addi %parallel_loop3A_280, %parallel_loop3A_279 : i32
      %parallel_loop3A_282 = arith.index_cast %parallel_loop3A_281 : i32 to index
      %parallel_loop3A_283 = tpu.vector_load %arg7[%parallel_loop3A_282] {strides = array<i32>} : memref<4096xi32, #tpu.memory_space<vmem>>, vector<16xi32>,
      %parallel_loop3A_284 = arith.addi %parallel_loop3A_271, %parallel_loop3A_283 : vector<16xi32>
      %parallel_loop3A_285 = arith.constant 16 : i32
      %parallel_loop3A_286 = arith.muli %parallel_loop3A_199, %parallel_loop3A_285 : i32
      %parallel_loop3A_287 = arith.constant 1536 : i32
      %parallel_loop3A_288 = arith.addi %parallel_loop3A_287, %parallel_loop3A_286 : i32
      %parallel_loop3A_289 = arith.index_cast %parallel_loop3A_288 : i32 to index
      %parallel_loop3A_290 = tpu.vector_load %arg7[%parallel_loop3A_289] {strides = array<i32>} : memref<4096xi32, #tpu.memory_space<vmem>>, vector<16xi32>,
      tpu.vector_store %arg7[%parallel_loop3A_289], %broadcast_in_dim3A_4 {strides = array<i32>} : memref<4096xi32, #tpu.memory_space<vmem>>, vector<16xi32>,
      %parallel_loop3A_291 = arith.constant 16 : i32
      %parallel_loop3A_292 = arith.muli %parallel_loop3A_199, %parallel_loop3A_291 : i32
      %parallel_loop3A_293 = arith.constant 1792 : i32
      %parallel_loop3A_294 = arith.addi %parallel_loop3A_293, %parallel_loop3A_292 : i32
      %parallel_loop3A_295 = arith.index_cast %parallel_loop3A_294 : i32 to index
      %parallel_loop3A_296 = tpu.vector_load %arg7[%parallel_loop3A_295] {strides = array<i32>} : memref<4096xi32, #tpu.memory_space<vmem>>, vector<16xi32>,
      %parallel_loop3A_297 = arith.addi %parallel_loop3A_284, %parallel_loop3A_296 : vector<16xi32>
      %parallel_loop3A_298 = arith.constant 16 : i32
      %parallel_loop3A_299 = arith.muli %parallel_loop3A_199, %parallel_loop3A_298 : i32
      %parallel_loop3A_300 = arith.constant 1792 : i32
      %parallel_loop3A_301 = arith.addi %parallel_loop3A_300, %parallel_loop3A_299 : i32
      %parallel_loop3A_302 = arith.index_cast %parallel_loop3A_301 : i32 to index
      %parallel_loop3A_303 = tpu.vector_load %arg7[%parallel_loop3A_302] {strides = array<i32>} : memref<4096xi32, #tpu.memory_space<vmem>>, vector<16xi32>,
      tpu.vector_store %arg7[%parallel_loop3A_302], %broadcast_in_dim3A_4 {strides = array<i32>} : memref<4096xi32, #tpu.memory_space<vmem>>, vector<16xi32>,
      %parallel_loop3A_304 = arith.constant 16 : i32
      %parallel_loop3A_305 = arith.muli %parallel_loop3A_199, %parallel_loop3A_304 : i32
      %parallel_loop3A_306 = arith.constant 2048 : i32
      %parallel_loop3A_307 = arith.addi %parallel_loop3A_306, %parallel_loop3A_305 : i32
      %parallel_loop3A_308 = arith.index_cast %parallel_loop3A_307 : i32 to index
      %parallel_loop3A_309 = tpu.vector_load %arg7[%parallel_loop3A_308] {strides = array<i32>} : memref<4096xi32, #tpu.memory_space<vmem>>, vector<16xi32>,
      %parallel_loop3A_310 = arith.addi %parallel_loop3A_297, %parallel_loop3A_309 : vector<16xi32>
      %parallel_loop3A_311 = arith.constant 16 : i32
      %parallel_loop3A_312 = arith.muli %parallel_loop3A_199, %parallel_loop3A_311 : i32
      %parallel_loop3A_313 = arith.constant 2048 : i32
      %parallel_loop3A_314 = arith.addi %parallel_loop3A_313, %parallel_loop3A_312 : i32
      %parallel_loop3A_315 = arith.index_cast %parallel_loop3A_314 : i32 to index
      %parallel_loop3A_316 = tpu.vector_load %arg7[%parallel_loop3A_315] {strides = array<i32>} : memref<4096xi32, #tpu.memory_space<vmem>>, vector<16xi32>,
      tpu.vector_store %arg7[%parallel_loop3A_315], %broadcast_in_dim3A_4 {strides = array<i32>} : memref<4096xi32, #tpu.memory_space<vmem>>, vector<16xi32>,
      %parallel_loop3A_317 = arith.constant 16 : i32
      %parallel_loop3A_318 = arith.muli %parallel_loop3A_199, %parallel_loop3A_317 : i32
      %parallel_loop3A_319 = arith.constant 2304 : i32
      %parallel_loop3A_320 = arith.addi %parallel_loop3A_319, %parallel_loop3A_318 : i32
      %parallel_loop3A_321 = arith.index_cast %parallel_loop3A_320 : i32 to index
      %parallel_loop3A_322 = tpu.vector_load %arg7[%parallel_loop3A_321] {strides = array<i32>} : memref<4096xi32, #tpu.memory_space<vmem>>, vector<16xi32>,
      %parallel_loop3A_323 = arith.addi %parallel_loop3A_310, %parallel_loop3A_322 : vector<16xi32>
      %parallel_loop3A_324 = arith.constant 16 : i32
      %parallel_loop3A_325 = arith.muli %parallel_loop3A_199, %parallel_loop3A_324 : i32
      %parallel_loop3A_326 = arith.constant 2304 : i32
      %parallel_loop3A_327 = arith.addi %parallel_loop3A_326, %parallel_loop3A_325 : i32
      %parallel_loop3A_328 = arith.index_cast %parallel_loop3A_327 : i32 to index
      %parallel_loop3A_329 = tpu.vector_load %arg7[%parallel_loop3A_328] {strides = array<i32>} : memref<4096xi32, #tpu.memory_space<vmem>>, vector<16xi32>,
      tpu.vector_store %arg7[%parallel_loop3A_328], %broadcast_in_dim3A_4 {strides = array<i32>} : memref<4096xi32, #tpu.memory_space<vmem>>, vector<16xi32>,
      %parallel_loop3A_330 = arith.constant 16 : i32
      %parallel_loop3A_331 = arith.muli %parallel_loop3A_199, %parallel_loop3A_330 : i32
      %parallel_loop3A_332 = arith.constant 2560 : i32
      %parallel_loop3A_333 = arith.addi %parallel_loop3A_332, %parallel_loop3A_331 : i32
      %parallel_loop3A_334 = arith.index_cast %parallel_loop3A_333 : i32 to index
      %parallel_loop3A_335 = tpu.vector_load %arg7[%parallel_loop3A_334] {strides = array<i32>} : memref<4096xi32, #tpu.memory_space<vmem>>, vector<16xi32>,
      %parallel_loop3A_336 = arith.addi %parallel_loop3A_323, %parallel_loop3A_335 : vector<16xi32>
      %parallel_loop3A_337 = arith.constant 16 : i32
      %parallel_loop3A_338 = arith.muli %parallel_loop3A_199, %parallel_loop3A_337 : i32
      %parallel_loop3A_339 = arith.constant 2560 : i32
      %parallel_loop3A_340 = arith.addi %parallel_loop3A_339, %parallel_loop3A_338 : i32
      %parallel_loop3A_341 = arith.index_cast %parallel_loop3A_340 : i32 to index
      %parallel_loop3A_342 = tpu.vector_load %arg7[%parallel_loop3A_341] {strides = array<i32>} : memref<4096xi32, #tpu.memory_space<vmem>>, vector<16xi32>,
      tpu.vector_store %arg7[%parallel_loop3A_341], %broadcast_in_dim3A_4 {strides = array<i32>} : memref<4096xi32, #tpu.memory_space<vmem>>, vector<16xi32>,
      %parallel_loop3A_343 = arith.constant 16 : i32
      %parallel_loop3A_344 = arith.muli %parallel_loop3A_199, %parallel_loop3A_343 : i32
      %parallel_loop3A_345 = arith.constant 2816 : i32
      %parallel_loop3A_346 = arith.addi %parallel_loop3A_345, %parallel_loop3A_344 : i32
      %parallel_loop3A_347 = arith.index_cast %parallel_loop3A_346 : i32 to index
      %parallel_loop3A_348 = tpu.vector_load %arg7[%parallel_loop3A_347] {strides = array<i32>} : memref<4096xi32, #tpu.memory_space<vmem>>, vector<16xi32>,
      %parallel_loop3A_349 = arith.addi %parallel_loop3A_336, %parallel_loop3A_348 : vector<16xi32>
      %parallel_loop3A_350 = arith.constant 16 : i32
      %parallel_loop3A_351 = arith.muli %parallel_loop3A_199, %parallel_loop3A_350 : i32
      %parallel_loop3A_352 = arith.constant 2816 : i32
      %parallel_loop3A_353 = arith.addi %parallel_loop3A_352, %parallel_loop3A_351 : i32
      %parallel_loop3A_354 = arith.index_cast %parallel_loop3A_353 : i32 to index
      %parallel_loop3A_355 = tpu.vector_load %arg7[%parallel_loop3A_354] {strides = array<i32>} : memref<4096xi32, #tpu.memory_space<vmem>>, vector<16xi32>,
      tpu.vector_store %arg7[%parallel_loop3A_354], %broadcast_in_dim3A_4 {strides = array<i32>} : memref<4096xi32, #tpu.memory_space<vmem>>, vector<16xi32>,
      %parallel_loop3A_356 = arith.constant 16 : i32
      %parallel_loop3A_357 = arith.muli %parallel_loop3A_199, %parallel_loop3A_356 : i32
      %parallel_loop3A_358 = arith.constant 3072 : i32
      %parallel_loop3A_359 = arith.addi %parallel_loop3A_358, %parallel_loop3A_357 : i32
      %parallel_loop3A_360 = arith.index_cast %parallel_loop3A_359 : i32 to index
      %parallel_loop3A_361 = tpu.vector_load %arg7[%parallel_loop3A_360] {strides = array<i32>} : memref<4096xi32, #tpu.memory_space<vmem>>, vector<16xi32>,
      %parallel_loop3A_362 = arith.addi %parallel_loop3A_349, %parallel_loop3A_361 : vector<16xi32>
      %parallel_loop3A_363 = arith.constant 16 : i32
      %parallel_loop3A_364 = arith.muli %parallel_loop3A_199, %parallel_loop3A_363 : i32
      %parallel_loop3A_365 = arith.constant 3072 : i32
      %parallel_loop3A_366 = arith.addi %parallel_loop3A_365, %parallel_loop3A_364 : i32
      %parallel_loop3A_367 = arith.index_cast %parallel_loop3A_366 : i32 to index
      %parallel_loop3A_368 = tpu.vector_load %arg7[%parallel_loop3A_367] {strides = array<i32>} : memref<4096xi32, #tpu.memory_space<vmem>>, vector<16xi32>,
      tpu.vector_store %arg7[%parallel_loop3A_367], %broadcast_in_dim3A_4 {strides = array<i32>} : memref<4096xi32, #tpu.memory_space<vmem>>, vector<16xi32>,
      %parallel_loop3A_369 = arith.constant 16 : i32
      %parallel_loop3A_370 = arith.muli %parallel_loop3A_199, %parallel_loop3A_369 : i32
      %parallel_loop3A_371 = arith.constant 3328 : i32
      %parallel_loop3A_372 = arith.addi %parallel_loop3A_371, %parallel_loop3A_370 : i32
      %parallel_loop3A_373 = arith.index_cast %parallel_loop3A_372 : i32 to index
      %parallel_loop3A_374 = tpu.vector_load %arg7[%parallel_loop3A_373] {strides = array<i32>} : memref<4096xi32, #tpu.memory_space<vmem>>, vector<16xi32>,
      %parallel_loop3A_375 = arith.addi %parallel_loop3A_362, %parallel_loop3A_374 : vector<16xi32>
      %parallel_loop3A_376 = arith.constant 16 : i32
      %parallel_loop3A_377 = arith.muli %parallel_loop3A_199, %parallel_loop3A_376 : i32
      %parallel_loop3A_378 = arith.constant 3328 : i32
      %parallel_loop3A_379 = arith.addi %parallel_loop3A_378, %parallel_loop3A_377 : i32
      %parallel_loop3A_380 = arith.index_cast %parallel_loop3A_379 : i32 to index
      %parallel_loop3A_381 = tpu.vector_load %arg7[%parallel_loop3A_380] {strides = array<i32>} : memref<4096xi32, #tpu.memory_space<vmem>>, vector<16xi32>,
      tpu.vector_store %arg7[%parallel_loop3A_380], %broadcast_in_dim3A_4 {strides = array<i32>} : memref<4096xi32, #tpu.memory_space<vmem>>, vector<16xi32>,
      %parallel_loop3A_382 = arith.constant 16 : i32
      %parallel_loop3A_383 = arith.muli %parallel_loop3A_199, %parallel_loop3A_382 : i32
      %parallel_loop3A_384 = arith.constant 3584 : i32
      %parallel_loop3A_385 = arith.addi %parallel_loop3A_384, %parallel_loop3A_383 : i32
      %parallel_loop3A_386 = arith.index_cast %parallel_loop3A_385 : i32 to index
      %parallel_loop3A_387 = tpu.vector_load %arg7[%parallel_loop3A_386] {strides = array<i32>} : memref<4096xi32, #tpu.memory_space<vmem>>, vector<16xi32>,
      %parallel_loop3A_388 = arith.addi %parallel_loop3A_375, %parallel_loop3A_387 : vector<16xi32>
      %parallel_loop3A_389 = arith.constant 16 : i32
      %parallel_loop3A_390 = arith.muli %parallel_loop3A_199, %parallel_loop3A_389 : i32
      %parallel_loop3A_391 = arith.constant 3584 : i32
      %parallel_loop3A_392 = arith.addi %parallel_loop3A_391, %parallel_loop3A_390 : i32
      %parallel_loop3A_393 = arith.index_cast %parallel_loop3A_392 : i32 to index
      %parallel_loop3A_394 = tpu.vector_load %arg7[%parallel_loop3A_393] {strides = array<i32>} : memref<4096xi32, #tpu.memory_space<vmem>>, vector<16xi32>,
      tpu.vector_store %arg7[%parallel_loop3A_393], %broadcast_in_dim3A_4 {strides = array<i32>} : memref<4096xi32, #tpu.memory_space<vmem>>, vector<16xi32>,
      %parallel_loop3A_395 = arith.constant 16 : i32
      %parallel_loop3A_396 = arith.muli %parallel_loop3A_199, %parallel_loop3A_395 : i32
      %parallel_loop3A_397 = arith.constant 3840 : i32
      %parallel_loop3A_398 = arith.addi %parallel_loop3A_397, %parallel_loop3A_396 : i32
      %parallel_loop3A_399 = arith.index_cast %parallel_loop3A_398 : i32 to index
      %parallel_loop3A_400 = tpu.vector_load %arg7[%parallel_loop3A_399] {strides = array<i32>} : memref<4096xi32, #tpu.memory_space<vmem>>, vector<16xi32>,
      %parallel_loop3A_401 = arith.addi %parallel_loop3A_388, %parallel_loop3A_400 : vector<16xi32>
      %parallel_loop3A_402 = arith.constant 16 : i32
      %parallel_loop3A_403 = arith.muli %parallel_loop3A_199, %parallel_loop3A_402 : i32
      %parallel_loop3A_404 = arith.constant 3840 : i32
      %parallel_loop3A_405 = arith.addi %parallel_loop3A_404, %parallel_loop3A_403 : i32
      %parallel_loop3A_406 = arith.index_cast %parallel_loop3A_405 : i32 to index
      %parallel_loop3A_407 = tpu.vector_load %arg7[%parallel_loop3A_406] {strides = array<i32>} : memref<4096xi32, #tpu.memory_space<vmem>>, vector<16xi32>,
      tpu.vector_store %arg7[%parallel_loop3A_406], %broadcast_in_dim3A_4 {strides = array<i32>} : memref<4096xi32, #tpu.memory_space<vmem>>, vector<16xi32>,
      %parallel_loop3A_408 = arith.constant 16 : i32
      %parallel_loop3A_409 = arith.muli %parallel_loop3A_199, %parallel_loop3A_408 : i32
      %parallel_loop3A_410 = arith.index_cast %parallel_loop3A_409 : i32 to index
      %parallel_loop3A_411 = tpu.vector_load %arg8[%parallel_loop3A_410] {strides = array<i32>} : memref<256xi32, #tpu.memory_space<vmem>>, vector<16xi32>,
      tpu.vector_store %arg8[%parallel_loop3A_410], %parallel_loop3A_401 {strides = array<i32>} : memref<256xi32, #tpu.memory_space<vmem>>, vector<16xi32>,
    } {sc.loop_unroll_factor = 2 : i64, sc.parallel_access}
    %mul3A_53 = arith.constant 256 : i32
    %mul3A_54 = arith.muli %arg1, %mul3A_53 : i32
    %run_scoped3A_55 = arith.constant 1 : i32
    "tpu.region"() ({
      %run_scoped3A_199 = tpu.sem_alloc : memref<!tpu.dma_semaphore, #tpu.memory_space<semaphore_mem>>
      %dma_start3A_200 = tpu.memref_slice %arg18[%run_scoped3A_55, %mul3A_54] : memref<4x4096xi32, #tpu.memory_space<vmem_shared>> -> memref<1x256xi32, #tpu.memory_space<vmem_shared>>
      %dma_start3A_201 = tpu.memref_squeeze %dma_start3A_200 : memref<1x256xi32, #tpu.memory_space<vmem_shared>> -> memref<256xi32, #tpu.memory_space<vmem_shared>>
      %dma_start3A_202 = tpu.memref_slice %arg18[%run_scoped3A_55, %mul3A_54] : memref<4x4096xi32, #tpu.memory_space<vmem_shared>> -> memref<1x256xi32, #tpu.memory_space<vmem_shared>>
      %dma_start3A_203 = tpu.memref_squeeze %dma_start3A_202 : memref<1x256xi32, #tpu.memory_space<vmem_shared>> -> memref<256xi32, #tpu.memory_space<vmem_shared>>
      tpu.enqueue_dma source(%arg8 : memref<256xi32, #tpu.memory_space<vmem>>) target(%dma_start3A_203 : memref<256xi32, #tpu.memory_space<vmem_shared>>) target_semaphore(%run_scoped3A_199 : memref<!tpu.dma_semaphore, #tpu.memory_space<semaphore_mem>>)
      %dma_wait3A_204 = tpu.memref_slice %arg18[%run_scoped3A_55, %mul3A_54] : memref<4x4096xi32, #tpu.memory_space<vmem_shared>> -> memref<1x256xi32, #tpu.memory_space<vmem_shared>>
      %dma_wait3A_205 = tpu.memref_squeeze %dma_wait3A_204 : memref<1x256xi32, #tpu.memory_space<vmem_shared>> -> memref<256xi32, #tpu.memory_space<vmem_shared>>
      %dma_wait3A_206 = tpu.memref_slice %arg18[%run_scoped3A_55, %mul3A_54] : memref<4x4096xi32, #tpu.memory_space<vmem_shared>> -> memref<1x256xi32, #tpu.memory_space<vmem_shared>>
      %dma_wait3A_207 = tpu.memref_squeeze %dma_wait3A_206 : memref<1x256xi32, #tpu.memory_space<vmem_shared>> -> memref<256xi32, #tpu.memory_space<vmem_shared>>
      tpu.wait_dma2 semaphore(%run_scoped3A_199 : memref<!tpu.dma_semaphore, #tpu.memory_space<semaphore_mem>>) src(%arg8 : memref<256xi32, #tpu.memory_space<vmem>>) dst(%dma_wait3A_207 : memref<256xi32, #tpu.memory_space<vmem_shared>>)
      tpu.yield
    }) : () -> ()
    %barrier3A_56 = arith.constant 0 : index
    tpu.barrier barrier_id(%barrier3A_56)
    %run_scoped3A_57 = arith.constant 1 : i32
    "tpu.region"() ({
      %run_scoped3A_199 = tpu.sem_alloc : memref<!tpu.dma_semaphore, #tpu.memory_space<semaphore_mem>>
      %dma_start3A_200 = arith.constant 0 : i32
      %dma_start3A_201 = tpu.memref_slice %arg18[%run_scoped3A_57, %dma_start3A_200] : memref<4x4096xi32, #tpu.memory_space<vmem_shared>> -> memref<1x4096xi32, #tpu.memory_space<vmem_shared>>
      %dma_start3A_202 = tpu.memref_squeeze %dma_start3A_201 : memref<1x4096xi32, #tpu.memory_space<vmem_shared>> -> memref<4096xi32, #tpu.memory_space<vmem_shared>>
      %dma_start3A_203 = arith.constant 0 : i32
      %dma_start3A_204 = tpu.memref_slice %arg18[%run_scoped3A_57, %dma_start3A_203] : memref<4x4096xi32, #tpu.memory_space<vmem_shared>> -> memref<1x4096xi32, #tpu.memory_space<vmem_shared>>
      %dma_start3A_205 = tpu.memref_squeeze %dma_start3A_204 : memref<1x4096xi32, #tpu.memory_space<vmem_shared>> -> memref<4096xi32, #tpu.memory_space<vmem_shared>>
      tpu.enqueue_dma source(%dma_start3A_205 : memref<4096xi32, #tpu.memory_space<vmem_shared>>) target(%arg11 : memref<4096xi32, #tpu.memory_space<vmem>>) target_semaphore(%run_scoped3A_199 : memref<!tpu.dma_semaphore, #tpu.memory_space<semaphore_mem>>)
      %dma_wait3A_206 = arith.constant 0 : i32
      %dma_wait3A_207 = tpu.memref_slice %arg18[%run_scoped3A_57, %dma_wait3A_206] : memref<4x4096xi32, #tpu.memory_space<vmem_shared>> -> memref<1x4096xi32, #tpu.memory_space<vmem_shared>>
      %dma_wait3A_208 = tpu.memref_squeeze %dma_wait3A_207 : memref<1x4096xi32, #tpu.memory_space<vmem_shared>> -> memref<4096xi32, #tpu.memory_space<vmem_shared>>
      %dma_wait3A_209 = arith.constant 0 : i32
      %dma_wait3A_210 = tpu.memref_slice %arg18[%run_scoped3A_57, %dma_wait3A_209] : memref<4x4096xi32, #tpu.memory_space<vmem_shared>> -> memref<1x4096xi32, #tpu.memory_space<vmem_shared>>
      %dma_wait3A_211 = tpu.memref_squeeze %dma_wait3A_210 : memref<1x4096xi32, #tpu.memory_space<vmem_shared>> -> memref<4096xi32, #tpu.memory_space<vmem_shared>>
      tpu.wait_dma2 semaphore(%run_scoped3A_199 : memref<!tpu.dma_semaphore, #tpu.memory_space<semaphore_mem>>) src(%dma_wait3A_211 : memref<4096xi32, #tpu.memory_space<vmem_shared>>) dst(%arg11 : memref<4096xi32, #tpu.memory_space<vmem>>)
      tpu.yield
    }) : () -> ()
    %scan3A_58 = arith.constant 0 : i32
    %scan3A_59 = arith.constant 0 : i32
    %scan3A_60 = arith.constant 16 : i32
    %scan3A_61 = arith.addi %scan3A_59, %scan3A_60 : i32
    %scan3A_62 = arith.constant 1 : i32
    %scan3A_63 = scf.for %scan3A_199 = %scan3A_59 to %scan3A_61 step %scan3A_62 iter_args(%scan3A_200 = %scan3A_58) -> (i32)  : i32 {
      %mul3A_201 = arith.constant 16 : i32
      %mul3A_202 = arith.muli %scan3A_199, %mul3A_201 : i32
      %add3A_203 = arith.constant 0 : i32
      %add3A_204 = arith.addi %add3A_203, %mul3A_202 : i32
      %get3A = arith.index_cast %add3A_204 : i32 to index
      %get3A_205 = tpu.vector_load %arg11[%get3A] {strides = array<i32>} : memref<4096xi32, #tpu.memory_space<vmem>>, vector<16xi32>,
      %add3A_206 = arith.addi %broadcast_in_dim3A_4, %get3A_205 : vector<16xi32>
      %mul3A_207 = arith.constant 16 : i32
      %mul3A_208 = arith.muli %scan3A_199, %mul3A_207 : i32
      %add3A_209 = arith.constant 256 : i32
      %add3A_210 = arith.addi %add3A_209, %mul3A_208 : i32
      %get3A_211 = arith.index_cast %add3A_210 : i32 to index
      %get3A_212 = tpu.vector_load %arg11[%get3A_211] {strides = array<i32>} : memref<4096xi32, #tpu.memory_space<vmem>>, vector<16xi32>,
      %add3A_213 = arith.addi %add3A_206, %get3A_212 : vector<16xi32>
      %mul3A_214 = arith.constant 16 : i32
      %mul3A_215 = arith.muli %scan3A_199, %mul3A_214 : i32
      %add3A_216 = arith.constant 512 : i32
      %add3A_217 = arith.addi %add3A_216, %mul3A_215 : i32
      %get3A_218 = arith.index_cast %add3A_217 : i32 to index
      %get3A_219 = tpu.vector_load %arg11[%get3A_218] {strides = array<i32>} : memref<4096xi32, #tpu.memory_space<vmem>>, vector<16xi32>,
      %add3A_220 = arith.addi %add3A_213, %get3A_219 : vector<16xi32>
      %mul3A_221 = arith.constant 16 : i32
      %mul3A_222 = arith.muli %scan3A_199, %mul3A_221 : i32
      %add3A_223 = arith.constant 768 : i32
      %add3A_224 = arith.addi %add3A_223, %mul3A_222 : i32
      %get3A_225 = arith.index_cast %add3A_224 : i32 to index
      %get3A_226 = tpu.vector_load %arg11[%get3A_225] {strides = array<i32>} : memref<4096xi32, #tpu.memory_space<vmem>>, vector<16xi32>,
      %add3A_227 = arith.addi %add3A_220, %get3A_226 : vector<16xi32>
      %mul3A_228 = arith.constant 16 : i32
      %mul3A_229 = arith.muli %scan3A_199, %mul3A_228 : i32
      %add3A_230 = arith.constant 1024 : i32
      %add3A_231 = arith.addi %add3A_230, %mul3A_229 : i32
      %get3A_232 = arith.index_cast %add3A_231 : i32 to index
      %get3A_233 = tpu.vector_load %arg11[%get3A_232] {strides = array<i32>} : memref<4096xi32, #tpu.memory_space<vmem>>, vector<16xi32>,
      %add3A_234 = arith.addi %add3A_227, %get3A_233 : vector<16xi32>
      %mul3A_235 = arith.constant 16 : i32
      %mul3A_236 = arith.muli %scan3A_199, %mul3A_235 : i32
      %add3A_237 = arith.constant 1280 : i32
      %add3A_238 = arith.addi %add3A_237, %mul3A_236 : i32
      %get3A_239 = arith.index_cast %add3A_238 : i32 to index
      %get3A_240 = tpu.vector_load %arg11[%get3A_239] {strides = array<i32>} : memref<4096xi32, #tpu.memory_space<vmem>>, vector<16xi32>,
      %add3A_241 = arith.addi %add3A_234, %get3A_240 : vector<16xi32>
      %mul3A_242 = arith.constant 16 : i32
      %mul3A_243 = arith.muli %scan3A_199, %mul3A_242 : i32
      %add3A_244 = arith.constant 1536 : i32
      %add3A_245 = arith.addi %add3A_244, %mul3A_243 : i32
      %get3A_246 = arith.index_cast %add3A_245 : i32 to index
      %get3A_247 = tpu.vector_load %arg11[%get3A_246] {strides = array<i32>} : memref<4096xi32, #tpu.memory_space<vmem>>, vector<16xi32>,
      %add3A_248 = arith.addi %add3A_241, %get3A_247 : vector<16xi32>
      %mul3A_249 = arith.constant 16 : i32
      %mul3A_250 = arith.muli %scan3A_199, %mul3A_249 : i32
      %add3A_251 = arith.constant 1792 : i32
      %add3A_252 = arith.addi %add3A_251, %mul3A_250 : i32
      %get3A_253 = arith.index_cast %add3A_252 : i32 to index
      %get3A_254 = tpu.vector_load %arg11[%get3A_253] {strides = array<i32>} : memref<4096xi32, #tpu.memory_space<vmem>>, vector<16xi32>,
      %add3A_255 = arith.addi %add3A_248, %get3A_254 : vector<16xi32>
      %mul3A_256 = arith.constant 16 : i32
      %mul3A_257 = arith.muli %scan3A_199, %mul3A_256 : i32
      %add3A_258 = arith.constant 2048 : i32
      %add3A_259 = arith.addi %add3A_258, %mul3A_257 : i32
      %get3A_260 = arith.index_cast %add3A_259 : i32 to index
      %get3A_261 = tpu.vector_load %arg11[%get3A_260] {strides = array<i32>} : memref<4096xi32, #tpu.memory_space<vmem>>, vector<16xi32>,
      %add3A_262 = arith.addi %add3A_255, %get3A_261 : vector<16xi32>
      %mul3A_263 = arith.constant 16 : i32
      %mul3A_264 = arith.muli %scan3A_199, %mul3A_263 : i32
      %add3A_265 = arith.constant 2304 : i32
      %add3A_266 = arith.addi %add3A_265, %mul3A_264 : i32
      %get3A_267 = arith.index_cast %add3A_266 : i32 to index
      %get3A_268 = tpu.vector_load %arg11[%get3A_267] {strides = array<i32>} : memref<4096xi32, #tpu.memory_space<vmem>>, vector<16xi32>,
      %add3A_269 = arith.addi %add3A_262, %get3A_268 : vector<16xi32>
      %mul3A_270 = arith.constant 16 : i32
      %mul3A_271 = arith.muli %scan3A_199, %mul3A_270 : i32
      %add3A_272 = arith.constant 2560 : i32
      %add3A_273 = arith.addi %add3A_272, %mul3A_271 : i32
      %get3A_274 = arith.index_cast %add3A_273 : i32 to index
      %get3A_275 = tpu.vector_load %arg11[%get3A_274] {strides = array<i32>} : memref<4096xi32, #tpu.memory_space<vmem>>, vector<16xi32>,
      %add3A_276 = arith.addi %add3A_269, %get3A_275 : vector<16xi32>
      %mul3A_277 = arith.constant 16 : i32
      %mul3A_278 = arith.muli %scan3A_199, %mul3A_277 : i32
      %add3A_279 = arith.constant 2816 : i32
      %add3A_280 = arith.addi %add3A_279, %mul3A_278 : i32
      %get3A_281 = arith.index_cast %add3A_280 : i32 to index
      %get3A_282 = tpu.vector_load %arg11[%get3A_281] {strides = array<i32>} : memref<4096xi32, #tpu.memory_space<vmem>>, vector<16xi32>,
      %add3A_283 = arith.addi %add3A_276, %get3A_282 : vector<16xi32>
      %mul3A_284 = arith.constant 16 : i32
      %mul3A_285 = arith.muli %scan3A_199, %mul3A_284 : i32
      %add3A_286 = arith.constant 3072 : i32
      %add3A_287 = arith.addi %add3A_286, %mul3A_285 : i32
      %get3A_288 = arith.index_cast %add3A_287 : i32 to index
      %get3A_289 = tpu.vector_load %arg11[%get3A_288] {strides = array<i32>} : memref<4096xi32, #tpu.memory_space<vmem>>, vector<16xi32>,
      %add3A_290 = arith.addi %add3A_283, %get3A_289 : vector<16xi32>
      %mul3A_291 = arith.constant 16 : i32
      %mul3A_292 = arith.muli %scan3A_199, %mul3A_291 : i32
      %add3A_293 = arith.constant 3328 : i32
      %add3A_294 = arith.addi %add3A_293, %mul3A_292 : i32
      %get3A_295 = arith.index_cast %add3A_294 : i32 to index
      %get3A_296 = tpu.vector_load %arg11[%get3A_295] {strides = array<i32>} : memref<4096xi32, #tpu.memory_space<vmem>>, vector<16xi32>,
      %add3A_297 = arith.addi %add3A_290, %get3A_296 : vector<16xi32>
      %mul3A_298 = arith.constant 16 : i32
      %mul3A_299 = arith.muli %scan3A_199, %mul3A_298 : i32
      %add3A_300 = arith.constant 3584 : i32
      %add3A_301 = arith.addi %add3A_300, %mul3A_299 : i32
      %get3A_302 = arith.index_cast %add3A_301 : i32 to index
      %get3A_303 = tpu.vector_load %arg11[%get3A_302] {strides = array<i32>} : memref<4096xi32, #tpu.memory_space<vmem>>, vector<16xi32>,
      %add3A_304 = arith.addi %add3A_297, %get3A_303 : vector<16xi32>
      %mul3A_305 = arith.constant 16 : i32
      %mul3A_306 = arith.muli %scan3A_199, %mul3A_305 : i32
      %add3A_307 = arith.constant 3840 : i32
      %add3A_308 = arith.addi %add3A_307, %mul3A_306 : i32
      %get3A_309 = arith.index_cast %add3A_308 : i32 to index
      %get3A_310 = tpu.vector_load %arg11[%get3A_309] {strides = array<i32>} : memref<4096xi32, #tpu.memory_space<vmem>>, vector<16xi32>,
      %add3A_311 = arith.addi %add3A_304, %get3A_310 : vector<16xi32>
      %broadcast_in_dim3A_312 = arith.constant true
      %broadcast_in_dim3A_313 = vector.broadcast %broadcast_in_dim3A_312 : i1 to vector<16xi1>
      %masked_cumsum3A = tpu.scan <sum>, %add3A_311 masked %broadcast_in_dim3A_313 : vector<16xi32>, vector<16xi1> -> vector<16xi32>
      %add3A_314 = vector.broadcast %scan3A_200 : i32 to vector<16xi32>
      %add3A_315 = arith.addi %masked_cumsum3A, %add3A_314 : vector<16xi32>
      %mul3A_316 = arith.constant 16 : i32
      %mul3A_317 = arith.muli %scan3A_199, %mul3A_316 : i32
      %swap3A_318 = arith.index_cast %mul3A_317 : i32 to index
      %swap3A_319 = tpu.vector_load %arg10[%swap3A_318] {strides = array<i32>} : memref<256xi32, #tpu.memory_space<vmem>>, vector<16xi32>,
      tpu.vector_store %arg10[%swap3A_318], %add3A_311 {strides = array<i32>} : memref<256xi32, #tpu.memory_space<vmem>>, vector<16xi32>,
      %mul3A_320 = arith.constant 16 : i32
      %mul3A_321 = arith.muli %scan3A_199, %mul3A_320 : i32
      %swap3A_322 = arith.index_cast %mul3A_321 : i32 to index
      %swap3A_323 = tpu.vector_load %arg9[%swap3A_322] {strides = array<i32>} : memref<256xi32, #tpu.memory_space<vmem>>, vector<16xi32>,
      tpu.vector_store %arg9[%swap3A_322], %add3A_315 {strides = array<i32>} : memref<256xi32, #tpu.memory_space<vmem>>, vector<16xi32>,
      %slice3A_324 = vector.extract_strided_slice %add3A_315 {offsets = [15], sizes = [1], strides = [1]} : vector<16xi32> to vector<1xi32>
      %slice3A_325 = vector.extract_strided_slice %slice3A_324 {offsets = [0], sizes = [1], strides = [1]} : vector<1xi32> to vector<1xi32>
      %squeeze3A_326 = vector.extract %slice3A_325[0] : i32 from vector<1xi32>
      scf.yield %squeeze3A_326 : i32
    }
    %scan3A_64 = arith.constant 16 : i32
    %sub3A_65 = arith.subi %scan3A_63, %sub3A_44 : i32
    %scan3A_66 = arith.constant 256 : i32
    %scan3A_67 = arith.constant 0 : i32
    %scan3A_68 = arith.constant 16 : i32
    %scan3A_69 = arith.addi %scan3A_67, %scan3A_68 : i32
    %scan3A_70 = arith.constant 1 : i32
    %scan3A_71 = scf.for %scan3A_199 = %scan3A_67 to %scan3A_69 step %scan3A_70 iter_args(%scan3A_200 = %scan3A_66) -> (i32)  : i32 {
      %mul3A_201 = arith.constant 16 : i32
      %mul3A_202 = arith.muli %scan3A_199, %mul3A_201 : i32
      %get3A = arith.index_cast %mul3A_202 : i32 to index
      %get3A_203 = tpu.vector_load %arg9[%get3A] {strides = array<i32>} : memref<256xi32, #tpu.memory_space<vmem>>, vector<16xi32>,
      %mul3A_204 = arith.constant 16 : i32
      %mul3A_205 = arith.muli %scan3A_199, %mul3A_204 : i32
      %add3A_206 = vector.broadcast %mul3A_205 : i32 to vector<16xi32>
      %add3A_207 = arith.addi %iota3A, %add3A_206 : vector<16xi32>
      %gt3A = vector.broadcast %sub3A_65 : i32 to vector<16xi32>
      %gt3A_208 = arith.cmpi sgt, %get3A_203, %gt3A : vector<16xi32>
      %jit3A_209 = arith.constant 256 : i32
      %broadcast_in_dim3A_210 = vector.broadcast %jit3A_209 : i32 to vector<16xi32>
      %select_n3A_211 = arith.select %gt3A_208, %add3A_207, %broadcast_in_dim3A_210 : vector<16xi1>, vector<16xi32>
      %reduce_min3A = arith.constant true
      %reduce_min3A_212 = vector.broadcast %reduce_min3A : i1 to vector<16xi1>
      %reduce_min3A_213 = arith.constant -2147483648 : i32
      %reduce_min3A_214 = vector.broadcast %reduce_min3A_213 : i32 to vector<16xi32>
      %reduce_min3A_215 = arith.xori %select_n3A_211, %reduce_min3A_214 : vector<16xi32>
      %reduce_min3A_216 = tpu.scan <min>, %reduce_min3A_215 masked %reduce_min3A_212 : vector<16xi32>, vector<16xi1> -> vector<16xi32>
      %reduce_min3A_217 = arith.xori %reduce_min3A_216, %reduce_min3A_214 : vector<16xi32>
      %reduce_min3A_218 = vector.extract %reduce_min3A_217[15] : i32 from vector<16xi32>
      %min3A = arith.minsi %scan3A_200, %reduce_min3A_218 : i32
      scf.yield %min3A : i32
    }
    %scan3A_72 = arith.constant 16 : i32
    %add3A_73 = vector.broadcast %scan3A_71 : i32 to vector<16xi32>
    %add3A_74 = arith.addi %broadcast_in_dim3A_4, %add3A_73 : vector<16xi32>
    %gather3A_75 = tpu.vector_load_idx %arg10[%add3A_74] : memref<256xi32, #tpu.memory_space<vmem>>[vector<16xi32>], vector<16xi32>,
    %slice3A_76 = vector.extract_strided_slice %gather3A_75 {offsets = [0], sizes = [1], strides = [1]} : vector<16xi32> to vector<1xi32>
    %squeeze3A_77 = vector.extract %slice3A_76[0] : i32 from vector<1xi32>
    %gather3A_78 = tpu.vector_load_idx %arg9[%add3A_74] : memref<256xi32, #tpu.memory_space<vmem>>[vector<16xi32>], vector<16xi32>,
    %slice3A_79 = vector.extract_strided_slice %gather3A_78 {offsets = [0], sizes = [1], strides = [1]} : vector<16xi32> to vector<1xi32>
    %squeeze3A_80 = vector.extract %slice3A_79[0] : i32 from vector<1xi32>
    %sub3A_81 = arith.subi %scan3A_63, %squeeze3A_80 : i32
    %sub3A_82 = arith.subi %sub3A_44, %sub3A_81 : i32
    %add3A_83 = arith.constant 63 : i32
    %add3A_84 = arith.addi %parallel_loop3A_49#0, %add3A_83 : i32
    %jit3A = arith.constant 64 : i32
    %div3A = arith.divsi %add3A_84, %jit3A : i32
    %sign3A = arith.constant 0 : i32
    %sign3A_85 = arith.cmpi sgt, %add3A_84, %sign3A : i32
    %sign3A_86 = arith.extui %sign3A_85 : i1 to i32
    %sign3A_87 = arith.constant 0 : i32
    %sign3A_88 = arith.cmpi slt, %add3A_84, %sign3A_87 : i32
    %sign3A_89 = arith.extui %sign3A_88 : i1 to i32
    %sign3A_90 = arith.subi %sign3A_86, %sign3A_89 : i32
    %sign3A_91 = arith.constant 0 : i32
    %sign3A_92 = arith.cmpi sgt, %jit3A, %sign3A_91 : i32
    %sign3A_93 = arith.extui %sign3A_92 : i1 to i32
    %sign3A_94 = arith.constant 0 : i32
    %sign3A_95 = arith.cmpi slt, %jit3A, %sign3A_94 : i32
    %sign3A_96 = arith.extui %sign3A_95 : i1 to i32
    %sign3A_97 = arith.subi %sign3A_93, %sign3A_96 : i32
    %ne3A = arith.cmpi ne, %sign3A_90, %sign3A_97 : i32
    %rem3A = arith.remsi %add3A_84, %jit3A : i32
    %ne3A_98 = arith.constant 0 : i32
    %ne3A_99 = arith.cmpi ne, %rem3A, %ne3A_98 : i32
    %and3A = arith.andi %ne3A, %ne3A_99 : i1
    %sub3A_100 = arith.constant 1 : i32
    %sub3A_101 = arith.subi %div3A, %sub3A_100 : i32
    %select_n3A = arith.select %and3A, %sub3A_101, %div3A : i32
    %mul3A_102 = arith.constant 4 : i32
    %mul3A_103 = arith.muli %select_n3A, %mul3A_102 : i32
    %parallel_loop3A_104 = arith.constant 0 : i32
    %parallel_loop3A_105 = arith.constant 1 : i32
    %parallel_loop3A_106:2 = scf.for %parallel_loop3A_199 = %parallel_loop3A_104 to %mul3A_103 step %parallel_loop3A_105 iter_args(%parallel_loop3A_200 = %parallel_loop3A_49#1, %parallel_loop3A_201 = %parallel_loop3A_49#2) -> (vector<16xf32>, vector<16xi32>)  : i32 {
      %parallel_loop3A_202 = arith.constant 16 : i32
      %parallel_loop3A_203 = arith.muli %parallel_loop3A_199, %parallel_loop3A_202 : i32
      %parallel_loop3A_204 = arith.index_cast %parallel_loop3A_203 : i32 to index
      %parallel_loop3A_205 = tpu.vector_load %arg6[%parallel_loop3A_204] {strides = array<i32>} : memref<16512xf32, #tpu.memory_space<vmem>>, vector<16xf32>,
      %parallel_loop3A_206 = arith.constant 16 : i32
      %parallel_loop3A_207 = arith.muli %parallel_loop3A_199, %parallel_loop3A_206 : i32
      %parallel_loop3A_208 = vector.broadcast %parallel_loop3A_207 : i32 to vector<16xi32>
      %parallel_loop3A_209 = arith.addi %parallel_loop3A_208, %iota3A : vector<16xi32>
      %parallel_loop3A_210 = vector.broadcast %parallel_loop3A_49#0 : i32 to vector<16xi32>
      %parallel_loop3A_211 = arith.cmpi slt, %parallel_loop3A_209, %parallel_loop3A_210 : vector<16xi32>
      %parallel_loop3A_212 = tpu.bitcast %parallel_loop3A_205 : vector<16xf32> -> vector<16xi32>
      %parallel_loop3A_213 = arith.constant 0 : i32
      %parallel_loop3A_214 = vector.broadcast %parallel_loop3A_213 : i32 to vector<16xi32>
      %parallel_loop3A_215 = arith.cmpi sge, %parallel_loop3A_212, %parallel_loop3A_214 : vector<16xi32>
      %parallel_loop3A_216 = arith.constant 2147483647 : i32
      %parallel_loop3A_217 = vector.broadcast %parallel_loop3A_216 : i32 to vector<16xi32>
      %parallel_loop3A_218 = arith.xori %parallel_loop3A_212, %parallel_loop3A_217 : vector<16xi32>
      %parallel_loop3A_219 = arith.select %parallel_loop3A_215, %parallel_loop3A_212, %parallel_loop3A_218 : vector<16xi1>, vector<16xi32>
      %parallel_loop3A_220 = arith.constant -2147483648 : i32
      %parallel_loop3A_221 = vector.broadcast %parallel_loop3A_220 : i32 to vector<16xi32>
      %parallel_loop3A_222 = arith.xori %parallel_loop3A_219, %parallel_loop3A_221 : vector<16xi32>
      %parallel_loop3A_223 = arith.constant 16 : i32
      %parallel_loop3A_224 = vector.broadcast %parallel_loop3A_223 : i32 to vector<16xi32>
      %parallel_loop3A_225 = arith.shrui %parallel_loop3A_222, %parallel_loop3A_224 : vector<16xi32>
      %parallel_loop3A_226 = arith.constant 255 : i32
      %parallel_loop3A_227 = vector.broadcast %parallel_loop3A_226 : i32 to vector<16xi32>
      %parallel_loop3A_228 = arith.andi %parallel_loop3A_225, %parallel_loop3A_227 : vector<16xi32>
      %parallel_loop3A_229 = vector.broadcast %scan3A_71 : i32 to vector<16xi32>
      %parallel_loop3A_230 = arith.cmpi sgt, %parallel_loop3A_228, %parallel_loop3A_229 : vector<16xi32>
      %parallel_loop3A_231 = arith.andi %parallel_loop3A_211, %parallel_loop3A_230 : vector<16xi1>
      %parallel_loop3A_232 = arith.select %parallel_loop3A_231, %parallel_loop3A_205, %broadcast_in_dim3A_6 : vector<16xi1>, vector<16xf32>
      %parallel_loop3A_233 = arith.addf %parallel_loop3A_200, %parallel_loop3A_232 : vector<16xf32>
      %parallel_loop3A_234 = vector.broadcast %scan3A_71 : i32 to vector<16xi32>
      %parallel_loop3A_235 = arith.cmpi slt, %parallel_loop3A_228, %parallel_loop3A_234 : vector<16xi32>
      %parallel_loop3A_236 = arith.andi %parallel_loop3A_211, %parallel_loop3A_235 : vector<16xi1>
      %parallel_loop3A_237 = arith.select %parallel_loop3A_236, %parallel_loop3A_219, %broadcast_in_dim3A_8 : vector<16xi1>, vector<16xi32>
      %parallel_loop3A_238 = arith.maxsi %parallel_loop3A_201, %parallel_loop3A_237 : vector<16xi32>
      %parallel_loop3A_239 = vector.broadcast %scan3A_71 : i32 to vector<16xi32>
      %parallel_loop3A_240 = arith.cmpi eq, %parallel_loop3A_228, %parallel_loop3A_239 : vector<16xi32>
      %parallel_loop3A_241 = arith.andi %parallel_loop3A_211, %parallel_loop3A_240 : vector<16xi1>
      %parallel_loop3A_242 = arith.constant 8 : i32
      %parallel_loop3A_243 = vector.broadcast %parallel_loop3A_242 : i32 to vector<16xi32>
      %parallel_loop3A_244 = arith.shrui %parallel_loop3A_222, %parallel_loop3A_243 : vector<16xi32>
      %parallel_loop3A_245 = arith.constant 255 : i32
      %parallel_loop3A_246 = vector.broadcast %parallel_loop3A_245 : i32 to vector<16xi32>
      %parallel_loop3A_247 = arith.andi %parallel_loop3A_244, %parallel_loop3A_246 : vector<16xi32>
      %parallel_loop3A_248 = arith.addi %mul3A_1, %parallel_loop3A_247 : vector<16xi32>
      tpu.vector_store_idx %arg7[%parallel_loop3A_248], %broadcast_in_dim3A_2 masked %parallel_loop3A_241 {add = true} : memref<4096xi32, #tpu.memory_space<vmem>>[vector<16xi32>], vector<16xi32>, vector<16xi1>
      scf.yield %parallel_loop3A_233, %parallel_loop3A_238 : vector<16xf32>, vector<16xi32>
    } {sc.loop_unroll_factor = 4 : i64, sc.parallel_access}
    %parallel_loop3A_107 = arith.constant 0 : i32
    %parallel_loop3A_108 = arith.constant 16 : i32
    %parallel_loop3A_109 = arith.constant 1 : i32
    scf.for %parallel_loop3A_199 = %parallel_loop3A_107 to %parallel_loop3A_108 step %parallel_loop3A_109  : i32 {
      %parallel_loop3A_200 = arith.constant 16 : i32
      %parallel_loop3A_201 = arith.muli %parallel_loop3A_199, %parallel_loop3A_200 : i32
      %parallel_loop3A_202 = arith.constant 0 : i32
      %parallel_loop3A_203 = arith.addi %parallel_loop3A_202, %parallel_loop3A_201 : i32
      %parallel_loop3A_204 = arith.index_cast %parallel_loop3A_203 : i32 to index
      %parallel_loop3A_205 = tpu.vector_load %arg7[%parallel_loop3A_204] {strides = array<i32>} : memref<4096xi32, #tpu.memory_space<vmem>>, vector<16xi32>,
      %parallel_loop3A_206 = arith.addi %broadcast_in_dim3A_4, %parallel_loop3A_205 : vector<16xi32>
      %parallel_loop3A_207 = arith.constant 16 : i32
      %parallel_loop3A_208 = arith.muli %parallel_loop3A_199, %parallel_loop3A_207 : i32
      %parallel_loop3A_209 = arith.constant 0 : i32
      %parallel_loop3A_210 = arith.addi %parallel_loop3A_209, %parallel_loop3A_208 : i32
      %parallel_loop3A_211 = arith.index_cast %parallel_loop3A_210 : i32 to index
      %parallel_loop3A_212 = tpu.vector_load %arg7[%parallel_loop3A_211] {strides = array<i32>} : memref<4096xi32, #tpu.memory_space<vmem>>, vector<16xi32>,
      tpu.vector_store %arg7[%parallel_loop3A_211], %broadcast_in_dim3A_4 {strides = array<i32>} : memref<4096xi32, #tpu.memory_space<vmem>>, vector<16xi32>,
      %parallel_loop3A_213 = arith.constant 16 : i32
      %parallel_loop3A_214 = arith.muli %parallel_loop3A_199, %parallel_loop3A_213 : i32
      %parallel_loop3A_215 = arith.constant 256 : i32
      %parallel_loop3A_216 = arith.addi %parallel_loop3A_215, %parallel_loop3A_214 : i32
      %parallel_loop3A_217 = arith.index_cast %parallel_loop3A_216 : i32 to index
      %parallel_loop3A_218 = tpu.vector_load %arg7[%parallel_loop3A_217] {strides = array<i32>} : memref<4096xi32, #tpu.memory_space<vmem>>, vector<16xi32>,
      %parallel_loop3A_219 = arith.addi %parallel_loop3A_206, %parallel_loop3A_218 : vector<16xi32>
      %parallel_loop3A_220 = arith.constant 16 : i32
      %parallel_loop3A_221 = arith.muli %parallel_loop3A_199, %parallel_loop3A_220 : i32
      %parallel_loop3A_222 = arith.constant 256 : i32
      %parallel_loop3A_223 = arith.addi %parallel_loop3A_222, %parallel_loop3A_221 : i32
      %parallel_loop3A_224 = arith.index_cast %parallel_loop3A_223 : i32 to index
      %parallel_loop3A_225 = tpu.vector_load %arg7[%parallel_loop3A_224] {strides = array<i32>} : memref<4096xi32, #tpu.memory_space<vmem>>, vector<16xi32>,
      tpu.vector_store %arg7[%parallel_loop3A_224], %broadcast_in_dim3A_4 {strides = array<i32>} : memref<4096xi32, #tpu.memory_space<vmem>>, vector<16xi32>,
      %parallel_loop3A_226 = arith.constant 16 : i32
      %parallel_loop3A_227 = arith.muli %parallel_loop3A_199, %parallel_loop3A_226 : i32
      %parallel_loop3A_228 = arith.constant 512 : i32
      %parallel_loop3A_229 = arith.addi %parallel_loop3A_228, %parallel_loop3A_227 : i32
      %parallel_loop3A_230 = arith.index_cast %parallel_loop3A_229 : i32 to index
      %parallel_loop3A_231 = tpu.vector_load %arg7[%parallel_loop3A_230] {strides = array<i32>} : memref<4096xi32, #tpu.memory_space<vmem>>, vector<16xi32>,
      %parallel_loop3A_232 = arith.addi %parallel_loop3A_219, %parallel_loop3A_231 : vector<16xi32>
      %parallel_loop3A_233 = arith.constant 16 : i32
      %parallel_loop3A_234 = arith.muli %parallel_loop3A_199, %parallel_loop3A_233 : i32
      %parallel_loop3A_235 = arith.constant 512 : i32
      %parallel_loop3A_236 = arith.addi %parallel_loop3A_235, %parallel_loop3A_234 : i32
      %parallel_loop3A_237 = arith.index_cast %parallel_loop3A_236 : i32 to index
      %parallel_loop3A_238 = tpu.vector_load %arg7[%parallel_loop3A_237] {strides = array<i32>} : memref<4096xi32, #tpu.memory_space<vmem>>, vector<16xi32>,
      tpu.vector_store %arg7[%parallel_loop3A_237], %broadcast_in_dim3A_4 {strides = array<i32>} : memref<4096xi32, #tpu.memory_space<vmem>>, vector<16xi32>,
      %parallel_loop3A_239 = arith.constant 16 : i32
      %parallel_loop3A_240 = arith.muli %parallel_loop3A_199, %parallel_loop3A_239 : i32
      %parallel_loop3A_241 = arith.constant 768 : i32
      %parallel_loop3A_242 = arith.addi %parallel_loop3A_241, %parallel_loop3A_240 : i32
      %parallel_loop3A_243 = arith.index_cast %parallel_loop3A_242 : i32 to index
      %parallel_loop3A_244 = tpu.vector_load %arg7[%parallel_loop3A_243] {strides = array<i32>} : memref<4096xi32, #tpu.memory_space<vmem>>, vector<16xi32>,
      %parallel_loop3A_245 = arith.addi %parallel_loop3A_232, %parallel_loop3A_244 : vector<16xi32>
      %parallel_loop3A_246 = arith.constant 16 : i32
      %parallel_loop3A_247 = arith.muli %parallel_loop3A_199, %parallel_loop3A_246 : i32
      %parallel_loop3A_248 = arith.constant 768 : i32
      %parallel_loop3A_249 = arith.addi %parallel_loop3A_248, %parallel_loop3A_247 : i32
      %parallel_loop3A_250 = arith.index_cast %parallel_loop3A_249 : i32 to index
      %parallel_loop3A_251 = tpu.vector_load %arg7[%parallel_loop3A_250] {strides = array<i32>} : memref<4096xi32, #tpu.memory_space<vmem>>, vector<16xi32>,
      tpu.vector_store %arg7[%parallel_loop3A_250], %broadcast_in_dim3A_4 {strides = array<i32>} : memref<4096xi32, #tpu.memory_space<vmem>>, vector<16xi32>,
      %parallel_loop3A_252 = arith.constant 16 : i32
      %parallel_loop3A_253 = arith.muli %parallel_loop3A_199, %parallel_loop3A_252 : i32
      %parallel_loop3A_254 = arith.constant 1024 : i32
      %parallel_loop3A_255 = arith.addi %parallel_loop3A_254, %parallel_loop3A_253 : i32
      %parallel_loop3A_256 = arith.index_cast %parallel_loop3A_255 : i32 to index
      %parallel_loop3A_257 = tpu.vector_load %arg7[%parallel_loop3A_256] {strides = array<i32>} : memref<4096xi32, #tpu.memory_space<vmem>>, vector<16xi32>,
      %parallel_loop3A_258 = arith.addi %parallel_loop3A_245, %parallel_loop3A_257 : vector<16xi32>
      %parallel_loop3A_259 = arith.constant 16 : i32
      %parallel_loop3A_260 = arith.muli %parallel_loop3A_199, %parallel_loop3A_259 : i32
      %parallel_loop3A_261 = arith.constant 1024 : i32
      %parallel_loop3A_262 = arith.addi %parallel_loop3A_261, %parallel_loop3A_260 : i32
      %parallel_loop3A_263 = arith.index_cast %parallel_loop3A_262 : i32 to index
      %parallel_loop3A_264 = tpu.vector_load %arg7[%parallel_loop3A_263] {strides = array<i32>} : memref<4096xi32, #tpu.memory_space<vmem>>, vector<16xi32>,
      tpu.vector_store %arg7[%parallel_loop3A_263], %broadcast_in_dim3A_4 {strides = array<i32>} : memref<4096xi32, #tpu.memory_space<vmem>>, vector<16xi32>,
      %parallel_loop3A_265 = arith.constant 16 : i32
      %parallel_loop3A_266 = arith.muli %parallel_loop3A_199, %parallel_loop3A_265 : i32
      %parallel_loop3A_267 = arith.constant 1280 : i32
      %parallel_loop3A_268 = arith.addi %parallel_loop3A_267, %parallel_loop3A_266 : i32
      %parallel_loop3A_269 = arith.index_cast %parallel_loop3A_268 : i32 to index
      %parallel_loop3A_270 = tpu.vector_load %arg7[%parallel_loop3A_269] {strides = array<i32>} : memref<4096xi32, #tpu.memory_space<vmem>>, vector<16xi32>,
      %parallel_loop3A_271 = arith.addi %parallel_loop3A_258, %parallel_loop3A_270 : vector<16xi32>
      %parallel_loop3A_272 = arith.constant 16 : i32
      %parallel_loop3A_273 = arith.muli %parallel_loop3A_199, %parallel_loop3A_272 : i32
      %parallel_loop3A_274 = arith.constant 1280 : i32
      %parallel_loop3A_275 = arith.addi %parallel_loop3A_274, %parallel_loop3A_273 : i32
      %parallel_loop3A_276 = arith.index_cast %parallel_loop3A_275 : i32 to index
      %parallel_loop3A_277 = tpu.vector_load %arg7[%parallel_loop3A_276] {strides = array<i32>} : memref<4096xi32, #tpu.memory_space<vmem>>, vector<16xi32>,
      tpu.vector_store %arg7[%parallel_loop3A_276], %broadcast_in_dim3A_4 {strides = array<i32>} : memref<4096xi32, #tpu.memory_space<vmem>>, vector<16xi32>,
      %parallel_loop3A_278 = arith.constant 16 : i32
      %parallel_loop3A_279 = arith.muli %parallel_loop3A_199, %parallel_loop3A_278 : i32
      %parallel_loop3A_280 = arith.constant 1536 : i32
      %parallel_loop3A_281 = arith.addi %parallel_loop3A_280, %parallel_loop3A_279 : i32
      %parallel_loop3A_282 = arith.index_cast %parallel_loop3A_281 : i32 to index
      %parallel_loop3A_283 = tpu.vector_load %arg7[%parallel_loop3A_282] {strides = array<i32>} : memref<4096xi32, #tpu.memory_space<vmem>>, vector<16xi32>,
      %parallel_loop3A_284 = arith.addi %parallel_loop3A_271, %parallel_loop3A_283 : vector<16xi32>
      %parallel_loop3A_285 = arith.constant 16 : i32
      %parallel_loop3A_286 = arith.muli %parallel_loop3A_199, %parallel_loop3A_285 : i32
      %parallel_loop3A_287 = arith.constant 1536 : i32
      %parallel_loop3A_288 = arith.addi %parallel_loop3A_287, %parallel_loop3A_286 : i32
      %parallel_loop3A_289 = arith.index_cast %parallel_loop3A_288 : i32 to index
      %parallel_loop3A_290 = tpu.vector_load %arg7[%parallel_loop3A_289] {strides = array<i32>} : memref<4096xi32, #tpu.memory_space<vmem>>, vector<16xi32>,
      tpu.vector_store %arg7[%parallel_loop3A_289], %broadcast_in_dim3A_4 {strides = array<i32>} : memref<4096xi32, #tpu.memory_space<vmem>>, vector<16xi32>,
      %parallel_loop3A_291 = arith.constant 16 : i32
      %parallel_loop3A_292 = arith.muli %parallel_loop3A_199, %parallel_loop3A_291 : i32
      %parallel_loop3A_293 = arith.constant 1792 : i32
      %parallel_loop3A_294 = arith.addi %parallel_loop3A_293, %parallel_loop3A_292 : i32
      %parallel_loop3A_295 = arith.index_cast %parallel_loop3A_294 : i32 to index
      %parallel_loop3A_296 = tpu.vector_load %arg7[%parallel_loop3A_295] {strides = array<i32>} : memref<4096xi32, #tpu.memory_space<vmem>>, vector<16xi32>,
      %parallel_loop3A_297 = arith.addi %parallel_loop3A_284, %parallel_loop3A_296 : vector<16xi32>
      %parallel_loop3A_298 = arith.constant 16 : i32
      %parallel_loop3A_299 = arith.muli %parallel_loop3A_199, %parallel_loop3A_298 : i32
      %parallel_loop3A_300 = arith.constant 1792 : i32
      %parallel_loop3A_301 = arith.addi %parallel_loop3A_300, %parallel_loop3A_299 : i32
      %parallel_loop3A_302 = arith.index_cast %parallel_loop3A_301 : i32 to index
      %parallel_loop3A_303 = tpu.vector_load %arg7[%parallel_loop3A_302] {strides = array<i32>} : memref<4096xi32, #tpu.memory_space<vmem>>, vector<16xi32>,
      tpu.vector_store %arg7[%parallel_loop3A_302], %broadcast_in_dim3A_4 {strides = array<i32>} : memref<4096xi32, #tpu.memory_space<vmem>>, vector<16xi32>,
      %parallel_loop3A_304 = arith.constant 16 : i32
      %parallel_loop3A_305 = arith.muli %parallel_loop3A_199, %parallel_loop3A_304 : i32
      %parallel_loop3A_306 = arith.constant 2048 : i32
      %parallel_loop3A_307 = arith.addi %parallel_loop3A_306, %parallel_loop3A_305 : i32
      %parallel_loop3A_308 = arith.index_cast %parallel_loop3A_307 : i32 to index
      %parallel_loop3A_309 = tpu.vector_load %arg7[%parallel_loop3A_308] {strides = array<i32>} : memref<4096xi32, #tpu.memory_space<vmem>>, vector<16xi32>,
      %parallel_loop3A_310 = arith.addi %parallel_loop3A_297, %parallel_loop3A_309 : vector<16xi32>
      %parallel_loop3A_311 = arith.constant 16 : i32
      %parallel_loop3A_312 = arith.muli %parallel_loop3A_199, %parallel_loop3A_311 : i32
      %parallel_loop3A_313 = arith.constant 2048 : i32
      %parallel_loop3A_314 = arith.addi %parallel_loop3A_313, %parallel_loop3A_312 : i32
      %parallel_loop3A_315 = arith.index_cast %parallel_loop3A_314 : i32 to index
      %parallel_loop3A_316 = tpu.vector_load %arg7[%parallel_loop3A_315] {strides = array<i32>} : memref<4096xi32, #tpu.memory_space<vmem>>, vector<16xi32>,
      tpu.vector_store %arg7[%parallel_loop3A_315], %broadcast_in_dim3A_4 {strides = array<i32>} : memref<4096xi32, #tpu.memory_space<vmem>>, vector<16xi32>,
      %parallel_loop3A_317 = arith.constant 16 : i32
      %parallel_loop3A_318 = arith.muli %parallel_loop3A_199, %parallel_loop3A_317 : i32
      %parallel_loop3A_319 = arith.constant 2304 : i32
      %parallel_loop3A_320 = arith.addi %parallel_loop3A_319, %parallel_loop3A_318 : i32
      %parallel_loop3A_321 = arith.index_cast %parallel_loop3A_320 : i32 to index
      %parallel_loop3A_322 = tpu.vector_load %arg7[%parallel_loop3A_321] {strides = array<i32>} : memref<4096xi32, #tpu.memory_space<vmem>>, vector<16xi32>,
      %parallel_loop3A_323 = arith.addi %parallel_loop3A_310, %parallel_loop3A_322 : vector<16xi32>
      %parallel_loop3A_324 = arith.constant 16 : i32
      %parallel_loop3A_325 = arith.muli %parallel_loop3A_199, %parallel_loop3A_324 : i32
      %parallel_loop3A_326 = arith.constant 2304 : i32
      %parallel_loop3A_327 = arith.addi %parallel_loop3A_326, %parallel_loop3A_325 : i32
      %parallel_loop3A_328 = arith.index_cast %parallel_loop3A_327 : i32 to index
      %parallel_loop3A_329 = tpu.vector_load %arg7[%parallel_loop3A_328] {strides = array<i32>} : memref<4096xi32, #tpu.memory_space<vmem>>, vector<16xi32>,
      tpu.vector_store %arg7[%parallel_loop3A_328], %broadcast_in_dim3A_4 {strides = array<i32>} : memref<4096xi32, #tpu.memory_space<vmem>>, vector<16xi32>,
      %parallel_loop3A_330 = arith.constant 16 : i32
      %parallel_loop3A_331 = arith.muli %parallel_loop3A_199, %parallel_loop3A_330 : i32
      %parallel_loop3A_332 = arith.constant 2560 : i32
      %parallel_loop3A_333 = arith.addi %parallel_loop3A_332, %parallel_loop3A_331 : i32
      %parallel_loop3A_334 = arith.index_cast %parallel_loop3A_333 : i32 to index
      %parallel_loop3A_335 = tpu.vector_load %arg7[%parallel_loop3A_334] {strides = array<i32>} : memref<4096xi32, #tpu.memory_space<vmem>>, vector<16xi32>,
      %parallel_loop3A_336 = arith.addi %parallel_loop3A_323, %parallel_loop3A_335 : vector<16xi32>
      %parallel_loop3A_337 = arith.constant 16 : i32
      %parallel_loop3A_338 = arith.muli %parallel_loop3A_199, %parallel_loop3A_337 : i32
      %parallel_loop3A_339 = arith.constant 2560 : i32
      %parallel_loop3A_340 = arith.addi %parallel_loop3A_339, %parallel_loop3A_338 : i32
      %parallel_loop3A_341 = arith.index_cast %parallel_loop3A_340 : i32 to index
      %parallel_loop3A_342 = tpu.vector_load %arg7[%parallel_loop3A_341] {strides = array<i32>} : memref<4096xi32, #tpu.memory_space<vmem>>, vector<16xi32>,
      tpu.vector_store %arg7[%parallel_loop3A_341], %broadcast_in_dim3A_4 {strides = array<i32>} : memref<4096xi32, #tpu.memory_space<vmem>>, vector<16xi32>,
      %parallel_loop3A_343 = arith.constant 16 : i32
      %parallel_loop3A_344 = arith.muli %parallel_loop3A_199, %parallel_loop3A_343 : i32
      %parallel_loop3A_345 = arith.constant 2816 : i32
      %parallel_loop3A_346 = arith.addi %parallel_loop3A_345, %parallel_loop3A_344 : i32
      %parallel_loop3A_347 = arith.index_cast %parallel_loop3A_346 : i32 to index
      %parallel_loop3A_348 = tpu.vector_load %arg7[%parallel_loop3A_347] {strides = array<i32>} : memref<4096xi32, #tpu.memory_space<vmem>>, vector<16xi32>,
      %parallel_loop3A_349 = arith.addi %parallel_loop3A_336, %parallel_loop3A_348 : vector<16xi32>
      %parallel_loop3A_350 = arith.constant 16 : i32
      %parallel_loop3A_351 = arith.muli %parallel_loop3A_199, %parallel_loop3A_350 : i32
      %parallel_loop3A_352 = arith.constant 2816 : i32
      %parallel_loop3A_353 = arith.addi %parallel_loop3A_352, %parallel_loop3A_351 : i32
      %parallel_loop3A_354 = arith.index_cast %parallel_loop3A_353 : i32 to index
      %parallel_loop3A_355 = tpu.vector_load %arg7[%parallel_loop3A_354] {strides = array<i32>} : memref<4096xi32, #tpu.memory_space<vmem>>, vector<16xi32>,
      tpu.vector_store %arg7[%parallel_loop3A_354], %broadcast_in_dim3A_4 {strides = array<i32>} : memref<4096xi32, #tpu.memory_space<vmem>>, vector<16xi32>,
      %parallel_loop3A_356 = arith.constant 16 : i32
      %parallel_loop3A_357 = arith.muli %parallel_loop3A_199, %parallel_loop3A_356 : i32
      %parallel_loop3A_358 = arith.constant 3072 : i32
      %parallel_loop3A_359 = arith.addi %parallel_loop3A_358, %parallel_loop3A_357 : i32
      %parallel_loop3A_360 = arith.index_cast %parallel_loop3A_359 : i32 to index
      %parallel_loop3A_361 = tpu.vector_load %arg7[%parallel_loop3A_360] {strides = array<i32>} : memref<4096xi32, #tpu.memory_space<vmem>>, vector<16xi32>,
      %parallel_loop3A_362 = arith.addi %parallel_loop3A_349, %parallel_loop3A_361 : vector<16xi32>
      %parallel_loop3A_363 = arith.constant 16 : i32
      %parallel_loop3A_364 = arith.muli %parallel_loop3A_199, %parallel_loop3A_363 : i32
      %parallel_loop3A_365 = arith.constant 3072 : i32
      %parallel_loop3A_366 = arith.addi %parallel_loop3A_365, %parallel_loop3A_364 : i32
      %parallel_loop3A_367 = arith.index_cast %parallel_loop3A_366 : i32 to index
      %parallel_loop3A_368 = tpu.vector_load %arg7[%parallel_loop3A_367] {strides = array<i32>} : memref<4096xi32, #tpu.memory_space<vmem>>, vector<16xi32>,
      tpu.vector_store %arg7[%parallel_loop3A_367], %broadcast_in_dim3A_4 {strides = array<i32>} : memref<4096xi32, #tpu.memory_space<vmem>>, vector<16xi32>,
      %parallel_loop3A_369 = arith.constant 16 : i32
      %parallel_loop3A_370 = arith.muli %parallel_loop3A_199, %parallel_loop3A_369 : i32
      %parallel_loop3A_371 = arith.constant 3328 : i32
      %parallel_loop3A_372 = arith.addi %parallel_loop3A_371, %parallel_loop3A_370 : i32
      %parallel_loop3A_373 = arith.index_cast %parallel_loop3A_372 : i32 to index
      %parallel_loop3A_374 = tpu.vector_load %arg7[%parallel_loop3A_373] {strides = array<i32>} : memref<4096xi32, #tpu.memory_space<vmem>>, vector<16xi32>,
      %parallel_loop3A_375 = arith.addi %parallel_loop3A_362, %parallel_loop3A_374 : vector<16xi32>
      %parallel_loop3A_376 = arith.constant 16 : i32
      %parallel_loop3A_377 = arith.muli %parallel_loop3A_199, %parallel_loop3A_376 : i32
      %parallel_loop3A_378 = arith.constant 3328 : i32
      %parallel_loop3A_379 = arith.addi %parallel_loop3A_378, %parallel_loop3A_377 : i32
      %parallel_loop3A_380 = arith.index_cast %parallel_loop3A_379 : i32 to index
      %parallel_loop3A_381 = tpu.vector_load %arg7[%parallel_loop3A_380] {strides = array<i32>} : memref<4096xi32, #tpu.memory_space<vmem>>, vector<16xi32>,
      tpu.vector_store %arg7[%parallel_loop3A_380], %broadcast_in_dim3A_4 {strides = array<i32>} : memref<4096xi32, #tpu.memory_space<vmem>>, vector<16xi32>,
      %parallel_loop3A_382 = arith.constant 16 : i32
      %parallel_loop3A_383 = arith.muli %parallel_loop3A_199, %parallel_loop3A_382 : i32
      %parallel_loop3A_384 = arith.constant 3584 : i32
      %parallel_loop3A_385 = arith.addi %parallel_loop3A_384, %parallel_loop3A_383 : i32
      %parallel_loop3A_386 = arith.index_cast %parallel_loop3A_385 : i32 to index
      %parallel_loop3A_387 = tpu.vector_load %arg7[%parallel_loop3A_386] {strides = array<i32>} : memref<4096xi32, #tpu.memory_space<vmem>>, vector<16xi32>,
      %parallel_loop3A_388 = arith.addi %parallel_loop3A_375, %parallel_loop3A_387 : vector<16xi32>
      %parallel_loop3A_389 = arith.constant 16 : i32
      %parallel_loop3A_390 = arith.muli %parallel_loop3A_199, %parallel_loop3A_389 : i32
      %parallel_loop3A_391 = arith.constant 3584 : i32
      %parallel_loop3A_392 = arith.addi %parallel_loop3A_391, %parallel_loop3A_390 : i32
      %parallel_loop3A_393 = arith.index_cast %parallel_loop3A_392 : i32 to index
      %parallel_loop3A_394 = tpu.vector_load %arg7[%parallel_loop3A_393] {strides = array<i32>} : memref<4096xi32, #tpu.memory_space<vmem>>, vector<16xi32>,
      tpu.vector_store %arg7[%parallel_loop3A_393], %broadcast_in_dim3A_4 {strides = array<i32>} : memref<4096xi32, #tpu.memory_space<vmem>>, vector<16xi32>,
      %parallel_loop3A_395 = arith.constant 16 : i32
      %parallel_loop3A_396 = arith.muli %parallel_loop3A_199, %parallel_loop3A_395 : i32
      %parallel_loop3A_397 = arith.constant 3840 : i32
      %parallel_loop3A_398 = arith.addi %parallel_loop3A_397, %parallel_loop3A_396 : i32
      %parallel_loop3A_399 = arith.index_cast %parallel_loop3A_398 : i32 to index
      %parallel_loop3A_400 = tpu.vector_load %arg7[%parallel_loop3A_399] {strides = array<i32>} : memref<4096xi32, #tpu.memory_space<vmem>>, vector<16xi32>,
      %parallel_loop3A_401 = arith.addi %parallel_loop3A_388, %parallel_loop3A_400 : vector<16xi32>
      %parallel_loop3A_402 = arith.constant 16 : i32
      %parallel_loop3A_403 = arith.muli %parallel_loop3A_199, %parallel_loop3A_402 : i32
      %parallel_loop3A_404 = arith.constant 3840 : i32
      %parallel_loop3A_405 = arith.addi %parallel_loop3A_404, %parallel_loop3A_403 : i32
      %parallel_loop3A_406 = arith.index_cast %parallel_loop3A_405 : i32 to index
      %parallel_loop3A_407 = tpu.vector_load %arg7[%parallel_loop3A_406] {strides = array<i32>} : memref<4096xi32, #tpu.memory_space<vmem>>, vector<16xi32>,
      tpu.vector_store %arg7[%parallel_loop3A_406], %broadcast_in_dim3A_4 {strides = array<i32>} : memref<4096xi32, #tpu.memory_space<vmem>>, vector<16xi32>,
      %parallel_loop3A_408 = arith.constant 16 : i32
      %parallel_loop3A_409 = arith.muli %parallel_loop3A_199, %parallel_loop3A_408 : i32
      %parallel_loop3A_410 = arith.index_cast %parallel_loop3A_409 : i32 to index
      %parallel_loop3A_411 = tpu.vector_load %arg8[%parallel_loop3A_410] {strides = array<i32>} : memref<256xi32, #tpu.memory_space<vmem>>, vector<16xi32>,
      tpu.vector_store %arg8[%parallel_loop3A_410], %parallel_loop3A_401 {strides = array<i32>} : memref<256xi32, #tpu.memory_space<vmem>>, vector<16xi32>,
    } {sc.loop_unroll_factor = 2 : i64, sc.parallel_access}
    %mul3A_110 = arith.constant 256 : i32
    %mul3A_111 = arith.muli %arg1, %mul3A_110 : i32
    %run_scoped3A_112 = arith.constant 2 : i32
    "tpu.region"() ({
      %run_scoped3A_199 = tpu.sem_alloc : memref<!tpu.dma_semaphore, #tpu.memory_space<semaphore_mem>>
      %dma_start3A_200 = tpu.memref_slice %arg18[%run_scoped3A_112, %mul3A_111] : memref<4x4096xi32, #tpu.memory_space<vmem_shared>> -> memref<1x256xi32, #tpu.memory_space<vmem_shared>>
      %dma_start3A_201 = tpu.memref_squeeze %dma_start3A_200 : memref<1x256xi32, #tpu.memory_space<vmem_shared>> -> memref<256xi32, #tpu.memory_space<vmem_shared>>
      %dma_start3A_202 = tpu.memref_slice %arg18[%run_scoped3A_112, %mul3A_111] : memref<4x4096xi32, #tpu.memory_space<vmem_shared>> -> memref<1x256xi32, #tpu.memory_space<vmem_shared>>
      %dma_start3A_203 = tpu.memref_squeeze %dma_start3A_202 : memref<1x256xi32, #tpu.memory_space<vmem_shared>> -> memref<256xi32, #tpu.memory_space<vmem_shared>>
      tpu.enqueue_dma source(%arg8 : memref<256xi32, #tpu.memory_space<vmem>>) target(%dma_start3A_203 : memref<256xi32, #tpu.memory_space<vmem_shared>>) target_semaphore(%run_scoped3A_199 : memref<!tpu.dma_semaphore, #tpu.memory_space<semaphore_mem>>)
      %dma_wait3A_204 = tpu.memref_slice %arg18[%run_scoped3A_112, %mul3A_111] : memref<4x4096xi32, #tpu.memory_space<vmem_shared>> -> memref<1x256xi32, #tpu.memory_space<vmem_shared>>
      %dma_wait3A_205 = tpu.memref_squeeze %dma_wait3A_204 : memref<1x256xi32, #tpu.memory_space<vmem_shared>> -> memref<256xi32, #tpu.memory_space<vmem_shared>>
      %dma_wait3A_206 = tpu.memref_slice %arg18[%run_scoped3A_112, %mul3A_111] : memref<4x4096xi32, #tpu.memory_space<vmem_shared>> -> memref<1x256xi32, #tpu.memory_space<vmem_shared>>
      %dma_wait3A_207 = tpu.memref_squeeze %dma_wait3A_206 : memref<1x256xi32, #tpu.memory_space<vmem_shared>> -> memref<256xi32, #tpu.memory_space<vmem_shared>>
      tpu.wait_dma2 semaphore(%run_scoped3A_199 : memref<!tpu.dma_semaphore, #tpu.memory_space<semaphore_mem>>) src(%arg8 : memref<256xi32, #tpu.memory_space<vmem>>) dst(%dma_wait3A_207 : memref<256xi32, #tpu.memory_space<vmem_shared>>)
      tpu.yield
    }) : () -> ()
    %barrier3A_113 = arith.constant 0 : index
    tpu.barrier barrier_id(%barrier3A_113)
    %run_scoped3A_114 = arith.constant 2 : i32
    "tpu.region"() ({
      %run_scoped3A_199 = tpu.sem_alloc : memref<!tpu.dma_semaphore, #tpu.memory_space<semaphore_mem>>
      %dma_start3A_200 = arith.constant 0 : i32
      %dma_start3A_201 = tpu.memref_slice %arg18[%run_scoped3A_114, %dma_start3A_200] : memref<4x4096xi32, #tpu.memory_space<vmem_shared>> -> memref<1x4096xi32, #tpu.memory_space<vmem_shared>>
      %dma_start3A_202 = tpu.memref_squeeze %dma_start3A_201 : memref<1x4096xi32, #tpu.memory_space<vmem_shared>> -> memref<4096xi32, #tpu.memory_space<vmem_shared>>
      %dma_start3A_203 = arith.constant 0 : i32
      %dma_start3A_204 = tpu.memref_slice %arg18[%run_scoped3A_114, %dma_start3A_203] : memref<4x4096xi32, #tpu.memory_space<vmem_shared>> -> memref<1x4096xi32, #tpu.memory_space<vmem_shared>>
      %dma_start3A_205 = tpu.memref_squeeze %dma_start3A_204 : memref<1x4096xi32, #tpu.memory_space<vmem_shared>> -> memref<4096xi32, #tpu.memory_space<vmem_shared>>
      tpu.enqueue_dma source(%dma_start3A_205 : memref<4096xi32, #tpu.memory_space<vmem_shared>>) target(%arg11 : memref<4096xi32, #tpu.memory_space<vmem>>) target_semaphore(%run_scoped3A_199 : memref<!tpu.dma_semaphore, #tpu.memory_space<semaphore_mem>>)
      %dma_wait3A_206 = arith.constant 0 : i32
      %dma_wait3A_207 = tpu.memref_slice %arg18[%run_scoped3A_114, %dma_wait3A_206] : memref<4x4096xi32, #tpu.memory_space<vmem_shared>> -> memref<1x4096xi32, #tpu.memory_space<vmem_shared>>
      %dma_wait3A_208 = tpu.memref_squeeze %dma_wait3A_207 : memref<1x4096xi32, #tpu.memory_space<vmem_shared>> -> memref<4096xi32, #tpu.memory_space<vmem_shared>>
      %dma_wait3A_209 = arith.constant 0 : i32
      %dma_wait3A_210 = tpu.memref_slice %arg18[%run_scoped3A_114, %dma_wait3A_209] : memref<4x4096xi32, #tpu.memory_space<vmem_shared>> -> memref<1x4096xi32, #tpu.memory_space<vmem_shared>>
      %dma_wait3A_211 = tpu.memref_squeeze %dma_wait3A_210 : memref<1x4096xi32, #tpu.memory_space<vmem_shared>> -> memref<4096xi32, #tpu.memory_space<vmem_shared>>
      tpu.wait_dma2 semaphore(%run_scoped3A_199 : memref<!tpu.dma_semaphore, #tpu.memory_space<semaphore_mem>>) src(%dma_wait3A_211 : memref<4096xi32, #tpu.memory_space<vmem_shared>>) dst(%arg11 : memref<4096xi32, #tpu.memory_space<vmem>>)
      tpu.yield
    }) : () -> ()
    %scan3A_115 = arith.constant 0 : i32
    %scan3A_116 = arith.constant 0 : i32
    %scan3A_117 = arith.constant 16 : i32
    %scan3A_118 = arith.addi %scan3A_116, %scan3A_117 : i32
    %scan3A_119 = arith.constant 1 : i32
    %scan3A_120 = scf.for %scan3A_199 = %scan3A_116 to %scan3A_118 step %scan3A_119 iter_args(%scan3A_200 = %scan3A_115) -> (i32)  : i32 {
      %mul3A_201 = arith.constant 16 : i32
      %mul3A_202 = arith.muli %scan3A_199, %mul3A_201 : i32
      %add3A_203 = arith.constant 0 : i32
      %add3A_204 = arith.addi %add3A_203, %mul3A_202 : i32
      %get3A = arith.index_cast %add3A_204 : i32 to index
      %get3A_205 = tpu.vector_load %arg11[%get3A] {strides = array<i32>} : memref<4096xi32, #tpu.memory_space<vmem>>, vector<16xi32>,
      %add3A_206 = arith.addi %broadcast_in_dim3A_4, %get3A_205 : vector<16xi32>
      %mul3A_207 = arith.constant 16 : i32
      %mul3A_208 = arith.muli %scan3A_199, %mul3A_207 : i32
      %add3A_209 = arith.constant 256 : i32
      %add3A_210 = arith.addi %add3A_209, %mul3A_208 : i32
      %get3A_211 = arith.index_cast %add3A_210 : i32 to index
      %get3A_212 = tpu.vector_load %arg11[%get3A_211] {strides = array<i32>} : memref<4096xi32, #tpu.memory_space<vmem>>, vector<16xi32>,
      %add3A_213 = arith.addi %add3A_206, %get3A_212 : vector<16xi32>
      %mul3A_214 = arith.constant 16 : i32
      %mul3A_215 = arith.muli %scan3A_199, %mul3A_214 : i32
      %add3A_216 = arith.constant 512 : i32
      %add3A_217 = arith.addi %add3A_216, %mul3A_215 : i32
      %get3A_218 = arith.index_cast %add3A_217 : i32 to index
      %get3A_219 = tpu.vector_load %arg11[%get3A_218] {strides = array<i32>} : memref<4096xi32, #tpu.memory_space<vmem>>, vector<16xi32>,
      %add3A_220 = arith.addi %add3A_213, %get3A_219 : vector<16xi32>
      %mul3A_221 = arith.constant 16 : i32
      %mul3A_222 = arith.muli %scan3A_199, %mul3A_221 : i32
      %add3A_223 = arith.constant 768 : i32
      %add3A_224 = arith.addi %add3A_223, %mul3A_222 : i32
      %get3A_225 = arith.index_cast %add3A_224 : i32 to index
      %get3A_226 = tpu.vector_load %arg11[%get3A_225] {strides = array<i32>} : memref<4096xi32, #tpu.memory_space<vmem>>, vector<16xi32>,
      %add3A_227 = arith.addi %add3A_220, %get3A_226 : vector<16xi32>
      %mul3A_228 = arith.constant 16 : i32
      %mul3A_229 = arith.muli %scan3A_199, %mul3A_228 : i32
      %add3A_230 = arith.constant 1024 : i32
      %add3A_231 = arith.addi %add3A_230, %mul3A_229 : i32
      %get3A_232 = arith.index_cast %add3A_231 : i32 to index
      %get3A_233 = tpu.vector_load %arg11[%get3A_232] {strides = array<i32>} : memref<4096xi32, #tpu.memory_space<vmem>>, vector<16xi32>,
      %add3A_234 = arith.addi %add3A_227, %get3A_233 : vector<16xi32>
      %mul3A_235 = arith.constant 16 : i32
      %mul3A_236 = arith.muli %scan3A_199, %mul3A_235 : i32
      %add3A_237 = arith.constant 1280 : i32
      %add3A_238 = arith.addi %add3A_237, %mul3A_236 : i32
      %get3A_239 = arith.index_cast %add3A_238 : i32 to index
      %get3A_240 = tpu.vector_load %arg11[%get3A_239] {strides = array<i32>} : memref<4096xi32, #tpu.memory_space<vmem>>, vector<16xi32>,
      %add3A_241 = arith.addi %add3A_234, %get3A_240 : vector<16xi32>
      %mul3A_242 = arith.constant 16 : i32
      %mul3A_243 = arith.muli %scan3A_199, %mul3A_242 : i32
      %add3A_244 = arith.constant 1536 : i32
      %add3A_245 = arith.addi %add3A_244, %mul3A_243 : i32
      %get3A_246 = arith.index_cast %add3A_245 : i32 to index
      %get3A_247 = tpu.vector_load %arg11[%get3A_246] {strides = array<i32>} : memref<4096xi32, #tpu.memory_space<vmem>>, vector<16xi32>,
      %add3A_248 = arith.addi %add3A_241, %get3A_247 : vector<16xi32>
      %mul3A_249 = arith.constant 16 : i32
      %mul3A_250 = arith.muli %scan3A_199, %mul3A_249 : i32
      %add3A_251 = arith.constant 1792 : i32
      %add3A_252 = arith.addi %add3A_251, %mul3A_250 : i32
      %get3A_253 = arith.index_cast %add3A_252 : i32 to index
      %get3A_254 = tpu.vector_load %arg11[%get3A_253] {strides = array<i32>} : memref<4096xi32, #tpu.memory_space<vmem>>, vector<16xi32>,
      %add3A_255 = arith.addi %add3A_248, %get3A_254 : vector<16xi32>
      %mul3A_256 = arith.constant 16 : i32
      %mul3A_257 = arith.muli %scan3A_199, %mul3A_256 : i32
      %add3A_258 = arith.constant 2048 : i32
      %add3A_259 = arith.addi %add3A_258, %mul3A_257 : i32
      %get3A_260 = arith.index_cast %add3A_259 : i32 to index
      %get3A_261 = tpu.vector_load %arg11[%get3A_260] {strides = array<i32>} : memref<4096xi32, #tpu.memory_space<vmem>>, vector<16xi32>,
      %add3A_262 = arith.addi %add3A_255, %get3A_261 : vector<16xi32>
      %mul3A_263 = arith.constant 16 : i32
      %mul3A_264 = arith.muli %scan3A_199, %mul3A_263 : i32
      %add3A_265 = arith.constant 2304 : i32
      %add3A_266 = arith.addi %add3A_265, %mul3A_264 : i32
      %get3A_267 = arith.index_cast %add3A_266 : i32 to index
      %get3A_268 = tpu.vector_load %arg11[%get3A_267] {strides = array<i32>} : memref<4096xi32, #tpu.memory_space<vmem>>, vector<16xi32>,
      %add3A_269 = arith.addi %add3A_262, %get3A_268 : vector<16xi32>
      %mul3A_270 = arith.constant 16 : i32
      %mul3A_271 = arith.muli %scan3A_199, %mul3A_270 : i32
      %add3A_272 = arith.constant 2560 : i32
      %add3A_273 = arith.addi %add3A_272, %mul3A_271 : i32
      %get3A_274 = arith.index_cast %add3A_273 : i32 to index
      %get3A_275 = tpu.vector_load %arg11[%get3A_274] {strides = array<i32>} : memref<4096xi32, #tpu.memory_space<vmem>>, vector<16xi32>,
      %add3A_276 = arith.addi %add3A_269, %get3A_275 : vector<16xi32>
      %mul3A_277 = arith.constant 16 : i32
      %mul3A_278 = arith.muli %scan3A_199, %mul3A_277 : i32
      %add3A_279 = arith.constant 2816 : i32
      %add3A_280 = arith.addi %add3A_279, %mul3A_278 : i32
      %get3A_281 = arith.index_cast %add3A_280 : i32 to index
      %get3A_282 = tpu.vector_load %arg11[%get3A_281] {strides = array<i32>} : memref<4096xi32, #tpu.memory_space<vmem>>, vector<16xi32>,
      %add3A_283 = arith.addi %add3A_276, %get3A_282 : vector<16xi32>
      %mul3A_284 = arith.constant 16 : i32
      %mul3A_285 = arith.muli %scan3A_199, %mul3A_284 : i32
      %add3A_286 = arith.constant 3072 : i32
      %add3A_287 = arith.addi %add3A_286, %mul3A_285 : i32
      %get3A_288 = arith.index_cast %add3A_287 : i32 to index
      %get3A_289 = tpu.vector_load %arg11[%get3A_288] {strides = array<i32>} : memref<4096xi32, #tpu.memory_space<vmem>>, vector<16xi32>,
      %add3A_290 = arith.addi %add3A_283, %get3A_289 : vector<16xi32>
      %mul3A_291 = arith.constant 16 : i32
      %mul3A_292 = arith.muli %scan3A_199, %mul3A_291 : i32
      %add3A_293 = arith.constant 3328 : i32
      %add3A_294 = arith.addi %add3A_293, %mul3A_292 : i32
      %get3A_295 = arith.index_cast %add3A_294 : i32 to index
      %get3A_296 = tpu.vector_load %arg11[%get3A_295] {strides = array<i32>} : memref<4096xi32, #tpu.memory_space<vmem>>, vector<16xi32>,
      %add3A_297 = arith.addi %add3A_290, %get3A_296 : vector<16xi32>
      %mul3A_298 = arith.constant 16 : i32
      %mul3A_299 = arith.muli %scan3A_199, %mul3A_298 : i32
      %add3A_300 = arith.constant 3584 : i32
      %add3A_301 = arith.addi %add3A_300, %mul3A_299 : i32
      %get3A_302 = arith.index_cast %add3A_301 : i32 to index
      %get3A_303 = tpu.vector_load %arg11[%get3A_302] {strides = array<i32>} : memref<4096xi32, #tpu.memory_space<vmem>>, vector<16xi32>,
      %add3A_304 = arith.addi %add3A_297, %get3A_303 : vector<16xi32>
      %mul3A_305 = arith.constant 16 : i32
      %mul3A_306 = arith.muli %scan3A_199, %mul3A_305 : i32
      %add3A_307 = arith.constant 3840 : i32
      %add3A_308 = arith.addi %add3A_307, %mul3A_306 : i32
      %get3A_309 = arith.index_cast %add3A_308 : i32 to index
      %get3A_310 = tpu.vector_load %arg11[%get3A_309] {strides = array<i32>} : memref<4096xi32, #tpu.memory_space<vmem>>, vector<16xi32>,
      %add3A_311 = arith.addi %add3A_304, %get3A_310 : vector<16xi32>
      %broadcast_in_dim3A_312 = arith.constant true
      %broadcast_in_dim3A_313 = vector.broadcast %broadcast_in_dim3A_312 : i1 to vector<16xi1>
      %masked_cumsum3A = tpu.scan <sum>, %add3A_311 masked %broadcast_in_dim3A_313 : vector<16xi32>, vector<16xi1> -> vector<16xi32>
      %add3A_314 = vector.broadcast %scan3A_200 : i32 to vector<16xi32>
      %add3A_315 = arith.addi %masked_cumsum3A, %add3A_314 : vector<16xi32>
      %mul3A_316 = arith.constant 16 : i32
      %mul3A_317 = arith.muli %scan3A_199, %mul3A_316 : i32
      %swap3A_318 = arith.index_cast %mul3A_317 : i32 to index
      %swap3A_319 = tpu.vector_load %arg10[%swap3A_318] {strides = array<i32>} : memref<256xi32, #tpu.memory_space<vmem>>, vector<16xi32>,
      tpu.vector_store %arg10[%swap3A_318], %add3A_311 {strides = array<i32>} : memref<256xi32, #tpu.memory_space<vmem>>, vector<16xi32>,
      %mul3A_320 = arith.constant 16 : i32
      %mul3A_321 = arith.muli %scan3A_199, %mul3A_320 : i32
      %swap3A_322 = arith.index_cast %mul3A_321 : i32 to index
      %swap3A_323 = tpu.vector_load %arg9[%swap3A_322] {strides = array<i32>} : memref<256xi32, #tpu.memory_space<vmem>>, vector<16xi32>,
      tpu.vector_store %arg9[%swap3A_322], %add3A_315 {strides = array<i32>} : memref<256xi32, #tpu.memory_space<vmem>>, vector<16xi32>,
      %slice3A_324 = vector.extract_strided_slice %add3A_315 {offsets = [15], sizes = [1], strides = [1]} : vector<16xi32> to vector<1xi32>
      %slice3A_325 = vector.extract_strided_slice %slice3A_324 {offsets = [0], sizes = [1], strides = [1]} : vector<1xi32> to vector<1xi32>
      %squeeze3A_326 = vector.extract %slice3A_325[0] : i32 from vector<1xi32>
      scf.yield %squeeze3A_326 : i32
    }
    %scan3A_121 = arith.constant 16 : i32
    %sub3A_122 = arith.subi %scan3A_120, %sub3A_82 : i32
    %scan3A_123 = arith.constant 256 : i32
    %scan3A_124 = arith.constant 0 : i32
    %scan3A_125 = arith.constant 16 : i32
    %scan3A_126 = arith.addi %scan3A_124, %scan3A_125 : i32
    %scan3A_127 = arith.constant 1 : i32
    %scan3A_128 = scf.for %scan3A_199 = %scan3A_124 to %scan3A_126 step %scan3A_127 iter_args(%scan3A_200 = %scan3A_123) -> (i32)  : i32 {
      %mul3A_201 = arith.constant 16 : i32
      %mul3A_202 = arith.muli %scan3A_199, %mul3A_201 : i32
      %get3A = arith.index_cast %mul3A_202 : i32 to index
      %get3A_203 = tpu.vector_load %arg9[%get3A] {strides = array<i32>} : memref<256xi32, #tpu.memory_space<vmem>>, vector<16xi32>,
      %mul3A_204 = arith.constant 16 : i32
      %mul3A_205 = arith.muli %scan3A_199, %mul3A_204 : i32
      %add3A_206 = vector.broadcast %mul3A_205 : i32 to vector<16xi32>
      %add3A_207 = arith.addi %iota3A, %add3A_206 : vector<16xi32>
      %gt3A = vector.broadcast %sub3A_122 : i32 to vector<16xi32>
      %gt3A_208 = arith.cmpi sgt, %get3A_203, %gt3A : vector<16xi32>
      %jit3A_209 = arith.constant 256 : i32
      %broadcast_in_dim3A_210 = vector.broadcast %jit3A_209 : i32 to vector<16xi32>
      %select_n3A_211 = arith.select %gt3A_208, %add3A_207, %broadcast_in_dim3A_210 : vector<16xi1>, vector<16xi32>
      %reduce_min3A = arith.constant true
      %reduce_min3A_212 = vector.broadcast %reduce_min3A : i1 to vector<16xi1>
      %reduce_min3A_213 = arith.constant -2147483648 : i32
      %reduce_min3A_214 = vector.broadcast %reduce_min3A_213 : i32 to vector<16xi32>
      %reduce_min3A_215 = arith.xori %select_n3A_211, %reduce_min3A_214 : vector<16xi32>
      %reduce_min3A_216 = tpu.scan <min>, %reduce_min3A_215 masked %reduce_min3A_212 : vector<16xi32>, vector<16xi1> -> vector<16xi32>
      %reduce_min3A_217 = arith.xori %reduce_min3A_216, %reduce_min3A_214 : vector<16xi32>
      %reduce_min3A_218 = vector.extract %reduce_min3A_217[15] : i32 from vector<16xi32>
      %min3A = arith.minsi %scan3A_200, %reduce_min3A_218 : i32
      scf.yield %min3A : i32
    }
    %scan3A_129 = arith.constant 16 : i32
    %add3A_130 = vector.broadcast %scan3A_128 : i32 to vector<16xi32>
    %add3A_131 = arith.addi %broadcast_in_dim3A_4, %add3A_130 : vector<16xi32>
    %gather3A_132 = tpu.vector_load_idx %arg10[%add3A_131] : memref<256xi32, #tpu.memory_space<vmem>>[vector<16xi32>], vector<16xi32>,
    %slice3A_133 = vector.extract_strided_slice %gather3A_132 {offsets = [0], sizes = [1], strides = [1]} : vector<16xi32> to vector<1xi32>
    %squeeze3A_134 = vector.extract %slice3A_133[0] : i32 from vector<1xi32>
    %gather3A_135 = tpu.vector_load_idx %arg9[%add3A_131] : memref<256xi32, #tpu.memory_space<vmem>>[vector<16xi32>], vector<16xi32>,
    %slice3A_136 = vector.extract_strided_slice %gather3A_135 {offsets = [0], sizes = [1], strides = [1]} : vector<16xi32> to vector<1xi32>
    %squeeze3A_137 = vector.extract %slice3A_136[0] : i32 from vector<1xi32>
    %sub3A_138 = arith.subi %scan3A_120, %squeeze3A_137 : i32
    %sub3A_139 = arith.subi %sub3A_82, %sub3A_138 : i32
    %parallel_loop3A_140 = arith.constant 0 : i32
    %parallel_loop3A_141 = arith.constant 1 : i32
    %parallel_loop3A_142:2 = scf.for %parallel_loop3A_199 = %parallel_loop3A_140 to %mul3A_103 step %parallel_loop3A_141 iter_args(%parallel_loop3A_200 = %parallel_loop3A_106#0, %parallel_loop3A_201 = %parallel_loop3A_106#1) -> (vector<16xf32>, vector<16xi32>)  : i32 {
      %parallel_loop3A_202 = arith.constant 16 : i32
      %parallel_loop3A_203 = arith.muli %parallel_loop3A_199, %parallel_loop3A_202 : i32
      %parallel_loop3A_204 = arith.index_cast %parallel_loop3A_203 : i32 to index
      %parallel_loop3A_205 = tpu.vector_load %arg6[%parallel_loop3A_204] {strides = array<i32>} : memref<16512xf32, #tpu.memory_space<vmem>>, vector<16xf32>,
      %parallel_loop3A_206 = arith.constant 16 : i32
      %parallel_loop3A_207 = arith.muli %parallel_loop3A_199, %parallel_loop3A_206 : i32
      %parallel_loop3A_208 = vector.broadcast %parallel_loop3A_207 : i32 to vector<16xi32>
      %parallel_loop3A_209 = arith.addi %parallel_loop3A_208, %iota3A : vector<16xi32>
      %parallel_loop3A_210 = vector.broadcast %parallel_loop3A_49#0 : i32 to vector<16xi32>
      %parallel_loop3A_211 = arith.cmpi slt, %parallel_loop3A_209, %parallel_loop3A_210 : vector<16xi32>
      %parallel_loop3A_212 = tpu.bitcast %parallel_loop3A_205 : vector<16xf32> -> vector<16xi32>
      %parallel_loop3A_213 = arith.constant 0 : i32
      %parallel_loop3A_214 = vector.broadcast %parallel_loop3A_213 : i32 to vector<16xi32>
      %parallel_loop3A_215 = arith.cmpi sge, %parallel_loop3A_212, %parallel_loop3A_214 : vector<16xi32>
      %parallel_loop3A_216 = arith.constant 2147483647 : i32
      %parallel_loop3A_217 = vector.broadcast %parallel_loop3A_216 : i32 to vector<16xi32>
      %parallel_loop3A_218 = arith.xori %parallel_loop3A_212, %parallel_loop3A_217 : vector<16xi32>
      %parallel_loop3A_219 = arith.select %parallel_loop3A_215, %parallel_loop3A_212, %parallel_loop3A_218 : vector<16xi1>, vector<16xi32>
      %parallel_loop3A_220 = arith.constant -2147483648 : i32
      %parallel_loop3A_221 = vector.broadcast %parallel_loop3A_220 : i32 to vector<16xi32>
      %parallel_loop3A_222 = arith.xori %parallel_loop3A_219, %parallel_loop3A_221 : vector<16xi32>
      %parallel_loop3A_223 = arith.constant 16 : i32
      %parallel_loop3A_224 = vector.broadcast %parallel_loop3A_223 : i32 to vector<16xi32>
      %parallel_loop3A_225 = arith.shrui %parallel_loop3A_222, %parallel_loop3A_224 : vector<16xi32>
      %parallel_loop3A_226 = arith.constant 255 : i32
      %parallel_loop3A_227 = vector.broadcast %parallel_loop3A_226 : i32 to vector<16xi32>
      %parallel_loop3A_228 = arith.andi %parallel_loop3A_225, %parallel_loop3A_227 : vector<16xi32>
      %parallel_loop3A_229 = arith.constant 8 : i32
      %parallel_loop3A_230 = vector.broadcast %parallel_loop3A_229 : i32 to vector<16xi32>
      %parallel_loop3A_231 = arith.shrui %parallel_loop3A_222, %parallel_loop3A_230 : vector<16xi32>
      %parallel_loop3A_232 = arith.constant 255 : i32
      %parallel_loop3A_233 = vector.broadcast %parallel_loop3A_232 : i32 to vector<16xi32>
      %parallel_loop3A_234 = arith.andi %parallel_loop3A_231, %parallel_loop3A_233 : vector<16xi32>
      %parallel_loop3A_235 = vector.broadcast %scan3A_71 : i32 to vector<16xi32>
      %parallel_loop3A_236 = arith.cmpi eq, %parallel_loop3A_228, %parallel_loop3A_235 : vector<16xi32>
      %parallel_loop3A_237 = arith.andi %parallel_loop3A_211, %parallel_loop3A_236 : vector<16xi1>
      %parallel_loop3A_238 = vector.broadcast %scan3A_128 : i32 to vector<16xi32>
      %parallel_loop3A_239 = arith.cmpi sgt, %parallel_loop3A_234, %parallel_loop3A_238 : vector<16xi32>
      %parallel_loop3A_240 = arith.andi %parallel_loop3A_237, %parallel_loop3A_239 : vector<16xi1>
      %parallel_loop3A_241 = arith.select %parallel_loop3A_240, %parallel_loop3A_205, %broadcast_in_dim3A_6 : vector<16xi1>, vector<16xf32>
      %parallel_loop3A_242 = arith.addf %parallel_loop3A_200, %parallel_loop3A_241 : vector<16xf32>
      %parallel_loop3A_243 = vector.broadcast %scan3A_128 : i32 to vector<16xi32>
      %parallel_loop3A_244 = arith.cmpi slt, %parallel_loop3A_234, %parallel_loop3A_243 : vector<16xi32>
      %parallel_loop3A_245 = arith.andi %parallel_loop3A_237, %parallel_loop3A_244 : vector<16xi1>
      %parallel_loop3A_246 = arith.select %parallel_loop3A_245, %parallel_loop3A_219, %broadcast_in_dim3A_8 : vector<16xi1>, vector<16xi32>
      %parallel_loop3A_247 = arith.maxsi %parallel_loop3A_201, %parallel_loop3A_246 : vector<16xi32>
      %parallel_loop3A_248 = vector.broadcast %scan3A_128 : i32 to vector<16xi32>
      %parallel_loop3A_249 = arith.cmpi eq, %parallel_loop3A_234, %parallel_loop3A_248 : vector<16xi32>
      %parallel_loop3A_250 = arith.andi %parallel_loop3A_237, %parallel_loop3A_249 : vector<16xi1>
      %parallel_loop3A_251 = arith.constant 255 : i32
      %parallel_loop3A_252 = vector.broadcast %parallel_loop3A_251 : i32 to vector<16xi32>
      %parallel_loop3A_253 = arith.andi %parallel_loop3A_222, %parallel_loop3A_252 : vector<16xi32>
      %parallel_loop3A_254 = arith.addi %mul3A_1, %parallel_loop3A_253 : vector<16xi32>
      tpu.vector_store_idx %arg7[%parallel_loop3A_254], %broadcast_in_dim3A_2 masked %parallel_loop3A_250 {add = true} : memref<4096xi32, #tpu.memory_space<vmem>>[vector<16xi32>], vector<16xi32>, vector<16xi1>
      scf.yield %parallel_loop3A_242, %parallel_loop3A_247 : vector<16xf32>, vector<16xi32>
    } {sc.loop_unroll_factor = 4 : i64, sc.parallel_access}
    %swap3A = arith.constant 0 : index
    %swap3A_143 = tpu.vector_load %arg12[%swap3A] {strides = array<i32>} : memref<16xf32, #tpu.memory_space<vmem>>, vector<16xf32>,
    tpu.vector_store %arg12[%swap3A], %parallel_loop3A_142#0 {strides = array<i32>} : memref<16xf32, #tpu.memory_space<vmem>>, vector<16xf32>,
    %swap3A_144 = arith.constant 0 : index
    %swap3A_145 = tpu.vector_load %arg13[%swap3A_144] {strides = array<i32>} : memref<16xi32, #tpu.memory_space<vmem>>, vector<16xi32>,
    tpu.vector_store %arg13[%swap3A_144], %parallel_loop3A_142#1 {strides = array<i32>} : memref<16xi32, #tpu.memory_space<vmem>>, vector<16xi32>,
    %mul3A_146 = arith.constant 16 : i32
    %mul3A_147 = arith.muli %arg1, %mul3A_146 : i32
    "tpu.region"() ({
      %run_scoped3A_199 = tpu.sem_alloc : memref<!tpu.dma_semaphore, #tpu.memory_space<semaphore_mem>>
      %dma_start3A_200 = tpu.memref_slice %arg19[%mul3A_147] : memref<256xf32, #tpu.memory_space<vmem_shared>> -> memref<16xf32, #tpu.memory_space<vmem_shared>>
      %dma_start3A_201 = tpu.memref_slice %arg19[%mul3A_147] : memref<256xf32, #tpu.memory_space<vmem_shared>> -> memref<16xf32, #tpu.memory_space<vmem_shared>>
      tpu.enqueue_dma source(%arg12 : memref<16xf32, #tpu.memory_space<vmem>>) target(%dma_start3A_201 : memref<16xf32, #tpu.memory_space<vmem_shared>>) target_semaphore(%run_scoped3A_199 : memref<!tpu.dma_semaphore, #tpu.memory_space<semaphore_mem>>)
      %dma_wait3A_202 = tpu.memref_slice %arg19[%mul3A_147] : memref<256xf32, #tpu.memory_space<vmem_shared>> -> memref<16xf32, #tpu.memory_space<vmem_shared>>
      %dma_wait3A_203 = tpu.memref_slice %arg19[%mul3A_147] : memref<256xf32, #tpu.memory_space<vmem_shared>> -> memref<16xf32, #tpu.memory_space<vmem_shared>>
      tpu.wait_dma2 semaphore(%run_scoped3A_199 : memref<!tpu.dma_semaphore, #tpu.memory_space<semaphore_mem>>) src(%arg12 : memref<16xf32, #tpu.memory_space<vmem>>) dst(%dma_wait3A_203 : memref<16xf32, #tpu.memory_space<vmem_shared>>)
      tpu.yield
    }) : () -> ()
    %mul3A_148 = arith.constant 16 : i32
    %mul3A_149 = arith.muli %arg1, %mul3A_148 : i32
    "tpu.region"() ({
      %run_scoped3A_199 = tpu.sem_alloc : memref<!tpu.dma_semaphore, #tpu.memory_space<semaphore_mem>>
      %dma_start3A_200 = tpu.memref_slice %arg20[%mul3A_149] : memref<256xi32, #tpu.memory_space<vmem_shared>> -> memref<16xi32, #tpu.memory_space<vmem_shared>>
      %dma_start3A_201 = tpu.memref_slice %arg20[%mul3A_149] : memref<256xi32, #tpu.memory_space<vmem_shared>> -> memref<16xi32, #tpu.memory_space<vmem_shared>>
      tpu.enqueue_dma source(%arg13 : memref<16xi32, #tpu.memory_space<vmem>>) target(%dma_start3A_201 : memref<16xi32, #tpu.memory_space<vmem_shared>>) target_semaphore(%run_scoped3A_199 : memref<!tpu.dma_semaphore, #tpu.memory_space<semaphore_mem>>)
      %dma_wait3A_202 = tpu.memref_slice %arg20[%mul3A_149] : memref<256xi32, #tpu.memory_space<vmem_shared>> -> memref<16xi32, #tpu.memory_space<vmem_shared>>
      %dma_wait3A_203 = tpu.memref_slice %arg20[%mul3A_149] : memref<256xi32, #tpu.memory_space<vmem_shared>> -> memref<16xi32, #tpu.memory_space<vmem_shared>>
      tpu.wait_dma2 semaphore(%run_scoped3A_199 : memref<!tpu.dma_semaphore, #tpu.memory_space<semaphore_mem>>) src(%arg13 : memref<16xi32, #tpu.memory_space<vmem>>) dst(%dma_wait3A_203 : memref<16xi32, #tpu.memory_space<vmem_shared>>)
      tpu.yield
    }) : () -> ()
    %parallel_loop3A_150 = arith.constant 0 : i32
    %parallel_loop3A_151 = arith.constant 16 : i32
    %parallel_loop3A_152 = arith.constant 1 : i32
    scf.for %parallel_loop3A_199 = %parallel_loop3A_150 to %parallel_loop3A_151 step %parallel_loop3A_152  : i32 {
      %parallel_loop3A_200 = arith.constant 16 : i32
      %parallel_loop3A_201 = arith.muli %parallel_loop3A_199, %parallel_loop3A_200 : i32
      %parallel_loop3A_202 = arith.constant 0 : i32
      %parallel_loop3A_203 = arith.addi %parallel_loop3A_202, %parallel_loop3A_201 : i32
      %parallel_loop3A_204 = arith.index_cast %parallel_loop3A_203 : i32 to index
      %parallel_loop3A_205 = tpu.vector_load %arg7[%parallel_loop3A_204] {strides = array<i32>} : memref<4096xi32, #tpu.memory_space<vmem>>, vector<16xi32>,
      %parallel_loop3A_206 = arith.addi %broadcast_in_dim3A_4, %parallel_loop3A_205 : vector<16xi32>
      %parallel_loop3A_207 = arith.constant 16 : i32
      %parallel_loop3A_208 = arith.muli %parallel_loop3A_199, %parallel_loop3A_207 : i32
      %parallel_loop3A_209 = arith.constant 0 : i32
      %parallel_loop3A_210 = arith.addi %parallel_loop3A_209, %parallel_loop3A_208 : i32
      %parallel_loop3A_211 = arith.index_cast %parallel_loop3A_210 : i32 to index
      %parallel_loop3A_212 = tpu.vector_load %arg7[%parallel_loop3A_211] {strides = array<i32>} : memref<4096xi32, #tpu.memory_space<vmem>>, vector<16xi32>,
      tpu.vector_store %arg7[%parallel_loop3A_211], %broadcast_in_dim3A_4 {strides = array<i32>} : memref<4096xi32, #tpu.memory_space<vmem>>, vector<16xi32>,
      %parallel_loop3A_213 = arith.constant 16 : i32
      %parallel_loop3A_214 = arith.muli %parallel_loop3A_199, %parallel_loop3A_213 : i32
      %parallel_loop3A_215 = arith.constant 256 : i32
      %parallel_loop3A_216 = arith.addi %parallel_loop3A_215, %parallel_loop3A_214 : i32
      %parallel_loop3A_217 = arith.index_cast %parallel_loop3A_216 : i32 to index
      %parallel_loop3A_218 = tpu.vector_load %arg7[%parallel_loop3A_217] {strides = array<i32>} : memref<4096xi32, #tpu.memory_space<vmem>>, vector<16xi32>,
      %parallel_loop3A_219 = arith.addi %parallel_loop3A_206, %parallel_loop3A_218 : vector<16xi32>
      %parallel_loop3A_220 = arith.constant 16 : i32
      %parallel_loop3A_221 = arith.muli %parallel_loop3A_199, %parallel_loop3A_220 : i32
      %parallel_loop3A_222 = arith.constant 256 : i32
      %parallel_loop3A_223 = arith.addi %parallel_loop3A_222, %parallel_loop3A_221 : i32
      %parallel_loop3A_224 = arith.index_cast %parallel_loop3A_223 : i32 to index
      %parallel_loop3A_225 = tpu.vector_load %arg7[%parallel_loop3A_224] {strides = array<i32>} : memref<4096xi32, #tpu.memory_space<vmem>>, vector<16xi32>,
      tpu.vector_store %arg7[%parallel_loop3A_224], %broadcast_in_dim3A_4 {strides = array<i32>} : memref<4096xi32, #tpu.memory_space<vmem>>, vector<16xi32>,
      %parallel_loop3A_226 = arith.constant 16 : i32
      %parallel_loop3A_227 = arith.muli %parallel_loop3A_199, %parallel_loop3A_226 : i32
      %parallel_loop3A_228 = arith.constant 512 : i32
      %parallel_loop3A_229 = arith.addi %parallel_loop3A_228, %parallel_loop3A_227 : i32
      %parallel_loop3A_230 = arith.index_cast %parallel_loop3A_229 : i32 to index
      %parallel_loop3A_231 = tpu.vector_load %arg7[%parallel_loop3A_230] {strides = array<i32>} : memref<4096xi32, #tpu.memory_space<vmem>>, vector<16xi32>,
      %parallel_loop3A_232 = arith.addi %parallel_loop3A_219, %parallel_loop3A_231 : vector<16xi32>
      %parallel_loop3A_233 = arith.constant 16 : i32
      %parallel_loop3A_234 = arith.muli %parallel_loop3A_199, %parallel_loop3A_233 : i32
      %parallel_loop3A_235 = arith.constant 512 : i32
      %parallel_loop3A_236 = arith.addi %parallel_loop3A_235, %parallel_loop3A_234 : i32
      %parallel_loop3A_237 = arith.index_cast %parallel_loop3A_236 : i32 to index
      %parallel_loop3A_238 = tpu.vector_load %arg7[%parallel_loop3A_237] {strides = array<i32>} : memref<4096xi32, #tpu.memory_space<vmem>>, vector<16xi32>,
      tpu.vector_store %arg7[%parallel_loop3A_237], %broadcast_in_dim3A_4 {strides = array<i32>} : memref<4096xi32, #tpu.memory_space<vmem>>, vector<16xi32>,
      %parallel_loop3A_239 = arith.constant 16 : i32
      %parallel_loop3A_240 = arith.muli %parallel_loop3A_199, %parallel_loop3A_239 : i32
      %parallel_loop3A_241 = arith.constant 768 : i32
      %parallel_loop3A_242 = arith.addi %parallel_loop3A_241, %parallel_loop3A_240 : i32
      %parallel_loop3A_243 = arith.index_cast %parallel_loop3A_242 : i32 to index
      %parallel_loop3A_244 = tpu.vector_load %arg7[%parallel_loop3A_243] {strides = array<i32>} : memref<4096xi32, #tpu.memory_space<vmem>>, vector<16xi32>,
      %parallel_loop3A_245 = arith.addi %parallel_loop3A_232, %parallel_loop3A_244 : vector<16xi32>
      %parallel_loop3A_246 = arith.constant 16 : i32
      %parallel_loop3A_247 = arith.muli %parallel_loop3A_199, %parallel_loop3A_246 : i32
      %parallel_loop3A_248 = arith.constant 768 : i32
      %parallel_loop3A_249 = arith.addi %parallel_loop3A_248, %parallel_loop3A_247 : i32
      %parallel_loop3A_250 = arith.index_cast %parallel_loop3A_249 : i32 to index
      %parallel_loop3A_251 = tpu.vector_load %arg7[%parallel_loop3A_250] {strides = array<i32>} : memref<4096xi32, #tpu.memory_space<vmem>>, vector<16xi32>,
      tpu.vector_store %arg7[%parallel_loop3A_250], %broadcast_in_dim3A_4 {strides = array<i32>} : memref<4096xi32, #tpu.memory_space<vmem>>, vector<16xi32>,
      %parallel_loop3A_252 = arith.constant 16 : i32
      %parallel_loop3A_253 = arith.muli %parallel_loop3A_199, %parallel_loop3A_252 : i32
      %parallel_loop3A_254 = arith.constant 1024 : i32
      %parallel_loop3A_255 = arith.addi %parallel_loop3A_254, %parallel_loop3A_253 : i32
      %parallel_loop3A_256 = arith.index_cast %parallel_loop3A_255 : i32 to index
      %parallel_loop3A_257 = tpu.vector_load %arg7[%parallel_loop3A_256] {strides = array<i32>} : memref<4096xi32, #tpu.memory_space<vmem>>, vector<16xi32>,
      %parallel_loop3A_258 = arith.addi %parallel_loop3A_245, %parallel_loop3A_257 : vector<16xi32>
      %parallel_loop3A_259 = arith.constant 16 : i32
      %parallel_loop3A_260 = arith.muli %parallel_loop3A_199, %parallel_loop3A_259 : i32
      %parallel_loop3A_261 = arith.constant 1024 : i32
      %parallel_loop3A_262 = arith.addi %parallel_loop3A_261, %parallel_loop3A_260 : i32
      %parallel_loop3A_263 = arith.index_cast %parallel_loop3A_262 : i32 to index
      %parallel_loop3A_264 = tpu.vector_load %arg7[%parallel_loop3A_263] {strides = array<i32>} : memref<4096xi32, #tpu.memory_space<vmem>>, vector<16xi32>,
      tpu.vector_store %arg7[%parallel_loop3A_263], %broadcast_in_dim3A_4 {strides = array<i32>} : memref<4096xi32, #tpu.memory_space<vmem>>, vector<16xi32>,
      %parallel_loop3A_265 = arith.constant 16 : i32
      %parallel_loop3A_266 = arith.muli %parallel_loop3A_199, %parallel_loop3A_265 : i32
      %parallel_loop3A_267 = arith.constant 1280 : i32
      %parallel_loop3A_268 = arith.addi %parallel_loop3A_267, %parallel_loop3A_266 : i32
      %parallel_loop3A_269 = arith.index_cast %parallel_loop3A_268 : i32 to index
      %parallel_loop3A_270 = tpu.vector_load %arg7[%parallel_loop3A_269] {strides = array<i32>} : memref<4096xi32, #tpu.memory_space<vmem>>, vector<16xi32>,
      %parallel_loop3A_271 = arith.addi %parallel_loop3A_258, %parallel_loop3A_270 : vector<16xi32>
      %parallel_loop3A_272 = arith.constant 16 : i32
      %parallel_loop3A_273 = arith.muli %parallel_loop3A_199, %parallel_loop3A_272 : i32
      %parallel_loop3A_274 = arith.constant 1280 : i32
      %parallel_loop3A_275 = arith.addi %parallel_loop3A_274, %parallel_loop3A_273 : i32
      %parallel_loop3A_276 = arith.index_cast %parallel_loop3A_275 : i32 to index
      %parallel_loop3A_277 = tpu.vector_load %arg7[%parallel_loop3A_276] {strides = array<i32>} : memref<4096xi32, #tpu.memory_space<vmem>>, vector<16xi32>,
      tpu.vector_store %arg7[%parallel_loop3A_276], %broadcast_in_dim3A_4 {strides = array<i32>} : memref<4096xi32, #tpu.memory_space<vmem>>, vector<16xi32>,
      %parallel_loop3A_278 = arith.constant 16 : i32
      %parallel_loop3A_279 = arith.muli %parallel_loop3A_199, %parallel_loop3A_278 : i32
      %parallel_loop3A_280 = arith.constant 1536 : i32
      %parallel_loop3A_281 = arith.addi %parallel_loop3A_280, %parallel_loop3A_279 : i32
      %parallel_loop3A_282 = arith.index_cast %parallel_loop3A_281 : i32 to index
      %parallel_loop3A_283 = tpu.vector_load %arg7[%parallel_loop3A_282] {strides = array<i32>} : memref<4096xi32, #tpu.memory_space<vmem>>, vector<16xi32>,
      %parallel_loop3A_284 = arith.addi %parallel_loop3A_271, %parallel_loop3A_283 : vector<16xi32>
      %parallel_loop3A_285 = arith.constant 16 : i32
      %parallel_loop3A_286 = arith.muli %parallel_loop3A_199, %parallel_loop3A_285 : i32
      %parallel_loop3A_287 = arith.constant 1536 : i32
      %parallel_loop3A_288 = arith.addi %parallel_loop3A_287, %parallel_loop3A_286 : i32
      %parallel_loop3A_289 = arith.index_cast %parallel_loop3A_288 : i32 to index
      %parallel_loop3A_290 = tpu.vector_load %arg7[%parallel_loop3A_289] {strides = array<i32>} : memref<4096xi32, #tpu.memory_space<vmem>>, vector<16xi32>,
      tpu.vector_store %arg7[%parallel_loop3A_289], %broadcast_in_dim3A_4 {strides = array<i32>} : memref<4096xi32, #tpu.memory_space<vmem>>, vector<16xi32>,
      %parallel_loop3A_291 = arith.constant 16 : i32
      %parallel_loop3A_292 = arith.muli %parallel_loop3A_199, %parallel_loop3A_291 : i32
      %parallel_loop3A_293 = arith.constant 1792 : i32
      %parallel_loop3A_294 = arith.addi %parallel_loop3A_293, %parallel_loop3A_292 : i32
      %parallel_loop3A_295 = arith.index_cast %parallel_loop3A_294 : i32 to index
      %parallel_loop3A_296 = tpu.vector_load %arg7[%parallel_loop3A_295] {strides = array<i32>} : memref<4096xi32, #tpu.memory_space<vmem>>, vector<16xi32>,
      %parallel_loop3A_297 = arith.addi %parallel_loop3A_284, %parallel_loop3A_296 : vector<16xi32>
      %parallel_loop3A_298 = arith.constant 16 : i32
      %parallel_loop3A_299 = arith.muli %parallel_loop3A_199, %parallel_loop3A_298 : i32
      %parallel_loop3A_300 = arith.constant 1792 : i32
      %parallel_loop3A_301 = arith.addi %parallel_loop3A_300, %parallel_loop3A_299 : i32
      %parallel_loop3A_302 = arith.index_cast %parallel_loop3A_301 : i32 to index
      %parallel_loop3A_303 = tpu.vector_load %arg7[%parallel_loop3A_302] {strides = array<i32>} : memref<4096xi32, #tpu.memory_space<vmem>>, vector<16xi32>,
      tpu.vector_store %arg7[%parallel_loop3A_302], %broadcast_in_dim3A_4 {strides = array<i32>} : memref<4096xi32, #tpu.memory_space<vmem>>, vector<16xi32>,
      %parallel_loop3A_304 = arith.constant 16 : i32
      %parallel_loop3A_305 = arith.muli %parallel_loop3A_199, %parallel_loop3A_304 : i32
      %parallel_loop3A_306 = arith.constant 2048 : i32
      %parallel_loop3A_307 = arith.addi %parallel_loop3A_306, %parallel_loop3A_305 : i32
      %parallel_loop3A_308 = arith.index_cast %parallel_loop3A_307 : i32 to index
      %parallel_loop3A_309 = tpu.vector_load %arg7[%parallel_loop3A_308] {strides = array<i32>} : memref<4096xi32, #tpu.memory_space<vmem>>, vector<16xi32>,
      %parallel_loop3A_310 = arith.addi %parallel_loop3A_297, %parallel_loop3A_309 : vector<16xi32>
      %parallel_loop3A_311 = arith.constant 16 : i32
      %parallel_loop3A_312 = arith.muli %parallel_loop3A_199, %parallel_loop3A_311 : i32
      %parallel_loop3A_313 = arith.constant 2048 : i32
      %parallel_loop3A_314 = arith.addi %parallel_loop3A_313, %parallel_loop3A_312 : i32
      %parallel_loop3A_315 = arith.index_cast %parallel_loop3A_314 : i32 to index
      %parallel_loop3A_316 = tpu.vector_load %arg7[%parallel_loop3A_315] {strides = array<i32>} : memref<4096xi32, #tpu.memory_space<vmem>>, vector<16xi32>,
      tpu.vector_store %arg7[%parallel_loop3A_315], %broadcast_in_dim3A_4 {strides = array<i32>} : memref<4096xi32, #tpu.memory_space<vmem>>, vector<16xi32>,
      %parallel_loop3A_317 = arith.constant 16 : i32
      %parallel_loop3A_318 = arith.muli %parallel_loop3A_199, %parallel_loop3A_317 : i32
      %parallel_loop3A_319 = arith.constant 2304 : i32
      %parallel_loop3A_320 = arith.addi %parallel_loop3A_319, %parallel_loop3A_318 : i32
      %parallel_loop3A_321 = arith.index_cast %parallel_loop3A_320 : i32 to index
      %parallel_loop3A_322 = tpu.vector_load %arg7[%parallel_loop3A_321] {strides = array<i32>} : memref<4096xi32, #tpu.memory_space<vmem>>, vector<16xi32>,
      %parallel_loop3A_323 = arith.addi %parallel_loop3A_310, %parallel_loop3A_322 : vector<16xi32>
      %parallel_loop3A_324 = arith.constant 16 : i32
      %parallel_loop3A_325 = arith.muli %parallel_loop3A_199, %parallel_loop3A_324 : i32
      %parallel_loop3A_326 = arith.constant 2304 : i32
      %parallel_loop3A_327 = arith.addi %parallel_loop3A_326, %parallel_loop3A_325 : i32
      %parallel_loop3A_328 = arith.index_cast %parallel_loop3A_327 : i32 to index
      %parallel_loop3A_329 = tpu.vector_load %arg7[%parallel_loop3A_328] {strides = array<i32>} : memref<4096xi32, #tpu.memory_space<vmem>>, vector<16xi32>,
      tpu.vector_store %arg7[%parallel_loop3A_328], %broadcast_in_dim3A_4 {strides = array<i32>} : memref<4096xi32, #tpu.memory_space<vmem>>, vector<16xi32>,
      %parallel_loop3A_330 = arith.constant 16 : i32
      %parallel_loop3A_331 = arith.muli %parallel_loop3A_199, %parallel_loop3A_330 : i32
      %parallel_loop3A_332 = arith.constant 2560 : i32
      %parallel_loop3A_333 = arith.addi %parallel_loop3A_332, %parallel_loop3A_331 : i32
      %parallel_loop3A_334 = arith.index_cast %parallel_loop3A_333 : i32 to index
      %parallel_loop3A_335 = tpu.vector_load %arg7[%parallel_loop3A_334] {strides = array<i32>} : memref<4096xi32, #tpu.memory_space<vmem>>, vector<16xi32>,
      %parallel_loop3A_336 = arith.addi %parallel_loop3A_323, %parallel_loop3A_335 : vector<16xi32>
      %parallel_loop3A_337 = arith.constant 16 : i32
      %parallel_loop3A_338 = arith.muli %parallel_loop3A_199, %parallel_loop3A_337 : i32
      %parallel_loop3A_339 = arith.constant 2560 : i32
      %parallel_loop3A_340 = arith.addi %parallel_loop3A_339, %parallel_loop3A_338 : i32
      %parallel_loop3A_341 = arith.index_cast %parallel_loop3A_340 : i32 to index
      %parallel_loop3A_342 = tpu.vector_load %arg7[%parallel_loop3A_341] {strides = array<i32>} : memref<4096xi32, #tpu.memory_space<vmem>>, vector<16xi32>,
      tpu.vector_store %arg7[%parallel_loop3A_341], %broadcast_in_dim3A_4 {strides = array<i32>} : memref<4096xi32, #tpu.memory_space<vmem>>, vector<16xi32>,
      %parallel_loop3A_343 = arith.constant 16 : i32
      %parallel_loop3A_344 = arith.muli %parallel_loop3A_199, %parallel_loop3A_343 : i32
      %parallel_loop3A_345 = arith.constant 2816 : i32
      %parallel_loop3A_346 = arith.addi %parallel_loop3A_345, %parallel_loop3A_344 : i32
      %parallel_loop3A_347 = arith.index_cast %parallel_loop3A_346 : i32 to index
      %parallel_loop3A_348 = tpu.vector_load %arg7[%parallel_loop3A_347] {strides = array<i32>} : memref<4096xi32, #tpu.memory_space<vmem>>, vector<16xi32>,
      %parallel_loop3A_349 = arith.addi %parallel_loop3A_336, %parallel_loop3A_348 : vector<16xi32>
      %parallel_loop3A_350 = arith.constant 16 : i32
      %parallel_loop3A_351 = arith.muli %parallel_loop3A_199, %parallel_loop3A_350 : i32
      %parallel_loop3A_352 = arith.constant 2816 : i32
      %parallel_loop3A_353 = arith.addi %parallel_loop3A_352, %parallel_loop3A_351 : i32
      %parallel_loop3A_354 = arith.index_cast %parallel_loop3A_353 : i32 to index
      %parallel_loop3A_355 = tpu.vector_load %arg7[%parallel_loop3A_354] {strides = array<i32>} : memref<4096xi32, #tpu.memory_space<vmem>>, vector<16xi32>,
      tpu.vector_store %arg7[%parallel_loop3A_354], %broadcast_in_dim3A_4 {strides = array<i32>} : memref<4096xi32, #tpu.memory_space<vmem>>, vector<16xi32>,
      %parallel_loop3A_356 = arith.constant 16 : i32
      %parallel_loop3A_357 = arith.muli %parallel_loop3A_199, %parallel_loop3A_356 : i32
      %parallel_loop3A_358 = arith.constant 3072 : i32
      %parallel_loop3A_359 = arith.addi %parallel_loop3A_358, %parallel_loop3A_357 : i32
      %parallel_loop3A_360 = arith.index_cast %parallel_loop3A_359 : i32 to index
      %parallel_loop3A_361 = tpu.vector_load %arg7[%parallel_loop3A_360] {strides = array<i32>} : memref<4096xi32, #tpu.memory_space<vmem>>, vector<16xi32>,
      %parallel_loop3A_362 = arith.addi %parallel_loop3A_349, %parallel_loop3A_361 : vector<16xi32>
      %parallel_loop3A_363 = arith.constant 16 : i32
      %parallel_loop3A_364 = arith.muli %parallel_loop3A_199, %parallel_loop3A_363 : i32
      %parallel_loop3A_365 = arith.constant 3072 : i32
      %parallel_loop3A_366 = arith.addi %parallel_loop3A_365, %parallel_loop3A_364 : i32
      %parallel_loop3A_367 = arith.index_cast %parallel_loop3A_366 : i32 to index
      %parallel_loop3A_368 = tpu.vector_load %arg7[%parallel_loop3A_367] {strides = array<i32>} : memref<4096xi32, #tpu.memory_space<vmem>>, vector<16xi32>,
      tpu.vector_store %arg7[%parallel_loop3A_367], %broadcast_in_dim3A_4 {strides = array<i32>} : memref<4096xi32, #tpu.memory_space<vmem>>, vector<16xi32>,
      %parallel_loop3A_369 = arith.constant 16 : i32
      %parallel_loop3A_370 = arith.muli %parallel_loop3A_199, %parallel_loop3A_369 : i32
      %parallel_loop3A_371 = arith.constant 3328 : i32
      %parallel_loop3A_372 = arith.addi %parallel_loop3A_371, %parallel_loop3A_370 : i32
      %parallel_loop3A_373 = arith.index_cast %parallel_loop3A_372 : i32 to index
      %parallel_loop3A_374 = tpu.vector_load %arg7[%parallel_loop3A_373] {strides = array<i32>} : memref<4096xi32, #tpu.memory_space<vmem>>, vector<16xi32>,
      %parallel_loop3A_375 = arith.addi %parallel_loop3A_362, %parallel_loop3A_374 : vector<16xi32>
      %parallel_loop3A_376 = arith.constant 16 : i32
      %parallel_loop3A_377 = arith.muli %parallel_loop3A_199, %parallel_loop3A_376 : i32
      %parallel_loop3A_378 = arith.constant 3328 : i32
      %parallel_loop3A_379 = arith.addi %parallel_loop3A_378, %parallel_loop3A_377 : i32
      %parallel_loop3A_380 = arith.index_cast %parallel_loop3A_379 : i32 to index
      %parallel_loop3A_381 = tpu.vector_load %arg7[%parallel_loop3A_380] {strides = array<i32>} : memref<4096xi32, #tpu.memory_space<vmem>>, vector<16xi32>,
      tpu.vector_store %arg7[%parallel_loop3A_380], %broadcast_in_dim3A_4 {strides = array<i32>} : memref<4096xi32, #tpu.memory_space<vmem>>, vector<16xi32>,
      %parallel_loop3A_382 = arith.constant 16 : i32
      %parallel_loop3A_383 = arith.muli %parallel_loop3A_199, %parallel_loop3A_382 : i32
      %parallel_loop3A_384 = arith.constant 3584 : i32
      %parallel_loop3A_385 = arith.addi %parallel_loop3A_384, %parallel_loop3A_383 : i32
      %parallel_loop3A_386 = arith.index_cast %parallel_loop3A_385 : i32 to index
      %parallel_loop3A_387 = tpu.vector_load %arg7[%parallel_loop3A_386] {strides = array<i32>} : memref<4096xi32, #tpu.memory_space<vmem>>, vector<16xi32>,
      %parallel_loop3A_388 = arith.addi %parallel_loop3A_375, %parallel_loop3A_387 : vector<16xi32>
      %parallel_loop3A_389 = arith.constant 16 : i32
      %parallel_loop3A_390 = arith.muli %parallel_loop3A_199, %parallel_loop3A_389 : i32
      %parallel_loop3A_391 = arith.constant 3584 : i32
      %parallel_loop3A_392 = arith.addi %parallel_loop3A_391, %parallel_loop3A_390 : i32
      %parallel_loop3A_393 = arith.index_cast %parallel_loop3A_392 : i32 to index
      %parallel_loop3A_394 = tpu.vector_load %arg7[%parallel_loop3A_393] {strides = array<i32>} : memref<4096xi32, #tpu.memory_space<vmem>>, vector<16xi32>,
      tpu.vector_store %arg7[%parallel_loop3A_393], %broadcast_in_dim3A_4 {strides = array<i32>} : memref<4096xi32, #tpu.memory_space<vmem>>, vector<16xi32>,
      %parallel_loop3A_395 = arith.constant 16 : i32
      %parallel_loop3A_396 = arith.muli %parallel_loop3A_199, %parallel_loop3A_395 : i32
      %parallel_loop3A_397 = arith.constant 3840 : i32
      %parallel_loop3A_398 = arith.addi %parallel_loop3A_397, %parallel_loop3A_396 : i32
      %parallel_loop3A_399 = arith.index_cast %parallel_loop3A_398 : i32 to index
      %parallel_loop3A_400 = tpu.vector_load %arg7[%parallel_loop3A_399] {strides = array<i32>} : memref<4096xi32, #tpu.memory_space<vmem>>, vector<16xi32>,
      %parallel_loop3A_401 = arith.addi %parallel_loop3A_388, %parallel_loop3A_400 : vector<16xi32>
      %parallel_loop3A_402 = arith.constant 16 : i32
      %parallel_loop3A_403 = arith.muli %parallel_loop3A_199, %parallel_loop3A_402 : i32
      %parallel_loop3A_404 = arith.constant 3840 : i32
      %parallel_loop3A_405 = arith.addi %parallel_loop3A_404, %parallel_loop3A_403 : i32
      %parallel_loop3A_406 = arith.index_cast %parallel_loop3A_405 : i32 to index
      %parallel_loop3A_407 = tpu.vector_load %arg7[%parallel_loop3A_406] {strides = array<i32>} : memref<4096xi32, #tpu.memory_space<vmem>>, vector<16xi32>,
      tpu.vector_store %arg7[%parallel_loop3A_406], %broadcast_in_dim3A_4 {strides = array<i32>} : memref<4096xi32, #tpu.memory_space<vmem>>, vector<16xi32>,
      %parallel_loop3A_408 = arith.constant 16 : i32
      %parallel_loop3A_409 = arith.muli %parallel_loop3A_199, %parallel_loop3A_408 : i32
      %parallel_loop3A_410 = arith.index_cast %parallel_loop3A_409 : i32 to index
      %parallel_loop3A_411 = tpu.vector_load %arg8[%parallel_loop3A_410] {strides = array<i32>} : memref<256xi32, #tpu.memory_space<vmem>>, vector<16xi32>,
      tpu.vector_store %arg8[%parallel_loop3A_410], %parallel_loop3A_401 {strides = array<i32>} : memref<256xi32, #tpu.memory_space<vmem>>, vector<16xi32>,
    } {sc.loop_unroll_factor = 2 : i64, sc.parallel_access}
    %mul3A_153 = arith.constant 256 : i32
    %mul3A_154 = arith.muli %arg1, %mul3A_153 : i32
    %run_scoped3A_155 = arith.constant 3 : i32
    "tpu.region"() ({
      %run_scoped3A_199 = tpu.sem_alloc : memref<!tpu.dma_semaphore, #tpu.memory_space<semaphore_mem>>
      %dma_start3A_200 = tpu.memref_slice %arg18[%run_scoped3A_155, %mul3A_154] : memref<4x4096xi32, #tpu.memory_space<vmem_shared>> -> memref<1x256xi32, #tpu.memory_space<vmem_shared>>
      %dma_start3A_201 = tpu.memref_squeeze %dma_start3A_200 : memref<1x256xi32, #tpu.memory_space<vmem_shared>> -> memref<256xi32, #tpu.memory_space<vmem_shared>>
      %dma_start3A_202 = tpu.memref_slice %arg18[%run_scoped3A_155, %mul3A_154] : memref<4x4096xi32, #tpu.memory_space<vmem_shared>> -> memref<1x256xi32, #tpu.memory_space<vmem_shared>>
      %dma_start3A_203 = tpu.memref_squeeze %dma_start3A_202 : memref<1x256xi32, #tpu.memory_space<vmem_shared>> -> memref<256xi32, #tpu.memory_space<vmem_shared>>
      tpu.enqueue_dma source(%arg8 : memref<256xi32, #tpu.memory_space<vmem>>) target(%dma_start3A_203 : memref<256xi32, #tpu.memory_space<vmem_shared>>) target_semaphore(%run_scoped3A_199 : memref<!tpu.dma_semaphore, #tpu.memory_space<semaphore_mem>>)
      %dma_wait3A_204 = tpu.memref_slice %arg18[%run_scoped3A_155, %mul3A_154] : memref<4x4096xi32, #tpu.memory_space<vmem_shared>> -> memref<1x256xi32, #tpu.memory_space<vmem_shared>>
      %dma_wait3A_205 = tpu.memref_squeeze %dma_wait3A_204 : memref<1x256xi32, #tpu.memory_space<vmem_shared>> -> memref<256xi32, #tpu.memory_space<vmem_shared>>
      %dma_wait3A_206 = tpu.memref_slice %arg18[%run_scoped3A_155, %mul3A_154] : memref<4x4096xi32, #tpu.memory_space<vmem_shared>> -> memref<1x256xi32, #tpu.memory_space<vmem_shared>>
      %dma_wait3A_207 = tpu.memref_squeeze %dma_wait3A_206 : memref<1x256xi32, #tpu.memory_space<vmem_shared>> -> memref<256xi32, #tpu.memory_space<vmem_shared>>
      tpu.wait_dma2 semaphore(%run_scoped3A_199 : memref<!tpu.dma_semaphore, #tpu.memory_space<semaphore_mem>>) src(%arg8 : memref<256xi32, #tpu.memory_space<vmem>>) dst(%dma_wait3A_207 : memref<256xi32, #tpu.memory_space<vmem_shared>>)
      tpu.yield
    }) : () -> ()
    %barrier3A_156 = arith.constant 0 : index
    tpu.barrier barrier_id(%barrier3A_156)
    %run_scoped3A_157 = arith.constant 3 : i32
    "tpu.region"() ({
      %run_scoped3A_199 = tpu.sem_alloc : memref<!tpu.dma_semaphore, #tpu.memory_space<semaphore_mem>>
      %dma_start3A_200 = arith.constant 0 : i32
      %dma_start3A_201 = tpu.memref_slice %arg18[%run_scoped3A_157, %dma_start3A_200] : memref<4x4096xi32, #tpu.memory_space<vmem_shared>> -> memref<1x4096xi32, #tpu.memory_space<vmem_shared>>
      %dma_start3A_202 = tpu.memref_squeeze %dma_start3A_201 : memref<1x4096xi32, #tpu.memory_space<vmem_shared>> -> memref<4096xi32, #tpu.memory_space<vmem_shared>>
      %dma_start3A_203 = arith.constant 0 : i32
      %dma_start3A_204 = tpu.memref_slice %arg18[%run_scoped3A_157, %dma_start3A_203] : memref<4x4096xi32, #tpu.memory_space<vmem_shared>> -> memref<1x4096xi32, #tpu.memory_space<vmem_shared>>
      %dma_start3A_205 = tpu.memref_squeeze %dma_start3A_204 : memref<1x4096xi32, #tpu.memory_space<vmem_shared>> -> memref<4096xi32, #tpu.memory_space<vmem_shared>>
      tpu.enqueue_dma source(%dma_start3A_205 : memref<4096xi32, #tpu.memory_space<vmem_shared>>) target(%arg11 : memref<4096xi32, #tpu.memory_space<vmem>>) target_semaphore(%run_scoped3A_199 : memref<!tpu.dma_semaphore, #tpu.memory_space<semaphore_mem>>)
      %dma_wait3A_206 = arith.constant 0 : i32
      %dma_wait3A_207 = tpu.memref_slice %arg18[%run_scoped3A_157, %dma_wait3A_206] : memref<4x4096xi32, #tpu.memory_space<vmem_shared>> -> memref<1x4096xi32, #tpu.memory_space<vmem_shared>>
      %dma_wait3A_208 = tpu.memref_squeeze %dma_wait3A_207 : memref<1x4096xi32, #tpu.memory_space<vmem_shared>> -> memref<4096xi32, #tpu.memory_space<vmem_shared>>
      %dma_wait3A_209 = arith.constant 0 : i32
      %dma_wait3A_210 = tpu.memref_slice %arg18[%run_scoped3A_157, %dma_wait3A_209] : memref<4x4096xi32, #tpu.memory_space<vmem_shared>> -> memref<1x4096xi32, #tpu.memory_space<vmem_shared>>
      %dma_wait3A_211 = tpu.memref_squeeze %dma_wait3A_210 : memref<1x4096xi32, #tpu.memory_space<vmem_shared>> -> memref<4096xi32, #tpu.memory_space<vmem_shared>>
      tpu.wait_dma2 semaphore(%run_scoped3A_199 : memref<!tpu.dma_semaphore, #tpu.memory_space<semaphore_mem>>) src(%dma_wait3A_211 : memref<4096xi32, #tpu.memory_space<vmem_shared>>) dst(%arg11 : memref<4096xi32, #tpu.memory_space<vmem>>)
      tpu.yield
    }) : () -> ()
    %scan3A_158 = arith.constant 0 : i32
    %scan3A_159 = arith.constant 0 : i32
    %scan3A_160 = arith.constant 16 : i32
    %scan3A_161 = arith.addi %scan3A_159, %scan3A_160 : i32
    %scan3A_162 = arith.constant 1 : i32
    %scan3A_163 = scf.for %scan3A_199 = %scan3A_159 to %scan3A_161 step %scan3A_162 iter_args(%scan3A_200 = %scan3A_158) -> (i32)  : i32 {
      %mul3A_201 = arith.constant 16 : i32
      %mul3A_202 = arith.muli %scan3A_199, %mul3A_201 : i32
      %add3A_203 = arith.constant 0 : i32
      %add3A_204 = arith.addi %add3A_203, %mul3A_202 : i32
      %get3A = arith.index_cast %add3A_204 : i32 to index
      %get3A_205 = tpu.vector_load %arg11[%get3A] {strides = array<i32>} : memref<4096xi32, #tpu.memory_space<vmem>>, vector<16xi32>,
      %add3A_206 = arith.addi %broadcast_in_dim3A_4, %get3A_205 : vector<16xi32>
      %mul3A_207 = arith.constant 16 : i32
      %mul3A_208 = arith.muli %scan3A_199, %mul3A_207 : i32
      %add3A_209 = arith.constant 256 : i32
      %add3A_210 = arith.addi %add3A_209, %mul3A_208 : i32
      %get3A_211 = arith.index_cast %add3A_210 : i32 to index
      %get3A_212 = tpu.vector_load %arg11[%get3A_211] {strides = array<i32>} : memref<4096xi32, #tpu.memory_space<vmem>>, vector<16xi32>,
      %add3A_213 = arith.addi %add3A_206, %get3A_212 : vector<16xi32>
      %mul3A_214 = arith.constant 16 : i32
      %mul3A_215 = arith.muli %scan3A_199, %mul3A_214 : i32
      %add3A_216 = arith.constant 512 : i32
      %add3A_217 = arith.addi %add3A_216, %mul3A_215 : i32
      %get3A_218 = arith.index_cast %add3A_217 : i32 to index
      %get3A_219 = tpu.vector_load %arg11[%get3A_218] {strides = array<i32>} : memref<4096xi32, #tpu.memory_space<vmem>>, vector<16xi32>,
      %add3A_220 = arith.addi %add3A_213, %get3A_219 : vector<16xi32>
      %mul3A_221 = arith.constant 16 : i32
      %mul3A_222 = arith.muli %scan3A_199, %mul3A_221 : i32
      %add3A_223 = arith.constant 768 : i32
      %add3A_224 = arith.addi %add3A_223, %mul3A_222 : i32
      %get3A_225 = arith.index_cast %add3A_224 : i32 to index
      %get3A_226 = tpu.vector_load %arg11[%get3A_225] {strides = array<i32>} : memref<4096xi32, #tpu.memory_space<vmem>>, vector<16xi32>,
      %add3A_227 = arith.addi %add3A_220, %get3A_226 : vector<16xi32>
      %mul3A_228 = arith.constant 16 : i32
      %mul3A_229 = arith.muli %scan3A_199, %mul3A_228 : i32
      %add3A_230 = arith.constant 1024 : i32
      %add3A_231 = arith.addi %add3A_230, %mul3A_229 : i32
      %get3A_232 = arith.index_cast %add3A_231 : i32 to index
      %get3A_233 = tpu.vector_load %arg11[%get3A_232] {strides = array<i32>} : memref<4096xi32, #tpu.memory_space<vmem>>, vector<16xi32>,
      %add3A_234 = arith.addi %add3A_227, %get3A_233 : vector<16xi32>
      %mul3A_235 = arith.constant 16 : i32
      %mul3A_236 = arith.muli %scan3A_199, %mul3A_235 : i32
      %add3A_237 = arith.constant 1280 : i32
      %add3A_238 = arith.addi %add3A_237, %mul3A_236 : i32
      %get3A_239 = arith.index_cast %add3A_238 : i32 to index
      %get3A_240 = tpu.vector_load %arg11[%get3A_239] {strides = array<i32>} : memref<4096xi32, #tpu.memory_space<vmem>>, vector<16xi32>,
      %add3A_241 = arith.addi %add3A_234, %get3A_240 : vector<16xi32>
      %mul3A_242 = arith.constant 16 : i32
      %mul3A_243 = arith.muli %scan3A_199, %mul3A_242 : i32
      %add3A_244 = arith.constant 1536 : i32
      %add3A_245 = arith.addi %add3A_244, %mul3A_243 : i32
      %get3A_246 = arith.index_cast %add3A_245 : i32 to index
      %get3A_247 = tpu.vector_load %arg11[%get3A_246] {strides = array<i32>} : memref<4096xi32, #tpu.memory_space<vmem>>, vector<16xi32>,
      %add3A_248 = arith.addi %add3A_241, %get3A_247 : vector<16xi32>
      %mul3A_249 = arith.constant 16 : i32
      %mul3A_250 = arith.muli %scan3A_199, %mul3A_249 : i32
      %add3A_251 = arith.constant 1792 : i32
      %add3A_252 = arith.addi %add3A_251, %mul3A_250 : i32
      %get3A_253 = arith.index_cast %add3A_252 : i32 to index
      %get3A_254 = tpu.vector_load %arg11[%get3A_253] {strides = array<i32>} : memref<4096xi32, #tpu.memory_space<vmem>>, vector<16xi32>,
      %add3A_255 = arith.addi %add3A_248, %get3A_254 : vector<16xi32>
      %mul3A_256 = arith.constant 16 : i32
      %mul3A_257 = arith.muli %scan3A_199, %mul3A_256 : i32
      %add3A_258 = arith.constant 2048 : i32
      %add3A_259 = arith.addi %add3A_258, %mul3A_257 : i32
      %get3A_260 = arith.index_cast %add3A_259 : i32 to index
      %get3A_261 = tpu.vector_load %arg11[%get3A_260] {strides = array<i32>} : memref<4096xi32, #tpu.memory_space<vmem>>, vector<16xi32>,
      %add3A_262 = arith.addi %add3A_255, %get3A_261 : vector<16xi32>
      %mul3A_263 = arith.constant 16 : i32
      %mul3A_264 = arith.muli %scan3A_199, %mul3A_263 : i32
      %add3A_265 = arith.constant 2304 : i32
      %add3A_266 = arith.addi %add3A_265, %mul3A_264 : i32
      %get3A_267 = arith.index_cast %add3A_266 : i32 to index
      %get3A_268 = tpu.vector_load %arg11[%get3A_267] {strides = array<i32>} : memref<4096xi32, #tpu.memory_space<vmem>>, vector<16xi32>,
      %add3A_269 = arith.addi %add3A_262, %get3A_268 : vector<16xi32>
      %mul3A_270 = arith.constant 16 : i32
      %mul3A_271 = arith.muli %scan3A_199, %mul3A_270 : i32
      %add3A_272 = arith.constant 2560 : i32
      %add3A_273 = arith.addi %add3A_272, %mul3A_271 : i32
      %get3A_274 = arith.index_cast %add3A_273 : i32 to index
      %get3A_275 = tpu.vector_load %arg11[%get3A_274] {strides = array<i32>} : memref<4096xi32, #tpu.memory_space<vmem>>, vector<16xi32>,
      %add3A_276 = arith.addi %add3A_269, %get3A_275 : vector<16xi32>
      %mul3A_277 = arith.constant 16 : i32
      %mul3A_278 = arith.muli %scan3A_199, %mul3A_277 : i32
      %add3A_279 = arith.constant 2816 : i32
      %add3A_280 = arith.addi %add3A_279, %mul3A_278 : i32
      %get3A_281 = arith.index_cast %add3A_280 : i32 to index
      %get3A_282 = tpu.vector_load %arg11[%get3A_281] {strides = array<i32>} : memref<4096xi32, #tpu.memory_space<vmem>>, vector<16xi32>,
      %add3A_283 = arith.addi %add3A_276, %get3A_282 : vector<16xi32>
      %mul3A_284 = arith.constant 16 : i32
      %mul3A_285 = arith.muli %scan3A_199, %mul3A_284 : i32
      %add3A_286 = arith.constant 3072 : i32
      %add3A_287 = arith.addi %add3A_286, %mul3A_285 : i32
      %get3A_288 = arith.index_cast %add3A_287 : i32 to index
      %get3A_289 = tpu.vector_load %arg11[%get3A_288] {strides = array<i32>} : memref<4096xi32, #tpu.memory_space<vmem>>, vector<16xi32>,
      %add3A_290 = arith.addi %add3A_283, %get3A_289 : vector<16xi32>
      %mul3A_291 = arith.constant 16 : i32
      %mul3A_292 = arith.muli %scan3A_199, %mul3A_291 : i32
      %add3A_293 = arith.constant 3328 : i32
      %add3A_294 = arith.addi %add3A_293, %mul3A_292 : i32
      %get3A_295 = arith.index_cast %add3A_294 : i32 to index
      %get3A_296 = tpu.vector_load %arg11[%get3A_295] {strides = array<i32>} : memref<4096xi32, #tpu.memory_space<vmem>>, vector<16xi32>,
      %add3A_297 = arith.addi %add3A_290, %get3A_296 : vector<16xi32>
      %mul3A_298 = arith.constant 16 : i32
      %mul3A_299 = arith.muli %scan3A_199, %mul3A_298 : i32
      %add3A_300 = arith.constant 3584 : i32
      %add3A_301 = arith.addi %add3A_300, %mul3A_299 : i32
      %get3A_302 = arith.index_cast %add3A_301 : i32 to index
      %get3A_303 = tpu.vector_load %arg11[%get3A_302] {strides = array<i32>} : memref<4096xi32, #tpu.memory_space<vmem>>, vector<16xi32>,
      %add3A_304 = arith.addi %add3A_297, %get3A_303 : vector<16xi32>
      %mul3A_305 = arith.constant 16 : i32
      %mul3A_306 = arith.muli %scan3A_199, %mul3A_305 : i32
      %add3A_307 = arith.constant 3840 : i32
      %add3A_308 = arith.addi %add3A_307, %mul3A_306 : i32
      %get3A_309 = arith.index_cast %add3A_308 : i32 to index
      %get3A_310 = tpu.vector_load %arg11[%get3A_309] {strides = array<i32>} : memref<4096xi32, #tpu.memory_space<vmem>>, vector<16xi32>,
      %add3A_311 = arith.addi %add3A_304, %get3A_310 : vector<16xi32>
      %broadcast_in_dim3A_312 = arith.constant true
      %broadcast_in_dim3A_313 = vector.broadcast %broadcast_in_dim3A_312 : i1 to vector<16xi1>
      %masked_cumsum3A = tpu.scan <sum>, %add3A_311 masked %broadcast_in_dim3A_313 : vector<16xi32>, vector<16xi1> -> vector<16xi32>
      %add3A_314 = vector.broadcast %scan3A_200 : i32 to vector<16xi32>
      %add3A_315 = arith.addi %masked_cumsum3A, %add3A_314 : vector<16xi32>
      %mul3A_316 = arith.constant 16 : i32
      %mul3A_317 = arith.muli %scan3A_199, %mul3A_316 : i32
      %swap3A_318 = arith.index_cast %mul3A_317 : i32 to index
      %swap3A_319 = tpu.vector_load %arg10[%swap3A_318] {strides = array<i32>} : memref<256xi32, #tpu.memory_space<vmem>>, vector<16xi32>,
      tpu.vector_store %arg10[%swap3A_318], %add3A_311 {strides = array<i32>} : memref<256xi32, #tpu.memory_space<vmem>>, vector<16xi32>,
      %mul3A_320 = arith.constant 16 : i32
      %mul3A_321 = arith.muli %scan3A_199, %mul3A_320 : i32
      %swap3A_322 = arith.index_cast %mul3A_321 : i32 to index
      %swap3A_323 = tpu.vector_load %arg9[%swap3A_322] {strides = array<i32>} : memref<256xi32, #tpu.memory_space<vmem>>, vector<16xi32>,
      tpu.vector_store %arg9[%swap3A_322], %add3A_315 {strides = array<i32>} : memref<256xi32, #tpu.memory_space<vmem>>, vector<16xi32>,
      %slice3A_324 = vector.extract_strided_slice %add3A_315 {offsets = [15], sizes = [1], strides = [1]} : vector<16xi32> to vector<1xi32>
      %slice3A_325 = vector.extract_strided_slice %slice3A_324 {offsets = [0], sizes = [1], strides = [1]} : vector<1xi32> to vector<1xi32>
      %squeeze3A_326 = vector.extract %slice3A_325[0] : i32 from vector<1xi32>
      scf.yield %squeeze3A_326 : i32
    }
    %scan3A_164 = arith.constant 16 : i32
    %sub3A_165 = arith.subi %scan3A_163, %sub3A_139 : i32
    %scan3A_166 = arith.constant 256 : i32
    %scan3A_167 = arith.constant 0 : i32
    %scan3A_168 = arith.constant 16 : i32
    %scan3A_169 = arith.addi %scan3A_167, %scan3A_168 : i32
    %scan3A_170 = arith.constant 1 : i32
    %scan3A_171 = scf.for %scan3A_199 = %scan3A_167 to %scan3A_169 step %scan3A_170 iter_args(%scan3A_200 = %scan3A_166) -> (i32)  : i32 {
      %mul3A_201 = arith.constant 16 : i32
      %mul3A_202 = arith.muli %scan3A_199, %mul3A_201 : i32
      %get3A = arith.index_cast %mul3A_202 : i32 to index
      %get3A_203 = tpu.vector_load %arg9[%get3A] {strides = array<i32>} : memref<256xi32, #tpu.memory_space<vmem>>, vector<16xi32>,
      %mul3A_204 = arith.constant 16 : i32
      %mul3A_205 = arith.muli %scan3A_199, %mul3A_204 : i32
      %add3A_206 = vector.broadcast %mul3A_205 : i32 to vector<16xi32>
      %add3A_207 = arith.addi %iota3A, %add3A_206 : vector<16xi32>
      %gt3A = vector.broadcast %sub3A_165 : i32 to vector<16xi32>
      %gt3A_208 = arith.cmpi sgt, %get3A_203, %gt3A : vector<16xi32>
      %jit3A_209 = arith.constant 256 : i32
      %broadcast_in_dim3A_210 = vector.broadcast %jit3A_209 : i32 to vector<16xi32>
      %select_n3A_211 = arith.select %gt3A_208, %add3A_207, %broadcast_in_dim3A_210 : vector<16xi1>, vector<16xi32>
      %reduce_min3A = arith.constant true
      %reduce_min3A_212 = vector.broadcast %reduce_min3A : i1 to vector<16xi1>
      %reduce_min3A_213 = arith.constant -2147483648 : i32
      %reduce_min3A_214 = vector.broadcast %reduce_min3A_213 : i32 to vector<16xi32>
      %reduce_min3A_215 = arith.xori %select_n3A_211, %reduce_min3A_214 : vector<16xi32>
      %reduce_min3A_216 = tpu.scan <min>, %reduce_min3A_215 masked %reduce_min3A_212 : vector<16xi32>, vector<16xi1> -> vector<16xi32>
      %reduce_min3A_217 = arith.xori %reduce_min3A_216, %reduce_min3A_214 : vector<16xi32>
      %reduce_min3A_218 = vector.extract %reduce_min3A_217[15] : i32 from vector<16xi32>
      %min3A = arith.minsi %scan3A_200, %reduce_min3A_218 : i32
      scf.yield %min3A : i32
    }
    %scan3A_172 = arith.constant 16 : i32
    %add3A_173 = vector.broadcast %scan3A_171 : i32 to vector<16xi32>
    %add3A_174 = arith.addi %broadcast_in_dim3A_4, %add3A_173 : vector<16xi32>
    %gather3A_175 = tpu.vector_load_idx %arg10[%add3A_174] : memref<256xi32, #tpu.memory_space<vmem>>[vector<16xi32>], vector<16xi32>,
    %slice3A_176 = vector.extract_strided_slice %gather3A_175 {offsets = [0], sizes = [1], strides = [1]} : vector<16xi32> to vector<1xi32>
    %squeeze3A_177 = vector.extract %slice3A_176[0] : i32 from vector<1xi32>
    %gather3A_178 = tpu.vector_load_idx %arg9[%add3A_174] : memref<256xi32, #tpu.memory_space<vmem>>[vector<16xi32>], vector<16xi32>,
    %slice3A_179 = vector.extract_strided_slice %gather3A_178 {offsets = [0], sizes = [1], strides = [1]} : vector<16xi32> to vector<1xi32>
    %squeeze3A_180 = vector.extract %slice3A_179[0] : i32 from vector<1xi32>
    %sub3A_181 = arith.subi %scan3A_163, %squeeze3A_180 : i32
    %sub3A_182 = arith.subi %sub3A_139, %sub3A_181 : i32
    %shift_left3A = arith.constant 8 : i32
    %shift_left3A_183 = arith.shli %scan3A_36, %shift_left3A : i32
    %or3A = arith.ori %shift_left3A_183, %scan3A_71 : i32
    %shift_left3A_184 = arith.constant 8 : i32
    %shift_left3A_185 = arith.shli %or3A, %shift_left3A_184 : i32
    %or3A_186 = arith.ori %shift_left3A_185, %scan3A_128 : i32
    %shift_left3A_187 = arith.constant 8 : i32
    %shift_left3A_188 = arith.shli %or3A_186, %shift_left3A_187 : i32
    %scan3A_189 = arith.constant 0.000000e+00 : f32
    %scan3A_190 = arith.constant -1 : i32
    %scan3A_191 = arith.constant 0 : i32
    %scan3A_192 = arith.constant 16 : i32
    %scan3A_193 = arith.addi %scan3A_191, %scan3A_192 : i32
    %scan3A_194 = arith.constant 1 : i32
    %scan3A_195:2 = scf.for %scan3A_199 = %scan3A_191 to %scan3A_193 step %scan3A_194 iter_args(%scan3A_200 = %scan3A_189, %scan3A_201 = %scan3A_190) -> (f32, i32)  : i32 {
      %mul3A_202 = arith.constant 16 : i32
      %mul3A_203 = arith.muli %scan3A_199, %mul3A_202 : i32
      %get3A = arith.index_cast %mul3A_203 : i32 to index
      %get3A_204 = tpu.vector_load %arg10[%get3A] {strides = array<i32>} : memref<256xi32, #tpu.memory_space<vmem>>, vector<16xi32>,
      %mul3A_205 = arith.constant 16 : i32
      %mul3A_206 = arith.muli %scan3A_199, %mul3A_205 : i32
      %add3A_207 = vector.broadcast %mul3A_206 : i32 to vector<16xi32>
      %add3A_208 = arith.addi %iota3A, %add3A_207 : vector<16xi32>
      %or3A_209 = vector.broadcast %shift_left3A_188 : i32 to vector<16xi32>
      %or3A_210 = arith.ori %or3A_209, %add3A_208 : vector<16xi32>
      %xor3A = arith.constant -2147483648 : i32
      %xor3A_211 = vector.broadcast %xor3A : i32 to vector<16xi32>
      %xor3A_212 = arith.xori %or3A_210, %xor3A_211 : vector<16xi32>
      %ge3A = arith.constant 0 : i32
      %ge3A_213 = vector.broadcast %ge3A : i32 to vector<16xi32>
      %ge3A_214 = arith.cmpi sge, %xor3A_212, %ge3A_213 : vector<16xi32>
      %xor3A_215 = arith.constant 2147483647 : i32
      %xor3A_216 = vector.broadcast %xor3A_215 : i32 to vector<16xi32>
      %xor3A_217 = arith.xori %xor3A_212, %xor3A_216 : vector<16xi32>
      %select_n3A_218 = arith.select %ge3A_214, %xor3A_212, %xor3A_217 : vector<16xi1>, vector<16xi32>
      %bitcast_convert_type3A = tpu.bitcast %select_n3A_218 : vector<16xi32> -> vector<16xf32>
      %gt3A = vector.broadcast %scan3A_171 : i32 to vector<16xi32>
      %gt3A_219 = arith.cmpi sgt, %add3A_208, %gt3A : vector<16xi32>
      %convert_element_type3A_220 = arith.sitofp %get3A_204 : vector<16xi32> to vector<16xf32>
      %mul3A_221 = arith.mulf %bitcast_convert_type3A, %convert_element_type3A_220 : vector<16xf32>
      %select_n3A_222 = arith.select %gt3A_219, %mul3A_221, %broadcast_in_dim3A_6 : vector<16xi1>, vector<16xf32>
      %reduce_sum3A = arith.constant true
      %reduce_sum3A_223 = vector.broadcast %reduce_sum3A : i1 to vector<16xi1>
      %reduce_sum3A_224 = tpu.scan <sum>, %select_n3A_222 masked %reduce_sum3A_223 : vector<16xf32>, vector<16xi1> -> vector<16xf32>
      %reduce_sum3A_225 = vector.extract %reduce_sum3A_224[15] : f32 from vector<16xf32>
      %add3A_226 = arith.addf %scan3A_200, %reduce_sum3A_225 : f32
      %lt3A = vector.broadcast %scan3A_171 : i32 to vector<16xi32>
      %lt3A_227 = arith.cmpi slt, %add3A_208, %lt3A : vector<16xi32>
      %gt3A_228 = arith.constant 0 : i32
      %gt3A_229 = vector.broadcast %gt3A_228 : i32 to vector<16xi32>
      %gt3A_230 = arith.cmpi sgt, %get3A_204, %gt3A_229 : vector<16xi32>
      %and3A_231 = arith.andi %lt3A_227, %gt3A_230 : vector<16xi1>
      %broadcast_in_dim3A_232 = arith.constant -1 : i32
      %broadcast_in_dim3A_233 = vector.broadcast %broadcast_in_dim3A_232 : i32 to vector<16xi32>
      %select_n3A_234 = arith.select %and3A_231, %add3A_208, %broadcast_in_dim3A_233 : vector<16xi1>, vector<16xi32>
      %reduce_max3A = arith.constant true
      %reduce_max3A_235 = vector.broadcast %reduce_max3A : i1 to vector<16xi1>
      %reduce_max3A_236 = arith.constant -2147483648 : i32
      %reduce_max3A_237 = vector.broadcast %reduce_max3A_236 : i32 to vector<16xi32>
      %reduce_max3A_238 = arith.xori %select_n3A_234, %reduce_max3A_237 : vector<16xi32>
      %reduce_max3A_239 = tpu.scan <max>, %reduce_max3A_238 masked %reduce_max3A_235 : vector<16xi32>, vector<16xi1> -> vector<16xi32>
      %reduce_max3A_240 = arith.xori %reduce_max3A_239, %reduce_max3A_237 : vector<16xi32>
      %reduce_max3A_241 = vector.extract %reduce_max3A_240[15] : i32 from vector<16xi32>
      %max3A = arith.maxsi %scan3A_201, %reduce_max3A_241 : i32
      scf.yield %add3A_226, %max3A : f32, i32
    }
    %scan3A_196 = arith.constant 16 : i32
    %eq3A = arith.constant 0 : i32
    %eq3A_197 = arith.cmpi eq, %arg1, %eq3A : i32
    %convert_element_type3A = arith.extui %eq3A_197 : i1 to i32
    %cond3A = arith.constant 0 : i32
    %cond3A_198 = arith.cmpi ne, %convert_element_type3A, %cond3A : i32
    scf.if %cond3A_198 {
      "tpu.region"() ({
        %run_scoped3A_278 = tpu.sem_alloc : memref<!tpu.dma_semaphore, #tpu.memory_space<semaphore_mem>>
        tpu.enqueue_dma source(%arg19 : memref<256xf32, #tpu.memory_space<vmem_shared>>) target(%arg14 : memref<256xf32, #tpu.memory_space<vmem>>) target_semaphore(%run_scoped3A_278 : memref<!tpu.dma_semaphore, #tpu.memory_space<semaphore_mem>>)
        tpu.wait_dma2 semaphore(%run_scoped3A_278 : memref<!tpu.dma_semaphore, #tpu.memory_space<semaphore_mem>>) src(%arg19 : memref<256xf32, #tpu.memory_space<vmem_shared>>) dst(%arg14 : memref<256xf32, #tpu.memory_space<vmem>>)
        tpu.yield
      }) : () -> ()
      "tpu.region"() ({
        %run_scoped3A_278 = tpu.sem_alloc : memref<!tpu.dma_semaphore, #tpu.memory_space<semaphore_mem>>
        tpu.enqueue_dma source(%arg20 : memref<256xi32, #tpu.memory_space<vmem_shared>>) target(%arg15 : memref<256xi32, #tpu.memory_space<vmem>>) target_semaphore(%run_scoped3A_278 : memref<!tpu.dma_semaphore, #tpu.memory_space<semaphore_mem>>)
        tpu.wait_dma2 semaphore(%run_scoped3A_278 : memref<!tpu.dma_semaphore, #tpu.memory_space<semaphore_mem>>) src(%arg20 : memref<256xi32, #tpu.memory_space<vmem_shared>>) dst(%arg15 : memref<256xi32, #tpu.memory_space<vmem>>)
        tpu.yield
      }) : () -> ()
      %scan3A_199 = arith.constant 0.000000e+00 : f32
      %scan3A_200 = arith.constant 0 : i32
      %scan3A_201 = arith.constant 16 : i32
      %scan3A_202 = arith.addi %scan3A_200, %scan3A_201 : i32
      %scan3A_203 = arith.constant 1 : i32
      %scan3A_204:2 = scf.for %scan3A_278 = %scan3A_200 to %scan3A_202 step %scan3A_203 iter_args(%scan3A_279 = %scan3A_199, %scan3A_280 = %broadcast_in_dim3A_8) -> (f32, vector<16xi32>)  : i32 {
        %mul3A_281 = arith.constant 16 : i32
        %mul3A_282 = arith.muli %scan3A_278, %mul3A_281 : i32
        %get3A_283 = arith.index_cast %mul3A_282 : i32 to index
        %get3A_284 = tpu.vector_load %arg14[%get3A_283] {strides = array<i32>} : memref<256xf32, #tpu.memory_space<vmem>>, vector<16xf32>,
        %reduce_sum3A = arith.constant true
        %reduce_sum3A_285 = vector.broadcast %reduce_sum3A : i1 to vector<16xi1>
        %reduce_sum3A_286 = tpu.scan <sum>, %get3A_284 masked %reduce_sum3A_285 : vector<16xf32>, vector<16xi1> -> vector<16xf32>
        %reduce_sum3A_287 = vector.extract %reduce_sum3A_286[15] : f32 from vector<16xf32>
        %add3A_288 = arith.addf %scan3A_279, %reduce_sum3A_287 : f32
        %mul3A_289 = arith.constant 16 : i32
        %mul3A_290 = arith.muli %scan3A_278, %mul3A_289 : i32
        %get3A_291 = arith.index_cast %mul3A_290 : i32 to index
        %get3A_292 = tpu.vector_load %arg15[%get3A_291] {strides = array<i32>} : memref<256xi32, #tpu.memory_space<vmem>>, vector<16xi32>,
        %max3A_293 = arith.maxsi %scan3A_280, %get3A_292 : vector<16xi32>
        scf.yield %add3A_288, %max3A_293 : f32, vector<16xi32>
      }
      %scan3A_205 = arith.constant 16 : i32
      %reduce_max3A = arith.constant true
      %reduce_max3A_206 = vector.broadcast %reduce_max3A : i1 to vector<16xi1>
      %reduce_max3A_207 = arith.constant -2147483648 : i32
      %reduce_max3A_208 = vector.broadcast %reduce_max3A_207 : i32 to vector<16xi32>
      %reduce_max3A_209 = arith.xori %scan3A_204#1, %reduce_max3A_208 : vector<16xi32>
      %reduce_max3A_210 = tpu.scan <max>, %reduce_max3A_209 masked %reduce_max3A_206 : vector<16xi32>, vector<16xi1> -> vector<16xi32>
      %reduce_max3A_211 = arith.xori %reduce_max3A_210, %reduce_max3A_208 : vector<16xi32>
      %reduce_max3A_212 = vector.extract %reduce_max3A_211[15] : i32 from vector<16xi32>
      %add3A_213 = arith.addf %scan3A_204#0, %scan3A_195#0 : f32
      %add3A_214 = arith.addi %sub3A_42, %sub3A_81 : i32
      %add3A_215 = arith.addi %add3A_214, %sub3A_138 : i32
      %add3A_216 = arith.addi %add3A_215, %sub3A_181 : i32
      %add3A_217 = arith.addi %add3A_216, %squeeze3A_177 : i32
      %or3A_218 = arith.ori %shift_left3A_188, %scan3A_171 : i32
      %xor3A = arith.constant -2147483648 : i32
      %xor3A_219 = arith.xori %or3A_218, %xor3A : i32
      %ge3A = arith.constant 0 : i32
      %ge3A_220 = arith.cmpi sge, %scan3A_195#1, %ge3A : i32
      %or3A_221 = arith.ori %shift_left3A_188, %scan3A_195#1 : i32
      %xor3A_222 = arith.constant -2147483648 : i32
      %xor3A_223 = arith.xori %or3A_221, %xor3A_222 : i32
      %jit3A_224 = arith.constant -2147483648 : i32
      %select_n3A_225 = arith.select %ge3A_220, %xor3A_223, %jit3A_224 : i32
      %ge3A_226 = arith.constant 26215 : i32
      %ge3A_227 = arith.cmpi sge, %add3A_217, %ge3A_226 : i32
      %max3A = arith.maxsi %reduce_max3A_212, %select_n3A_225 : i32
      %select_n3A_228 = arith.select %ge3A_227, %xor3A_219, %max3A : i32
      %add3A_229 = vector.broadcast %xor3A_219 : i32 to vector<16xi32>
      %add3A_230 = arith.addi %broadcast_in_dim3A_4, %add3A_229 : vector<16xi32>
      %ge3A_231 = arith.constant 0 : i32
      %ge3A_232 = vector.broadcast %ge3A_231 : i32 to vector<16xi32>
      %ge3A_233 = arith.cmpi sge, %add3A_230, %ge3A_232 : vector<16xi32>
      %xor3A_234 = arith.constant 2147483647 : i32
      %xor3A_235 = vector.broadcast %xor3A_234 : i32 to vector<16xi32>
      %xor3A_236 = arith.xori %add3A_230, %xor3A_235 : vector<16xi32>
      %select_n3A_237 = arith.select %ge3A_233, %add3A_230, %xor3A_236 : vector<16xi1>, vector<16xi32>
      %bitcast_convert_type3A = tpu.bitcast %select_n3A_237 : vector<16xi32> -> vector<16xf32>
      %add3A_238 = vector.broadcast %select_n3A_228 : i32 to vector<16xi32>
      %add3A_239 = arith.addi %broadcast_in_dim3A_4, %add3A_238 : vector<16xi32>
      %ge3A_240 = arith.constant 0 : i32
      %ge3A_241 = vector.broadcast %ge3A_240 : i32 to vector<16xi32>
      %ge3A_242 = arith.cmpi sge, %add3A_239, %ge3A_241 : vector<16xi32>
      %xor3A_243 = arith.constant 2147483647 : i32
      %xor3A_244 = vector.broadcast %xor3A_243 : i32 to vector<16xi32>
      %xor3A_245 = arith.xori %add3A_239, %xor3A_244 : vector<16xi32>
      %select_n3A_246 = arith.select %ge3A_242, %add3A_239, %xor3A_245 : vector<16xi1>, vector<16xi32>
      %bitcast_convert_type3A_247 = tpu.bitcast %select_n3A_246 : vector<16xi32> -> vector<16xf32>
      %convert_element_type3A_248 = arith.sitofp %add3A_216 : i32 to f32
      %sub3A_249 = arith.constant 2.621400e+04 : f32
      %sub3A_250 = arith.subf %sub3A_249, %convert_element_type3A_248 : f32
      %mul3A_251 = vector.broadcast %sub3A_250 : f32 to vector<16xf32>
      %mul3A_252 = arith.mulf %mul3A_251, %bitcast_convert_type3A : vector<16xf32>
      %add3A_253 = vector.broadcast %add3A_213 : f32 to vector<16xf32>
      %add3A_254 = arith.addf %add3A_253, %mul3A_252 : vector<16xf32>
      %mul3A_255 = arith.constant 3.81469727E-5 : f32
      %mul3A_256 = vector.broadcast %mul3A_255 : f32 to vector<16xf32>
      %mul3A_257 = arith.mulf %add3A_254, %mul3A_256 : vector<16xf32>
      %mul3A_258 = arith.constant 1.52587891E-5 : f32
      %mul3A_259 = vector.broadcast %mul3A_258 : f32 to vector<16xf32>
      %mul3A_260 = arith.mulf %mul3A_259, %bitcast_convert_type3A_247 : vector<16xf32>
      %add3A_261 = arith.addf %mul3A_257, %mul3A_260 : vector<16xf32>
      %sub3A_262 = arith.constant 0.023025712 : f32
      %sub3A_263 = vector.broadcast %sub3A_262 : f32 to vector<16xf32>
      %sub3A_264 = arith.subf %add3A_261, %sub3A_263 : vector<16xf32>
      "tpu.region"() ({
        %run_scoped3A_278 = tpu.sem_alloc : memref<!tpu.dma_semaphore, #tpu.memory_space<semaphore_mem>>
        %dma_start3A_279 = arith.constant 0 : i32
        %dma_start3A_280 = tpu.memref_slice %arg3[%dma_start3A_279] : memref<128xf32, #tpu.memory_space<hbm>> -> memref<16xf32, #tpu.memory_space<hbm>>
        %dma_start3A_281 = arith.constant 0 : i32
        %dma_start3A_282 = tpu.memref_slice %arg3[%dma_start3A_281] : memref<128xf32, #tpu.memory_space<hbm>> -> memref<16xf32, #tpu.memory_space<hbm>>
        tpu.enqueue_dma source(%dma_start3A_282 : memref<16xf32, #tpu.memory_space<hbm>>) target(%arg17 : memref<16xf32, #tpu.memory_space<vmem>>) target_semaphore(%run_scoped3A_278 : memref<!tpu.dma_semaphore, #tpu.memory_space<semaphore_mem>>)
        %dma_wait3A_283 = arith.constant 0 : i32
        %dma_wait3A_284 = tpu.memref_slice %arg3[%dma_wait3A_283] : memref<128xf32, #tpu.memory_space<hbm>> -> memref<16xf32, #tpu.memory_space<hbm>>
        %dma_wait3A_285 = arith.constant 0 : i32
        %dma_wait3A_286 = tpu.memref_slice %arg3[%dma_wait3A_285] : memref<128xf32, #tpu.memory_space<hbm>> -> memref<16xf32, #tpu.memory_space<hbm>>
        tpu.wait_dma2 semaphore(%run_scoped3A_278 : memref<!tpu.dma_semaphore, #tpu.memory_space<semaphore_mem>>) src(%dma_wait3A_286 : memref<16xf32, #tpu.memory_space<hbm>>) dst(%arg17 : memref<16xf32, #tpu.memory_space<vmem>>)
        tpu.yield
      }) : () -> ()
      %get3A = arith.constant 0 : index
      %get3A_265 = tpu.vector_load %arg17[%get3A] {strides = array<i32>} : memref<16xf32, #tpu.memory_space<vmem>>, vector<16xf32>,
      %slice3A_266 = vector.extract_strided_slice %get3A_265 {offsets = [0], sizes = [1], strides = [1]} : vector<16xf32> to vector<1xf32>
      %slice3A_267 = vector.extract_strided_slice %slice3A_266 {offsets = [0], sizes = [1], strides = [1]} : vector<1xf32> to vector<1xf32>
      %squeeze3A_268 = vector.extract %slice3A_267[0] : f32 from vector<1xf32>
      %slice3A_269 = vector.extract_strided_slice %get3A_265 {offsets = [1], sizes = [1], strides = [1]} : vector<16xf32> to vector<1xf32>
      %slice3A_270 = vector.extract_strided_slice %slice3A_269 {offsets = [0], sizes = [1], strides = [1]} : vector<1xf32> to vector<1xf32>
      %squeeze3A_271 = vector.extract %slice3A_270[0] : f32 from vector<1xf32>
      %abs3A = math.absf %squeeze3A_268 : f32
      %le3A = arith.constant 9.99999974E-5 : f32
      %le3A_272 = arith.cmpf ole, %abs3A, %le3A : f32
      %add3A_273 = vector.broadcast %squeeze3A_271 : f32 to vector<16xf32>
      %add3A_274 = arith.addf %broadcast_in_dim3A_6, %add3A_273 : vector<16xf32>
      %select_n3A_275 = arith.select %le3A_272, %add3A_274, %sub3A_264 : vector<16xf32>
      %swap3A_276 = arith.constant 0 : index
      %swap3A_277 = tpu.vector_load %arg16[%swap3A_276] {strides = array<i32>} : memref<16xf32, #tpu.memory_space<vmem>>, vector<16xf32>,
      tpu.vector_store %arg16[%swap3A_276], %select_n3A_275 {strides = array<i32>} : memref<16xf32, #tpu.memory_space<vmem>>, vector<16xf32>,
      "tpu.region"() ({
        %run_scoped3A_278 = tpu.sem_alloc : memref<!tpu.dma_semaphore, #tpu.memory_space<semaphore_mem>>
        tpu.enqueue_dma source(%arg16 : memref<16xf32, #tpu.memory_space<vmem>>) target(%arg4 : memref<16xf32, #tpu.memory_space<hbm>>) target_semaphore(%run_scoped3A_278 : memref<!tpu.dma_semaphore, #tpu.memory_space<semaphore_mem>>)
        tpu.wait_dma2 semaphore(%run_scoped3A_278 : memref<!tpu.dma_semaphore, #tpu.memory_space<semaphore_mem>>) src(%arg16 : memref<16xf32, #tpu.memory_space<vmem>>) dst(%arg4 : memref<16xf32, #tpu.memory_space<hbm>>)
        tpu.yield
      }) : () -> ()
    } else {
    }
    return
  }
}

module attributes {stable_mosaic.version = 14 : i64} {
  func.func @_tc_body(%arg0: memref<2048x128xf32, #tpu.memory_space<vmem>>, %arg1: memref<1x128xf32, #tpu.memory_space<vmem>>) attributes {dimension_semantics = [], scalar_prefetch = 0 : i64, scratch_operands = 0 : i64, tpu.core_type = #tpu.core_type<tc>} {
    %get3A = arith.constant 0 : index
    %get3A_0 = arith.constant 0 : index
    %get3A_1 = vector.load %arg0[%get3A, %get3A_0] : memref<2048x128xf32, #tpu.memory_space<vmem>>, vector<2048x128xf32>
    %reduce_max3A = vector.shape_cast %get3A_1 : vector<2048x128xf32> to vector<1x2048x128xf32>
    %reduce_max3A_2 = arith.constant dense<0xFF800000> : vector<1xf32>
    %reduce_max3A_3 = vector.multi_reduction <maximumf>, %reduce_max3A, %reduce_max3A_2 [1, 2] : vector<1x2048x128xf32> to vector<1xf32>
    %reduce_max3A_4 = vector.shape_cast %reduce_max3A_3 : vector<1xf32> to vector<1x1x1xf32>
    %reduce_max3A_5 = vector.extract %reduce_max3A_4[0, 0, 0] : f32 from vector<1x1x1xf32>
    %sub3A = vector.broadcast %reduce_max3A_5 : f32 to vector<2048x128xf32>
    %sub3A_6 = arith.subf %get3A_1, %sub3A : vector<2048x128xf32>
    %mul3A = arith.constant 1.000000e+02 : f32
    %mul3A_7 = vector.broadcast %mul3A : f32 to vector<2048x128xf32>
    %mul3A_8 = arith.mulf %sub3A_6, %mul3A_7 : vector<2048x128xf32>
    %exp3A = math.exp %mul3A_8 : vector<2048x128xf32>
    %reduce_sum3A = vector.shape_cast %exp3A : vector<2048x128xf32> to vector<1x2048x128xf32>
    %reduce_sum3A_9 = arith.constant dense<0.000000e+00> : vector<1xf32>
    %reduce_sum3A_10 = vector.multi_reduction <add>, %reduce_sum3A, %reduce_sum3A_9 [1, 2] : vector<1x2048x128xf32> to vector<1xf32>
    %reduce_sum3A_11 = vector.shape_cast %reduce_sum3A_10 : vector<1xf32> to vector<1x1x1xf32>
    %reduce_sum3A_12 = vector.extract %reduce_sum3A_11[0, 0, 0] : f32 from vector<1x1x1xf32>
    %div3A = arith.constant 2.621440e+05 : f32
    %div3A_13 = arith.divf %div3A, %reduce_sum3A_12 : f32
    %mul3A_14 = vector.broadcast %div3A_13 : f32 to vector<2048x128xf32>
    %mul3A_15 = arith.mulf %exp3A, %mul3A_14 : vector<2048x128xf32>
    %min3A = arith.constant 1.000000e+01 : f32
    %min3A_16 = vector.broadcast %min3A : f32 to vector<2048x128xf32>
    %min3A_17 = arith.minimumf %mul3A_15, %min3A_16 : vector<2048x128xf32>
    %reduce_sum3A_18 = vector.shape_cast %min3A_17 : vector<2048x128xf32> to vector<1x2048x128xf32>
    %reduce_sum3A_19 = arith.constant dense<0.000000e+00> : vector<1xf32>
    %reduce_sum3A_20 = vector.multi_reduction <add>, %reduce_sum3A_18, %reduce_sum3A_19 [1, 2] : vector<1x2048x128xf32> to vector<1xf32>
    %reduce_sum3A_21 = vector.shape_cast %reduce_sum3A_20 : vector<1xf32> to vector<1x1x1xf32>
    %reduce_sum3A_22 = vector.extract %reduce_sum3A_21[0, 0, 0] : f32 from vector<1x1x1xf32>
    %mul3A_23 = arith.constant 3.81469727E-6 : f32
    %mul3A_24 = arith.mulf %reduce_sum3A_22, %mul3A_23 : f32
    %sub3A_25 = arith.constant 1.000000e+00 : f32
    %sub3A_26 = arith.subf %sub3A_25, %mul3A_24 : f32
    %mul3A_27 = arith.mulf %min3A_17, %get3A_1 : vector<2048x128xf32>
    %reduce_sum3A_28 = vector.shape_cast %mul3A_27 : vector<2048x128xf32> to vector<1x2048x128xf32>
    %reduce_sum3A_29 = arith.constant dense<0.000000e+00> : vector<1xf32>
    %reduce_sum3A_30 = vector.multi_reduction <add>, %reduce_sum3A_28, %reduce_sum3A_29 [1, 2] : vector<1x2048x128xf32> to vector<1xf32>
    %reduce_sum3A_31 = vector.shape_cast %reduce_sum3A_30 : vector<1xf32> to vector<1x1x1xf32>
    %reduce_sum3A_32 = vector.extract %reduce_sum3A_31[0, 0, 0] : f32 from vector<1x1x1xf32>
    %mul3A_33 = arith.constant 3.81469727E-6 : f32
    %mul3A_34 = arith.mulf %reduce_sum3A_32, %mul3A_33 : f32
    %sub3A_35 = vector.broadcast %reduce_max3A_5 : f32 to vector<2048x128xf32>
    %sub3A_36 = arith.subf %get3A_1, %sub3A_35 : vector<2048x128xf32>
    %mul3A_37 = arith.constant 1.000000e+02 : f32
    %mul3A_38 = vector.broadcast %mul3A_37 : f32 to vector<2048x128xf32>
    %mul3A_39 = arith.mulf %sub3A_36, %mul3A_38 : vector<2048x128xf32>
    %log3A = math.log %reduce_sum3A_12 : f32
    %sub3A_40 = vector.broadcast %log3A : f32 to vector<2048x128xf32>
    %sub3A_41 = arith.subf %mul3A_39, %sub3A_40 : vector<2048x128xf32>
    %add3A = arith.constant 12.4766493 : f32
    %add3A_42 = vector.broadcast %add3A : f32 to vector<2048x128xf32>
    %add3A_43 = arith.addf %sub3A_41, %add3A_42 : vector<2048x128xf32>
    %min3A_44 = arith.constant 2.30258512 : f32
    %min3A_45 = vector.broadcast %min3A_44 : f32 to vector<2048x128xf32>
    %min3A_46 = arith.minimumf %add3A_43, %min3A_45 : vector<2048x128xf32>
    %sub3A_47 = arith.constant 12.4766493 : f32
    %sub3A_48 = vector.broadcast %sub3A_47 : f32 to vector<2048x128xf32>
    %sub3A_49 = arith.subf %min3A_46, %sub3A_48 : vector<2048x128xf32>
    %mul3A_50 = arith.mulf %min3A_17, %sub3A_49 : vector<2048x128xf32>
    %reduce_sum3A_51 = vector.shape_cast %mul3A_50 : vector<2048x128xf32> to vector<1x2048x128xf32>
    %reduce_sum3A_52 = arith.constant dense<0.000000e+00> : vector<1xf32>
    %reduce_sum3A_53 = vector.multi_reduction <add>, %reduce_sum3A_51, %reduce_sum3A_52 [1, 2] : vector<1x2048x128xf32> to vector<1xf32>
    %reduce_sum3A_54 = vector.shape_cast %reduce_sum3A_53 : vector<1xf32> to vector<1x1x1xf32>
    %reduce_sum3A_55 = vector.extract %reduce_sum3A_54[0, 0, 0] : f32 from vector<1x1x1xf32>
    %mul3A_56 = arith.constant 3.81469727E-6 : f32
    %mul3A_57 = arith.mulf %reduce_sum3A_55, %mul3A_56 : f32
    %add3A_58 = arith.constant 12.4766493 : f32
    %add3A_59 = arith.addf %add3A_58, %mul3A_57 : f32
    %mul3A_60 = arith.constant 0.00999999977 : f32
    %mul3A_61 = arith.mulf %mul3A_60, %add3A_59 : f32
    %sub3A_62 = arith.subf %mul3A_34, %mul3A_61 : f32
    %iota3A = tpu.iota {dimensions = array<i32: 1>} : vector<1x128xi32>
    %eq3A = arith.constant 0 : i32
    %eq3A_63 = vector.broadcast %eq3A : i32 to vector<1x128xi32>
    %eq3A_64 = arith.cmpi eq, %iota3A, %eq3A_63 : vector<1x128xi32>
    %broadcast_in_dim3A = vector.broadcast %sub3A_26 : f32 to vector<1x128xf32>
    %broadcast_in_dim3A_65 = vector.broadcast %sub3A_62 : f32 to vector<1x128xf32>
    %select_n3A = arith.select %eq3A_64, %broadcast_in_dim3A, %broadcast_in_dim3A_65 : vector<1x128xi1>, vector<1x128xf32>
    %swap3A = arith.constant 0 : index
    %swap3A_66 = arith.constant 0 : index
    %swap3A_67 = vector.load %arg1[%swap3A, %swap3A_66] : memref<1x128xf32, #tpu.memory_space<vmem>>, vector<1x128xf32>
    tpu.vector_store %arg1[%swap3A, %swap3A_66], %select_n3A {strides = array<i32>} : memref<1x128xf32, #tpu.memory_space<vmem>>, vector<1x128xf32>,
    return
  }
}

</mosaic_0001>

<sc_bundles>
// kernel: kernel.4.cloned.1.call-start
scs
__scs_entry_jumppad:
0x0: {  	(pc) =	sbr.rel $0x88, $3  }
0x1: {  	(tag) =	ssettag $0x0;
	lr =	simm.s32 $0x1  }
0x2: {  	[smem:$0x3FA0] =	sst lr;
	_ =	strace $0xD0000000  }
0x3: {  	_ = 	snop  }
0x4: {  	_ = 	snop  }
0x5: {  	_ = 	snop  }
0x6: {  	_ = 	snop  }
0x7: {  	_ = 	snop  }
__scs_overlays_trampoline_lowered:
0x8: {  	[smem:$0x3FAF] =	sst s0  }
0x9: {  	[smem:$0x3FB0] =	sst s1  }
0xa: {  	[smem:$0x3FB1] =	sst s2  }
0xb: {  	[smem:$0x3FB2] =	sst s3  }
0xc: {  	[smem:$0x3FB3] =	sst s4  }
0xd: {  	[smem:$0x3FB4] =	sst s5  }
0xe: {  	[smem:$0x3FB5] =	sst s6  }
0xf: {  	[smem:$0x3FB6] =	sst s7  }
0x10: {  	[smem:$0x3FB7] =	sst s8  }
0x11: {  	[smem:$0x3FB8] =	sst s9;
	s0 =	simm.s32 @!p0 $0x0  }
0x12: {  	s1 =	sld [smem:$0x3F9E];
	s0 =	simm.s32 @p0 $0x1  }
0x13: {  	[smem:$0x3FB9] =	sst s0;
	s0 =	simm.s32 @!p1 $0x0  }
0x14: {  	s2 =	sld [smem:$0x3F9D];
	s0 =	simm.s32 @p1 $0x1  }
0x15: {  	[smem:$0x3FBA] =	sst s0;
	s0 =	simm.s32 @!p2 $0x0  }
0x16: {  	s3 =	sld [smem:$0x3FDB];
	s0 =	simm.s32 @p2 $0x1  }
0x17: {  	s4 =	simm.s32 $0x1BF5;
	[smem:$0x3FBC] =	sst s0  }
0x18: {  	s0 =	sld [smem:$0x3F9F];
	_ =	swait.ge [sflag:s4], $0x0  }
0x19: {  	s7 =	sld [smem:$0x3FA0]  }
0x1a: {  	s8 =	sadd.s32 $0xFFFFE003, lr  }
0x1b: {  	s9 =	sadd.s32 $0xFFFFFEF7, lr;
	s5 =	simm.s32 $0xFFFFFFFF;
	p2 =	slt.u32 s8, $0xFFFFF086  }
0x1c: {  	p1 =	slt.u32 s9, $0xF7A;
	s5 =	simm.s32 @!p2 $0x0  }
0x1d: {  	s5 =	simm.s32 @p1 $0x1;
	p0 =	seq.s32 s7, s2  }
0x1e: {  	s7 =	smul.u32 @!p0 $0xF7A, s2;
	p2 =	seq.s32 @!p0 s5, $0x0  }
0x1f: {  	s9 =	smul.u32 $0xF7A, s1;
	s8 =	simm.s32 @!p0 $0x1BF5;
	p2 =	por !p2, p0  }
0x20: {  	[sflag:s8] =	ssyncset.s32 @!p0 $0xFFFFF086;
	s6 =	sadd.s32 @!p0 s3, s7;
	s7 =	simm.s32 @!p0 $0x108  }
0x21: {  	s3 =	sadd.s32 s3, s9;
	s6 =	sadd.s32 @!p0 $0x88, s6;
	s7 =	simm.s32 @p2 $0x1082  }
0x22: {  	[simem:s7], [sflag:s8] =	dma.local @!p0 [hbm:s6], $0xF7A  }
0x23: {  	s9 =	sor.u32 $0xD0000000, s2;
	s6 =	simm.s32 $0x108;
	_ =	swait.ge @!p0 [sflag:s8], $0x0  }
0x24: {  	s3 =	sadd.s32 $0x88, s3;
	s6 =	simm.s32 @!p1 $0x1082;
	[sflag:s4] =	ssyncset.s32 $0xFFFFF086  }
0x25: {  	[simem:s6], [sflag:s4] =	dma.local [hbm:s3], $0xF7A  }
0x26: {  	[smem:$0x3FA0] =	sst s1;
	(tag) =	ssettag s2;
	_ =	strace s9  }
0x27: {  	s1 =	sld [smem:$0x3FB0]  }
0x28: {  	s2 =	sld [smem:$0x3FB1]  }
0x29: {  	s4 =	sld [smem:$0x3FB3]  }
0x2a: {  	p0 =	seq.s32 s5, $0x0;
	s5 =	sld [smem:$0x3FB4]  }
0x2b: {  	s6 =	sld [smem:$0x3FB5]  }
0x2c: {  	s7 =	sld [smem:$0x3FB6]  }
0x2d: {  	s3 =	simm.s32 $0x108;
	s8 =	sld [smem:$0x3FB7]  }
0x2e: {  	s3 =	simm.s32 @!p0 $0x1082;
	s9 =	sld [smem:$0x3FB8]  }
0x2f: {  	lr =	sadd.s32 s0, s3;
	s0 =	sld [smem:$0x3FAF]  }
0x30: {  	s3 =	sld [smem:$0x3FB2]  }
0x31: {  	[smem:$0x3FBB] =	sst s10  }
0x32: {  	s10 =	sld [smem:$0x3FB9];
	_ =	sdelay $0x3  }
0x33: {  	p0 =	seq.s32 s10, $0x1;
	s10 =	sld [smem:$0x3FBB];
	_ =	sdelay $0x3  }
0x34: {  	[smem:$0x3FBB] =	sst s10  }
0x35: {  	s10 =	sld [smem:$0x3FBA];
	_ =	sdelay $0x3  }
0x36: {  	p1 =	seq.s32 s10, $0x1;
	s10 =	sld [smem:$0x3FBB];
	_ =	sdelay $0x3  }
0x37: {  	[smem:$0x3FBB] =	sst s10  }
0x38: {  	s10 =	sld [smem:$0x3FBC]  }
0x39: {  	_ = 	snop;
	(pc) =	sbr.ind lr, $3  }
0x3a: {  	_ = 	snop  }
0x3b: {  	_ = 	snop  }
0x3c: {  	p2 =	seq.s32 s10, $0x1;
	s10 =	sld [smem:$0x3FBB]  }
0x3d: {  	_ =	shalt  }
0x3e: {  	_ =	shalt  }
0x3f: {  	_ =	shalt  }
0x40: {  	_ =	shalt  }
0x41: {  	_ =	shalt  }
0x42: {  	_ =	shalt  }
0x43: {  	_ =	shalt  }
0x44: {  	_ =	shalt  }
0x45: {  	_ =	shalt  }
0x46: {  	_ =	shalt  }
0x47: {  	_ =	shalt  }
0x48: {  	_ =	shalt  }
0x49: {  	_ =	shalt  }
0x4a: {  	_ =	shalt  }
0x4b: {  	_ =	shalt  }
0x4c: {  	_ =	shalt  }
0x4d: {  	_ =	shalt  }
0x4e: {  	_ =	shalt  }
0x4f: {  	_ =	shalt  }
0x50: {  	_ =	shalt  }
0x51: {  	_ =	shalt  }
0x52: {  	_ =	shalt  }
0x53: {  	_ =	shalt  }
0x54: {  	_ =	shalt  }
0x55: {  	_ =	shalt  }
0x56: {  	_ =	shalt  }
0x57: {  	_ =	shalt  }
0x58: {  	_ =	shalt  }
0x59: {  	_ =	shalt  }
0x5a: {  	_ =	shalt  }
0x5b: {  	_ =	shalt  }
0x5c: {  	_ =	shalt  }
0x5d: {  	_ =	shalt  }
0x5e: {  	_ =	shalt  }
0x5f: {  	_ =	shalt  }
0x60: {  	_ =	shalt  }
0x61: {  	_ =	shalt  }
0x62: {  	_ =	shalt  }
0x63: {  	_ =	shalt  }
0x64: {  	_ =	shalt  }
0x65: {  	_ =	shalt  }
0x66: {  	_ =	shalt  }
0x67: {  	_ =	shalt  }
0x68: {  	_ =	shalt  }
0x69: {  	_ =	shalt  }
0x6a: {  	_ =	shalt  }
0x6b: {  	_ =	shalt  }
0x6c: {  	_ =	shalt  }
0x6d: {  	_ =	shalt  }
0x6e: {  	_ =	shalt  }
0x6f: {  	_ =	shalt  }
0x70: {  	_ =	shalt  }
0x71: {  	_ =	shalt  }
0x72: {  	_ =	shalt  }
0x73: {  	_ =	shalt  }
0x74: {  	_ =	shalt  }
0x75: {  	_ =	shalt  }
0x76: {  	_ =	shalt  }
0x77: {  	_ =	shalt  }
0x78: {  	_ =	shalt  }
0x79: {  	_ =	shalt  }
0x7a: {  	_ =	shalt  }
0x7b: {  	_ =	shalt  }
0x7c: {  	_ =	shalt  }
0x7d: {  	_ =	shalt  }
0x7e: {  	_ =	shalt  }
0x7f: {  	_ =	shalt  }
0x80: {  	_ =	shalt  }
0x81: {  	_ =	shalt  }
0x82: {  	_ =	shalt  }
0x83: {  	_ =	shalt  }
0x84: {  	_ =	shalt  }
0x85: {  	_ =	shalt  }
0x86: {  	_ =	shalt  }
0x87: {  	_ =	shalt  }
.Lfunc_end0:
.L_simem_size_0:
called_computation_lowered:
.L_overlay_start_0:
0x88: {  	s0 =	sld [smem:$0x3FD9]  }
0x89: {  	s1 =	sld [smem:$0x3FFE];
	_ =	sdelay $0x3  }
0x8a: {  	s0 =	sadd.s32 s1, s0  }
0x8b: {  	[smem:$0x3FC7] =	sst s0  }
0x8c: {  	_ = 	snop  }
0x8d: {  	s0 =	sld [smem:$0x3FC9]  }
0x8e: {  	s16 =	sld [smem:$0x3FD0];
	(tm) =	ssettm $0x1  }
0x8f: {  	s2 =	sld [smem:$0x3FFB];
	_ =	sdelay $0x3  }
0x90: {  	_ =	strace s2  }
0x91: {  	s2 =	sld [smem:$0x3FFC];
	_ =	sdelay $0x3  }
0x92: {  	_ =	strace s2  }
0x93: {  	s2 =	sld [smem:$0x3FFD];
	_ =	sdelay $0x3  }
0x94: {  	_ =	strace s2  }
0x95: {  	_ =	strace $0x8FFFFFFF  }
0x96: {  	s17 =	sld [smem:$0x3FDB];
	_ =	sdelay $0x1  }
0x97: {  	s3 =	simm.s32 $_scs_section_size  }
0x98: {  	s4 =	simm.s32 $_size__tile_overlayer_lowered;
	s5 =	simm.s32 $_tile_overlayer_lowered  }
0x99: {  	s20 =	simm.s32 $0x1BFF;
	s19 =	sshll.u32 s5, $0x1;
	s2 =	sadd.s32 s3, s17  }
0x9a: {  	s6 =	simm.s32 $0x0;
	s18 =	sshll.u32 s4, $0x1;
	s4 =	sadd.s32 s19, s2  }
0x9b: {  	[timem:s6], [sflag:s20] =	dma.local [hbm:s4], s18  }
0x9c: {  	_ =	swait.ge [sflag:s20], s18  }
0x9d: {  	s3 =	ssub.s32 $0x0, s18;
	[sflag:s20] =	ssyncset.done $0x0  }
0x9e: {  	[sflag:s20] =	ssyncadd.s32 s3;
	_ =	sdelay $0x1  }
0x9f: {  	s21 =	simm.s32 $0x1B8B  }
0xa0: {  	_ =	swait.ge [sflag:s21], $0x1  }
0xa1: {  	[sflag:s21] =	ssyncset.done $0x0  }
0xa2: {  	s23 =	simm.s32 $0x1B8E;
	s22 =	sld [smem:$0x3FFE];
	[sflag:s21] =	ssyncadd.s32 $0xFFFFFFFF  }
0xa3: {  	s24 =	simm.s32 $execute0_lowered;
	[smem:$0x3FD2] =	sst s23  }
0xa4: {  	s4 =	sshll.u32 s24, $0x1;
	_ =	strace $0x80000046;
	[dreg:$0x1] =	wrdreg $0xFFFFFFFF  }
0xa5: {  	s25 =	simm.s32 $_size_execute0_lowered;
	s2 =	sadd.s32 s2, s4;
	[dreg:$0x0] =	wrdreg $0x0  }
0xa6: {  	s4 =	sshll.u32 s25, $0x1;
	[dreg:$0x2] =	wrdreg s2  }
0xa7: {  	[dreg:$0x3] =	wrdreg s4  }
0xa8: {  	[dreg:$0x4] =	wrdreg $0xC0  }
0xa9: {  	_ =	task [dreg:s6], $0x5FFFF  }
0xaa: {  	[dreg:$0x1] =	wrdreg $0xFFFFFFFF  }
0xab: {  	[dreg:$0x0] =	wrdreg $0x60  }
0xac: {  	[dreg:$0x2] =	wrdreg s0  }
0xad: {  	[dreg:$0x3] =	wrdreg s22  }
0xae: {  	[dreg:$0x4] =	wrdreg s16  }
0xaf: {  	[dreg:$0x5] =	wrdreg $0xA7800  }
0xb0: {  	[dreg:$0x6] =	wrdreg $0xAB800  }
0xb1: {  	[dreg:$0x7] =	wrdreg $0xAB900  }
0xb2: {  	[dreg:$0x8] =	wrdreg $0x9  }
0xb3: {  	_ =	task.clear_ibuf [dreg:s6], $0x9FFFF;
	_ =	strace $0x90000046  }
0xb4: {  	s26 =	simm.s32 $0x9;
	_ =	strace $0x80000048  }
0xb5: {  	_ =	swait.ge [sflag:s26], $0x1  }
0xb6: {  	[sflag:s26] =	ssyncadd.s32 $0xFFFFFFFF  }
0xb7: {  	_ =	strace $0x90000048  }
0xb8: {  	_ =	sfence  }
0xb9: {  	s28 =	sld [smem:$0x0];
	_ =	sdelay $0x1  }
0xba: {  	s29 =	srdreg.scid  }
0xbb: {  	s30 =	sshll.u32 s29, $0xD;
	s31 =	sshrl.u32 s29, $0x2  }
0xbc: {  	s1 =	sand.u32 $0x1, s29;
	s2 =	sand.u32 $0x4000, s30;
	s0 =	sadd.s32 s31, s28  }
0xbd: {  	s1 =	sor.u32 s2, s1;
	s0 =	sshll.u32 s0, $0x11  }
0xbe: {  	s0 =	sor.u32 s0, s1  }
0xbf: {  	s0 =	sadd.s32 $0x8F2B, s0  }
0xc0: {  	[sflag:s0] =	ssyncadd.remote.s32 $0x1  }
0xc1: {  	_ =	sfence.sel $0xFFFF  }
0xc2: {  	[dreg:$0x0] =	wrdreg $0xFFFFFFFF;
	(pc) =	sbr.abs _section_cstart, $3  }
0xc3: {  	[dreg:$0x1] =	wrdreg $0xFFFFFFFF  }
0xc4: {  	_ =	task.clear_ibuf [dreg:s6], $0x2FFFF;
	_ =	strace $0x9FFFFFFF  }
0xc5: {  	(tm) =	ssettm $0x7FFFFFFF  }
tec
execute0_lowered:
.L_overlay_start_1:
0x0: {  	(tag) =	ssettag $0x1  }
0x1: {  	s2 =	rddreg [dreg:$0x0]  }
0x2: {  	s7 =	rddreg [dreg:$0x1]  }
0x3: {  	s1 =	rddreg [dreg:$0x2]  }
0x4: {  	s9 =	rddreg [dreg:$0x3]  }
0x5: {  	s4 =	rddreg [dreg:$0x4]  }
0x6: {  	s3 =	rddreg [dreg:$0x5];
	s6 =	simm.s32 $0x0;
	s5 =	stileid.u32  }
0x7: {  	[smem:$0x7FF] =	sst s6;
	s8 =	sshll.u32 s5, $0xB  }
0x8: {  	s0 =	rddreg [dreg:$0x6];
	_ =	strace $0x80000047;
	s2 =	sadd.s32 s2, s8  }
0x9: {  	[tilespmem:s6], [sflag:$0x1] =	stream.linear.gather [hbm4b:s2+s6], $0x4000, $0x38;
	[tilespmem:$0xABA0] =	vst v63  }
0xa: {  	v0 =	vimm.s32 $0x0;
	s6 =	simm.s32 $0x80C0  }
0xb: {  	[tilespmem:s6+$0xFFFFFFC0] =	vst v0  }
0xc: {  	[tilespmem:s6+$0x30] =	vst v0  }
0xd: {  	[tilespmem:s6+$0x20] =	vst v0  }
0xe: {  	[tilespmem:s6+$0x10] =	vst v0  }
0xf: {  	[tilespmem:s6+$0x0] =	vst v0  }
0x10: {  	[tilespmem:s6+$0xFFFFFFF0] =	vst v0  }
0x11: {  	s2 =	sadd.s32 $0x800, s7;
	s7 =	simm.s32 $0x0;
	[tilespmem:s6+$0xFFFFFFE0] =	vst v0  }
.LBB2_1:
0x12: {  	s7 =	sadd.s32 $0x8, s7;
	[tilespmem:s6+$0xFFFFFFD0] =	vst v0;
	s6 =	sadd.s32 $0x80, s6  }
0x13: {  	[tilespmem:s6+$0xFFFFFFC0] =	vst v0;
	p0 =	slt.u32 s7, $0xF8  }
0x14: {  	[tilespmem:s6+$0x30] =	vst v0  }
.Ltmp0:
0x15: {  	[tilespmem:s6+$0x20] =	vst v0;
	(pc) =	sbr.rel @p0 .LBB2_1-.Ltmp0, $4  }
0x16: {  	[tilespmem:s6+$0x10] =	vst v0  }
0x17: {  	[tilespmem:s6+$0x0] =	vst v0  }
0x18: {  	[tilespmem:s6+$0xFFFFFFF0] =	vst v0  }
0x19: {  	[tilespmem:s6+$0xFFFFFFE0] =	vst v0  }
0x1a: {  	[tilespmem:s6+$0xFFFFFFD0] =	vst v0;
	s30 =	simm.s32 $0x1  }
0x1b: {  	_ =	swait.ge [sflag:s30], $0x4000  }
0x1c: {  	[sflag:s30] =	ssyncset.done $0x0  }
0x1d: {  	s31 =	simm.s32 $0x40;
	[sflag:s30] =	ssyncadd.s32 $0xFFFFC000  }
0x1e: {  	v2 =	vld [tilespmem:s31+$0x30]  }
0x1f: {  	v3 =	vld [tilespmem:s31+$0xFFFFFFD0]  }
0x20: {  	v4 =	vld [tilespmem:s31+$0xFFFFFFE0]  }
0x21: {  	v6 =	vld [tilespmem:s31+$0x0]  }
0x22: {  	v7 =	vld [tilespmem:s31+$0x10]  }
0x23: {  	v10 =	vld [tilespmem:s31+$0x20];
	_ =	sdelay $0x1  }
0x24: {  	v0 =	vlaneseq.u32;
	v5 =	vld [tilespmem:s31+$0xFFFFFFF0]  }
0x25: {  	v1 =	vmul.u32 $0x100, v0;
	v0 =	vimm.s32 $0x1  }
0x26: {  	v8 =	vshra.s32 v2, $0x1F;
	v9 =	vshra.s32 v3, $0x1F;
	v12 =	vshra.s32 v4, $0x1F  }
0x27: {  	v13 =	vshra.s32 v6, $0x1F;
	v15 =	vshra.s32 v7, $0x1F;
	v16 =	vshra.s32 v10, $0x1F  }
0x28: {  	v11 =	vld [tilespmem:s31+$0xFFFFFFC0];
	v8 =	vor.u32 $0x80000000, v8;
	v9 =	vor.u32 $0x80000000, v9;
	v13 =	vor.u32 $0x80000000, v13  }
0x29: {  	v2 =	vxor.u32 v2, v8;
	v8 =	vor.u32 $0x80000000, v12;
	v12 =	vshra.s32 v5, $0x1F  }
0x2a: {  	v3 =	vxor.u32 v3, v9;
	v9 =	vxor.u32 v6, v13;
	v2 =	vshrl.u32 v2, $0x18  }
0x2b: {  	v12 =	vor.u32 $0x80000000, v12;
	v4 =	vxor.u32 v4, v8;
	v14 =	vand.u32 $0x80, v2  }
0x2c: {  	v8 =	vshrl.u32 v3, $0x18;
	v2 =	vand.u32 $0x7F, v2;
	v14 =	vor.u32 v1, v14  }
0x2d: {  	v5 =	vxor.u32 v5, v12;
	v17 =	vor.u32 v2, v14;
	v2 =	vshra.s32 v11, $0x1F  }
0x2e: {  	v5 =	vshrl.u32 v5, $0x18;
	v14 =	vor.u32 $0x80000000, v15;
	v2 =	vor.u32 $0x80000000, v2  }
0x2f: {  	v15 =	vor.u32 $0x80000000, v16;
	v16 =	vand.u32 $0x80, v5;
	v2 =	vxor.u32 v11, v2  }
0x30: {  	v10 =	vxor.u32 v10, v15;
	v6 =	vshrl.u32 v2, $0x18;
	v2 =	vxor.u32 v7, v14  }
0x31: {  	v7 =	vshrl.u32 v4, $0x18;
	v4 =	vshrl.u32 v9, $0x18;
	v3 =	vshrl.u32 v2, $0x18  }
0x32: {  	v2 =	vshrl.u32 v10, $0x18;
	v9 =	vand.u32 $0x80, v6;
	v10 =	vand.u32 $0x80, v8  }
0x33: {  	s6 =	simm.s32 $0x8080;
	v11 =	vand.u32 $0x80, v7;
	v18 =	vand.u32 $0x80, v4;
	v14 =	vand.u32 $0x80, v3  }
0x34: {  	[tilespmem:v17+s6+$0x0] =	vst.idx.add.s32.msk $0xffff, v0;
	v12 =	vor.u32 v1, v9;
	v10 =	vor.u32 v1, v10;
	v15 =	vand.u32 $0x80, v2  }
0x35: {  	s7 =	simm.s32 $0x0;
	s8 =	simm.s32 $0xC0;
	v13 =	vor.u32 v1, v11;
	v11 =	vor.u32 v1, v16;
	v9 =	vor.u32 v1, v18  }
.LBB2_3:
0x36: {  	v16 =	vld [tilespmem:s8+$0x30];
	s7 =	sadd.s32 $0x8, s7;
	v6 =	vand.u32 $0x7F, v6;
	v14 =	vor.u32 v1, v14;
	v15 =	vor.u32 v1, v15  }
0x37: {  	v8 =	vand.u32 $0x7F, v8;
	v7 =	vand.u32 $0x7F, v7;
	v5 =	vand.u32 $0x7F, v5;
	v17 =	vld [tilespmem:s8+$0xFFFFFFD0];
	p0 =	slt.u32 s7, $0x3F8  }
0x38: {  	v4 =	vand.u32 $0x7F, v4;
	v3 =	vand.u32 $0x7F, v3;
	v2 =	vand.u32 $0x7F, v2;
	v18 =	vld [tilespmem:s8+$0xFFFFFFE0]  }
0x39: {  	v6 =	vor.u32 v6, v12;
	v8 =	vor.u32 v8, v10;
	v7 =	vor.u32 v7, v13;
	v19 =	vld [tilespmem:s8+$0xFFFFFFF0]  }
0x3a: {  	v5 =	vor.u32 v5, v11;
	v4 =	vor.u32 v4, v9;
	v3 =	vor.u32 v3, v14;
	v10 =	vld [tilespmem:s8+$0x0]  }
0x3b: {  	v2 =	vor.u32 v2, v15;
	v9 =	vld [tilespmem:s8+$0x10];
	v11 =	vshra.s32 v16, $0x1F  }
0x3c: {  	v12 =	vshra.s32 v17, $0x1F;
	v13 =	vld [tilespmem:s8+$0x20];
	v11 =	vor.u32 $0x80000000, v11  }
0x3d: {  	v14 =	vld [tilespmem:s8+$0xFFFFFFC0];
	v12 =	vor.u32 $0x80000000, v12;
	v15 =	vshra.s32 v18, $0x1F;
	v11 =	vxor.u32 v16, v11  }
0x3e: {  	v15 =	vor.u32 $0x80000000, v15;
	v16 =	vshra.s32 v19, $0x1F;
	v11 =	vshrl.u32 v11, $0x18;
	[tilespmem:v6+s6+$0x0] =	vst.idx.add.s32.msk $0xffff, v0  }
0x3f: {  	v6 =	vor.u32 $0x80000000, v16;
	v16 =	vshra.s32 v10, $0x1F;
	v20 =	vand.u32 $0x80, v11;
	[tilespmem:v8+s6+$0x0] =	vst.idx.add.s32.msk $0xffff, v0  }
0x40: {  	v11 =	vand.u32 $0x7F, v11;
	v8 =	vshra.s32 v9, $0x1F;
	v20 =	vor.u32 v1, v20;
	[tilespmem:v7+s6+$0x0] =	vst.idx.add.s32.msk $0xffff, v0  }
0x41: {  	v7 =	vor.u32 $0x80000000, v16;
	v16 =	vshra.s32 v13, $0x1F;
	v11 =	vor.u32 v11, v20;
	[tilespmem:v5+s6+$0x0] =	vst.idx.add.s32.msk $0xffff, v0  }
0x42: {  	v8 =	vor.u32 $0x80000000, v8;
	v5 =	vshra.s32 v14, $0x1F;
	v16 =	vor.u32 $0x80000000, v16;
	[tilespmem:v4+s6+$0x0] =	vst.idx.add.s32.msk $0xffff, v0  }
0x43: {  	v4 =	vor.u32 $0x80000000, v5;
	v5 =	vxor.u32 v17, v12;
	v12 =	vxor.u32 v18, v15;
	[tilespmem:v3+s6+$0x0] =	vst.idx.add.s32.msk $0xffff, v0  }
0x44: {  	v10 =	vxor.u32 v10, v7;
	v3 =	vxor.u32 v14, v4;
	v4 =	vxor.u32 v19, v6  }
0x45: {  	v6 =	vshrl.u32 v3, $0x18;
	v3 =	vxor.u32 v9, v8;
	v9 =	vxor.u32 v13, v16;
	[tilespmem:v2+s6+$0x0] =	vst.idx.add.s32.msk $0xffff, v0  }
0x46: {  	v7 =	vshrl.u32 v12, $0x18;
	v8 =	vshrl.u32 v5, $0x18;
	v5 =	vshrl.u32 v4, $0x18;
	[tilespmem:v11+s6+$0x0] =	vst.idx.add.s32.msk $0xffff, v0  }
.Ltmp1:
0x47: {  	v4 =	vshrl.u32 v10, $0x18;
	v3 =	vshrl.u32 v3, $0x18;
	v2 =	vshrl.u32 v9, $0x18;
	(pc) =	sbr.rel @p0 .LBB2_3-.Ltmp1, $4  }
0x48: {  	v9 =	vand.u32 $0x80, v6;
	v10 =	vand.u32 $0x80, v8;
	v11 =	vand.u32 $0x80, v7  }
0x49: {  	v16 =	vand.u32 $0x80, v5;
	v17 =	vand.u32 $0x80, v4;
	v14 =	vand.u32 $0x80, v3  }
0x4a: {  	v12 =	vor.u32 v1, v9;
	v10 =	vor.u32 v1, v10;
	v15 =	vand.u32 $0x80, v2  }
0x4b: {  	s8 =	sadd.s32 $0x80, s8;
	v13 =	vor.u32 v1, v11;
	v11 =	vor.u32 v1, v16;
	v9 =	vor.u32 v1, v17  }
0x4c: {  	v6 =	vand.u32 $0x7F, v6  }
0x4d: {  	v8 =	vand.u32 $0x7F, v8;
	v6 =	vor.u32 v6, v12  }
0x4e: {  	v7 =	vand.u32 $0x7F, v7;
	v8 =	vor.u32 v8, v10  }
0x4f: {  	v5 =	vand.u32 $0x7F, v5;
	v7 =	vor.u32 v7, v13  }
0x50: {  	v4 =	vand.u32 $0x7F, v4;
	v5 =	vor.u32 v5, v11  }
0x51: {  	v52 =	vor.u32 v1, v14;
	v3 =	vand.u32 $0x7F, v3;
	v4 =	vor.u32 v4, v9  }
0x52: {  	v1 =	vor.u32 v1, v15;
	v2 =	vand.u32 $0x7F, v2;
	v3 =	vor.u32 v3, v52;
	[tilespmem:v6+s6+$0x0] =	vst.idx.add.s32.msk $0xffff, v0  }
0x53: {  	v1 =	vor.u32 v2, v1;
	[tilespmem:v8+s6+$0x0] =	vst.idx.add.s32.msk $0xffff, v0  }
0x54: {  	[tilespmem:v7+s6+$0x0] =	vst.idx.add.s32.msk $0xffff, v0  }
0x55: {  	[tilespmem:v5+s6+$0x0] =	vst.idx.add.s32.msk $0xffff, v0  }
0x56: {  	[tilespmem:v4+s6+$0x0] =	vst.idx.add.s32.msk $0xffff, v0  }
0x57: {  	[tilespmem:v3+s6+$0x0] =	vst.idx.add.s32.msk $0xffff, v0  }
0x58: {  	[tilespmem:v1+s6+$0x0] =	vst.idx.add.s32.msk $0xffff, v0;
	s6 =	simm.s32 $0x8890  }
0x59: {  	v1 =	vld [tilespmem:s6+$0xFFFFF7F0]  }
0x5a: {  	v8 =	vld [tilespmem:s6+$0xFFFFF800]  }
0x5b: {  	v54 =	vld [tilespmem:s6+$0xFFFFF900]  }
0x5c: {  	v56 =	vld [tilespmem:s6+$0xFFFFFA00]  }
0x5d: {  	v0 =	vimm.s32 $0x0;
	v57 =	vld [tilespmem:s6+$0xFFFFFB00]  }
0x5e: {  	[tilespmem:s6+$0xFFFFF7F0] =	vst v0;
	v58 =	vld [tilespmem:s6+$0xFFFFFC00]  }
0x5f: {  	[tilespmem:s6+$0xFFFFF800] =	vst v0;
	v59 =	vld [tilespmem:s6+$0xFFFFFD00]  }
0x60: {  	[tilespmem:s6+$0xFFFFF900] =	vst v0;
	v17 =	vld [tilespmem:s6+$0xFFFFFE00]  }
0x61: {  	[tilespmem:s6+$0xFFFFFA00] =	vst v0;
	v19 =	vld [tilespmem:s6+$0xFFFFFF00]  }
0x62: {  	s7 =	simm.s32 $0x0;
	[tilespmem:s6+$0xFFFFFB00] =	vst v0;
	v61 =	vld [tilespmem:s6+$0x300]  }
0x63: {  	s7 =	sand.u32 $0xE0, s7;
	[tilespmem:s6+$0xFFFFFC00] =	vst v0;
	v63 =	vld [tilespmem:s6+$0x400]  }
0x64: {  	[tilespmem:s6+$0xFFFFFD00] =	vst v0;
	v2 =	vld [tilespmem:s7+$0x8180]  }
0x65: {  	[tilespmem:s6+$0xFFFFFE00] =	vst v0;
	v3 =	vld [tilespmem:s7+$0x8280]  }
0x66: {  	[tilespmem:s6+$0xFFFFFF00] =	vst v0;
	v4 =	vld [tilespmem:s7+$0x8380]  }
0x67: {  	[tilespmem:s6+$0x300] =	vst v0;
	v5 =	vld [tilespmem:s7+$0x8480]  }
0x68: {  	[tilespmem:s6+$0x400] =	vst v0;
	v6 =	vld [tilespmem:s7+$0x8580]  }
0x69: {  	v7 =	vld [tilespmem:s7+$0x8680];
	[tilespmem:s7+$0x8180] =	vst v0  }
0x6a: {  	v53 =	vld [tilespmem:s7+$0x8780];
	[tilespmem:s7+$0x8280] =	vst v0  }
0x6b: {  	v55 =	vld [tilespmem:s7+$0x8880];
	[tilespmem:s7+$0x8380] =	vst v0;
	v1 =	vadd.s32 v1, v2  }
0x6c: {  	[tilespmem:s7+$0x8480] =	vst v0;
	v16 =	vld [tilespmem:s7+$0x8980];
	v1 =	vadd.s32 v3, v1  }
0x6d: {  	[tilespmem:s7+$0x8580] =	vst v0;
	v18 =	vld [tilespmem:s7+$0x8A80];
	v1 =	vadd.s32 v4, v1  }
0x6e: {  	[tilespmem:s7+$0x8680] =	vst v0;
	v60 =	vld [tilespmem:s7+$0x8E80];
	v1 =	vadd.s32 v5, v1  }
0x6f: {  	[tilespmem:s7+$0x8780] =	vst v0;
	v62 =	vld [tilespmem:s7+$0x8F80];
	v1 =	vadd.s32 v6, v1  }
0x70: {  	[tilespmem:s7+$0x8880] =	vst v0;
	v2 =	vld [tilespmem:s7+$0x8B80];
	v1 =	vadd.s32 v7, v1  }
0x71: {  	[tilespmem:s7+$0x8980] =	vst v0;
	v8 =	vadd.s32 v8, v54;
	v4 =	vld [tilespmem:s7+$0x8C80];
	v1 =	vadd.s32 v53, v1  }
0x72: {  	[tilespmem:s7+$0x8A80] =	vst v0;
	v8 =	vadd.s32 v56, v8;
	v6 =	vld [tilespmem:s7+$0x8D80];
	v1 =	vadd.s32 v55, v1  }
0x73: {  	[tilespmem:s7+$0x8E80] =	vst v0;
	v3 =	vld [tilespmem:s6+$0x0];
	v8 =	vadd.s32 v57, v8;
	v1 =	vadd.s32 v16, v1  }
0x74: {  	[tilespmem:s7+$0x8F80] =	vst v0;
	v8 =	vadd.s32 v58, v8;
	v5 =	vld [tilespmem:s6+$0x100];
	v1 =	vadd.s32 v18, v1  }
0x75: {  	[tilespmem:s7+$0x8B80] =	vst v0;
	v7 =	vld [tilespmem:s6+$0x200];
	v1 =	vadd.s32 v2, v1;
	v2 =	vadd.s32 v59, v8  }
0x76: {  	[tilespmem:s6+$0x0] =	vst v0;
	v4 =	vadd.s32 v4, v1;
	v2 =	vadd.s32 v17, v2  }
0x77: {  	[tilespmem:s7+$0x8C80] =	vst v0;
	v4 =	vadd.s32 v6, v4;
	v2 =	vadd.s32 v19, v2  }
0x78: {  	[tilespmem:s6+$0x100] =	vst v0;
	v1 =	vld [tilespmem:s6+$0x500];
	v4 =	vadd.s32 v60, v4;
	v3 =	vadd.s32 v3, v2  }
0x79: {  	[tilespmem:s7+$0x8D80] =	vst v0;
	s7 =	simm.s32 $0x9090;
	v2 =	vld [tilespmem:s6+$0x600];
	v4 =	vadd.s32 v62, v4;
	v3 =	vadd.s32 v5, v3  }
0x7a: {  	[tilespmem:s7+$0xFFFFFFF0] =	vst v4;
	v4 =	vadd.s32 v7, v3;
	v3 =	vld [tilespmem:s6+$0x700]  }
0x7b: {  	[tilespmem:s6+$0x200] =	vst v0;
	v4 =	vadd.s32 v61, v4  }
0x7c: {  	s8 =	simm.s32 $0x0;
	s10 =	simm.s32 $0x88B0;
	s11 =	simm.s32 $0x20;
	[tilespmem:s6+$0x500] =	vst v0;
	v4 =	vadd.s32 v63, v4  }
.LBB2_5:
0x7d: {  	v5 =	vld [tilespmem:s10+$0xFFFFF7F0];
	[tilespmem:s10+$0xFFFFF7F0] =	vst v0;
	s12 =	sand.u32 $0xE0, s11;
	s8 =	sadd.s32 $0x2, s8;
	v1 =	vadd.s32 v1, v4  }
0x7e: {  	v4 =	vld [tilespmem:s12+$0x8180];
	[tilespmem:s12+$0x8180] =	vst v0;
	p0 =	slt.u32 s8, $0xE;
	v1 =	vadd.s32 v2, v1  }
0x7f: {  	v2 =	vld [tilespmem:s12+$0x8280];
	[tilespmem:s12+$0x8280] =	vst v0;
	v1 =	vadd.s32 v3, v1  }
0x80: {  	v3 =	vld [tilespmem:s12+$0x8380];
	[tilespmem:s12+$0x8380] =	vst v0  }
0x81: {  	v6 =	vld [tilespmem:s12+$0x8480];
	[tilespmem:s12+$0x8480] =	vst v0  }
0x82: {  	v7 =	vld [tilespmem:s12+$0x8580];
	[tilespmem:s12+$0x8580] =	vst v0  }
0x83: {  	v4 =	vadd.s32 v5, v4;
	v5 =	vld [tilespmem:s12+$0x8680];
	[tilespmem:s12+$0x8680] =	vst v0  }
0x84: {  	v2 =	vadd.s32 v2, v4;
	v4 =	vld [tilespmem:s12+$0x8780];
	[tilespmem:s12+$0x8780] =	vst v0  }
0x85: {  	v2 =	vadd.s32 v3, v2;
	v3 =	vld [tilespmem:s12+$0x8880];
	[tilespmem:s12+$0x8880] =	vst v0  }
0x86: {  	v2 =	vadd.s32 v6, v2;
	v6 =	vld [tilespmem:s12+$0x8980];
	[tilespmem:s12+$0x8980] =	vst v0  }
0x87: {  	v2 =	vadd.s32 v7, v2;
	v7 =	vld [tilespmem:s12+$0x8A80];
	[tilespmem:s12+$0x8A80] =	vst v0  }
0x88: {  	v2 =	vadd.s32 v5, v2;
	v5 =	vld [tilespmem:s12+$0x8B80];
	[tilespmem:s12+$0x8B80] =	vst v0  }
0x89: {  	v2 =	vadd.s32 v4, v2;
	v4 =	vld [tilespmem:s12+$0x8C80];
	[tilespmem:s12+$0x8C80] =	vst v0  }
0x8a: {  	v2 =	vadd.s32 v3, v2;
	v3 =	vld [tilespmem:s12+$0x8D80];
	[tilespmem:s6+$0x600] =	vst v0  }
0x8b: {  	v2 =	vadd.s32 v6, v2;
	v6 =	vld [tilespmem:s12+$0x8E80];
	[tilespmem:s6+$0x700] =	vst v0;
	s6 =	smov.u32 s10  }
0x8c: {  	v2 =	vadd.s32 v7, v2;
	v7 =	vld [tilespmem:s12+$0x8F80];
	[tilespmem:s7+$0x0] =	vst v1  }
0x8d: {  	v1 =	vadd.s32 v5, v2;
	v2 =	vld [tilespmem:s10+$0xFFFFF800];
	[tilespmem:s10+$0xFFFFF800] =	vst v0  }
0x8e: {  	v1 =	vadd.s32 v4, v1;
	v4 =	vld [tilespmem:s10+$0xFFFFF900];
	[tilespmem:s10+$0xFFFFF900] =	vst v0  }
0x8f: {  	v1 =	vadd.s32 v3, v1;
	[tilespmem:s12+$0x8D80] =	vst v0;
	v3 =	vld [tilespmem:s10+$0xFFFFFA00]  }
0x90: {  	v1 =	vadd.s32 v6, v1;
	[tilespmem:s12+$0x8E80] =	vst v0;
	v5 =	vld [tilespmem:s10+$0xFFFFFB00]  }
0x91: {  	s7 =	sadd.s32 $0x20, s7;
	v1 =	vadd.s32 v7, v1;
	[tilespmem:s12+$0x8F80] =	vst v0;
	v6 =	vld [tilespmem:s10+$0xFFFFFC00]  }
0x92: {  	[tilespmem:s7+$0xFFFFFFF0] =	vst v1;
	v1 =	vld [tilespmem:s10+$0xFFFFFD00]  }
0x93: {  	v2 =	vadd.s32 v2, v4;
	[tilespmem:s10+$0xFFFFFA00] =	vst v0;
	v4 =	vld [tilespmem:s10+$0xFFFFFE00]  }
0x94: {  	v2 =	vadd.s32 v3, v2;
	[tilespmem:s10+$0xFFFFFB00] =	vst v0;
	v3 =	vld [tilespmem:s10+$0xFFFFFF00]  }
0x95: {  	v2 =	vadd.s32 v5, v2;
	[tilespmem:s10+$0xFFFFFC00] =	vst v0;
	v5 =	vld [tilespmem:s10+$0x0]  }
0x96: {  	v2 =	vadd.s32 v6, v2;
	[tilespmem:s10+$0xFFFFFD00] =	vst v0;
	v6 =	vld [tilespmem:s10+$0x100]  }
0x97: {  	v1 =	vadd.s32 v1, v2;
	[tilespmem:s10+$0xFFFFFE00] =	vst v0;
	v7 =	vld [tilespmem:s10+$0x200]  }
0x98: {  	v1 =	vadd.s32 v4, v1;
	[tilespmem:s10+$0xFFFFFF00] =	vst v0;
	v4 =	vld [tilespmem:s10+$0x300]  }
0x99: {  	v1 =	vadd.s32 v3, v1;
	[tilespmem:s10+$0x0] =	vst v0;
	v8 =	vld [tilespmem:s10+$0x400]  }
.Ltmp2:
0x9a: {  	v2 =	vadd.s32 v5, v1;
	[tilespmem:s10+$0x100] =	vst v0;
	v1 =	vld [tilespmem:s10+$0x500];
	(pc) =	sbr.rel @p0 .LBB2_5-.Ltmp2, $4  }
0x9b: {  	v3 =	vadd.s32 v6, v2;
	[tilespmem:s10+$0x200] =	vst v0;
	v2 =	vld [tilespmem:s10+$0x600]  }
0x9c: {  	v5 =	vadd.s32 v7, v3;
	[tilespmem:s10+$0x300] =	vst v0;
	v3 =	vld [tilespmem:s10+$0x700]  }
0x9d: {  	v4 =	vadd.s32 v4, v5;
	[tilespmem:s10+$0x400] =	vst v0  }
0x9e: {  	s11 =	sadd.s32 $0x20, s11;
	s10 =	sadd.s32 $0x20, s10;
	v4 =	vadd.s32 v8, v4;
	[tilespmem:s6+$0x500] =	vst v0  }
0x9f: {  	v1 =	vadd.s32 v1, v4  }
0xa0: {  	[tilespmem:s6+$0x600] =	vst v0;
	v1 =	vadd.s32 v2, v1  }
0xa1: {  	s8 =	sshll.u32 s5, $0xA;
	[tilespmem:s6+$0x700] =	vst v0;
	s25 =	simm.s32 $0x80;
	s26 =	simm.s32 $0x200;
	v1 =	vadd.s32 v3, v1  }
0xa2: {  	s28 =	simm.s32 $0x9080;
	s29 =	simm.s32 $0x2;
	s11 =	sadd.s32 s8, s9;
	[tilespmem:s7+$0x0] =	vst v1  }
0xa3: {  	[spmem:s11] =	stream.strided.scatter [tilespmem:s28], [sflag:$0x2], $0x100, s26, s25, $0x38;
	[tilespmem:$0xABA0] =	vst v63  }
0xa4: {  	_ =	swait.ge [sflag:s29], $0x100  }
0xa5: {  	[sflag:s29] =	ssyncset.done $0x0  }
0xa6: {  	[sflag:s29] =	ssyncadd.s32 $0xFFFFFF00  }
0xa7: {  	s10 =	simm.s32 $0x9380;
	[bflag:$0x0] =	sbarrier.arrive $0xFFFF  }
0xa8: {  	[tilespmem:s10], [sflag:$0x2] =	stream.strided.gather [spmem:s9], $0x1000, s26, s25, $0x38;
	[tilespmem:$0xABA0] =	vst v63  }
0xa9: {  	_ =	swait.ge [sflag:s29], $0x1000  }
0xaa: {  	s12 =	simm.s32 $0x0;
	[sflag:s29] =	ssyncset.done $0x0  }
0xab: {  	s30 =	sand.u32 $0xF0, s12;
	[sflag:s29] =	ssyncadd.s32 $0xFFFFF000  }
0xac: {  	v0 =	vld [tilespmem:s30+$0x9480]  }
0xad: {  	v1 =	vld [tilespmem:s10+$0x0]  }
0xae: {  	v2 =	vld [tilespmem:s30+$0x9580]  }
0xaf: {  	v3 =	vld [tilespmem:s30+$0x9680]  }
0xb0: {  	v59 =	vld [tilespmem:s30+$0x9780]  }
0xb1: {  	v5 =	vld [tilespmem:s30+$0x9880]  }
0xb2: {  	v0 =	vadd.s32 v1, v0;
	v1 =	vld [tilespmem:s30+$0x9980]  }
0xb3: {  	v0 =	vadd.s32 v2, v0;
	v2 =	vld [tilespmem:s30+$0x9A80]  }
0xb4: {  	v0 =	vadd.s32 v3, v0;
	v3 =	vld [tilespmem:s30+$0x9B80]  }
0xb5: {  	v60 =	vld [tilespmem:s30+$0x9C80];
	v0 =	vadd.s32 v59, v0  }
0xb6: {  	v61 =	vld [tilespmem:s30+$0x9D80];
	v0 =	vadd.s32 v5, v0  }
0xb7: {  	v0 =	vadd.s32 v1, v0;
	v1 =	vld [tilespmem:s30+$0x9E80]  }
0xb8: {  	v0 =	vadd.s32 v2, v0;
	v2 =	vld [tilespmem:s30+$0x9F80]  }
0xb9: {  	v0 =	vadd.s32 v3, v0;
	v3 =	vld [tilespmem:s30+$0xA080]  }
0xba: {  	v62 =	vld [tilespmem:s30+$0xA180];
	v0 =	vadd.s32 v60, v0  }
0xbb: {  	v63 =	vld [tilespmem:s30+$0xA280];
	v0 =	vadd.s32 v61, v0  }
0xbc: {  	v0 =	vadd.s32 v1, v0  }
0xbd: {  	v0 =	vadd.s32 v2, v0  }
0xbe: {  	v0 =	vadd.s32 v3, v0  }
0xbf: {  	v0 =	vadd.s32 v62, v0  }
0xc0: {  	v0 =	vadd.s32 v63, v0  }
0xc1: {  	(xrf0) =	vadd.scan.msk.s32 $0xffff, v0;
	_ =	sdelay $0x5  }
0xc2: {  	s6 =	simm.s32 $0x9280;
	v1, _, _ =	vpop (xrf0)  }
0xc3: {  	s31 =	simm.s32 $0x10;
	s7 =	simm.s32 $0x9180;
	[tilespmem:s6+$0x0] =	vst v0;
	v0 =	vadd.s32 s12, v1  }
0xc4: {  	s8 =	sand.u32 $0xF0, s31;
	[tilespmem:s7+$0x0] =	vst v0;
	(v2sf) =	vpush v0, $0xF  }
0xc5: {  	s10 =	simm.s32 $0x9390;
	s12 =	simm.s32 $0x20;
	v0 =	vld [tilespmem:s8+$0x9480]  }
.LBB2_7:
0xc6: {  	p0 =	sne.s32 s12, $0xF0;
	v1 =	vld [tilespmem:s10+$0x0]  }
0xc7: {  	v2 =	vld [tilespmem:s8+$0x9580]  }
0xc8: {  	v3 =	vld [tilespmem:s8+$0x9680]  }
0xc9: {  	v4 =	vld [tilespmem:s8+$0x9780]  }
0xca: {  	v5 =	vld [tilespmem:s8+$0x9880]  }
0xcb: {  	v0 =	vadd.s32 v1, v0;
	v1 =	vld [tilespmem:s8+$0x9980]  }
0xcc: {  	v0 =	vadd.s32 v2, v0;
	v2 =	vld [tilespmem:s8+$0x9A80]  }
0xcd: {  	v0 =	vadd.s32 v3, v0;
	v3 =	vld [tilespmem:s8+$0x9B80]  }
0xce: {  	v0 =	vadd.s32 v4, v0;
	v4 =	vld [tilespmem:s8+$0x9C80]  }
0xcf: {  	v0 =	vadd.s32 v5, v0;
	v5 =	vld [tilespmem:s8+$0x9D80]  }
0xd0: {  	v0 =	vadd.s32 v1, v0;
	v1 =	vld [tilespmem:s8+$0x9E80]  }
0xd1: {  	v0 =	vadd.s32 v2, v0;
	v2 =	vld [tilespmem:s8+$0x9F80]  }
0xd2: {  	v0 =	vadd.s32 v3, v0;
	v3 =	vld [tilespmem:s8+$0xA080]  }
0xd3: {  	v0 =	vadd.s32 v4, v0;
	v4 =	vld [tilespmem:s8+$0xA180];
	s13 =	spop (v2sf)  }
0xd4: {  	v0 =	vadd.s32 v5, v0;
	v5 =	vld [tilespmem:s8+$0xA280]  }
0xd5: {  	v0 =	vadd.s32 v1, v0  }
0xd6: {  	v0 =	vadd.s32 v2, v0  }
0xd7: {  	v0 =	vadd.s32 v3, v0  }
0xd8: {  	v0 =	vadd.s32 v4, v0  }
0xd9: {  	s6 =	sadd.s32 $0x10, s6;
	v0 =	vadd.s32 v5, v0  }
0xda: {  	[tilespmem:s6+$0x0] =	vst v0;
	(xrf0) =	vadd.scan.msk.s32 $0xffff, v0;
	_ =	sdelay $0x4  }
.Ltmp3:
0xdb: {  	(pc) =	sbr.rel @p0 .LBB2_7-.Ltmp3, $4  }
0xdc: {  	v0, _, _ =	vpop (xrf0)  }
0xdd: {  	s7 =	sadd.s32 $0x10, s7;
	v0 =	vadd.s32 s13, v0  }
0xde: {  	s8 =	sand.u32 $0xF0, s12;
	[tilespmem:s7+$0x0] =	vst v0;
	(v2sf) =	vpush v0, $0xF  }
0xdf: {  	s10 =	sadd.s32 $0x10, s10;
	s12 =	sadd.s32 $0x10, s12;
	v0 =	vld [tilespmem:s8+$0x9480]  }
0xe0: {  	v1 =	vld [tilespmem:s10+$0x0]  }
0xe1: {  	v2 =	vld [tilespmem:s8+$0x9580]  }
0xe2: {  	v3 =	vld [tilespmem:s8+$0x9680]  }
0xe3: {  	v4 =	vld [tilespmem:s8+$0x9780]  }
0xe4: {  	v5 =	vld [tilespmem:s8+$0x9880]  }
0xe5: {  	v0 =	vadd.s32 v1, v0;
	v1 =	vld [tilespmem:s8+$0x9980]  }
0xe6: {  	v0 =	vadd.s32 v2, v0;
	v2 =	vld [tilespmem:s8+$0x9A80]  }
0xe7: {  	v0 =	vadd.s32 v3, v0;
	v3 =	vld [tilespmem:s8+$0x9B80]  }
0xe8: {  	v58 =	vld [tilespmem:s8+$0x9C80];
	v0 =	vadd.s32 v4, v0  }
0xe9: {  	v59 =	vld [tilespmem:s8+$0x9D80];
	v0 =	vadd.s32 v5, v0  }
0xea: {  	v0 =	vadd.s32 v1, v0;
	v1 =	vld [tilespmem:s8+$0x9E80]  }
0xeb: {  	v0 =	vadd.s32 v2, v0;
	v2 =	vld [tilespmem:s8+$0x9F80]  }
0xec: {  	v0 =	vadd.s32 v3, v0;
	v3 =	vld [tilespmem:s8+$0xA080]  }
0xed: {  	v60 =	vld [tilespmem:s8+$0xA180];
	v0 =	vadd.s32 v58, v0  }
0xee: {  	v61 =	vld [tilespmem:s8+$0xA280];
	v0 =	vadd.s32 v59, v0  }
0xef: {  	v0 =	vadd.s32 v1, v0  }
0xf0: {  	v0 =	vadd.s32 v2, v0  }
0xf1: {  	v0 =	vadd.s32 v3, v0  }
0xf2: {  	v0 =	vadd.s32 v60, v0  }
0xf3: {  	v0 =	vadd.s32 v61, v0  }
0xf4: {  	(xrf0) =	vadd.scan.msk.s32 $0xffff, v0;
	_ =	sdelay $0x5  }
0xf5: {  	s18 =	spop (v2sf);
	v1, _, _ =	vpop (xrf0)  }
0xf6: {  	v1 =	vadd.s32 s18, v1  }
0xf7: {  	(v2sf) =	vpush v1, $0xF;
	_ =	sdelay $0x9  }
0xf8: {  	s6 =	sadd.s32 $0x10, s6  }
0xf9: {  	s19 =	sadd.s32 $0x10, s7;
	[tilespmem:s6+$0x0] =	vst v0  }
0xfa: {  	s20 =	simm.s32 $0x9180;
	[tilespmem:s19+$0x0] =	vst v1  }
0xfb: {  	v2 =	vld [tilespmem:s20+$0x0];
	_ =	sdelay $0x1  }
0xfc: {  	s7 =	spop (v2sf)  }
0xfd: {  	v1 =	vlaneseq.u32;
	s21 =	sadd.s32 $0xFFFF999A, s7  }
0xfe: {  	s22 =	simm.s32 $0x0;
	v1 =	vor.u32 $0x80000000, v1;
	v0 =	vmov s21  }
0xff: {  	vm0 =	vgt.s32 v2, v0;
	v2 =	vor.u32 s22, v1  }
0x100: {  	v2 =	vnsel vm0, $0x80000100, v2  }
0x101: {  	(xrf0) =	vmin.scan.msk.u32 $0xffff, v2;
	_ =	sdelay $0x4  }
0x102: {  	s23 =	simm.s32 $0x9190  }
0x103: {  	s24 =	simm.s32 $0x91A0;
	v3 =	vld [tilespmem:s23+$0x0];
	v2, _, _ =	vpop (xrf0)  }
0x104: {  	(v2sf) =	vpush v2, $0xF;
	v2 =	vld [tilespmem:s24+$0x0];
	_ =	sdelay $0x2  }
0x105: {  	s25 =	simm.s32 $0x10  }
0x106: {  	s26 =	simm.s32 $0x20;
	vm0 =	vgt.s32 v3, v0;
	v3 =	vor.u32 s25, v1  }
0x107: {  	v3 =	vnsel vm0, $0x80000100, v3;
	vm0 =	vgt.s32 v2, v0;
	v2 =	vor.u32 s26, v1  }
0x108: {  	(xrf0) =	vmin.scan.msk.u32 $0xffff, v3;
	v2 =	vnsel vm0, $0x80000100, v2  }
0x109: {  	(xrf0) =	vmin.scan.msk.u32 $0xffff, v2;
	_ =	sdelay $0x3  }
0x10a: {  	s28 =	simm.s32 $0x91B0  }
0x10b: {  	v3 =	vld [tilespmem:s28+$0x0];
	v62, _, _ =	vpop (xrf0)  }
0x10c: {  	(v2sf) =	vpush v62, $0xF;
	v63, _, _ =	vpop (xrf0)  }
0x10d: {  	(v2sf) =	vpush v63, $0xF;
	_ =	sdelay $0x1  }
0x10e: {  	s29 =	simm.s32 $0x91C0;
	s30 =	simm.s32 $0x30  }
0x10f: {  	vm0 =	vgt.s32 v3, v0;
	v3 =	vor.u32 s30, v1;
	v2 =	vld [tilespmem:s29+$0x0]  }
0x110: {  	v3 =	vnsel vm0, $0x80000100, v3  }
0x111: {  	(xrf0) =	vmin.scan.msk.u32 $0xffff, v3;
	_ =	sdelay $0x1  }
0x112: {  	s31 =	simm.s32 $0x40;
	s10 =	simm.s32 $0x91D0  }
0x113: {  	s8 =	simm.s32 $0x50;
	s6 =	simm.s32 $0x100;
	vm0 =	vgt.s32 v2, v0;
	v2 =	vor.u32 s31, v1;
	s12 =	spop (v2sf)  }
.LBB2_9:
0x114: {  	s13 =	smov.u32 s6;
	p0 =	sne.s32 s8, $0xF0  }
0x115: {  	v4 =	vnsel vm0, $0x80000100, v2;
	s6 =	sxor.u32 $0x80000000, s12;
	s12 =	smov.u32 s8;
	s8 =	sadd.s32 $0x10, s8;
	v3 =	vld [tilespmem:s10+$0x0]  }
.Ltmp4:
0x116: {  	p1 =	slt.s32 s13, s6;
	(xrf0) =	vmin.scan.msk.u32 $0xffff, v4;
	v2, _, _ =	vpop (xrf0);
	(pc) =	sbr.rel @p0 .LBB2_9-.Ltmp4, $2  }
0x117: {  	s6 =	smov.u32 @p1 s13;
	(v2sf) =	vpush v2, $0xF;
	_ =	sdelay $0x2  }
0x118: {  	s10 =	sadd.s32 $0x10, s10;
	v2 =	vor.u32 s12, v1;
	vm0 =	vgt.s32 v3, v0;
	s12 =	spop (v2sf)  }
0x119: {  	v0 =	vnsel vm0, $0x80000100, v2  }
0x11a: {  	(xrf0) =	vmin.scan.msk.u32 $0xffff, v0;
	_ =	sdelay $0x3  }
0x11b: {  	v0, _, _ =	vpop (xrf0)  }
0x11c: {  	(v2sf) =	vpush v0, $0xF  }
0x11d: {  	v0, _, _ =	vpop (xrf0)  }
0x11e: {  	(v2sf) =	vpush v0, $0xF  }
0x11f: {  	s29 =	simm.s32 $0x40  }
0x120: {  	v9 =	vld [tilespmem:s29+$0x0]  }
0x121: {  	v8 =	vld [tilespmem:s29+$0x20]  }
0x122: {  	v10 =	vld [tilespmem:s29+$0xFFFFFFF0]  }
0x123: {  	v23 =	vld [tilespmem:s29+$0xFFFFFFC0]  }
0x124: {  	v6 =	vld [tilespmem:s29+$0xFFFFFFE0]  }
0x125: {  	v2 =	vimm.f32 $0.0e+00;
	v4 =	vld [tilespmem:s29+$0x30]  }
0x126: {  	s8 =	sxor.u32 $0x80000000, s12;
	v19 =	vimm.s32 $0x80000000;
	v1 =	vlaneseq.u32;
	v11 =	vimm.s32 $0x1;
	v14 =	vld [tilespmem:s29+$0xFFFFFFD0]  }
0x127: {  	s10 =	spop (v2sf);
	p0 =	slt.s32 s6, s8;
	v12 =	vmul.u32 $0x100, v1;
	v1 =	vxor.u32 $0x7FFFFFFF, v8;
	vm0 =	vlt.s32 v8, $0x0  }
0x128: {  	s8 =	smov.u32 @p0 s6;
	s6 =	sxor.u32 $0x80000000, s10;
	vm1 =	vlt.s32 v9, $0x0;
	v7 =	vxor.u32 $0x7FFFFFFF, v23;
	v13 =	vxor.u32 $0x7FFFFFFF, v10  }
0x129: {  	p0 =	slt.s32 s8, s6;
	vm2 =	vlt.s32 v10, $0x0;
	v25 =	vxor.u32 $0x7FFFFFFF, v6;
	v3 =	vsel vm0, v1, v8;
	s26 =	spop (v2sf)  }
0x12a: {  	s6 =	smov.u32 @p0 s8;
	v1 =	vxor.u32 $0x7FFFFFFF, v4;
	vm0 =	vlt.s32 v4, $0x0;
	v16 =	vsel vm2, v13, v10;
	s8 =	sxor.u32 $0x80000000, s26  }
0x12b: {  	v13 =	vxor.u32 $0x7FFFFFFF, v9;
	vm2 =	vlt.s32 v14, $0x0;
	v5 =	vshrl.u32 v3, $0x10;
	p0 =	slt.s32 s6, s8;
	s28 =	spop (v2sf)  }
0x12c: {  	v1 =	vsel vm0, v1, v4;
	vm0 =	vlt.s32 v23, $0x0;
	v32 =	vshrl.u32 v3, $0x18;
	s8 =	smov.u32 @p0 s6;
	s10 =	sxor.u32 $0x80000000, s28  }
0x12d: {  	v18 =	vshrl.u32 v1, $0x18;
	v17 =	vand.u32 $0xFF, v5;
	v5 =	vsel vm1, v13, v9;
	v13 =	vld [tilespmem:s29+$0x10];
	p0 =	slt.s32 s8, s10;
	s30 =	spop (v2sf)  }
0x12e: {  	v21 =	vsel vm0, v7, v23;
	v7 =	vshrl.u32 v16, $0x18;
	vm0 =	vlt.s32 v6, $0x0;
	s10 =	smov.u32 @p0 s8;
	s6 =	sxor.u32 $0x80000000, s30  }
0x12f: {  	v20 =	vxor.u32 $0x80, v7;
	v7 =	vshrl.u32 v21, $0x10;
	v22 =	vshrl.u32 v5, $0x10;
	p0 =	slt.s32 s10, s6  }
0x130: {  	v15 =	vshrl.u32 v5, $0x18;
	v25 =	vsel vm0, v25, v6;
	v27 =	vand.u32 $0xFF, v7;
	s6 =	smov.u32 @p0 s10  }
0x131: {  	v26 =	vxor.u32 $0x80, v15;
	v27 =	vor.u32 v12, v27;
	v0 =	vmov s6  }
0x132: {  	v28 =	vxor.u32 $0x7FFFFFFF, v13;
	vm6 =	vlt.s32 v13, $0x0;
	vm4 =	veq.s32 v20, v0  }
0x133: {  	vm1 =	vgt.s32 v20, v0;
	vm5 =	veq.s32 v26, v0;
	v24 =	vmpcnt.ones.xlane vm4  }
0x134: {  	vm11 =	vlt.s32 v20, v0;
	vm0 =	vlt.s32 v26, v0;
	v7 =	vmpcnt.ones.xlane vm5  }
0x135: {  	v15 =	vnsel vm1, $0x0, v10;
	(v2sf) =	vpush v24, $0x0;
	v24 =	vshrl.u32 v21, $0x18  }
0x136: {  	vm1 =	vgt.s32 v26, v0;
	v24 =	vxor.u32 $0x80, v24;
	(v2sf) =	vpush v7, $0x0  }
0x137: {  	v7 =	vxor.u32 $0x7FFFFFFF, v14;
	vm3 =	vlt.s32 v24, v0;
	vm7 =	vgt.s32 v24, v0  }
0x138: {  	v29 =	vsel vm2, v7, v14;
	v7 =	vsel vm6, v28, v13;
	vm2 =	vgt.s32 v19, v21  }
0x139: {  	v28 =	vnsel vm7, $0x0, v23;
	v30 =	vshrl.u32 v7, $0x18;
	vm7 =	veq.s32 v24, v0  }
0x13a: {  	v20 =	vshrl.u32 v29, $0x18;
	v24 =	vshrl.u32 v29, $0x10;
	v21 =	vsel vm2, v19, v21  }
0x13b: {  	v31 =	vadd.f32 v28, v2;
	v2 =	vxor.u32 $0x80, v20;
	v28 =	vshrl.u32 v25, $0x18  }
0x13c: {  	v26 =	vmpcnt.ones.xlane vm7;
	v20 =	vnsel vm1, $0x0, v9;
	v19 =	vsel vm3, v21, v19  }
0x13d: {  	v21 =	vand.u32 $0xFF, v22;
	vm1 =	vlt.s32 v2, v0;
	vm9 =	veq.s32 v2, v0  }
0x13e: {  	v22 =	vxor.u32 $0x80, v28;
	vm2 =	vgt.s32 v2, v0;
	(v2sf) =	vpush v26, $0x0  }
0x13f: {  	vm6 =	vgt.s32 v19, v29;
	v21 =	vor.u32 v12, v21;
	v26 =	vxor.u32 $0x80, v30  }
0x140: {  	v2 =	vsel vm6, v19, v29;
	vm10 =	vgt.s32 v22, v0;
	vm13 =	vlt.s32 v22, v0  }
0x141: {  	v29 =	vnsel vm2, $0x0, v14;
	v30 =	vxor.u32 $0x80, v32;
	vm3 =	veq.s32 v26, v0  }
0x142: {  	vm8 =	veq.s32 v22, v0;
	vm12 =	vgt.s32 v26, v0;
	v28 =	vmpcnt.ones.xlane vm3  }
0x143: {  	v2 =	vsel vm1, v2, v19;
	vm1 =	vgt.s32 v30, v0;
	vm6 =	veq.s32 v30, v0  }
0x144: {  	v63 =	vmpcnt.ones.xlane vm8;
	vm2 =	vgt.s32 v2, v25;
	(v2sf) =	vpush v28, $0x0  }
0x145: {  	s31 =	simm.s32 $0x9180;
	v19 =	vnsel vm1, $0x0, v8;
	v62 =	vsel vm2, v2, v25;
	v28 =	vmpcnt.ones.xlane vm6  }
0x146: {  	s8 =	simm.s32 $0x8080;
	vm1 =	vlt.s32 v30, v0;
	v22 =	vnsel vm12, $0x0, v13;
	v30 =	vsel vm13, v62, v2;
	v2 =	vld.idx.msk [tilespmem:v0+s31+$0x0], $0xffff  }
0x147: {  	s15 =	simm.s32 $0x0;
	vm2 =	vlt.s32 v26, v0;
	[tilespmem:v27+s8+$0x0] =	vst.idx.add.s32.msk vm7, v11;
	vm13 =	vgt.s32 v30, v16;
	(v2sf) =	vpush v28, $0x0  }
0x148: {  	v27 =	vshrl.u32 v7, $0x10;
	[tilespmem:s15+$0x4000] =	vst.msk vm7, v23;
	v23 =	vadd.f32 v29, v31;
	v26 =	vsel vm13, v30, v16  }
0x149: {  	[tilespmem:v21+s8+$0x0] =	vst.idx.add.s32.msk vm5, v11;
	(v2sf) =	vpush v63, $0x0;
	v21 =	vsel vm11, v26, v30;
	v26 =	vand.u32 $0xFF, v27;
	s13 =	spop (v2sf)  }
0x14a: {  	s12 =	simm.s32 $0xC0;
	s10 =	simm.s32 $0x0;
	v28 =	vmpcnt.ones.xlane vm9;
	vm7 =	vgt.s32 v21, v5;
	v27 =	vor.u32 v12, v26;
	s14 =	spop (v2sf)  }
.LBB2_11:
0x14b: {  	v29 =	vand.u32 $0xFF, v24;
	v30 =	vnsel vm10, $0x0, v6  }
0x14c: {  	v26 =	vld [tilespmem:s12+$0x0];
	s10 =	sadd.s32 $0x8, s10;
	v25 =	vshrl.u32 v25, $0x10;
	vm12 =	vmmov vm4;
	vm11 =	vmmov vm5  }
0x14d: {  	v24 =	vld [tilespmem:s12+$0x20];
	p0 =	slt.u32 s10, $0x3F8;
	v29 =	vor.u32 v12, v29;
	v23 =	vadd.f32 v30, v23;
	v25 =	vand.u32 $0xFF, v25;
	s16 =	spop (v2sf)  }
0x14e: {  	v18 =	vxor.u32 $0x80, v18;
	v32 =	vshrl.u32 v1, $0x10;
	v30 =	vld [tilespmem:s12+$0xFFFFFFF0];
	v31 =	vor.u32 v12, v25  }
0x14f: {  	vm4 =	vgt.s32 v18, v0;
	v32 =	vand.u32 $0xFF, v32;
	v25 =	vld [tilespmem:s12+$0x30];
	v15 =	vadd.f32 v15, v23  }
0x150: {  	v16 =	vshrl.u32 v16, $0x10;
	v33 =	vor.u32 v12, v17;
	s17 =	sadd.s32 s15, s16;
	v17 =	vnsel vm4, $0x0, v4;
	v23 =	vld [tilespmem:s12+$0xFFFFFFC0]  }
0x151: {  	v16 =	vand.u32 $0xFF, v16;
	vm4 =	vlt.s32 v26, $0x0;
	v15 =	vadd.f32 v20, v15  }
0x152: {  	v34 =	vor.u32 v12, v16;
	v32 =	vor.u32 v12, v32;
	v20 =	vld [tilespmem:s12+$0x10];
	(v2sf) =	vpush v28, $0x0  }
0x153: {  	vm10 =	vlt.s32 v18, v0;
	vm13 =	veq.s32 v18, v0;
	v28 =	vld [tilespmem:s12+$0xFFFFFFE0];
	v15 =	vadd.f32 v22, v15;
	s15 =	spop (v2sf)  }
0x154: {  	v16 =	vxor.u32 $0x7FFFFFFF, v24;
	vm5 =	vlt.s32 v24, $0x0;
	v18 =	vxor.u32 $0x7FFFFFFF, v25;
	[tilespmem:v31+s8+$0x0] =	vst.idx.add.s32.msk vm8, v11  }
0x155: {  	v22 =	vsel vm5, v16, v24;
	vm5 =	vlt.s32 v25, $0x0;
	[tilespmem:v27+s8+$0x0] =	vst.idx.add.s32.msk vm3, v11;
	v15 =	vadd.f32 v19, v15  }
0x156: {  	v19 =	vshrl.u32 v22, $0x10;
	v27 =	vsel vm5, v18, v25;
	[tilespmem:v29+s8+$0x0] =	vst.idx.add.s32.msk vm9, v11;
	v29 =	vmpcnt.ones.xlane vm13;
	s16 =	spop (v2sf)  }
0x157: {  	v16 =	vxor.u32 $0x7FFFFFFF, v30;
	v31 =	vxor.u32 $0x7FFFFFFF, v23;
	[tilespmem:s17+$0x4000] =	vst.msk vm9, v14;
	v35 =	vadd.f32 v17, v15  }
0x158: {  	vm5 =	vlt.s32 v23, $0x0;
	v18 =	vshrl.u32 v27, $0x18;
	vm9 =	vlt.s32 v30, $0x0;
	v14 =	vld [tilespmem:s12+$0xFFFFFFD0];
	s18 =	spop (v2sf)  }
0x159: {  	v15 =	vxor.u32 $0x7FFFFFFF, v26;
	v16 =	vsel vm9, v16, v30;
	[tilespmem:v32+s8+$0x0] =	vst.idx.add.s32.msk vm13, v11;
	(v2sf) =	vpush v29, $0x0  }
0x15a: {  	v17 =	vand.u32 $0xFF, v19;
	v29 =	vsel vm5, v31, v23;
	v31 =	vshrl.u32 v16, $0x18;
	[tilespmem:v34+s8+$0x0] =	vst.idx.add.s32.msk vm12, v11  }
0x15b: {  	vm9 =	vlt.s32 v28, $0x0;
	v15 =	vsel vm4, v15, v26;
	v19 =	vxor.u32 $0x80, v31;
	[tilespmem:v33+s8+$0x0] =	vst.idx.add.s32.msk vm6, v11  }
0x15c: {  	v32 =	vshrl.u32 v15, $0x10;
	v31 =	vshrl.u32 v29, $0x10;
	vm4 =	veq.s32 v19, v0  }
0x15d: {  	v36 =	vshrl.u32 v15, $0x18;
	v33 =	vxor.u32 $0x7FFFFFFF, v28;
	v34 =	vmpcnt.ones.xlane vm4  }
0x15e: {  	v37 =	vsel vm7, v21, v5;
	v5 =	vmovc v15;
	v36 =	vxor.u32 $0x80, v36;
	vm14 =	vgt.s32 v19, v0  }
0x15f: {  	v31 =	vand.u32 $0xFF, v31;
	vm5 =	veq.s32 v36, v0;
	(v2sf) =	vpush v34, $0x0  }
0x160: {  	v15 =	vnsel vm14, $0x0, v30;
	vm14 =	vgt.s32 v36, v0;
	v34 =	vmpcnt.ones.xlane vm5  }
0x161: {  	v21 =	vsel vm0, v37, v21;
	v38 =	vshrl.u32 v29, $0x18;
	vm7 =	vlt.s32 v14, $0x0;
	s19 =	spop (v2sf)  }
0x162: {  	vm0 =	vgt.s32 v21, v7;
	v37 =	vxor.u32 $0x80, v38;
	(v2sf) =	vpush v34, $0x0;
	s17 =	sadd.s32 s17, s19  }
0x163: {  	v7 =	vsel vm0, v21, v7;
	vm15 =	vlt.s32 v37, v0;
	v34 =	vxor.u32 $0x7FFFFFFF, v14;
	[tilespmem:s17+$0x4000] =	vst.msk vm8, v6;
	s17 =	sadd.s32 s17, s18;
	v6 =	vmovc v28  }
0x164: {  	v21 =	vsel vm2, v7, v21;
	vm0 =	vgt.s32 v37, v0;
	v28 =	vsel vm7, v34, v14;
	[tilespmem:s17+$0x4000] =	vst.msk vm12, v10;
	s13 =	sadd.s32 s17, s13  }
0x165: {  	v7 =	vxor.u32 $0x7FFFFFFF, v20;
	vm2 =	vlt.s32 v20, $0x0;
	vm7 =	vgt.s32 v21, v3;
	v10 =	vmovc v30;
	[tilespmem:s13+$0x4000] =	vst.msk vm11, v9;
	s13 =	sadd.s32 s13, s14;
	v9 =	vmovc v26  }
0x166: {  	v7 =	vsel vm2, v7, v20;
	v30 =	vsel vm7, v21, v3;
	v26 =	vnsel vm0, $0x0, v23;
	[tilespmem:s13+$0x4000] =	vst.msk vm3, v13;
	s13 =	sadd.s32 s13, s15;
	v13 =	vmovc v20  }
0x167: {  	vm7 =	vlt.s32 v19, v0;
	v19 =	vshrl.u32 v7, $0x18;
	v20 =	vsel vm1, v30, v21;
	[tilespmem:s13+$0x4000] =	vst.msk vm6, v8;
	s13 =	sadd.s32 s13, s16;
	v8 =	vmovc v24  }
0x168: {  	v3 =	vmovc v22;
	vm1 =	veq.s32 v37, v0;
	v21 =	vshrl.u32 v28, $0x18;
	v24 =	vshrl.u32 v28, $0x10;
	[tilespmem:s13+$0x4000] =	vst.msk vm13, v4;
	s14 =	spop (v2sf);
	v4 =	vmovc v25  }
0x169: {  	v22 =	vor.u32 v12, v31;
	v26 =	vadd.f32 v26, v35;
	vm0 =	vgt.s32 v20, v1;
	s15 =	sadd.s32 s13, s14  }
0x16a: {  	v21 =	vxor.u32 $0x80, v21;
	v25 =	vsel vm9, v33, v6;
	v30 =	vsel vm0, v20, v1;
	v1 =	vmovc v27  }
0x16b: {  	vm0 =	vlt.s32 v36, v0;
	v27 =	vshrl.u32 v25, $0x18;
	v30 =	vsel vm10, v30, v20  }
0x16c: {  	v31 =	vmpcnt.ones.xlane vm1;
	v20 =	vnsel vm14, $0x0, v9;
	vm2 =	vgt.s32 v30, v29  }
0x16d: {  	v33 =	vshrl.u32 v3, $0x18;
	v29 =	vsel vm2, v30, v29;
	vm2 =	vlt.s32 v21, v0  }
0x16e: {  	v29 =	vsel vm15, v29, v30;
	[tilespmem:v22+s8+$0x0] =	vst.idx.add.s32.msk vm1, v11;
	v22 =	vand.u32 $0xFF, v32;
	(v2sf) =	vpush v31, $0x0;
	s13 =	spop (v2sf)  }
0x16f: {  	vm9 =	veq.s32 v21, v0;
	[tilespmem:s15+$0x4000] =	vst.msk vm1, v23;
	v23 =	vxor.u32 $0x80, v27;
	v27 =	vxor.u32 $0x80, v19  }
0x170: {  	vm6 =	vgt.s32 v29, v28;
	vm1 =	vgt.s32 v21, v0;
	vm3 =	veq.s32 v27, v0  }
0x171: {  	v19 =	vsel vm6, v29, v28;
	v21 =	vor.u32 v12, v22;
	vm11 =	vgt.s32 v27, v0;
	s14 =	spop (v2sf)  }
0x172: {  	vm10 =	vgt.s32 v23, v0;
	vm12 =	vlt.s32 v23, v0;
	v22 =	vmpcnt.ones.xlane vm3  }
0x173: {  	v30 =	vnsel vm1, $0x0, v14;
	v28 =	vsel vm2, v19, v29;
	v29 =	vxor.u32 $0x80, v33  }
0x174: {  	vm1 =	vgt.s32 v29, v0;
	vm6 =	veq.s32 v29, v0;
	(v2sf) =	vpush v22, $0x0  }
0x175: {  	vm8 =	veq.s32 v23, v0;
	vm2 =	vgt.s32 v28, v25;
	v22 =	vmpcnt.ones.xlane vm6  }
0x176: {  	v23 =	vsel vm2, v28, v25;
	v19 =	vnsel vm1, $0x0, v8;
	vm1 =	vlt.s32 v29, v0;
	[tilespmem:v21+s8+$0x0] =	vst.idx.add.s32.msk vm5, v11  }
.Ltmp5:
0x177: {  	v21 =	vsel vm12, v23, v28;
	v23 =	vmpcnt.ones.xlane vm8;
	(v2sf) =	vpush v22, $0x0;
	(pc) =	sbr.rel @p0 .LBB2_11-.Ltmp5, $4  }
0x178: {  	vm2 =	vlt.s32 v27, v0;
	vm12 =	vgt.s32 v21, v16;
	v22 =	vnsel vm11, $0x0, v13  }
0x179: {  	v29 =	vshrl.u32 v7, $0x10;
	v27 =	vsel vm12, v21, v16;
	(v2sf) =	vpush v23, $0x0  }
0x17a: {  	v28 =	vmpcnt.ones.xlane vm9;
	v21 =	vsel vm7, v27, v21;
	v27 =	vand.u32 $0xFF, v29  }
0x17b: {  	s12 =	sadd.s32 $0x80, s12;
	v23 =	vadd.f32 v30, v26;
	vm7 =	vgt.s32 v21, v5;
	v27 =	vor.u32 v12, v27  }
0x17c: {  	(v2sf) =	vpush v28, $0x0;
	_ =	sdelay $0x4  }
0x17d: {  	v25 =	vshrl.u32 v25, $0x10;
	v24 =	vand.u32 $0xFF, v24  }
0x17e: {  	v18 =	vxor.u32 $0x80, v18;
	v26 =	vshrl.u32 v1, $0x10;
	v51 =	vor.u32 v12, v17  }
0x17f: {  	v16 =	vshrl.u32 v16, $0x10;
	v25 =	vand.u32 $0xFF, v25;
	v24 =	vor.u32 v12, v24  }
0x180: {  	v26 =	vand.u32 $0xFF, v26;
	vm11 =	veq.s32 v18, v0;
	v25 =	vor.u32 v12, v25  }
0x181: {  	vm4 =	vmmov vm4;
	v16 =	vand.u32 $0xFF, v16;
	v26 =	vor.u32 v12, v26  }
0x182: {  	[tilespmem:v27+s8+$0x0] =	vst.idx.add.s32.msk vm3, v11;
	v16 =	vor.u32 v12, v16  }
0x183: {  	s10 =	spop (v2sf);
	[tilespmem:v51+s8+$0x0] =	vst.idx.add.s32.msk vm6, v11  }
0x184: {  	[tilespmem:v24+s8+$0x0] =	vst.idx.add.s32.msk vm9, v11;
	s12 =	spop (v2sf)  }
0x185: {  	[tilespmem:v25+s8+$0x0] =	vst.idx.add.s32.msk vm8, v11;
	s16 =	spop (v2sf)  }
0x186: {  	[tilespmem:v26+s8+$0x0] =	vst.idx.add.s32.msk vm11, v11;
	s17 =	spop (v2sf)  }
0x187: {  	s10 =	sadd.s32 s15, s10;
	[tilespmem:v16+s8+$0x0] =	vst.idx.add.s32.msk vm4, v11;
	s29 =	spop (v2sf)  }
0x188: {  	[tilespmem:s10+$0x4000] =	vst.msk vm9, v14;
	s8 =	sadd.s32 s10, s29  }
0x189: {  	[tilespmem:s8+$0x4000] =	vst.msk vm8, v6;
	s8 =	sadd.s32 s8, s17  }
0x18a: {  	vm5 =	vmmov vm5;
	[tilespmem:s8+$0x4000] =	vst.msk vm4, v10;
	s8 =	sadd.s32 s8, s13  }
0x18b: {  	[tilespmem:s8+$0x4000] =	vst.msk vm5, v9;
	s8 =	sadd.s32 s8, s14  }
0x18c: {  	[tilespmem:s8+$0x4000] =	vst.msk vm3, v13;
	s8 =	sadd.s32 s8, s12  }
0x18d: {  	[tilespmem:s8+$0x4000] =	vst.msk vm6, v8;
	s12 =	sadd.s32 s8, s16  }
0x18e: {  	s8 =	simm.s32 $0x8890;
	[tilespmem:s12+$0x4000] =	vst.msk vm11, v4  }
0x18f: {  	v9 =	vld [tilespmem:s8+$0xFFFFF7F0]  }
0x190: {  	v52 =	vld [tilespmem:s8+$0xFFFFF800]  }
0x191: {  	v25 =	vld [tilespmem:s8+$0xFFFFF900]  }
0x192: {  	v27 =	vld [tilespmem:s8+$0xFFFFFA00]  }
0x193: {  	v53 =	vld [tilespmem:s8+$0xFFFFFB00]  }
0x194: {  	v8 =	vimm.s32 $0x0;
	v29 =	vld [tilespmem:s8+$0xFFFFFC00]  }
0x195: {  	[tilespmem:s8+$0xFFFFF7F0] =	vst v8;
	v30 =	vld [tilespmem:s8+$0xFFFFFD00]  }
0x196: {  	[tilespmem:s8+$0xFFFFF800] =	vst v8;
	v32 =	vld [tilespmem:s8+$0xFFFFFE00]  }
0x197: {  	[tilespmem:s8+$0xFFFFF900] =	vst v8;
	v54 =	vld [tilespmem:s8+$0x0]  }
0x198: {  	[tilespmem:s8+$0xFFFFFA00] =	vst v8;
	v56 =	vld [tilespmem:s8+$0x100]  }
0x199: {  	[tilespmem:s8+$0xFFFFFB00] =	vst v8;
	v58 =	vld [tilespmem:s8+$0x200]  }
0x19a: {  	s30 =	simm.s32 $0x0;
	[tilespmem:s8+$0xFFFFFC00] =	vst v8;
	v61 =	vld [tilespmem:s8+$0x300]  }
0x19b: {  	s10 =	sand.u32 $0xE0, s30;
	[tilespmem:s8+$0xFFFFFD00] =	vst v8;
	v63 =	vld [tilespmem:s8+$0x400]  }
0x19c: {  	[tilespmem:s8+$0xFFFFFE00] =	vst v8;
	v10 =	vld [tilespmem:s10+$0x8180]  }
0x19d: {  	[tilespmem:s8+$0x0] =	vst v8;
	v11 =	vld [tilespmem:s10+$0x8280]  }
0x19e: {  	[tilespmem:s8+$0x100] =	vst v8;
	v12 =	vld [tilespmem:s10+$0x8380]  }
0x19f: {  	[tilespmem:s8+$0x200] =	vst v8;
	v13 =	vld [tilespmem:s10+$0x8480]  }
0x1a0: {  	[tilespmem:s8+$0x300] =	vst v8;
	v14 =	vld [tilespmem:s10+$0x8580]  }
0x1a1: {  	v33 =	vmpcnt.ones.xlane vm11;
	[tilespmem:s8+$0x400] =	vst v8;
	v16 =	vld [tilespmem:s10+$0x8680]  }
0x1a2: {  	v6 =	vnsel vm10, $0x0, v6;
	[tilespmem:s10+$0x8180] =	vst v8;
	v24 =	vld [tilespmem:s10+$0x8780];
	v9 =	vadd.s32 v9, v10  }
0x1a3: {  	(v2sf) =	vpush v33, $0x0;
	v6 =	vadd.f32 v6, v23;
	[tilespmem:s10+$0x8280] =	vst v8;
	v26 =	vld [tilespmem:s10+$0x8880];
	v9 =	vadd.s32 v11, v9  }
0x1a4: {  	[tilespmem:s10+$0x8380] =	vst v8;
	v31 =	vld [tilespmem:s10+$0x8980];
	v9 =	vadd.s32 v12, v9  }
0x1a5: {  	v6 =	vadd.f32 v15, v6;
	[tilespmem:s10+$0x8480] =	vst v8;
	v34 =	vld [tilespmem:s10+$0x8A80];
	v9 =	vadd.s32 v13, v9  }
0x1a6: {  	vm12 =	vgt.s32 v18, v0;
	[tilespmem:s10+$0x8580] =	vst v8;
	v55 =	vld [tilespmem:s10+$0x8C80];
	v9 =	vadd.s32 v14, v9  }
0x1a7: {  	v60 =	vnsel vm12, $0x0, v4;
	v6 =	vadd.f32 v20, v6;
	[tilespmem:s10+$0x8680] =	vst v8;
	v11 =	vld [tilespmem:s10+$0x8B80];
	v9 =	vadd.s32 v16, v9  }
0x1a8: {  	v4 =	vsel vm7, v21, v5;
	[tilespmem:s10+$0x8780] =	vst v8;
	v57 =	vld [tilespmem:s10+$0x8D80];
	v17 =	vadd.s32 v52, v25;
	v9 =	vadd.s32 v24, v9  }
0x1a9: {  	v4 =	vsel vm0, v4, v21;
	[tilespmem:s10+$0x8880] =	vst v8;
	v10 =	vld [tilespmem:s8+$0xFFFFFF00];
	v5 =	vadd.s32 v27, v17;
	v9 =	vadd.s32 v26, v9  }
0x1aa: {  	[tilespmem:s10+$0x8980] =	vst v8;
	v6 =	vadd.f32 v22, v6;
	v59 =	vld [tilespmem:s10+$0x8E80];
	v5 =	vadd.s32 v53, v5;
	v9 =	vadd.s32 v31, v9  }
0x1ab: {  	[tilespmem:s10+$0x8A80] =	vst v8;
	v62 =	vld [tilespmem:s10+$0x8F80];
	vm0 =	vgt.s32 v4, v7;
	v5 =	vadd.s32 v29, v5;
	v9 =	vadd.s32 v34, v9  }
0x1ac: {  	[tilespmem:s10+$0x8C80] =	vst v8;
	v7 =	vsel vm0, v4, v7;
	v5 =	vadd.s32 v30, v5;
	v9 =	vadd.s32 v11, v9  }
0x1ad: {  	[tilespmem:s10+$0x8D80] =	vst v8;
	v7 =	vsel vm2, v7, v4;
	v5 =	vadd.s32 v32, v5;
	v9 =	vadd.s32 v55, v9  }
0x1ae: {  	[tilespmem:s10+$0x8E80] =	vst v8;
	vm13 =	vgt.s32 v7, v3;
	v5 =	vadd.s32 v10, v5;
	v9 =	vadd.s32 v57, v9  }
0x1af: {  	[tilespmem:s10+$0x8F80] =	vst v8;
	v4 =	vld [tilespmem:s8+$0x500];
	v10 =	vsel vm13, v7, v3;
	v5 =	vadd.s32 v54, v5;
	v9 =	vadd.s32 v59, v9  }
0x1b0: {  	[tilespmem:s10+$0x8B80] =	vst v8;
	s10 =	simm.s32 $0x9090;
	v3 =	vld [tilespmem:s8+$0x600];
	v7 =	vsel vm1, v10, v7;
	v5 =	vadd.s32 v56, v5;
	v9 =	vadd.s32 v62, v9  }
0x1b1: {  	v6 =	vadd.f32 v19, v6;
	vm14 =	vgt.s32 v7, v1;
	[tilespmem:s10+$0xFFFFFFF0] =	vst v9;
	v9 =	vadd.s32 v58, v5;
	v5 =	vld [tilespmem:s8+$0x700]  }
0x1b2: {  	vm15 =	vlt.s32 v18, v0;
	s15 =	simm.s32 $0x20;
	s31 =	spop (v2sf);
	[tilespmem:s8+$0x500] =	vst v8;
	v1 =	vsel vm14, v7, v1;
	v9 =	vadd.s32 v61, v9  }
0x1b3: {  	s13 =	simm.s32 $0x0;
	s14 =	simm.s32 $0x88B0;
	s12 =	sadd.s32 s12, s31;
	v0 =	vadd.f32 v60, v6;
	[tilespmem:s8+$0xFFFFFF00] =	vst v8;
	v1 =	vsel vm15, v1, v7;
	v6 =	vadd.s32 v63, v9  }
.LBB2_13:
0x1b4: {  	v7 =	vld [tilespmem:s14+$0xFFFFF7F0];
	[tilespmem:s14+$0xFFFFF7F0] =	vst v8;
	s16 =	sand.u32 $0xE0, s15;
	s13 =	sadd.s32 $0x2, s13;
	v4 =	vadd.s32 v4, v6  }
0x1b5: {  	v6 =	vld [tilespmem:s16+$0x8180];
	[tilespmem:s16+$0x8180] =	vst v8;
	p0 =	slt.u32 s13, $0xE;
	v3 =	vadd.s32 v3, v4  }
0x1b6: {  	v4 =	vld [tilespmem:s16+$0x8280];
	[tilespmem:s16+$0x8280] =	vst v8;
	v3 =	vadd.s32 v5, v3  }
0x1b7: {  	v5 =	vld [tilespmem:s16+$0x8380];
	[tilespmem:s16+$0x8380] =	vst v8  }
0x1b8: {  	v9 =	vld [tilespmem:s16+$0x8480];
	[tilespmem:s16+$0x8480] =	vst v8  }
0x1b9: {  	v10 =	vld [tilespmem:s16+$0x8580];
	[tilespmem:s16+$0x8580] =	vst v8  }
0x1ba: {  	v6 =	vadd.s32 v7, v6;
	v7 =	vld [tilespmem:s16+$0x8680];
	[tilespmem:s16+$0x8680] =	vst v8  }
0x1bb: {  	v4 =	vadd.s32 v4, v6;
	v6 =	vld [tilespmem:s16+$0x8780];
	[tilespmem:s16+$0x8780] =	vst v8  }
0x1bc: {  	v4 =	vadd.s32 v5, v4;
	v5 =	vld [tilespmem:s16+$0x8880];
	[tilespmem:s16+$0x8880] =	vst v8  }
0x1bd: {  	v4 =	vadd.s32 v9, v4;
	v9 =	vld [tilespmem:s16+$0x8980];
	[tilespmem:s16+$0x8980] =	vst v8  }
0x1be: {  	v4 =	vadd.s32 v10, v4;
	v10 =	vld [tilespmem:s16+$0x8A80];
	[tilespmem:s16+$0x8A80] =	vst v8  }
0x1bf: {  	v4 =	vadd.s32 v7, v4;
	v7 =	vld [tilespmem:s16+$0x8B80];
	[tilespmem:s16+$0x8B80] =	vst v8  }
0x1c0: {  	v4 =	vadd.s32 v6, v4;
	v6 =	vld [tilespmem:s16+$0x8C80];
	[tilespmem:s16+$0x8C80] =	vst v8  }
0x1c1: {  	v4 =	vadd.s32 v5, v4;
	v5 =	vld [tilespmem:s16+$0x8D80];
	[tilespmem:s8+$0x600] =	vst v8  }
0x1c2: {  	v4 =	vadd.s32 v9, v4;
	v9 =	vld [tilespmem:s16+$0x8E80];
	[tilespmem:s8+$0x700] =	vst v8;
	s8 =	smov.u32 s14  }
0x1c3: {  	v4 =	vadd.s32 v10, v4;
	v10 =	vld [tilespmem:s16+$0x8F80];
	[tilespmem:s10+$0x0] =	vst v3  }
0x1c4: {  	v3 =	vadd.s32 v7, v4;
	v4 =	vld [tilespmem:s14+$0xFFFFF800];
	[tilespmem:s14+$0xFFFFF800] =	vst v8  }
0x1c5: {  	v3 =	vadd.s32 v6, v3;
	v6 =	vld [tilespmem:s14+$0xFFFFF900];
	[tilespmem:s14+$0xFFFFF900] =	vst v8  }
0x1c6: {  	v3 =	vadd.s32 v5, v3;
	[tilespmem:s16+$0x8D80] =	vst v8;
	v5 =	vld [tilespmem:s14+$0xFFFFFA00]  }
0x1c7: {  	v3 =	vadd.s32 v9, v3;
	[tilespmem:s16+$0x8E80] =	vst v8;
	v7 =	vld [tilespmem:s14+$0xFFFFFB00]  }
0x1c8: {  	s10 =	sadd.s32 $0x20, s10;
	v3 =	vadd.s32 v10, v3;
	[tilespmem:s16+$0x8F80] =	vst v8;
	v9 =	vld [tilespmem:s14+$0xFFFFFC00]  }
0x1c9: {  	[tilespmem:s10+$0xFFFFFFF0] =	vst v3;
	v3 =	vld [tilespmem:s14+$0xFFFFFD00]  }
0x1ca: {  	v4 =	vadd.s32 v4, v6;
	[tilespmem:s14+$0xFFFFFA00] =	vst v8;
	v6 =	vld [tilespmem:s14+$0xFFFFFE00]  }
0x1cb: {  	v4 =	vadd.s32 v5, v4;
	[tilespmem:s14+$0xFFFFFB00] =	vst v8;
	v5 =	vld [tilespmem:s14+$0xFFFFFF00]  }
0x1cc: {  	v4 =	vadd.s32 v7, v4;
	[tilespmem:s14+$0xFFFFFC00] =	vst v8;
	v7 =	vld [tilespmem:s14+$0x0]  }
0x1cd: {  	v4 =	vadd.s32 v9, v4;
	[tilespmem:s14+$0xFFFFFD00] =	vst v8;
	v9 =	vld [tilespmem:s14+$0x100]  }
0x1ce: {  	v3 =	vadd.s32 v3, v4;
	[tilespmem:s14+$0xFFFFFE00] =	vst v8;
	v10 =	vld [tilespmem:s14+$0x200]  }
0x1cf: {  	v3 =	vadd.s32 v6, v3;
	[tilespmem:s14+$0xFFFFFF00] =	vst v8;
	v6 =	vld [tilespmem:s14+$0x300]  }
0x1d0: {  	v3 =	vadd.s32 v5, v3;
	[tilespmem:s14+$0x0] =	vst v8;
	v11 =	vld [tilespmem:s14+$0x400]  }
.Ltmp6:
0x1d1: {  	v3 =	vadd.s32 v7, v3;
	[tilespmem:s14+$0x100] =	vst v8;
	v4 =	vld [tilespmem:s14+$0x500];
	(pc) =	sbr.rel @p0 .LBB2_13-.Ltmp6, $4  }
0x1d2: {  	v5 =	vadd.s32 v9, v3;
	[tilespmem:s14+$0x200] =	vst v8;
	v3 =	vld [tilespmem:s14+$0x600]  }
0x1d3: {  	v7 =	vadd.s32 v10, v5;
	[tilespmem:s14+$0x300] =	vst v8;
	v5 =	vld [tilespmem:s14+$0x700]  }
0x1d4: {  	v6 =	vadd.s32 v6, v7;
	[tilespmem:s14+$0x400] =	vst v8  }
0x1d5: {  	s15 =	sadd.s32 $0x20, s15;
	s14 =	sadd.s32 $0x20, s14;
	v6 =	vadd.s32 v11, v6;
	[tilespmem:s8+$0x500] =	vst v8  }
0x1d6: {  	v4 =	vadd.s32 v4, v6  }
0x1d7: {  	[tilespmem:s8+$0x600] =	vst v8;
	v3 =	vadd.s32 v3, v4  }
0x1d8: {  	[tilespmem:s8+$0x700] =	vst v8;
	s24 =	sadd.s32 $0x80, s11;
	s25 =	simm.s32 $0x80;
	v3 =	vadd.s32 v5, v3  }
0x1d9: {  	s13 =	simm.s32 $0x200;
	s14 =	simm.s32 $0x9080;
	s26 =	simm.s32 $0x2;
	[tilespmem:s10+$0x0] =	vst v3  }
0x1da: {  	[spmem:s24] =	stream.strided.scatter [tilespmem:s14], [sflag:$0x2], $0x100, s13, s25, $0x38;
	[tilespmem:$0xABA0] =	vst v63  }
0x1db: {  	_ =	swait.ge [sflag:s26], $0x100  }
0x1dc: {  	[sflag:s26] =	ssyncset.done $0x0  }
0x1dd: {  	[sflag:s26] =	ssyncadd.s32 $0xFFFFFF00  }
0x1de: {  	s28 =	sadd.s32 $0x80, s9;
	s15 =	simm.s32 $0x9380;
	[bflag:$0x0] =	sbarrier.arrive $0xFFFF  }
0x1df: {  	[tilespmem:s15], [sflag:$0x2] =	stream.strided.gather [spmem:s28], $0x1000, s13, s25, $0x38;
	[tilespmem:$0xABA0] =	vst v63  }
0x1e0: {  	_ =	swait.ge [sflag:s26], $0x1000  }
0x1e1: {  	s29 =	simm.s32 $0x0;
	[sflag:s26] =	ssyncset.done $0x0  }
0x1e2: {  	s30 =	sand.u32 $0xF0, s29;
	[sflag:s26] =	ssyncadd.s32 $0xFFFFF000  }
0x1e3: {  	v3 =	vld [tilespmem:s30+$0x9480]  }
0x1e4: {  	v4 =	vld [tilespmem:s15+$0x0]  }
0x1e5: {  	v5 =	vld [tilespmem:s30+$0x9580]  }
0x1e6: {  	v56 =	vld [tilespmem:s30+$0x9680]  }
0x1e7: {  	v7 =	vld [tilespmem:s30+$0x9780]  }
0x1e8: {  	v57 =	vld [tilespmem:s30+$0x9880]  }
0x1e9: {  	v3 =	vadd.s32 v4, v3;
	v4 =	vld [tilespmem:s30+$0x9980]  }
0x1ea: {  	v3 =	vadd.s32 v5, v3;
	v5 =	vld [tilespmem:s30+$0x9A80]  }
0x1eb: {  	v58 =	vld [tilespmem:s30+$0x9B80];
	v3 =	vadd.s32 v56, v3  }
0x1ec: {  	v59 =	vld [tilespmem:s30+$0x9C80];
	v3 =	vadd.s32 v7, v3  }
0x1ed: {  	v60 =	vld [tilespmem:s30+$0x9D80];
	v3 =	vadd.s32 v57, v3  }
0x1ee: {  	v3 =	vadd.s32 v4, v3;
	v4 =	vld [tilespmem:s30+$0x9E80]  }
0x1ef: {  	v3 =	vadd.s32 v5, v3;
	v5 =	vld [tilespmem:s30+$0x9F80]  }
0x1f0: {  	v61 =	vld [tilespmem:s30+$0xA080];
	v3 =	vadd.s32 v58, v3  }
0x1f1: {  	v62 =	vld [tilespmem:s30+$0xA180];
	v3 =	vadd.s32 v59, v3  }
0x1f2: {  	v63 =	vld [tilespmem:s30+$0xA280];
	v3 =	vadd.s32 v60, v3  }
0x1f3: {  	v3 =	vadd.s32 v4, v3  }
0x1f4: {  	v3 =	vadd.s32 v5, v3  }
0x1f5: {  	v3 =	vadd.s32 v61, v3  }
0x1f6: {  	v3 =	vadd.s32 v62, v3  }
0x1f7: {  	v3 =	vadd.s32 v63, v3  }
0x1f8: {  	(xrf0) =	vadd.scan.msk.s32 $0xffff, v3;
	_ =	sdelay $0x5  }
0x1f9: {  	s8 =	simm.s32 $0x9280;
	v4, _, _ =	vpop (xrf0)  }
0x1fa: {  	s31 =	simm.s32 $0x10;
	s10 =	simm.s32 $0x9180;
	[tilespmem:s8+$0x0] =	vst v3;
	v3 =	vadd.s32 s29, v4  }
0x1fb: {  	s13 =	sand.u32 $0xF0, s31;
	[tilespmem:s10+$0x0] =	vst v3;
	(v2sf) =	vpush v3, $0xF  }
0x1fc: {  	s14 =	simm.s32 $0x9390;
	s15 =	simm.s32 $0x20;
	v3 =	vld [tilespmem:s13+$0x9480]  }
.LBB2_15:
0x1fd: {  	p0 =	sne.s32 s15, $0xF0;
	v4 =	vld [tilespmem:s14+$0x0]  }
0x1fe: {  	v5 =	vld [tilespmem:s13+$0x9580]  }
0x1ff: {  	v6 =	vld [tilespmem:s13+$0x9680]  }
0x200: {  	v7 =	vld [tilespmem:s13+$0x9780]  }
0x201: {  	v8 =	vld [tilespmem:s13+$0x9880]  }
0x202: {  	v3 =	vadd.s32 v4, v3;
	v4 =	vld [tilespmem:s13+$0x9980]  }
0x203: {  	v3 =	vadd.s32 v5, v3;
	v5 =	vld [tilespmem:s13+$0x9A80]  }
0x204: {  	v3 =	vadd.s32 v6, v3;
	v6 =	vld [tilespmem:s13+$0x9B80]  }
0x205: {  	v3 =	vadd.s32 v7, v3;
	v7 =	vld [tilespmem:s13+$0x9C80]  }
0x206: {  	v3 =	vadd.s32 v8, v3;
	v8 =	vld [tilespmem:s13+$0x9D80]  }
0x207: {  	v3 =	vadd.s32 v4, v3;
	v4 =	vld [tilespmem:s13+$0x9E80]  }
0x208: {  	v3 =	vadd.s32 v5, v3;
	v5 =	vld [tilespmem:s13+$0x9F80]  }
0x209: {  	v3 =	vadd.s32 v6, v3;
	v6 =	vld [tilespmem:s13+$0xA080]  }
0x20a: {  	v3 =	vadd.s32 v7, v3;
	v7 =	vld [tilespmem:s13+$0xA180];
	s16 =	spop (v2sf)  }
0x20b: {  	v3 =	vadd.s32 v8, v3;
	v8 =	vld [tilespmem:s13+$0xA280]  }
0x20c: {  	v3 =	vadd.s32 v4, v3  }
0x20d: {  	v3 =	vadd.s32 v5, v3  }
0x20e: {  	v3 =	vadd.s32 v6, v3  }
0x20f: {  	v3 =	vadd.s32 v7, v3  }
0x210: {  	s8 =	sadd.s32 $0x10, s8;
	v3 =	vadd.s32 v8, v3  }
0x211: {  	[tilespmem:s8+$0x0] =	vst v3;
	(xrf0) =	vadd.scan.msk.s32 $0xffff, v3;
	_ =	sdelay $0x4  }
.Ltmp7:
0x212: {  	(pc) =	sbr.rel @p0 .LBB2_15-.Ltmp7, $4  }
0x213: {  	v3, _, _ =	vpop (xrf0)  }
0x214: {  	s10 =	sadd.s32 $0x10, s10;
	v3 =	vadd.s32 s16, v3  }
0x215: {  	s13 =	sand.u32 $0xF0, s15;
	[tilespmem:s10+$0x0] =	vst v3;
	(v2sf) =	vpush v3, $0xF  }
0x216: {  	s14 =	sadd.s32 $0x10, s14;
	s15 =	sadd.s32 $0x10, s15;
	v3 =	vld [tilespmem:s13+$0x9480]  }
0x217: {  	v4 =	vld [tilespmem:s14+$0x0]  }
0x218: {  	v5 =	vld [tilespmem:s13+$0x9580]  }
0x219: {  	v6 =	vld [tilespmem:s13+$0x9680]  }
0x21a: {  	v7 =	vld [tilespmem:s13+$0x9780]  }
0x21b: {  	v8 =	vld [tilespmem:s13+$0x9880]  }
0x21c: {  	v3 =	vadd.s32 v4, v3;
	v4 =	vld [tilespmem:s13+$0x9980]  }
0x21d: {  	v3 =	vadd.s32 v5, v3;
	v5 =	vld [tilespmem:s13+$0x9A80]  }
0x21e: {  	v3 =	vadd.s32 v6, v3;
	v6 =	vld [tilespmem:s13+$0x9B80]  }
0x21f: {  	v3 =	vadd.s32 v7, v3;
	v7 =	vld [tilespmem:s13+$0x9C80]  }
0x220: {  	v62 =	vld [tilespmem:s13+$0x9D80];
	v3 =	vadd.s32 v8, v3  }
0x221: {  	v3 =	vadd.s32 v4, v3;
	v4 =	vld [tilespmem:s13+$0x9E80]  }
0x222: {  	v3 =	vadd.s32 v5, v3;
	v5 =	vld [tilespmem:s13+$0x9F80]  }
0x223: {  	v3 =	vadd.s32 v6, v3;
	v6 =	vld [tilespmem:s13+$0xA080]  }
0x224: {  	v3 =	vadd.s32 v7, v3;
	v7 =	vld [tilespmem:s13+$0xA180]  }
0x225: {  	v63 =	vld [tilespmem:s13+$0xA280];
	v3 =	vadd.s32 v62, v3  }
0x226: {  	v3 =	vadd.s32 v4, v3  }
0x227: {  	v3 =	vadd.s32 v5, v3  }
0x228: {  	v3 =	vadd.s32 v6, v3  }
0x229: {  	v3 =	vadd.s32 v7, v3  }
0x22a: {  	v3 =	vadd.s32 v63, v3  }
0x22b: {  	(xrf0) =	vadd.scan.msk.s32 $0xffff, v3;
	_ =	sdelay $0x5  }
0x22c: {  	s18 =	spop (v2sf);
	v4, _, _ =	vpop (xrf0)  }
0x22d: {  	v4 =	vadd.s32 s18, v4  }
0x22e: {  	(v2sf) =	vpush v4, $0xF  }
0x22f: {  	(v2sf) =	vpush v2, $0x0;
	_ =	sdelay $0xb  }
0x230: {  	s8 =	sadd.s32 $0x10, s8  }
0x231: {  	s19 =	sadd.s32 $0x10, s10;
	[tilespmem:s8+$0x0] =	vst v3  }
0x232: {  	s20 =	simm.s32 $0x9180;
	[tilespmem:s19+$0x0] =	vst v4;
	s8 =	spop (v2sf)  }
0x233: {  	v4 =	vld [tilespmem:s20+$0x0];
	s21 =	spop (v2sf)  }
0x234: {  	s7 =	ssub.s32 s7, s21  }
0x235: {  	s14 =	ssub.s32 $0x6666, s7  }
0x236: {  	v3 =	vlaneseq.u32;
	s22 =	ssub.s32 s8, s14  }
0x237: {  	s23 =	simm.s32 $0x0;
	v3 =	vor.u32 $0x80000000, v3;
	v2 =	vmov s22  }
0x238: {  	vm0 =	vgt.s32 v4, v2;
	v4 =	vor.u32 s23, v3  }
0x239: {  	v4 =	vnsel vm0, $0x80000100, v4  }
0x23a: {  	(xrf0) =	vmin.scan.msk.u32 $0xffff, v4;
	_ =	sdelay $0x4  }
0x23b: {  	s24 =	simm.s32 $0x9190  }
0x23c: {  	s25 =	simm.s32 $0x91A0;
	v5 =	vld [tilespmem:s24+$0x0];
	v4, _, _ =	vpop (xrf0)  }
0x23d: {  	(v2sf) =	vpush v4, $0xF;
	v4 =	vld [tilespmem:s25+$0x0];
	_ =	sdelay $0x2  }
0x23e: {  	s26 =	simm.s32 $0x10  }
0x23f: {  	s28 =	simm.s32 $0x20;
	vm0 =	vgt.s32 v5, v2;
	v5 =	vor.u32 s26, v3  }
0x240: {  	v5 =	vnsel vm0, $0x80000100, v5;
	vm0 =	vgt.s32 v4, v2;
	v4 =	vor.u32 s28, v3  }
0x241: {  	(xrf0) =	vmin.scan.msk.u32 $0xffff, v5;
	v4 =	vnsel vm0, $0x80000100, v4  }
0x242: {  	(xrf0) =	vmin.scan.msk.u32 $0xffff, v4;
	_ =	sdelay $0x3  }
0x243: {  	s29 =	simm.s32 $0x91B0  }
0x244: {  	v5 =	vld [tilespmem:s29+$0x0];
	v6, _, _ =	vpop (xrf0)  }
0x245: {  	(v2sf) =	vpush v6, $0xF;
	v6, _, _ =	vpop (xrf0)  }
0x246: {  	(v2sf) =	vpush v6, $0xF;
	_ =	sdelay $0x1  }
0x247: {  	s30 =	simm.s32 $0x91C0;
	s31 =	simm.s32 $0x30  }
0x248: {  	vm0 =	vgt.s32 v5, v2;
	v5 =	vor.u32 s31, v3;
	v4 =	vld [tilespmem:s30+$0x0]  }
0x249: {  	v5 =	vnsel vm0, $0x80000100, v5  }
0x24a: {  	(xrf0) =	vmin.scan.msk.u32 $0xffff, v5;
	_ =	sdelay $0x1  }
0x24b: {  	s10 =	simm.s32 $0x100;
	s15 =	simm.s32 $0x40  }
0x24c: {  	s13 =	simm.s32 $0x50;
	vm0 =	vgt.s32 v4, v2;
	v4 =	vor.u32 s15, v3;
	s15 =	simm.s32 $0x91D0;
	s16 =	spop (v2sf)  }
.LBB2_17:
0x24d: {  	s17 =	smov.u32 s10;
	p0 =	sne.s32 s13, $0xF0  }
0x24e: {  	v6 =	vnsel vm0, $0x80000100, v4;
	s10 =	sxor.u32 $0x80000000, s16;
	s16 =	smov.u32 s13;
	s13 =	sadd.s32 $0x10, s13;
	v5 =	vld [tilespmem:s15+$0x0]  }
.Ltmp8:
0x24f: {  	p1 =	slt.s32 s17, s10;
	(xrf0) =	vmin.scan.msk.u32 $0xffff, v6;
	v4, _, _ =	vpop (xrf0);
	(pc) =	sbr.rel @p0 .LBB2_17-.Ltmp8, $2  }
0x250: {  	s10 =	smov.u32 @p1 s17;
	(v2sf) =	vpush v4, $0xF;
	_ =	sdelay $0x2  }
0x251: {  	s15 =	sadd.s32 $0x10, s15;
	v4 =	vor.u32 s16, v3;
	vm0 =	vgt.s32 v5, v2;
	s16 =	spop (v2sf)  }
0x252: {  	v2 =	vnsel vm0, $0x80000100, v4  }
0x253: {  	(xrf0) =	vmin.scan.msk.u32 $0xffff, v2;
	_ =	sdelay $0x3  }
0x254: {  	v2, _, _ =	vpop (xrf0)  }
0x255: {  	(v2sf) =	vpush v2, $0xF  }
0x256: {  	v2, _, _ =	vpop (xrf0)  }
0x257: {  	(v2sf) =	vpush v2, $0xF;
	_ =	sdelay $0x7  }
0x258: {  	s13 =	sxor.u32 $0x80000000, s16  }
0x259: {  	s15 =	spop (v2sf);
	p0 =	slt.s32 s10, s13  }
0x25a: {  	s13 =	smov.u32 @p0 s10;
	s10 =	sxor.u32 $0x80000000, s15  }
0x25b: {  	p0 =	slt.s32 s13, s10;
	s22 =	spop (v2sf)  }
0x25c: {  	s10 =	smov.u32 @p0 s13;
	s13 =	sxor.u32 $0x80000000, s22  }
0x25d: {  	p0 =	slt.s32 s10, s13;
	s23 =	spop (v2sf)  }
0x25e: {  	s13 =	smov.u32 @p0 s10;
	s15 =	sxor.u32 $0x80000000, s23  }
0x25f: {  	p0 =	slt.s32 s13, s15;
	s24 =	spop (v2sf)  }
0x260: {  	s15 =	smov.u32 @p0 s13;
	s10 =	sxor.u32 $0x80000000, s24  }
0x261: {  	p0 =	slt.s32 s15, s10  }
0x262: {  	s10 =	smov.u32 @p0 s15  }
0x263: {  	v2 =	vmov s10;
	_ =	sdelay $0x3  }
0x264: {  	s25 =	simm.s32 $0x9180  }
0x265: {  	v3 =	vld.idx.msk [tilespmem:v2+s25+$0x0], $0xffff;
	_ =	sdelay $0x4  }
0x266: {  	(v2sf) =	vpush v3, $0x0;
	_ =	sdelay $0x3  }
0x267: {  	s26 =	sadd.s32 $0x3F, s12  }
0x268: {  	s28 =	sand.u32 $0x3F, s26  }
0x269: {  	s29 =	sshra.s32 s26, $0x1F;
	p6 =	slt.s32 s26, $0x1;
	p1 =	sne.s32 s28, $0x0  }
0x26a: {  	s30 =	sshrl.u32 s29, $0x1A;
	p0 =	por !p6, !p1  }
0x26b: {  	s13 =	sadd.s32 s30, s26;
	s15 =	simm.s32 $0x1;
	p0 =	por !p0, !p0  }
0x26c: {  	s13 =	sshra.s32 s13, $0x6;
	s15 =	simm.s32 @!p0 $0x0  }
0x26d: {  	s13 =	ssub.s32 s13, s15  }
0x26e: {  	p0 =	slt.s32 s13, $0x1  }
.Ltmp9:
0x26f: {  	_ = 	snop;
	(pc) =	sbr.rel @p0 .LBB2_22-.Ltmp9, $3  }
0x270: {  	_ =	sdelay $0x1  }
0x271: {  	s31 =	spop (v2sf)  }
0x272: {  	s15 =	sshll.u32 s5, $0x4;
	s13 =	sshll.u32 s13, $0x2;
	v3 =	vmov s12;
	s8 =	ssub.s32 s8, s31  }
0x273: {  	s17 =	simm.s32 $0x4020  }
0x274: {  	v7 =	vld [tilespmem:s17+$0x0]  }
0x275: {  	v8 =	vld [tilespmem:s17+$0x10]  }
0x276: {  	v6 =	vlaneseq.u32;
	s16 =	simm.s32 $0x0;
	v4 =	vimm.s32 $0x1;
	s18 =	simm.s32 $0x20;
	v9 =	vld [tilespmem:s17+$0xFFFFFFF0]  }
0x277: {  	s30 =	simm.s32 $0x10;
	s31 =	simm.s32 $0x30;
	v5 =	vmul.u32 $0x100, v6;
	v10 =	vld [tilespmem:s17+$0xFFFFFFE0];
	v11 =	vor.u32 s16, v6;
	v12 =	vor.u32 s18, v6  }
0x278: {  	v13 =	vor.u32 s31, v6;
	vm1 =	vlt.s32 v11, v3;
	v11 =	vor.u32 s30, v6  }
0x279: {  	vm2 =	vlt.s32 v12, v3;
	vm0 =	vlt.s32 v13, v3;
	vm3 =	vlt.s32 v11, v3  }
0x27a: {  	v11 =	vxor.u32 $0x7FFFFFFF, v7;
	vm4 =	vlt.s32 v7, $0x0;
	v62 =	vxor.u32 $0x7FFFFFFF, v8  }
0x27b: {  	v63 =	vxor.u32 $0x7FFFFFFF, v9;
	vm5 =	vlt.s32 v9, $0x0;
	vm6 =	vlt.s32 v8, $0x0  }
0x27c: {  	v14 =	vxor.u32 $0x7FFFFFFF, v10;
	vm7 =	vlt.s32 v10, $0x0;
	v11 =	vsel vm4, v11, v7  }
0x27d: {  	v14 =	vsel vm7, v14, v10;
	v13 =	vsel vm5, v63, v9;
	v12 =	vsel vm6, v62, v8  }
0x27e: {  	v15 =	vshrl.u32 v13, $0x10;
	v16 =	vshrl.u32 v11, $0x10;
	v17 =	vshrl.u32 v12, $0x10  }
0x27f: {  	v18 =	vshrl.u32 v14, $0x10;
	vm6 =	vgt.s32 v1, v14;
	v16 =	vand.u32 $0xFF, v16  }
0x280: {  	v17 =	vand.u32 $0xFF, v17;
	v18 =	vand.u32 $0xFF, v18;
	v15 =	vand.u32 $0xFF, v15  }
0x281: {  	v19 =	vsel vm6, v1, v14;
	vm4 =	vlt.s32 v17, v2;
	vm5 =	vlt.s32 v18, v2  }
0x282: {  	vm7 =	vgt.s32 v16, v2;
	vm6 =	vlt.s32 v16, v2;
	vm8 =	vgt.s32 v18, v2  }
0x283: {  	vm9 =	vlt.s32 v15, v2;
	vm5 =	vmand vm1, vm5;
	vm8 =	vmand vm1, vm8  }
0x284: {  	vm6 =	vmand vm2, vm6;
	vm4 =	vmand vm0, vm4;
	v1 =	vsel vm5, v19, v1  }
0x285: {  	vm5 =	vgt.s32 v15, v2;
	v10 =	vnsel vm8, $0x0, v10;
	vm8 =	vmand vm3, vm9  }
0x286: {  	vm10 =	vgt.s32 v1, v13;
	v0 =	vadd.f32 v10, v0;
	vm5 =	vmand vm3, vm5  }
0x287: {  	v19 =	vsel vm10, v1, v13;
	v9 =	vnsel vm5, $0x0, v9;
	vm5 =	vmand vm2, vm7  }
0x288: {  	v13 =	vshrl.u32 v13, $0x8;
	v1 =	vsel vm8, v19, v1;
	v0 =	vadd.f32 v9, v0  }
0x289: {  	v7 =	vnsel vm5, $0x0, v7;
	vm5 =	vgt.s32 v17, v2;
	vm7 =	vgt.s32 v1, v11  }
0x28a: {  	p1 =	sgt.s32 s13, $0x4;
	vm8 =	veq.s32 v17, v2;
	vm5 =	vmand vm0, vm5;
	v9 =	vsel vm7, v1, v11  }
.Ltmp10:
0x28b: {  	v0 =	vadd.f32 v7, v0;
	v7 =	vnsel vm5, $0x0, v8;
	v1 =	vsel vm6, v9, v1;
	(pc) =	sbr.rel @!p1 .LBB2_21-.Ltmp10, $4  }
0x28c: {  	vm5 =	veq.s32 v15, v2;
	v9 =	vshrl.u32 v14, $0x8;
	vm6 =	vgt.s32 v1, v12  }
0x28d: {  	v0 =	vadd.f32 v7, v0;
	v7 =	vshrl.u32 v12, $0x8;
	v10 =	vand.u32 $0xFF, v9  }
0x28e: {  	v9 =	vand.u32 $0xFF, v13;
	v8 =	vsel vm6, v1, v12;
	vm6 =	veq.s32 v18, v2  }
0x28f: {  	s12 =	simm.s32 $0x8080;
	s17 =	simm.s32 $0x4;
	s18 =	simm.s32 $0x4060;
	v1 =	vsel vm4, v8, v1;
	v8 =	vshrl.u32 v11, $0x8;
	vm4 =	veq.s32 v16, v2  }
.LBB2_20:
0x290: {  	v11 =	vld [tilespmem:s18+$0x0];
	vm6 =	vmand vm1, vm6;
	v8 =	vand.u32 $0xFF, v8;
	v7 =	vand.u32 $0xFF, v7  }
0x291: {  	vm7 =	vmand vm3, vm5;
	vm5 =	vmand vm2, vm4;
	vm4 =	vmand vm0, vm8;
	s16 =	sadd.s32 $0x40, s16;
	v12 =	vld [tilespmem:s18+$0x10]  }
0x292: {  	v10 =	vor.u32 v5, v10;
	v9 =	vor.u32 v5, v9;
	s19 =	sadd.s32 $0x20, s16;
	v8 =	vor.u32 v5, v8;
	v13 =	vld [tilespmem:s18+$0xFFFFFFF0]  }
0x293: {  	v15 =	vor.u32 s16, v6;
	s20 =	sadd.s32 $0x10, s16;
	v7 =	vor.u32 v5, v7;
	v16 =	vor.u32 s19, v6;
	s19 =	sadd.s32 $0x30, s16;
	v14 =	vld [tilespmem:s18+$0xFFFFFFE0]  }
0x294: {  	s17 =	sadd.s32 $0x4, s17;
	vm1 =	vlt.s32 v15, v3;
	v15 =	vor.u32 s20, v6;
	v17 =	vor.u32 s19, v6  }
0x295: {  	p1 =	slt.s32 s17, s13;
	vm3 =	vlt.s32 v15, v3;
	vm2 =	vlt.s32 v16, v3;
	vm0 =	vlt.s32 v17, v3  }
0x296: {  	v15 =	vxor.u32 $0x7FFFFFFF, v11;
	vm8 =	vlt.s32 v11, $0x0;
	v16 =	vxor.u32 $0x7FFFFFFF, v12  }
0x297: {  	vm10 =	vlt.s32 v12, $0x0;
	v17 =	vxor.u32 $0x7FFFFFFF, v13;
	vm9 =	vlt.s32 v13, $0x0;
	[tilespmem:v10+s12+$0x0] =	vst.idx.add.s32.msk vm6, v4  }
0x298: {  	v15 =	vsel vm8, v15, v11;
	v10 =	vxor.u32 $0x7FFFFFFF, v14;
	vm6 =	vlt.s32 v14, $0x0;
	[tilespmem:v9+s12+$0x0] =	vst.idx.add.s32.msk vm7, v4  }
0x299: {  	v16 =	vsel vm10, v16, v12;
	v9 =	vsel vm6, v10, v14;
	v10 =	vsel vm9, v17, v13  }
0x29a: {  	v18 =	vshrl.u32 v15, $0x10;
	v19 =	vshrl.u32 v16, $0x10;
	v17 =	vshrl.u32 v10, $0x10;
	[tilespmem:v8+s12+$0x0] =	vst.idx.add.s32.msk vm5, v4  }
0x29b: {  	v18 =	vand.u32 $0xFF, v18;
	v19 =	vand.u32 $0xFF, v19;
	v8 =	vshrl.u32 v9, $0x10;
	[tilespmem:v7+s12+$0x0] =	vst.idx.add.s32.msk vm4, v4  }
0x29c: {  	v20 =	vand.u32 $0xFF, v8;
	v17 =	vand.u32 $0xFF, v17;
	vm4 =	vlt.s32 v19, v2  }
0x29d: {  	vm7 =	vgt.s32 v18, v2;
	vm6 =	vgt.s32 v1, v9;
	vm5 =	vlt.s32 v20, v2  }
0x29e: {  	v7 =	vsel vm6, v1, v9;
	vm6 =	vlt.s32 v18, v2;
	vm5 =	vmand vm1, vm5  }
0x29f: {  	vm8 =	vgt.s32 v20, v2;
	v1 =	vsel vm5, v7, v1;
	vm5 =	vgt.s32 v17, v2  }
0x2a0: {  	vm9 =	vlt.s32 v17, v2;
	vm8 =	vmand vm1, vm8;
	vm10 =	vgt.s32 v1, v10  }
0x2a1: {  	v7 =	vnsel vm8, $0x0, v14;
	vm8 =	vmand vm3, vm9;
	v8 =	vsel vm10, v1, v10  }
0x2a2: {  	v0 =	vadd.f32 v7, v0;
	vm5 =	vmand vm3, vm5;
	v1 =	vsel vm8, v8, v1  }
0x2a3: {  	v7 =	vnsel vm5, $0x0, v13;
	vm5 =	vmand vm2, vm7;
	vm7 =	vgt.s32 v1, v15  }
0x2a4: {  	vm6 =	vmand vm2, vm6;
	v0 =	vadd.f32 v7, v0;
	v7 =	vsel vm7, v1, v15  }
0x2a5: {  	v8 =	vnsel vm5, $0x0, v11;
	vm5 =	vgt.s32 v19, v2;
	v1 =	vsel vm6, v7, v1  }
0x2a6: {  	vm5 =	vmand vm0, vm5;
	v0 =	vadd.f32 v8, v0;
	vm6 =	vgt.s32 v1, v16  }
.Ltmp11:
0x2a7: {  	vm4 =	vmand vm0, vm4;
	v7 =	vnsel vm5, $0x0, v12;
	v8 =	vsel vm6, v1, v16;
	(pc) =	sbr.rel @p1 .LBB2_20-.Ltmp11, $4  }
0x2a8: {  	v9 =	vshrl.u32 v9, $0x8;
	v0 =	vadd.f32 v7, v0;
	v1 =	vsel vm4, v8, v1  }
0x2a9: {  	v11 =	vshrl.u32 v10, $0x8;
	v7 =	vshrl.u32 v16, $0x8;
	v8 =	vshrl.u32 v15, $0x8  }
0x2aa: {  	vm5 =	veq.s32 v17, v2;
	vm6 =	veq.s32 v20, v2;
	vm4 =	veq.s32 v18, v2  }
0x2ab: {  	s18 =	sadd.s32 $0x40, s18;
	v10 =	vand.u32 $0xFF, v9;
	vm8 =	veq.s32 v19, v2;
	v9 =	vand.u32 $0xFF, v11  }
.LBB2_21:
0x2ac: {  	vm1 =	vmand vm1, vm6  }
0x2ad: {  	vm3 =	vmand vm3, vm5;
	v6 =	vor.u32 v5, v10  }
0x2ae: {  	v8 =	vand.u32 $0xFF, v8;
	vm2 =	vmand vm2, vm4;
	v9 =	vor.u32 v5, v9  }
0x2af: {  	v7 =	vand.u32 $0xFF, v7;
	vm0 =	vmand vm0, vm8;
	v8 =	vor.u32 v5, v8  }
0x2b0: {  	v5 =	vor.u32 v5, v7;
	_ =	sdelay $0x1  }
0x2b1: {  	[tilespmem:v6+s12+$0x0] =	vst.idx.add.s32.msk vm1, v4  }
0x2b2: {  	[tilespmem:v9+s12+$0x0] =	vst.idx.add.s32.msk vm3, v4  }
0x2b3: {  	[tilespmem:v8+s12+$0x0] =	vst.idx.add.s32.msk vm2, v4  }
0x2b4: {  	[tilespmem:v5+s12+$0x0] =	vst.idx.add.s32.msk vm0, v4  }
.LBB2_22:
0x2b5: {  	s16 =	ssub.s32 s14, s8;
	s14 =	simm.s32 $0x8890  }
0x2b6: {  	v5 =	vld [tilespmem:s14+$0xFFFFF7F0]  }
0x2b7: {  	v12 =	vld [tilespmem:s14+$0xFFFFF800]  }
0x2b8: {  	v14 =	vld [tilespmem:s14+$0xFFFFF900]  }
0x2b9: {  	v16 =	vld [tilespmem:s14+$0xFFFFFA00]  }
0x2ba: {  	v4 =	vimm.s32 $0x0;
	v17 =	vld [tilespmem:s14+$0xFFFFFB00]  }
0x2bb: {  	[tilespmem:s14+$0xFFFFF7F0] =	vst v4;
	v18 =	vld [tilespmem:s14+$0xFFFFFC00]  }
0x2bc: {  	[tilespmem:s14+$0xFFFFF800] =	vst v4;
	v19 =	vld [tilespmem:s14+$0xFFFFFD00]  }
0x2bd: {  	[tilespmem:s14+$0xFFFFF900] =	vst v4;
	v21 =	vld [tilespmem:s14+$0xFFFFFE00]  }
0x2be: {  	[tilespmem:s14+$0xFFFFFA00] =	vst v4;
	v23 =	vld [tilespmem:s14+$0xFFFFFF00]  }
0x2bf: {  	s20 =	simm.s32 $0x0;
	[tilespmem:s14+$0xFFFFFB00] =	vst v4;
	v61 =	vld [tilespmem:s14+$0x300]  }
0x2c0: {  	s20 =	sand.u32 $0xE0, s20;
	[tilespmem:s14+$0xFFFFFC00] =	vst v4;
	v63 =	vld [tilespmem:s14+$0x400]  }
0x2c1: {  	[tilespmem:s14+$0xFFFFFD00] =	vst v4;
	v6 =	vld [tilespmem:s20+$0x8180]  }
0x2c2: {  	[tilespmem:s14+$0xFFFFFE00] =	vst v4;
	v7 =	vld [tilespmem:s20+$0x8280]  }
0x2c3: {  	[tilespmem:s14+$0xFFFFFF00] =	vst v4;
	v8 =	vld [tilespmem:s20+$0x8380]  }
0x2c4: {  	[tilespmem:s14+$0x300] =	vst v4;
	v9 =	vld [tilespmem:s20+$0x8480]  }
0x2c5: {  	[tilespmem:s14+$0x400] =	vst v4;
	v10 =	vld [tilespmem:s20+$0x8580]  }
0x2c6: {  	v11 =	vld [tilespmem:s20+$0x8680];
	[tilespmem:s20+$0x8180] =	vst v4  }
0x2c7: {  	v13 =	vld [tilespmem:s20+$0x8780];
	[tilespmem:s20+$0x8280] =	vst v4  }
0x2c8: {  	v15 =	vld [tilespmem:s20+$0x8880];
	[tilespmem:s20+$0x8380] =	vst v4;
	v5 =	vadd.s32 v5, v6  }
0x2c9: {  	[tilespmem:s20+$0x8480] =	vst v4;
	v20 =	vld [tilespmem:s20+$0x8980];
	v5 =	vadd.s32 v7, v5  }
0x2ca: {  	[tilespmem:s20+$0x8580] =	vst v4;
	v22 =	vld [tilespmem:s20+$0x8A80];
	v5 =	vadd.s32 v8, v5  }
0x2cb: {  	[tilespmem:s20+$0x8680] =	vst v4;
	v60 =	vld [tilespmem:s20+$0x8E80];
	v5 =	vadd.s32 v9, v5  }
0x2cc: {  	[tilespmem:s20+$0x8780] =	vst v4;
	v62 =	vld [tilespmem:s20+$0x8F80];
	v5 =	vadd.s32 v10, v5  }
0x2cd: {  	[tilespmem:s20+$0x8880] =	vst v4;
	v6 =	vld [tilespmem:s20+$0x8B80];
	v5 =	vadd.s32 v11, v5  }
0x2ce: {  	[tilespmem:s20+$0x8980] =	vst v4;
	v12 =	vadd.s32 v12, v14;
	v8 =	vld [tilespmem:s20+$0x8C80];
	v5 =	vadd.s32 v13, v5  }
0x2cf: {  	[tilespmem:s20+$0x8A80] =	vst v4;
	v12 =	vadd.s32 v16, v12;
	v10 =	vld [tilespmem:s20+$0x8D80];
	v5 =	vadd.s32 v15, v5  }
0x2d0: {  	[tilespmem:s20+$0x8E80] =	vst v4;
	v7 =	vld [tilespmem:s14+$0x0];
	v12 =	vadd.s32 v17, v12;
	v5 =	vadd.s32 v20, v5  }
0x2d1: {  	[tilespmem:s20+$0x8F80] =	vst v4;
	v12 =	vadd.s32 v18, v12;
	v9 =	vld [tilespmem:s14+$0x100];
	v5 =	vadd.s32 v22, v5  }
0x2d2: {  	[tilespmem:s20+$0x8B80] =	vst v4;
	v11 =	vld [tilespmem:s14+$0x200];
	v5 =	vadd.s32 v6, v5;
	v6 =	vadd.s32 v19, v12  }
0x2d3: {  	[tilespmem:s14+$0x0] =	vst v4;
	v8 =	vadd.s32 v8, v5;
	v6 =	vadd.s32 v21, v6  }
0x2d4: {  	[tilespmem:s20+$0x8C80] =	vst v4;
	v8 =	vadd.s32 v10, v8;
	v6 =	vadd.s32 v23, v6  }
0x2d5: {  	s19 =	sadd.s32 $0x100, s11;
	s18 =	sadd.s32 $0x100, s9;
	[tilespmem:s14+$0x100] =	vst v4;
	v5 =	vld [tilespmem:s14+$0x500];
	v8 =	vadd.s32 v60, v8;
	v7 =	vadd.s32 v7, v6  }
0x2d6: {  	s12 =	sadd.s32 $0x180, s11;
	s11 =	sadd.s32 $0x180, s9;
	s9 =	simm.s32 $0x9090;
	[tilespmem:s20+$0x8D80] =	vst v4;
	v6 =	vld [tilespmem:s14+$0x600];
	v8 =	vadd.s32 v62, v8;
	v7 =	vadd.s32 v9, v7  }
0x2d7: {  	[tilespmem:s9+$0xFFFFFFF0] =	vst v8;
	v8 =	vadd.s32 v11, v7;
	v7 =	vld [tilespmem:s14+$0x700]  }
0x2d8: {  	s17 =	sadd.s32 s15, s4;
	s15 =	sadd.s32 s15, s3;
	[tilespmem:s14+$0x200] =	vst v4;
	v8 =	vadd.s32 v61, v8  }
0x2d9: {  	s21 =	simm.s32 $0x88B0;
	s22 =	simm.s32 $0x20;
	s20 =	simm.s32 $0x0;
	[tilespmem:s14+$0x500] =	vst v4;
	v8 =	vadd.s32 v63, v8  }
.LBB2_23:
0x2da: {  	v9 =	vld [tilespmem:s21+$0xFFFFF7F0];
	[tilespmem:s21+$0xFFFFF7F0] =	vst v4;
	s23 =	sand.u32 $0xE0, s22;
	s20 =	sadd.s32 $0x2, s20;
	v5 =	vadd.s32 v5, v8  }
0x2db: {  	v8 =	vld [tilespmem:s23+$0x8180];
	[tilespmem:s23+$0x8180] =	vst v4;
	p1 =	slt.u32 s20, $0xE;
	v5 =	vadd.s32 v6, v5  }
0x2dc: {  	v6 =	vld [tilespmem:s23+$0x8280];
	[tilespmem:s23+$0x8280] =	vst v4;
	v5 =	vadd.s32 v7, v5  }
0x2dd: {  	v7 =	vld [tilespmem:s23+$0x8380];
	[tilespmem:s23+$0x8380] =	vst v4  }
0x2de: {  	v10 =	vld [tilespmem:s23+$0x8480];
	[tilespmem:s23+$0x8480] =	vst v4  }
0x2df: {  	v11 =	vld [tilespmem:s23+$0x8580];
	[tilespmem:s23+$0x8580] =	vst v4  }
0x2e0: {  	v8 =	vadd.s32 v9, v8;
	v9 =	vld [tilespmem:s23+$0x8680];
	[tilespmem:s23+$0x8680] =	vst v4  }
0x2e1: {  	v6 =	vadd.s32 v6, v8;
	v8 =	vld [tilespmem:s23+$0x8780];
	[tilespmem:s23+$0x8780] =	vst v4  }
0x2e2: {  	v6 =	vadd.s32 v7, v6;
	v7 =	vld [tilespmem:s23+$0x8880];
	[tilespmem:s23+$0x8880] =	vst v4  }
0x2e3: {  	v6 =	vadd.s32 v10, v6;
	v10 =	vld [tilespmem:s23+$0x8980];
	[tilespmem:s23+$0x8980] =	vst v4  }
0x2e4: {  	v6 =	vadd.s32 v11, v6;
	v11 =	vld [tilespmem:s23+$0x8A80];
	[tilespmem:s23+$0x8A80] =	vst v4  }
0x2e5: {  	v6 =	vadd.s32 v9, v6;
	v9 =	vld [tilespmem:s23+$0x8B80];
	[tilespmem:s23+$0x8B80] =	vst v4  }
0x2e6: {  	v6 =	vadd.s32 v8, v6;
	v8 =	vld [tilespmem:s23+$0x8C80];
	[tilespmem:s23+$0x8C80] =	vst v4  }
0x2e7: {  	v6 =	vadd.s32 v7, v6;
	v7 =	vld [tilespmem:s23+$0x8D80];
	[tilespmem:s14+$0x600] =	vst v4  }
0x2e8: {  	v6 =	vadd.s32 v10, v6;
	v10 =	vld [tilespmem:s23+$0x8E80];
	[tilespmem:s14+$0x700] =	vst v4;
	s14 =	smov.u32 s21  }
0x2e9: {  	v6 =	vadd.s32 v11, v6;
	v11 =	vld [tilespmem:s23+$0x8F80];
	[tilespmem:s9+$0x0] =	vst v5  }
0x2ea: {  	v5 =	vadd.s32 v9, v6;
	v6 =	vld [tilespmem:s21+$0xFFFFF800];
	[tilespmem:s21+$0xFFFFF800] =	vst v4  }
0x2eb: {  	v5 =	vadd.s32 v8, v5;
	v8 =	vld [tilespmem:s21+$0xFFFFF900];
	[tilespmem:s21+$0xFFFFF900] =	vst v4  }
0x2ec: {  	v5 =	vadd.s32 v7, v5;
	[tilespmem:s23+$0x8D80] =	vst v4;
	v7 =	vld [tilespmem:s21+$0xFFFFFA00]  }
0x2ed: {  	v5 =	vadd.s32 v10, v5;
	[tilespmem:s23+$0x8E80] =	vst v4;
	v9 =	vld [tilespmem:s21+$0xFFFFFB00]  }
0x2ee: {  	s9 =	sadd.s32 $0x20, s9;
	v5 =	vadd.s32 v11, v5;
	[tilespmem:s23+$0x8F80] =	vst v4;
	v10 =	vld [tilespmem:s21+$0xFFFFFC00]  }
0x2ef: {  	[tilespmem:s9+$0xFFFFFFF0] =	vst v5;
	v5 =	vld [tilespmem:s21+$0xFFFFFD00]  }
0x2f0: {  	v6 =	vadd.s32 v6, v8;
	[tilespmem:s21+$0xFFFFFA00] =	vst v4;
	v8 =	vld [tilespmem:s21+$0xFFFFFE00]  }
0x2f1: {  	v6 =	vadd.s32 v7, v6;
	[tilespmem:s21+$0xFFFFFB00] =	vst v4;
	v7 =	vld [tilespmem:s21+$0xFFFFFF00]  }
0x2f2: {  	v6 =	vadd.s32 v9, v6;
	[tilespmem:s21+$0xFFFFFC00] =	vst v4;
	v9 =	vld [tilespmem:s21+$0x0]  }
0x2f3: {  	v6 =	vadd.s32 v10, v6;
	[tilespmem:s21+$0xFFFFFD00] =	vst v4;
	v10 =	vld [tilespmem:s21+$0x100]  }
0x2f4: {  	v5 =	vadd.s32 v5, v6;
	[tilespmem:s21+$0xFFFFFE00] =	vst v4;
	v11 =	vld [tilespmem:s21+$0x200]  }
0x2f5: {  	v5 =	vadd.s32 v8, v5;
	[tilespmem:s21+$0xFFFFFF00] =	vst v4;
	v8 =	vld [tilespmem:s21+$0x300]  }
0x2f6: {  	v5 =	vadd.s32 v7, v5;
	[tilespmem:s21+$0x0] =	vst v4;
	v12 =	vld [tilespmem:s21+$0x400]  }
.Ltmp12:
0x2f7: {  	v6 =	vadd.s32 v9, v5;
	[tilespmem:s21+$0x100] =	vst v4;
	v5 =	vld [tilespmem:s21+$0x500];
	(pc) =	sbr.rel @p1 .LBB2_23-.Ltmp12, $4  }
0x2f8: {  	v7 =	vadd.s32 v10, v6;
	[tilespmem:s21+$0x200] =	vst v4;
	v6 =	vld [tilespmem:s21+$0x600]  }
0x2f9: {  	v9 =	vadd.s32 v11, v7;
	[tilespmem:s21+$0x300] =	vst v4;
	v7 =	vld [tilespmem:s21+$0x700]  }
0x2fa: {  	v8 =	vadd.s32 v8, v9;
	[tilespmem:s21+$0x400] =	vst v4  }
0x2fb: {  	s22 =	sadd.s32 $0x20, s22;
	s21 =	sadd.s32 $0x20, s21;
	v8 =	vadd.s32 v12, v8;
	[tilespmem:s14+$0x500] =	vst v4  }
0x2fc: {  	v5 =	vadd.s32 v5, v8  }
0x2fd: {  	[tilespmem:s14+$0x600] =	vst v4;
	v5 =	vadd.s32 v6, v5  }
0x2fe: {  	[tilespmem:s14+$0x700] =	vst v4;
	s24 =	simm.s32 $0x80;
	v5 =	vadd.s32 v7, v5  }
0x2ff: {  	s25 =	simm.s32 $0x200;
	s20 =	simm.s32 $0x9080;
	s26 =	simm.s32 $0x2;
	[tilespmem:s9+$0x0] =	vst v5  }
0x300: {  	[spmem:s19] =	stream.strided.scatter [tilespmem:s20], [sflag:$0x2], $0x100, s25, s24, $0x38;
	[tilespmem:$0xABA0] =	vst v63  }
0x301: {  	_ =	swait.ge [sflag:s26], $0x100  }
0x302: {  	[sflag:s26] =	ssyncset.done $0x0  }
0x303: {  	[sflag:s26] =	ssyncadd.s32 $0xFFFFFF00  }
0x304: {  	s28 =	simm.s32 $0x9380;
	[bflag:$0x0] =	sbarrier.arrive $0xFFFF  }
0x305: {  	[tilespmem:s28], [sflag:$0x2] =	stream.strided.gather [spmem:s18], $0x1000, s25, s24, $0x38;
	[tilespmem:$0xABA0] =	vst v63  }
0x306: {  	_ =	swait.ge [sflag:s26], $0x1000  }
0x307: {  	s29 =	simm.s32 $0x0;
	[sflag:s26] =	ssyncset.done $0x0  }
0x308: {  	s30 =	sand.u32 $0xF0, s29;
	[sflag:s26] =	ssyncadd.s32 $0xFFFFF000  }
0x309: {  	v4 =	vld [tilespmem:s30+$0x9480]  }
0x30a: {  	v5 =	vld [tilespmem:s28+$0x0]  }
0x30b: {  	v6 =	vld [tilespmem:s30+$0x9580]  }
0x30c: {  	v7 =	vld [tilespmem:s30+$0x9680]  }
0x30d: {  	v59 =	vld [tilespmem:s30+$0x9780]  }
0x30e: {  	v9 =	vld [tilespmem:s30+$0x9880]  }
0x30f: {  	v4 =	vadd.s32 v5, v4;
	v5 =	vld [tilespmem:s30+$0x9980]  }
0x310: {  	v4 =	vadd.s32 v6, v4;
	v6 =	vld [tilespmem:s30+$0x9A80]  }
0x311: {  	v4 =	vadd.s32 v7, v4;
	v7 =	vld [tilespmem:s30+$0x9B80]  }
0x312: {  	v60 =	vld [tilespmem:s30+$0x9C80];
	v4 =	vadd.s32 v59, v4  }
0x313: {  	v61 =	vld [tilespmem:s30+$0x9D80];
	v4 =	vadd.s32 v9, v4  }
0x314: {  	v4 =	vadd.s32 v5, v4;
	v5 =	vld [tilespmem:s30+$0x9E80]  }
0x315: {  	v4 =	vadd.s32 v6, v4;
	v6 =	vld [tilespmem:s30+$0x9F80]  }
0x316: {  	v4 =	vadd.s32 v7, v4;
	v7 =	vld [tilespmem:s30+$0xA080]  }
0x317: {  	v62 =	vld [tilespmem:s30+$0xA180];
	v4 =	vadd.s32 v60, v4  }
0x318: {  	v63 =	vld [tilespmem:s30+$0xA280];
	v4 =	vadd.s32 v61, v4  }
0x319: {  	v4 =	vadd.s32 v5, v4  }
0x31a: {  	v4 =	vadd.s32 v6, v4  }
0x31b: {  	v4 =	vadd.s32 v7, v4  }
0x31c: {  	v4 =	vadd.s32 v62, v4  }
0x31d: {  	v4 =	vadd.s32 v63, v4  }
0x31e: {  	(xrf0) =	vadd.scan.msk.s32 $0xffff, v4;
	_ =	sdelay $0x5  }
0x31f: {  	s9 =	simm.s32 $0x9280;
	v5, _, _ =	vpop (xrf0)  }
0x320: {  	s14 =	simm.s32 $0x9180;
	s31 =	simm.s32 $0x10;
	[tilespmem:s9+$0x0] =	vst v4;
	v4 =	vadd.s32 s29, v5  }
0x321: {  	s18 =	sand.u32 $0xF0, s31;
	[tilespmem:s14+$0x0] =	vst v4;
	(v2sf) =	vpush v4, $0xF  }
0x322: {  	s20 =	simm.s32 $0x20;
	s19 =	simm.s32 $0x9390;
	v4 =	vld [tilespmem:s18+$0x9480]  }
.LBB2_25:
0x323: {  	p1 =	sne.s32 s20, $0xF0;
	v5 =	vld [tilespmem:s19+$0x0]  }
0x324: {  	v6 =	vld [tilespmem:s18+$0x9580]  }
0x325: {  	v7 =	vld [tilespmem:s18+$0x9680]  }
0x326: {  	v8 =	vld [tilespmem:s18+$0x9780]  }
0x327: {  	v9 =	vld [tilespmem:s18+$0x9880]  }
0x328: {  	v4 =	vadd.s32 v5, v4;
	v5 =	vld [tilespmem:s18+$0x9980]  }
0x329: {  	v4 =	vadd.s32 v6, v4;
	v6 =	vld [tilespmem:s18+$0x9A80]  }
0x32a: {  	v4 =	vadd.s32 v7, v4;
	v7 =	vld [tilespmem:s18+$0x9B80]  }
0x32b: {  	v4 =	vadd.s32 v8, v4;
	v8 =	vld [tilespmem:s18+$0x9C80]  }
0x32c: {  	v4 =	vadd.s32 v9, v4;
	v9 =	vld [tilespmem:s18+$0x9D80]  }
0x32d: {  	v4 =	vadd.s32 v5, v4;
	v5 =	vld [tilespmem:s18+$0x9E80]  }
0x32e: {  	v4 =	vadd.s32 v6, v4;
	v6 =	vld [tilespmem:s18+$0x9F80]  }
0x32f: {  	v4 =	vadd.s32 v7, v4;
	v7 =	vld [tilespmem:s18+$0xA080]  }
0x330: {  	v4 =	vadd.s32 v8, v4;
	v8 =	vld [tilespmem:s18+$0xA180];
	s21 =	spop (v2sf)  }
0x331: {  	v4 =	vadd.s32 v9, v4;
	v9 =	vld [tilespmem:s18+$0xA280]  }
0x332: {  	v4 =	vadd.s32 v5, v4  }
0x333: {  	v4 =	vadd.s32 v6, v4  }
0x334: {  	v4 =	vadd.s32 v7, v4  }
0x335: {  	v4 =	vadd.s32 v8, v4  }
0x336: {  	s9 =	sadd.s32 $0x10, s9;
	v4 =	vadd.s32 v9, v4  }
0x337: {  	[tilespmem:s9+$0x0] =	vst v4;
	(xrf0) =	vadd.scan.msk.s32 $0xffff, v4;
	_ =	sdelay $0x4  }
.Ltmp13:
0x338: {  	(pc) =	sbr.rel @p1 .LBB2_25-.Ltmp13, $4  }
0x339: {  	v4, _, _ =	vpop (xrf0)  }
0x33a: {  	s14 =	sadd.s32 $0x10, s14;
	v4 =	vadd.s32 s21, v4  }
0x33b: {  	s18 =	sand.u32 $0xF0, s20;
	[tilespmem:s14+$0x0] =	vst v4;
	(v2sf) =	vpush v4, $0xF  }
0x33c: {  	s19 =	sadd.s32 $0x10, s19;
	s20 =	sadd.s32 $0x10, s20;
	v4 =	vld [tilespmem:s18+$0x9480]  }
0x33d: {  	v5 =	vld [tilespmem:s19+$0x0]  }
0x33e: {  	v6 =	vld [tilespmem:s18+$0x9580]  }
0x33f: {  	v7 =	vld [tilespmem:s18+$0x9680]  }
0x340: {  	v8 =	vld [tilespmem:s18+$0x9780]  }
0x341: {  	v9 =	vld [tilespmem:s18+$0x9880]  }
0x342: {  	v4 =	vadd.s32 v5, v4;
	v5 =	vld [tilespmem:s18+$0x9980]  }
0x343: {  	v4 =	vadd.s32 v6, v4;
	v6 =	vld [tilespmem:s18+$0x9A80]  }
0x344: {  	v4 =	vadd.s32 v7, v4;
	v7 =	vld [tilespmem:s18+$0x9B80]  }
0x345: {  	v4 =	vadd.s32 v8, v4;
	v8 =	vld [tilespmem:s18+$0x9C80]  }
0x346: {  	v62 =	vld [tilespmem:s18+$0x9D80];
	v4 =	vadd.s32 v9, v4  }
0x347: {  	v4 =	vadd.s32 v5, v4;
	v5 =	vld [tilespmem:s18+$0x9E80]  }
0x348: {  	v4 =	vadd.s32 v6, v4;
	v6 =	vld [tilespmem:s18+$0x9F80]  }
0x349: {  	v4 =	vadd.s32 v7, v4;
	v7 =	vld [tilespmem:s18+$0xA080]  }
0x34a: {  	v4 =	vadd.s32 v8, v4;
	v8 =	vld [tilespmem:s18+$0xA180]  }
0x34b: {  	v63 =	vld [tilespmem:s18+$0xA280];
	v4 =	vadd.s32 v62, v4  }
0x34c: {  	v4 =	vadd.s32 v5, v4  }
0x34d: {  	v4 =	vadd.s32 v6, v4  }
0x34e: {  	v4 =	vadd.s32 v7, v4  }
0x34f: {  	v4 =	vadd.s32 v8, v4  }
0x350: {  	v4 =	vadd.s32 v63, v4  }
0x351: {  	(xrf0) =	vadd.scan.msk.s32 $0xffff, v4;
	_ =	sdelay $0x5  }
0x352: {  	s31 =	spop (v2sf);
	v5, _, _ =	vpop (xrf0)  }
0x353: {  	v5 =	vadd.s32 s31, v5  }
0x354: {  	(v2sf) =	vpush v5, $0xF;
	_ =	sdelay $0x9  }
0x355: {  	s9 =	sadd.s32 $0x10, s9  }
0x356: {  	s19 =	sadd.s32 $0x10, s14;
	[tilespmem:s9+$0x0] =	vst v4  }
0x357: {  	s20 =	simm.s32 $0x9180;
	[tilespmem:s19+$0x0] =	vst v5  }
0x358: {  	v6 =	vld [tilespmem:s20+$0x0];
	_ =	sdelay $0x1  }
0x359: {  	s9 =	spop (v2sf)  }
0x35a: {  	v5 =	vlaneseq.u32;
	s21 =	ssub.s32 s9, s16  }
0x35b: {  	s22 =	simm.s32 $0x0;
	v5 =	vor.u32 $0x80000000, v5;
	v4 =	vmov s21  }
0x35c: {  	vm0 =	vgt.s32 v6, v4;
	v6 =	vor.u32 s22, v5  }
0x35d: {  	v6 =	vnsel vm0, $0x80000100, v6  }
0x35e: {  	(xrf0) =	vmin.scan.msk.u32 $0xffff, v6;
	_ =	sdelay $0x4  }
0x35f: {  	s23 =	simm.s32 $0x9190  }
0x360: {  	s24 =	simm.s32 $0x91A0;
	v7 =	vld [tilespmem:s23+$0x0];
	v6, _, _ =	vpop (xrf0)  }
0x361: {  	(v2sf) =	vpush v6, $0xF;
	v6 =	vld [tilespmem:s24+$0x0];
	_ =	sdelay $0x2  }
0x362: {  	s25 =	simm.s32 $0x10  }
0x363: {  	s26 =	simm.s32 $0x20;
	vm0 =	vgt.s32 v7, v4;
	v7 =	vor.u32 s25, v5  }
0x364: {  	v7 =	vnsel vm0, $0x80000100, v7;
	vm0 =	vgt.s32 v6, v4;
	v6 =	vor.u32 s26, v5  }
0x365: {  	(xrf0) =	vmin.scan.msk.u32 $0xffff, v7;
	v6 =	vnsel vm0, $0x80000100, v6  }
0x366: {  	(xrf0) =	vmin.scan.msk.u32 $0xffff, v6;
	_ =	sdelay $0x3  }
0x367: {  	s28 =	simm.s32 $0x91B0  }
0x368: {  	v7 =	vld [tilespmem:s28+$0x0];
	v8, _, _ =	vpop (xrf0)  }
0x369: {  	(v2sf) =	vpush v8, $0xF;
	v8, _, _ =	vpop (xrf0)  }
0x36a: {  	(v2sf) =	vpush v8, $0xF;
	_ =	sdelay $0x1  }
0x36b: {  	s29 =	simm.s32 $0x91C0;
	s30 =	simm.s32 $0x30  }
0x36c: {  	vm0 =	vgt.s32 v7, v4;
	v7 =	vor.u32 s30, v5;
	v6 =	vld [tilespmem:s29+$0x0]  }
0x36d: {  	v7 =	vnsel vm0, $0x80000100, v7  }
0x36e: {  	(xrf0) =	vmin.scan.msk.u32 $0xffff, v7;
	_ =	sdelay $0x1  }
0x36f: {  	s14 =	simm.s32 $0x100;
	s31 =	simm.s32 $0x40  }
0x370: {  	s18 =	simm.s32 $0x50;
	s19 =	simm.s32 $0x91D0;
	vm0 =	vgt.s32 v6, v4;
	v6 =	vor.u32 s31, v5;
	s20 =	spop (v2sf)  }
.LBB2_27:
0x371: {  	s21 =	smov.u32 s14;
	p1 =	sne.s32 s18, $0xF0  }
0x372: {  	v8 =	vnsel vm0, $0x80000100, v6;
	s14 =	sxor.u32 $0x80000000, s20;
	s20 =	smov.u32 s18;
	s18 =	sadd.s32 $0x10, s18;
	v7 =	vld [tilespmem:s19+$0x0]  }
.Ltmp14:
0x373: {  	p2 =	slt.s32 s21, s14;
	(xrf0) =	vmin.scan.msk.u32 $0xffff, v8;
	v6, _, _ =	vpop (xrf0);
	(pc) =	sbr.rel @p1 .LBB2_27-.Ltmp14, $2  }
0x374: {  	s14 =	smov.u32 @p2 s21;
	(v2sf) =	vpush v6, $0xF;
	_ =	sdelay $0x2  }
0x375: {  	s19 =	sadd.s32 $0x10, s19;
	v6 =	vor.u32 s20, v5;
	vm0 =	vgt.s32 v7, v4;
	s20 =	spop (v2sf)  }
0x376: {  	v4 =	vnsel vm0, $0x80000100, v6  }
0x377: {  	(xrf0) =	vmin.scan.msk.u32 $0xffff, v4;
	_ =	sdelay $0x3  }
0x378: {  	v4, _, _ =	vpop (xrf0)  }
0x379: {  	(v2sf) =	vpush v4, $0xF  }
0x37a: {  	v4, _, _ =	vpop (xrf0)  }
0x37b: {  	(v2sf) =	vpush v4, $0xF;
	_ =	sdelay $0x7  }
0x37c: {  	s18 =	sxor.u32 $0x80000000, s20  }
0x37d: {  	s19 =	spop (v2sf);
	p1 =	slt.s32 s14, s18  }
0x37e: {  	s18 =	smov.u32 @p1 s14;
	s14 =	sxor.u32 $0x80000000, s19  }
0x37f: {  	p1 =	slt.s32 s18, s14;
	s26 =	spop (v2sf)  }
0x380: {  	s14 =	smov.u32 @p1 s18;
	s18 =	sxor.u32 $0x80000000, s26  }
0x381: {  	p1 =	slt.s32 s14, s18;
	s28 =	spop (v2sf)  }
0x382: {  	s18 =	smov.u32 @p1 s14;
	s19 =	sxor.u32 $0x80000000, s28  }
0x383: {  	p1 =	slt.s32 s18, s19;
	s29 =	spop (v2sf)  }
0x384: {  	s19 =	smov.u32 @p1 s18;
	s14 =	sxor.u32 $0x80000000, s29  }
0x385: {  	p1 =	slt.s32 s19, s14  }
0x386: {  	s14 =	smov.u32 @p1 s19  }
0x387: {  	v6 =	vmov s14;
	_ =	sdelay $0x3  }
0x388: {  	s30 =	simm.s32 $0x9180  }
0x389: {  	v4 =	vld.idx.msk [tilespmem:v6+s30+$0x0], $0xffff;
	_ =	sdelay $0x4  }
0x38a: {  	(v2sf) =	vpush v4, $0x0;
	_ =	sdelay $0xb  }
.Ltmp15:
0x38b: {  	_ = 	snop;
	(pc) =	sbr.rel @p0 .LBB2_32-.Ltmp15, $3  }
0x38c: {  	_ =	sdelay $0x1  }
0x38d: {  	s31 =	spop (v2sf)  }
0x38e: {  	s9 =	ssub.s32 s9, s31  }
0x38f: {  	s20 =	simm.s32 $0x4020  }
0x390: {  	v12 =	vld [tilespmem:s20+$0x0]  }
0x391: {  	v13 =	vld [tilespmem:s20+$0x10]  }
0x392: {  	v7 =	vlaneseq.u32;
	v14 =	vld [tilespmem:s20+$0xFFFFFFF0]  }
0x393: {  	s19 =	simm.s32 $0x0;
	v4 =	vimm.s32 $0x1;
	s31 =	simm.s32 $0x20;
	s21 =	simm.s32 $0x30;
	v5 =	vmul.u32 $0x100, v7;
	v15 =	vld [tilespmem:s20+$0xFFFFFFE0]  }
0x394: {  	s22 =	simm.s32 $0x10;
	v8 =	vor.u32 s19, v7;
	v9 =	vor.u32 s31, v7;
	v10 =	vor.u32 s21, v7  }
0x395: {  	vm0 =	vlt.s32 v8, v3;
	v8 =	vor.u32 s22, v7;
	vm1 =	vlt.s32 v9, v3  }
0x396: {  	vm2 =	vlt.s32 v10, v3;
	vm3 =	vlt.s32 v8, v3;
	v8 =	vxor.u32 $0x7FFFFFFF, v12  }
0x397: {  	vm4 =	vlt.s32 v12, $0x0;
	v10 =	vxor.u32 $0x7FFFFFFF, v13;
	vm5 =	vlt.s32 v13, $0x0  }
0x398: {  	v11 =	vxor.u32 $0x7FFFFFFF, v15;
	v16 =	vxor.u32 $0x7FFFFFFF, v14;
	vm6 =	vlt.s32 v14, $0x0  }
0x399: {  	vm7 =	vlt.s32 v15, $0x0;
	v9 =	vsel vm4, v8, v12;
	v8 =	vsel vm5, v10, v13  }
0x39a: {  	v11 =	vsel vm7, v11, v15;
	v10 =	vsel vm6, v16, v14;
	v59 =	vshrl.u32 v9, $0x8  }
0x39b: {  	v17 =	vshrl.u32 v10, $0x8;
	v18 =	vshrl.u32 v9, $0x10;
	v19 =	vshrl.u32 v8, $0x8  }
0x39c: {  	v20 =	vshrl.u32 v11, $0x8;
	v21 =	vshrl.u32 v10, $0x10;
	v22 =	vshrl.u32 v8, $0x10  }
0x39d: {  	v23 =	vshrl.u32 v11, $0x10;
	vm13 =	vgt.s32 v1, v11;
	v16 =	vand.u32 $0xFF, v59  }
0x39e: {  	v19 =	vand.u32 $0xFF, v19;
	v17 =	vand.u32 $0xFF, v17;
	v18 =	vand.u32 $0xFF, v18  }
0x39f: {  	v22 =	vand.u32 $0xFF, v22;
	v23 =	vand.u32 $0xFF, v23;
	v20 =	vand.u32 $0xFF, v20  }
0x3a0: {  	v21 =	vand.u32 $0xFF, v21;
	v60 =	vsel vm13, v1, v11;
	vm6 =	vgt.s32 v16, v6  }
0x3a1: {  	vm5 =	vgt.s32 v19, v6;
	vm4 =	vlt.s32 v19, v6;
	vm7 =	vgt.s32 v17, v6  }
0x3a2: {  	vm8 =	vlt.s32 v17, v6;
	vm9 =	vlt.s32 v16, v6;
	vm10 =	veq.s32 v23, v2  }
0x3a3: {  	vm11 =	veq.s32 v18, v2;
	vm12 =	veq.s32 v22, v2;
	vm14 =	vgt.s32 v20, v6  }
0x3a4: {  	vm0 =	vmand vm0, vm10;
	vm10 =	vlt.s32 v20, v6;
	vm1 =	vmand vm1, vm11  }
0x3a5: {  	vm2 =	vmand vm2, vm12;
	vm10 =	vmand vm10, vm0;
	vm11 =	vmand vm14, vm0  }
0x3a6: {  	vm6 =	vmand vm6, vm1;
	v1 =	vsel vm10, v60, v1;
	vm10 =	veq.s32 v21, v2  }
0x3a7: {  	vm5 =	vmand vm5, vm2;
	vm3 =	vmand vm3, vm10;
	vm10 =	vgt.s32 v1, v10  }
0x3a8: {  	v15 =	vnsel vm11, $0x0, v15;
	vm8 =	vmand vm8, vm3;
	v18 =	vsel vm10, v1, v10  }
0x3a9: {  	v0 =	vadd.f32 v15, v0;
	vm7 =	vmand vm7, vm3;
	v1 =	vsel vm8, v18, v1  }
0x3aa: {  	p0 =	sgt.s32 s13, $0x4;
	vm4 =	vmand vm4, vm2;
	v14 =	vnsel vm7, $0x0, v14;
	vm7 =	vgt.s32 v1, v9  }
.Ltmp16:
0x3ab: {  	vm8 =	vmand vm9, vm1;
	v0 =	vadd.f32 v14, v0;
	v61 =	vsel vm7, v1, v9;
	(pc) =	sbr.rel @!p0 .LBB2_31-.Ltmp16, $4  }
0x3ac: {  	v12 =	vnsel vm6, $0x0, v12;
	v62 =	vnsel vm5, $0x0, v13;
	v1 =	vsel vm8, v61, v1  }
0x3ad: {  	vm5 =	veq.s32 v16, v6;
	v0 =	vadd.f32 v12, v0;
	vm6 =	vgt.s32 v1, v8  }
0x3ae: {  	vm8 =	veq.s32 v17, v6;
	v63 =	vsel vm6, v1, v8;
	vm6 =	veq.s32 v20, v6  }
0x3af: {  	s18 =	simm.s32 $0x8080;
	s20 =	simm.s32 $0x4;
	s21 =	simm.s32 $0x4060;
	v0 =	vadd.f32 v62, v0;
	v1 =	vsel vm4, v63, v1;
	vm4 =	veq.s32 v19, v6  }
.LBB2_30:
0x3b0: {  	v12 =	vld [tilespmem:s21+$0x0];
	v11 =	vand.u32 $0xFF, v11;
	v10 =	vand.u32 $0xFF, v10;
	v9 =	vand.u32 $0xFF, v9  }
0x3b1: {  	vm7 =	vmand vm6, vm0;
	vm6 =	vmand vm8, vm3;
	v8 =	vand.u32 $0xFF, v8;
	v13 =	vld [tilespmem:s21+$0x10]  }
0x3b2: {  	vm5 =	vmand vm5, vm1;
	vm4 =	vmand vm4, vm2;
	s19 =	sadd.s32 $0x40, s19;
	v11 =	vor.u32 v5, v11;
	v14 =	vld [tilespmem:s21+$0xFFFFFFF0]  }
0x3b3: {  	s22 =	sadd.s32 $0x20, s19;
	s23 =	sadd.s32 $0x30, s19;
	v10 =	vor.u32 v5, v10;
	v16 =	vor.u32 v5, v9;
	v17 =	vor.u32 v5, v8;
	v15 =	vld [tilespmem:s21+$0xFFFFFFE0]  }
0x3b4: {  	v8 =	vor.u32 s19, v7;
	s24 =	sadd.s32 $0x10, s19;
	v9 =	vor.u32 s22, v7;
	v18 =	vor.u32 s23, v7  }
0x3b5: {  	vm0 =	vlt.s32 v8, v3;
	v8 =	vor.u32 s24, v7;
	vm1 =	vlt.s32 v9, v3  }
0x3b6: {  	vm3 =	vlt.s32 v8, v3;
	vm2 =	vlt.s32 v18, v3;
	v8 =	vxor.u32 $0x7FFFFFFF, v12  }
0x3b7: {  	vm8 =	vlt.s32 v12, $0x0;
	v18 =	vxor.u32 $0x7FFFFFFF, v13;
	vm9 =	vlt.s32 v13, $0x0;
	[tilespmem:v11+s18+$0x0] =	vst.idx.add.s32.msk vm7, v4  }
0x3b8: {  	v19 =	vxor.u32 $0x7FFFFFFF, v14;
	vm7 =	vlt.s32 v14, $0x0;
	v11 =	vxor.u32 $0x7FFFFFFF, v15;
	[tilespmem:v10+s18+$0x0] =	vst.idx.add.s32.msk vm6, v4  }
0x3b9: {  	s20 =	sadd.s32 $0x4, s20;
	v9 =	vsel vm8, v8, v12;
	v8 =	vsel vm9, v18, v13;
	vm6 =	vlt.s32 v15, $0x0;
	[tilespmem:v16+s18+$0x0] =	vst.idx.add.s32.msk vm5, v4  }
0x3ba: {  	p0 =	slt.s32 s20, s13;
	v10 =	vsel vm7, v19, v14;
	v11 =	vsel vm6, v11, v15;
	v16 =	vshrl.u32 v9, $0x8;
	[tilespmem:v17+s18+$0x0] =	vst.idx.add.s32.msk vm4, v4  }
0x3bb: {  	v18 =	vshrl.u32 v9, $0x10;
	v19 =	vshrl.u32 v8, $0x8;
	v17 =	vshrl.u32 v10, $0x8  }
0x3bc: {  	v22 =	vshrl.u32 v8, $0x10;
	v21 =	vshrl.u32 v10, $0x10;
	v20 =	vshrl.u32 v11, $0x8  }
0x3bd: {  	v19 =	vand.u32 $0xFF, v19;
	v23 =	vshrl.u32 v11, $0x10;
	v16 =	vand.u32 $0xFF, v16  }
0x3be: {  	v18 =	vand.u32 $0xFF, v18;
	v22 =	vand.u32 $0xFF, v22;
	v17 =	vand.u32 $0xFF, v17  }
0x3bf: {  	v21 =	vand.u32 $0xFF, v21;
	v23 =	vand.u32 $0xFF, v23;
	v20 =	vand.u32 $0xFF, v20  }
0x3c0: {  	vm5 =	vgt.s32 v19, v6;
	vm4 =	vlt.s32 v19, v6;
	vm6 =	vgt.s32 v16, v6  }
0x3c1: {  	vm8 =	vlt.s32 v16, v6;
	vm9 =	vgt.s32 v17, v6;
	vm10 =	vlt.s32 v17, v6  }
0x3c2: {  	vm12 =	veq.s32 v18, v2;
	vm7 =	veq.s32 v22, v2;
	vm11 =	veq.s32 v23, v2  }
0x3c3: {  	vm13 =	vgt.s32 v1, v11;
	vm0 =	vmand vm0, vm11;
	vm11 =	vlt.s32 v20, v6  }
0x3c4: {  	v18 =	vsel vm13, v1, v11;
	vm14 =	vgt.s32 v20, v6;
	vm11 =	vmand vm11, vm0  }
0x3c5: {  	vm1 =	vmand vm1, vm12;
	v1 =	vsel vm11, v18, v1;
	vm11 =	veq.s32 v21, v2  }
0x3c6: {  	vm12 =	vmand vm14, vm0;
	vm3 =	vmand vm3, vm11;
	vm11 =	vgt.s32 v1, v10  }
0x3c7: {  	v15 =	vnsel vm12, $0x0, v15;
	vm10 =	vmand vm10, vm3;
	v18 =	vsel vm11, v1, v10  }
0x3c8: {  	v0 =	vadd.f32 v15, v0;
	vm9 =	vmand vm9, vm3;
	v1 =	vsel vm10, v18, v1  }
0x3c9: {  	vm6 =	vmand vm6, vm1;
	v14 =	vnsel vm9, $0x0, v14;
	vm9 =	vgt.s32 v1, v9  }
0x3ca: {  	vm8 =	vmand vm8, vm1;
	v0 =	vadd.f32 v14, v0;
	v14 =	vsel vm9, v1, v9  }
.Ltmp17:
0x3cb: {  	vm2 =	vmand vm2, vm7;
	v12 =	vnsel vm6, $0x0, v12;
	v1 =	vsel vm8, v14, v1;
	(pc) =	sbr.rel @p0 .LBB2_30-.Ltmp17, $4  }
0x3cc: {  	vm5 =	vmand vm5, vm2;
	v0 =	vadd.f32 v12, v0;
	vm6 =	vgt.s32 v1, v8  }
0x3cd: {  	vm4 =	vmand vm4, vm2;
	v12 =	vnsel vm5, $0x0, v13;
	v13 =	vsel vm6, v1, v8  }
0x3ce: {  	vm6 =	veq.s32 v20, v6;
	v0 =	vadd.f32 v12, v0;
	v1 =	vsel vm4, v13, v1  }
0x3cf: {  	s21 =	sadd.s32 $0x40, s21;
	vm8 =	veq.s32 v17, v6;
	vm5 =	veq.s32 v16, v6;
	vm4 =	veq.s32 v19, v6  }
.LBB2_31:
0x3d0: {  	v2 =	vand.u32 $0xFF, v11;
	vm0 =	vmand vm6, vm0  }
0x3d1: {  	v3 =	vand.u32 $0xFF, v10;
	vm3 =	vmand vm8, vm3;
	v2 =	vor.u32 v5, v2  }
0x3d2: {  	v6 =	vand.u32 $0xFF, v9;
	vm1 =	vmand vm5, vm1;
	v3 =	vor.u32 v5, v3  }
0x3d3: {  	v7 =	vand.u32 $0xFF, v8;
	vm2 =	vmand vm4, vm2;
	v6 =	vor.u32 v5, v6  }
0x3d4: {  	v63 =	vor.u32 v5, v7;
	_ =	sdelay $0x1  }
0x3d5: {  	[tilespmem:v2+s18+$0x0] =	vst.idx.add.s32.msk vm0, v4  }
0x3d6: {  	[tilespmem:v3+s18+$0x0] =	vst.idx.add.s32.msk vm3, v4  }
0x3d7: {  	[tilespmem:v6+s18+$0x0] =	vst.idx.add.s32.msk vm1, v4  }
0x3d8: {  	[tilespmem:v63+s18+$0x0] =	vst.idx.add.s32.msk vm2, v4  }
.LBB2_32:
0x3d9: {  	[tilespmem:$0xA380] =	vst v0  }
0x3da: {  	[tilespmem:$0xA400] =	vst v1;
	s13 =	simm.s32 $0xA380;
	s29 =	simm.s32 $0x2  }
0x3db: {  	[spmem:s17] =	stream.linear.scatter [tilespmem:s13], [sflag:$0x2], $0x10, $0x38;
	[tilespmem:$0xABA0] =	vst v63  }
0x3dc: {  	_ =	swait.ge [sflag:s29], $0x10  }
0x3dd: {  	[sflag:s29] =	ssyncset.done $0x0  }
0x3de: {  	s30 =	simm.s32 $0xA400;
	[sflag:s29] =	ssyncadd.s32 $0xFFFFFFF0  }
0x3df: {  	[spmem:s15] =	stream.linear.scatter [tilespmem:s30], [sflag:$0x2], $0x10, $0x38;
	[tilespmem:$0xABA0] =	vst v63  }
0x3e0: {  	_ =	swait.ge [sflag:s29], $0x10  }
0x3e1: {  	[sflag:s29] =	ssyncset.done $0x0  }
0x3e2: {  	s13 =	ssub.s32 s9, s16;
	s16 =	simm.s32 $0x8890;
	[sflag:s29] =	ssyncadd.s32 $0xFFFFFFF0  }
0x3e3: {  	v1 =	vld [tilespmem:s16+$0xFFFFF7F0]  }
0x3e4: {  	v8 =	vld [tilespmem:s16+$0xFFFFF800]  }
0x3e5: {  	v10 =	vld [tilespmem:s16+$0xFFFFF900]  }
0x3e6: {  	v12 =	vld [tilespmem:s16+$0xFFFFFA00]  }
0x3e7: {  	v0 =	vimm.s32 $0x0;
	v13 =	vld [tilespmem:s16+$0xFFFFFB00]  }
0x3e8: {  	[tilespmem:s16+$0xFFFFF7F0] =	vst v0;
	v14 =	vld [tilespmem:s16+$0xFFFFFC00]  }
0x3e9: {  	[tilespmem:s16+$0xFFFFF800] =	vst v0;
	v15 =	vld [tilespmem:s16+$0xFFFFFD00]  }
0x3ea: {  	[tilespmem:s16+$0xFFFFF900] =	vst v0;
	v17 =	vld [tilespmem:s16+$0xFFFFFE00]  }
0x3eb: {  	[tilespmem:s16+$0xFFFFFA00] =	vst v0;
	v19 =	vld [tilespmem:s16+$0xFFFFFF00]  }
0x3ec: {  	s31 =	simm.s32 $0x0;
	[tilespmem:s16+$0xFFFFFB00] =	vst v0;
	v61 =	vld [tilespmem:s16+$0x300]  }
0x3ed: {  	s17 =	sand.u32 $0xE0, s31;
	[tilespmem:s16+$0xFFFFFC00] =	vst v0;
	v63 =	vld [tilespmem:s16+$0x400]  }
0x3ee: {  	[tilespmem:s16+$0xFFFFFD00] =	vst v0;
	v2 =	vld [tilespmem:s17+$0x8180]  }
0x3ef: {  	[tilespmem:s16+$0xFFFFFE00] =	vst v0;
	v3 =	vld [tilespmem:s17+$0x8280]  }
0x3f0: {  	[tilespmem:s16+$0xFFFFFF00] =	vst v0;
	v4 =	vld [tilespmem:s17+$0x8380]  }
0x3f1: {  	[tilespmem:s16+$0x300] =	vst v0;
	v5 =	vld [tilespmem:s17+$0x8480]  }
0x3f2: {  	[tilespmem:s16+$0x400] =	vst v0;
	v6 =	vld [tilespmem:s17+$0x8580]  }
0x3f3: {  	v7 =	vld [tilespmem:s17+$0x8680];
	[tilespmem:s17+$0x8180] =	vst v0  }
0x3f4: {  	v9 =	vld [tilespmem:s17+$0x8780];
	[tilespmem:s17+$0x8280] =	vst v0  }
0x3f5: {  	v11 =	vld [tilespmem:s17+$0x8880];
	[tilespmem:s17+$0x8380] =	vst v0;
	v1 =	vadd.s32 v1, v2  }
0x3f6: {  	[tilespmem:s17+$0x8480] =	vst v0;
	v16 =	vld [tilespmem:s17+$0x8980];
	v1 =	vadd.s32 v3, v1  }
0x3f7: {  	[tilespmem:s17+$0x8580] =	vst v0;
	v18 =	vld [tilespmem:s17+$0x8A80];
	v1 =	vadd.s32 v4, v1  }
0x3f8: {  	[tilespmem:s17+$0x8680] =	vst v0;
	v60 =	vld [tilespmem:s17+$0x8E80];
	v1 =	vadd.s32 v5, v1  }
0x3f9: {  	[tilespmem:s17+$0x8780] =	vst v0;
	v62 =	vld [tilespmem:s17+$0x8F80];
	v1 =	vadd.s32 v6, v1  }
0x3fa: {  	[tilespmem:s17+$0x8880] =	vst v0;
	v2 =	vld [tilespmem:s17+$0x8B80];
	v1 =	vadd.s32 v7, v1  }
0x3fb: {  	[tilespmem:s17+$0x8980] =	vst v0;
	v8 =	vadd.s32 v8, v10;
	v4 =	vld [tilespmem:s17+$0x8C80];
	v1 =	vadd.s32 v9, v1  }
0x3fc: {  	[tilespmem:s17+$0x8A80] =	vst v0;
	v8 =	vadd.s32 v12, v8;
	v6 =	vld [tilespmem:s17+$0x8D80];
	v1 =	vadd.s32 v11, v1  }
0x3fd: {  	[tilespmem:s17+$0x8E80] =	vst v0;
	v3 =	vld [tilespmem:s16+$0x0];
	v8 =	vadd.s32 v13, v8;
	v1 =	vadd.s32 v16, v1  }
0x3fe: {  	[tilespmem:s17+$0x8F80] =	vst v0;
	v8 =	vadd.s32 v14, v8;
	v5 =	vld [tilespmem:s16+$0x100];
	v1 =	vadd.s32 v18, v1  }
0x3ff: {  	[tilespmem:s17+$0x8B80] =	vst v0;
	v7 =	vld [tilespmem:s16+$0x200];
	v1 =	vadd.s32 v2, v1;
	v2 =	vadd.s32 v15, v8  }
0x400: {  	[tilespmem:s16+$0x0] =	vst v0;
	v4 =	vadd.s32 v4, v1;
	v2 =	vadd.s32 v17, v2  }
0x401: {  	[tilespmem:s17+$0x8C80] =	vst v0;
	v4 =	vadd.s32 v6, v4;
	v2 =	vadd.s32 v19, v2  }
0x402: {  	[tilespmem:s16+$0x100] =	vst v0;
	v1 =	vld [tilespmem:s16+$0x500];
	v4 =	vadd.s32 v60, v4;
	v3 =	vadd.s32 v3, v2  }
0x403: {  	s15 =	simm.s32 $0x9090;
	[tilespmem:s17+$0x8D80] =	vst v0;
	v2 =	vld [tilespmem:s16+$0x600];
	v4 =	vadd.s32 v62, v4;
	v3 =	vadd.s32 v5, v3  }
0x404: {  	[tilespmem:s15+$0xFFFFFFF0] =	vst v4;
	v4 =	vadd.s32 v7, v3;
	v3 =	vld [tilespmem:s16+$0x700]  }
0x405: {  	[tilespmem:s16+$0x200] =	vst v0;
	v4 =	vadd.s32 v61, v4  }
0x406: {  	s18 =	simm.s32 $0x88B0;
	s19 =	simm.s32 $0x20;
	s17 =	simm.s32 $0x0;
	[tilespmem:s16+$0x500] =	vst v0;
	v4 =	vadd.s32 v63, v4  }
.LBB2_33:
0x407: {  	v5 =	vld [tilespmem:s18+$0xFFFFF7F0];
	[tilespmem:s18+$0xFFFFF7F0] =	vst v0;
	s20 =	sand.u32 $0xE0, s19;
	s17 =	sadd.s32 $0x2, s17;
	v1 =	vadd.s32 v1, v4  }
0x408: {  	v4 =	vld [tilespmem:s20+$0x8180];
	[tilespmem:s20+$0x8180] =	vst v0;
	p0 =	slt.u32 s17, $0xE;
	v1 =	vadd.s32 v2, v1  }
0x409: {  	v2 =	vld [tilespmem:s20+$0x8280];
	[tilespmem:s20+$0x8280] =	vst v0;
	v1 =	vadd.s32 v3, v1  }
0x40a: {  	v3 =	vld [tilespmem:s20+$0x8380];
	[tilespmem:s20+$0x8380] =	vst v0  }
0x40b: {  	v6 =	vld [tilespmem:s20+$0x8480];
	[tilespmem:s20+$0x8480] =	vst v0  }
0x40c: {  	v7 =	vld [tilespmem:s20+$0x8580];
	[tilespmem:s20+$0x8580] =	vst v0  }
0x40d: {  	v4 =	vadd.s32 v5, v4;
	v5 =	vld [tilespmem:s20+$0x8680];
	[tilespmem:s20+$0x8680] =	vst v0  }
0x40e: {  	v2 =	vadd.s32 v2, v4;
	v4 =	vld [tilespmem:s20+$0x8780];
	[tilespmem:s20+$0x8780] =	vst v0  }
0x40f: {  	v2 =	vadd.s32 v3, v2;
	v3 =	vld [tilespmem:s20+$0x8880];
	[tilespmem:s20+$0x8880] =	vst v0  }
0x410: {  	v2 =	vadd.s32 v6, v2;
	v6 =	vld [tilespmem:s20+$0x8980];
	[tilespmem:s20+$0x8980] =	vst v0  }
0x411: {  	v2 =	vadd.s32 v7, v2;
	v7 =	vld [tilespmem:s20+$0x8A80];
	[tilespmem:s20+$0x8A80] =	vst v0  }
0x412: {  	v2 =	vadd.s32 v5, v2;
	v5 =	vld [tilespmem:s20+$0x8B80];
	[tilespmem:s20+$0x8B80] =	vst v0  }
0x413: {  	v2 =	vadd.s32 v4, v2;
	v4 =	vld [tilespmem:s20+$0x8C80];
	[tilespmem:s20+$0x8C80] =	vst v0  }
0x414: {  	v2 =	vadd.s32 v3, v2;
	v3 =	vld [tilespmem:s20+$0x8D80];
	[tilespmem:s16+$0x600] =	vst v0  }
0x415: {  	v2 =	vadd.s32 v6, v2;
	v6 =	vld [tilespmem:s20+$0x8E80];
	[tilespmem:s16+$0x700] =	vst v0;
	s16 =	smov.u32 s18  }
0x416: {  	v2 =	vadd.s32 v7, v2;
	v7 =	vld [tilespmem:s20+$0x8F80];
	[tilespmem:s15+$0x0] =	vst v1  }
0x417: {  	v1 =	vadd.s32 v5, v2;
	v2 =	vld [tilespmem:s18+$0xFFFFF800];
	[tilespmem:s18+$0xFFFFF800] =	vst v0  }
0x418: {  	v1 =	vadd.s32 v4, v1;
	v4 =	vld [tilespmem:s18+$0xFFFFF900];
	[tilespmem:s18+$0xFFFFF900] =	vst v0  }
0x419: {  	v1 =	vadd.s32 v3, v1;
	[tilespmem:s20+$0x8D80] =	vst v0;
	v3 =	vld [tilespmem:s18+$0xFFFFFA00]  }
0x41a: {  	v1 =	vadd.s32 v6, v1;
	[tilespmem:s20+$0x8E80] =	vst v0;
	v5 =	vld [tilespmem:s18+$0xFFFFFB00]  }
0x41b: {  	s15 =	sadd.s32 $0x20, s15;
	v1 =	vadd.s32 v7, v1;
	[tilespmem:s20+$0x8F80] =	vst v0;
	v6 =	vld [tilespmem:s18+$0xFFFFFC00]  }
0x41c: {  	[tilespmem:s15+$0xFFFFFFF0] =	vst v1;
	v1 =	vld [tilespmem:s18+$0xFFFFFD00]  }
0x41d: {  	v2 =	vadd.s32 v2, v4;
	[tilespmem:s18+$0xFFFFFA00] =	vst v0;
	v4 =	vld [tilespmem:s18+$0xFFFFFE00]  }
0x41e: {  	v2 =	vadd.s32 v3, v2;
	[tilespmem:s18+$0xFFFFFB00] =	vst v0;
	v3 =	vld [tilespmem:s18+$0xFFFFFF00]  }
0x41f: {  	v2 =	vadd.s32 v5, v2;
	[tilespmem:s18+$0xFFFFFC00] =	vst v0;
	v5 =	vld [tilespmem:s18+$0x0]  }
0x420: {  	v2 =	vadd.s32 v6, v2;
	[tilespmem:s18+$0xFFFFFD00] =	vst v0;
	v6 =	vld [tilespmem:s18+$0x100]  }
0x421: {  	v1 =	vadd.s32 v1, v2;
	[tilespmem:s18+$0xFFFFFE00] =	vst v0;
	v7 =	vld [tilespmem:s18+$0x200]  }
0x422: {  	v1 =	vadd.s32 v4, v1;
	[tilespmem:s18+$0xFFFFFF00] =	vst v0;
	v4 =	vld [tilespmem:s18+$0x300]  }
0x423: {  	v1 =	vadd.s32 v3, v1;
	[tilespmem:s18+$0x0] =	vst v0;
	v8 =	vld [tilespmem:s18+$0x400]  }
.Ltmp18:
0x424: {  	v2 =	vadd.s32 v5, v1;
	[tilespmem:s18+$0x100] =	vst v0;
	v1 =	vld [tilespmem:s18+$0x500];
	(pc) =	sbr.rel @p0 .LBB2_33-.Ltmp18, $4  }
0x425: {  	v3 =	vadd.s32 v6, v2;
	[tilespmem:s18+$0x200] =	vst v0;
	v2 =	vld [tilespmem:s18+$0x600]  }
0x426: {  	v5 =	vadd.s32 v7, v3;
	[tilespmem:s18+$0x300] =	vst v0;
	v3 =	vld [tilespmem:s18+$0x700]  }
0x427: {  	v4 =	vadd.s32 v4, v5;
	[tilespmem:s18+$0x400] =	vst v0  }
0x428: {  	s19 =	sadd.s32 $0x20, s19;
	s18 =	sadd.s32 $0x20, s18;
	v4 =	vadd.s32 v8, v4;
	[tilespmem:s16+$0x500] =	vst v0  }
0x429: {  	v1 =	vadd.s32 v1, v4  }
0x42a: {  	[tilespmem:s16+$0x600] =	vst v0;
	v1 =	vadd.s32 v2, v1  }
0x42b: {  	[tilespmem:s16+$0x700] =	vst v0;
	s24 =	simm.s32 $0x80;
	v1 =	vadd.s32 v3, v1  }
0x42c: {  	s25 =	simm.s32 $0x200;
	s17 =	simm.s32 $0x9080;
	s26 =	simm.s32 $0x2;
	[tilespmem:s15+$0x0] =	vst v1  }
0x42d: {  	[spmem:s12] =	stream.strided.scatter [tilespmem:s17], [sflag:$0x2], $0x100, s25, s24, $0x38;
	[tilespmem:$0xABA0] =	vst v63  }
0x42e: {  	_ =	swait.ge [sflag:s26], $0x100  }
0x42f: {  	[sflag:s26] =	ssyncset.done $0x0  }
0x430: {  	[sflag:s26] =	ssyncadd.s32 $0xFFFFFF00  }
0x431: {  	s28 =	simm.s32 $0x9380;
	[bflag:$0x0] =	sbarrier.arrive $0xFFFF  }
0x432: {  	[tilespmem:s28], [sflag:$0x2] =	stream.strided.gather [spmem:s11], $0x1000, s25, s24, $0x38;
	[tilespmem:$0xABA0] =	vst v63  }
0x433: {  	_ =	swait.ge [sflag:s26], $0x1000  }
0x434: {  	s29 =	simm.s32 $0x0;
	[sflag:s26] =	ssyncset.done $0x0  }
0x435: {  	s30 =	sand.u32 $0xF0, s29;
	[sflag:s26] =	ssyncadd.s32 $0xFFFFF000  }
0x436: {  	v0 =	vld [tilespmem:s30+$0x9480]  }
0x437: {  	v1 =	vld [tilespmem:s28+$0x0]  }
0x438: {  	v2 =	vld [tilespmem:s30+$0x9580]  }
0x439: {  	v3 =	vld [tilespmem:s30+$0x9680]  }
0x43a: {  	v59 =	vld [tilespmem:s30+$0x9780]  }
0x43b: {  	v5 =	vld [tilespmem:s30+$0x9880]  }
0x43c: {  	v0 =	vadd.s32 v1, v0;
	v1 =	vld [tilespmem:s30+$0x9980]  }
0x43d: {  	v0 =	vadd.s32 v2, v0;
	v2 =	vld [tilespmem:s30+$0x9A80]  }
0x43e: {  	v0 =	vadd.s32 v3, v0;
	v3 =	vld [tilespmem:s30+$0x9B80]  }
0x43f: {  	v60 =	vld [tilespmem:s30+$0x9C80];
	v0 =	vadd.s32 v59, v0  }
0x440: {  	v61 =	vld [tilespmem:s30+$0x9D80];
	v0 =	vadd.s32 v5, v0  }
0x441: {  	v0 =	vadd.s32 v1, v0;
	v1 =	vld [tilespmem:s30+$0x9E80]  }
0x442: {  	v0 =	vadd.s32 v2, v0;
	v2 =	vld [tilespmem:s30+$0x9F80]  }
0x443: {  	v0 =	vadd.s32 v3, v0;
	v3 =	vld [tilespmem:s30+$0xA080]  }
0x444: {  	v62 =	vld [tilespmem:s30+$0xA180];
	v0 =	vadd.s32 v60, v0  }
0x445: {  	v63 =	vld [tilespmem:s30+$0xA280];
	v0 =	vadd.s32 v61, v0  }
0x446: {  	v0 =	vadd.s32 v1, v0  }
0x447: {  	v0 =	vadd.s32 v2, v0  }
0x448: {  	v0 =	vadd.s32 v3, v0  }
0x449: {  	v0 =	vadd.s32 v62, v0  }
0x44a: {  	v0 =	vadd.s32 v63, v0  }
0x44b: {  	(xrf0) =	vadd.scan.msk.s32 $0xffff, v0;
	_ =	sdelay $0x5  }
0x44c: {  	s11 =	simm.s32 $0x9280;
	v1, _, _ =	vpop (xrf0)  }
0x44d: {  	s31 =	simm.s32 $0x10;
	s12 =	simm.s32 $0x9180;
	[tilespmem:s11+$0x0] =	vst v0;
	v0 =	vadd.s32 s29, v1  }
0x44e: {  	s15 =	sand.u32 $0xF0, s31;
	[tilespmem:s12+$0x0] =	vst v0;
	(v2sf) =	vpush v0, $0xF  }
0x44f: {  	s16 =	simm.s32 $0x9390;
	s17 =	simm.s32 $0x20;
	v0 =	vld [tilespmem:s15+$0x9480]  }
.LBB2_35:
0x450: {  	p0 =	sne.s32 s17, $0xF0;
	v1 =	vld [tilespmem:s16+$0x0]  }
0x451: {  	v2 =	vld [tilespmem:s15+$0x9580]  }
0x452: {  	v3 =	vld [tilespmem:s15+$0x9680]  }
0x453: {  	v4 =	vld [tilespmem:s15+$0x9780]  }
0x454: {  	v5 =	vld [tilespmem:s15+$0x9880]  }
0x455: {  	v0 =	vadd.s32 v1, v0;
	v1 =	vld [tilespmem:s15+$0x9980]  }
0x456: {  	v0 =	vadd.s32 v2, v0;
	v2 =	vld [tilespmem:s15+$0x9A80]  }
0x457: {  	v0 =	vadd.s32 v3, v0;
	v3 =	vld [tilespmem:s15+$0x9B80]  }
0x458: {  	v0 =	vadd.s32 v4, v0;
	v4 =	vld [tilespmem:s15+$0x9C80]  }
0x459: {  	v0 =	vadd.s32 v5, v0;
	v5 =	vld [tilespmem:s15+$0x9D80]  }
0x45a: {  	v0 =	vadd.s32 v1, v0;
	v1 =	vld [tilespmem:s15+$0x9E80]  }
0x45b: {  	v0 =	vadd.s32 v2, v0;
	v2 =	vld [tilespmem:s15+$0x9F80]  }
0x45c: {  	v0 =	vadd.s32 v3, v0;
	v3 =	vld [tilespmem:s15+$0xA080]  }
0x45d: {  	v0 =	vadd.s32 v4, v0;
	v4 =	vld [tilespmem:s15+$0xA180];
	s18 =	spop (v2sf)  }
0x45e: {  	v0 =	vadd.s32 v5, v0;
	v5 =	vld [tilespmem:s15+$0xA280]  }
0x45f: {  	v0 =	vadd.s32 v1, v0  }
0x460: {  	v0 =	vadd.s32 v2, v0  }
0x461: {  	v0 =	vadd.s32 v3, v0  }
0x462: {  	v0 =	vadd.s32 v4, v0  }
0x463: {  	s11 =	sadd.s32 $0x10, s11;
	v0 =	vadd.s32 v5, v0  }
0x464: {  	[tilespmem:s11+$0x0] =	vst v0;
	(xrf0) =	vadd.scan.msk.s32 $0xffff, v0;
	_ =	sdelay $0x4  }
.Ltmp19:
0x465: {  	(pc) =	sbr.rel @p0 .LBB2_35-.Ltmp19, $4  }
0x466: {  	v0, _, _ =	vpop (xrf0)  }
0x467: {  	s12 =	sadd.s32 $0x10, s12;
	v0 =	vadd.s32 s18, v0  }
0x468: {  	s15 =	sand.u32 $0xF0, s17;
	[tilespmem:s12+$0x0] =	vst v0;
	(v2sf) =	vpush v0, $0xF  }
0x469: {  	s16 =	sadd.s32 $0x10, s16;
	s17 =	sadd.s32 $0x10, s17;
	v0 =	vld [tilespmem:s15+$0x9480]  }
0x46a: {  	v1 =	vld [tilespmem:s16+$0x0]  }
0x46b: {  	v2 =	vld [tilespmem:s15+$0x9580]  }
0x46c: {  	v3 =	vld [tilespmem:s15+$0x9680]  }
0x46d: {  	v4 =	vld [tilespmem:s15+$0x9780]  }
0x46e: {  	v5 =	vld [tilespmem:s15+$0x9880]  }
0x46f: {  	v0 =	vadd.s32 v1, v0;
	v1 =	vld [tilespmem:s15+$0x9980]  }
0x470: {  	v0 =	vadd.s32 v2, v0;
	v2 =	vld [tilespmem:s15+$0x9A80]  }
0x471: {  	v0 =	vadd.s32 v3, v0;
	v3 =	vld [tilespmem:s15+$0x9B80]  }
0x472: {  	v58 =	vld [tilespmem:s15+$0x9C80];
	v0 =	vadd.s32 v4, v0  }
0x473: {  	v59 =	vld [tilespmem:s15+$0x9D80];
	v0 =	vadd.s32 v5, v0  }
0x474: {  	v0 =	vadd.s32 v1, v0;
	v1 =	vld [tilespmem:s15+$0x9E80]  }
0x475: {  	v0 =	vadd.s32 v2, v0;
	v2 =	vld [tilespmem:s15+$0x9F80]  }
0x476: {  	v0 =	vadd.s32 v3, v0;
	v3 =	vld [tilespmem:s15+$0xA080]  }
0x477: {  	v60 =	vld [tilespmem:s15+$0xA180];
	v0 =	vadd.s32 v58, v0  }
0x478: {  	v61 =	vld [tilespmem:s15+$0xA280];
	v0 =	vadd.s32 v59, v0  }
0x479: {  	v0 =	vadd.s32 v1, v0  }
0x47a: {  	v0 =	vadd.s32 v2, v0  }
0x47b: {  	v0 =	vadd.s32 v3, v0  }
0x47c: {  	v0 =	vadd.s32 v60, v0  }
0x47d: {  	v0 =	vadd.s32 v61, v0  }
0x47e: {  	(xrf0) =	vadd.scan.msk.s32 $0xffff, v0;
	_ =	sdelay $0x5  }
0x47f: {  	s18 =	spop (v2sf);
	v1, _, _ =	vpop (xrf0)  }
0x480: {  	v1 =	vadd.s32 s18, v1  }
0x481: {  	(v2sf) =	vpush v1, $0xF;
	_ =	sdelay $0x9  }
0x482: {  	s11 =	sadd.s32 $0x10, s11  }
0x483: {  	s19 =	sadd.s32 $0x10, s12;
	[tilespmem:s11+$0x0] =	vst v0  }
0x484: {  	s20 =	simm.s32 $0x9180;
	[tilespmem:s19+$0x0] =	vst v1  }
0x485: {  	v2 =	vld [tilespmem:s20+$0x0];
	_ =	sdelay $0x1  }
0x486: {  	s11 =	spop (v2sf)  }
0x487: {  	v1 =	vlaneseq.u32;
	s21 =	sadd.s32 s11, s13  }
0x488: {  	s22 =	simm.s32 $0x0;
	v1 =	vor.u32 $0x80000000, v1;
	v0 =	vmov s21  }
0x489: {  	vm0 =	vgt.s32 v2, v0;
	v2 =	vor.u32 s22, v1  }
0x48a: {  	v2 =	vnsel vm0, $0x80000100, v2  }
0x48b: {  	(xrf0) =	vmin.scan.msk.u32 $0xffff, v2;
	_ =	sdelay $0x4  }
0x48c: {  	s23 =	simm.s32 $0x9190  }
0x48d: {  	s24 =	simm.s32 $0x91A0;
	v3 =	vld [tilespmem:s23+$0x0];
	v2, _, _ =	vpop (xrf0)  }
0x48e: {  	(v2sf) =	vpush v2, $0xF;
	v2 =	vld [tilespmem:s24+$0x0];
	_ =	sdelay $0x2  }
0x48f: {  	s25 =	simm.s32 $0x10  }
0x490: {  	s26 =	simm.s32 $0x20;
	vm0 =	vgt.s32 v3, v0;
	v3 =	vor.u32 s25, v1  }
0x491: {  	v3 =	vnsel vm0, $0x80000100, v3;
	vm0 =	vgt.s32 v2, v0;
	v2 =	vor.u32 s26, v1  }
0x492: {  	(xrf0) =	vmin.scan.msk.u32 $0xffff, v3;
	v2 =	vnsel vm0, $0x80000100, v2  }
0x493: {  	(xrf0) =	vmin.scan.msk.u32 $0xffff, v2;
	_ =	sdelay $0x3  }
0x494: {  	s28 =	simm.s32 $0x91B0  }
0x495: {  	v3 =	vld [tilespmem:s28+$0x0];
	v62, _, _ =	vpop (xrf0)  }
0x496: {  	(v2sf) =	vpush v62, $0xF;
	v63, _, _ =	vpop (xrf0)  }
0x497: {  	(v2sf) =	vpush v63, $0xF;
	_ =	sdelay $0x1  }
0x498: {  	s29 =	simm.s32 $0x91C0;
	s30 =	simm.s32 $0x30  }
0x499: {  	vm0 =	vgt.s32 v3, v0;
	v3 =	vor.u32 s30, v1;
	v2 =	vld [tilespmem:s29+$0x0]  }
0x49a: {  	v3 =	vnsel vm0, $0x80000100, v3  }
0x49b: {  	(xrf0) =	vmin.scan.msk.u32 $0xffff, v3;
	_ =	sdelay $0x1  }
0x49c: {  	s12 =	simm.s32 $0x100;
	s31 =	simm.s32 $0x40  }
0x49d: {  	s15 =	simm.s32 $0x91D0;
	s13 =	simm.s32 $0x50;
	vm0 =	vgt.s32 v2, v0;
	v2 =	vor.u32 s31, v1;
	s16 =	spop (v2sf)  }
.LBB2_37:
0x49e: {  	s17 =	smov.u32 s12;
	p0 =	sne.s32 s13, $0xF0  }
0x49f: {  	v4 =	vnsel vm0, $0x80000100, v2;
	s12 =	sxor.u32 $0x80000000, s16;
	s16 =	smov.u32 s13;
	s13 =	sadd.s32 $0x10, s13;
	v3 =	vld [tilespmem:s15+$0x0]  }
.Ltmp20:
0x4a0: {  	p1 =	slt.s32 s17, s12;
	(xrf0) =	vmin.scan.msk.u32 $0xffff, v4;
	v2, _, _ =	vpop (xrf0);
	(pc) =	sbr.rel @p0 .LBB2_37-.Ltmp20, $2  }
0x4a1: {  	s12 =	smov.u32 @p1 s17;
	(v2sf) =	vpush v2, $0xF;
	_ =	sdelay $0x2  }
0x4a2: {  	s15 =	sadd.s32 $0x10, s15;
	v2 =	vor.u32 s16, v1;
	vm0 =	vgt.s32 v3, v0;
	s16 =	spop (v2sf)  }
0x4a3: {  	v0 =	vnsel vm0, $0x80000100, v2  }
0x4a4: {  	(xrf0) =	vmin.scan.msk.u32 $0xffff, v0;
	_ =	sdelay $0x3  }
0x4a5: {  	v0, _, _ =	vpop (xrf0)  }
0x4a6: {  	(v2sf) =	vpush v0, $0xF  }
0x4a7: {  	v0, _, _ =	vpop (xrf0)  }
0x4a8: {  	(v2sf) =	vpush v0, $0xF;
	_ =	sdelay $0x7  }
0x4a9: {  	s13 =	sxor.u32 $0x80000000, s16  }
0x4aa: {  	s15 =	spop (v2sf);
	p0 =	slt.s32 s12, s13  }
0x4ab: {  	s6 =	sshll.u32 s6, $0x10;
	s13 =	smov.u32 @p0 s12;
	s12 =	sxor.u32 $0x80000000, s15  }
0x4ac: {  	s10 =	sshll.u32 s10, $0x8;
	p0 =	slt.s32 s13, s12;
	s31 =	spop (v2sf)  }
0x4ad: {  	s16 =	simm.s32 $0x9280;
	s12 =	smov.u32 @p0 s13;
	s13 =	sxor.u32 $0x80000000, s31  }
0x4ae: {  	s18 =	simm.s32 $0x0;
	v5 =	vld [tilespmem:s16+$0x0];
	p0 =	slt.s32 s12, s13;
	s15 =	spop (v2sf)  }
0x4af: {  	s6 =	sor.u32 s6, s10;
	s13 =	smov.u32 @p0 s12;
	s15 =	sxor.u32 $0x80000000, s15  }
0x4b0: {  	s6 =	sor.u32 s14, s6;
	p0 =	slt.s32 s13, s15;
	s17 =	spop (v2sf)  }
0x4b1: {  	v4 =	vlaneseq.u32;
	s6 =	sshll.u32 s6, $0x8;
	s15 =	smov.u32 @p0 s13;
	s10 =	sxor.u32 $0x80000000, s17  }
0x4b2: {  	v6 =	vor.u32 s18, v4;
	v2 =	vmov s6;
	p0 =	slt.s32 s15, s10  }
0x4b3: {  	vm0 =	vgt.s32 v2, $0xFFFFFFFF;
	v9 =	vor.u32 v2, v6;
	v7 =	vcvt.s32.f32 v5;
	s10 =	smov.u32 @p0 s15  }
0x4b4: {  	s19 =	simm.s32 $0x9290;
	vm1 =	vgt.s32 v5, $0x0;
	v0 =	vimm.s32 $0x80000000;
	v1 =	vmov s10  }
0x4b5: {  	v8 =	vld [tilespmem:s19+$0x0];
	v3 =	vsel vm0, $0xFFFFFFFF, v0;
	v0 =	vor.u32 $0x80000000, v4;
	vm0 =	vlt.s32 v6, v1  }
0x4b6: {  	v5 =	vxor.u32 v3, v9;
	v9 =	vor.u32 s18, v0;
	vm0 =	vmand vm0, vm1  }
0x4b7: {  	v5 =	vmul.f32 v7, v5;
	vm1 =	vgt.s32 v6, v1;
	v6 =	vnsel vm0, $0x7FFFFFFF, v9  }
0x4b8: {  	s20 =	simm.s32 $0x10;
	(xrf0) =	vmax.scan.msk.u32 $0xffff, v6  }
0x4b9: {  	s21 =	simm.s32 $0x92A0;
	v5 =	vnsel vm1, $0x0, v5;
	v6 =	vor.u32 s20, v4  }
0x4ba: {  	v7 =	vld [tilespmem:s21+$0x0];
	vm1 =	vgt.s32 v8, $0x0;
	v8 =	vcvt.s32.f32 v8;
	vm0 =	vlt.s32 v6, v1  }
0x4bb: {  	(xrf2) =	vadd.scan.msk.f32 $0xffff, v5;
	v5 =	vor.u32 s20, v0;
	vm0 =	vmand vm0, vm1  }
0x4bc: {  	v9 =	vor.u32 v2, v6;
	v5 =	vnsel vm0, $0x7FFFFFFF, v5  }
0x4bd: {  	s22 =	simm.s32 $0x20;
	(xrf0) =	vmax.scan.msk.u32 $0xffff, v5;
	v5 =	vxor.u32 v3, v9  }
0x4be: {  	s23 =	simm.s32 $0x92B0;
	vm0 =	vgt.s32 v6, v1;
	v6 =	vor.u32 s22, v4;
	v5 =	vmul.f32 v8, v5;
	v8, _, _ =	vpop (xrf0)  }
0x4bf: {  	vm1 =	vgt.s32 v7, $0x0;
	v9 =	vld [tilespmem:s23+$0x0];
	v10 =	vor.u32 v2, v6;
	(v2sf) =	vpush v8, $0xF  }
0x4c0: {  	v5 =	vnsel vm0, $0x0, v5;
	v8 =	vcvt.s32.f32 v7;
	vm0 =	vlt.s32 v6, v1  }
0x4c1: {  	v7 =	vor.u32 s22, v0;
	(xrf2) =	vadd.scan.msk.f32 $0xffff, v5;
	v5 =	vxor.u32 v3, v10;
	vm0 =	vmand vm0, vm1  }
0x4c2: {  	s24 =	simm.s32 $0x30;
	vm1 =	vgt.s32 v6, v1;
	v5 =	vmul.f32 v8, v5;
	v6 =	vnsel vm0, $0x7FFFFFFF, v7  }
0x4c3: {  	(xrf0) =	vmax.scan.msk.u32 $0xffff, v6;
	v6 =	vor.u32 s24, v4  }
0x4c4: {  	v8, _, _ =	vpop (xrf0);
	v5 =	vnsel vm1, $0x0, v5;
	vm0 =	vlt.s32 v6, v1;
	vm1 =	vgt.s32 v9, $0x0  }
0x4c5: {  	s25 =	simm.s32 $0x92C0;
	v7, _, _ =	vpop (xrf2);
	(v2sf) =	vpush v8, $0xF;
	(xrf2) =	vadd.scan.msk.f32 $0xffff, v5;
	vm0 =	vmand vm0, vm1;
	v5 =	vor.u32 s24, v0  }
0x4c6: {  	v8 =	vld [tilespmem:s25+$0x0];
	(v2sf) =	vpush v7, $0xF;
	v7 =	vcvt.s32.f32 v9;
	v9 =	vor.u32 v2, v6  }
0x4c7: {  	v5 =	vnsel vm0, $0x7FFFFFFF, v5;
	v9 =	vxor.u32 v3, v9  }
0x4c8: {  	s26 =	simm.s32 $0x40;
	(xrf0) =	vmax.scan.msk.u32 $0xffff, v5;
	v5 =	vmul.f32 v7, v9  }
0x4c9: {  	vm0 =	vgt.s32 v6, v1;
	v7 =	vor.u32 s26, v4  }
0x4ca: {  	v10 =	vor.u32 v2, v7;
	v9 =	vnsel vm0, $0x0, v5  }
0x4cb: {  	v5 =	vcvt.s32.f32 v8;
	vm1 =	vgt.s32 v8, $0x0;
	v8 =	vxor.u32 v3, v10  }
0x4cc: {  	v6, _, _ =	vpop (xrf0)  }
0x4cd: {  	(v2sf) =	vpush v6, $0xF;
	v6, _, _ =	vpop (xrf2)  }
0x4ce: {  	(v2sf) =	vpush v6, $0xF;
	v5 =	vmul.f32 v5, v8;
	v8, _, _ =	vpop (xrf0)  }
0x4cf: {  	(v2sf) =	vpush v8, $0xF;
	v8, _, _ =	vpop (xrf2)  }
0x4d0: {  	s28 =	simm.s32 $0x92D0;
	s30 =	spop (v2sf);
	(v2sf) =	vpush v8, $0xF  }
0x4d1: {  	vm0 =	vlt.s32 v7, v1;
	v6 =	vld [tilespmem:s28+$0x0];
	(xrf2) =	vadd.scan.msk.f32 $0xffff, v9  }
0x4d2: {  	v10 =	vor.u32 s26, v0;
	vm0 =	vmand vm0, vm1  }
0x4d3: {  	vm1 =	vgt.s32 v7, v1;
	v7 =	vnsel vm0, $0x7FFFFFFF, v10  }
0x4d4: {  	s17 =	simm.s32 $0x50;
	(xrf0) =	vmax.scan.msk.u32 $0xffff, v7;
	v11 =	vnsel vm1, $0x0, v5  }
0x4d5: {  	s29 =	simm.s32 $0x9180;
	s19 =	simm.s32 $0xFFFFFFFF;
	s18 =	simm.s32 $0x92E0;
	v10 =	vor.u32 s17, v4;
	(xrf2) =	vadd.scan.msk.f32 $0xffff, v11  }
0x4d6: {  	s14 =	simm.s32 $0x60;
	s13 =	simm.f32 $0.0e+00;
	vm0 =	vlt.s32 v10, v1;
	v7 =	vld [tilespmem:s18+$0x0];
	v9 =	vor.u32 v2, v10;
	s12 =	sxor.u32 $0x80000000, s30;
	vm1 =	vgt.s32 v6, $0x0  }
0x4d7: {  	v12 =	vor.u32 s17, v0;
	v5 =	vld.idx.msk [tilespmem:v1+s16+$0x0], $0xffff;
	s16 =	simm.s32 $0x70;
	v9 =	vxor.u32 v3, v9;
	p0 =	slt.s32 s12, $0xFFFFFFFF;
	vm1 =	vmand vm0, vm1;
	s31 =	spop (v2sf)  }
0x4d8: {  	v8 =	vcvt.s32.f32 v6;
	v6 =	vld.idx.msk [tilespmem:v1+s29+$0x0], $0xffff;
	s12 =	smov.u32 @p0 s19;
	vm0 =	vgt.s32 v10, v1;
	v10 =	vnsel vm1, $0x7FFFFFFF, v12;
	s15 =	sxor.u32 $0x80000000, s31;
	s17 =	spop (v2sf)  }
.LBB2_39:
0x4d9: {  	s19 =	smov.u32 s12;
	p0 =	sne.s32 s16, $0xF0;
	p1 =	sgt.s32 s12, s15  }
0x4da: {  	v8 =	vmul.f32 v8, v9;
	s20 =	smov.u32 s16;
	s16 =	sadd.s32 $0x10, s16;
	s12 =	smov.u32 s15;
	(xrf0) =	vmax.scan.msk.u32 $0xffff, v10;
	v9, _, _ =	vpop (xrf0)  }
.Ltmp21:
0x4db: {  	s13 =	sadd.f32 s17, s13;
	s12 =	smov.u32 @p1 s19;
	(v2sf) =	vpush v9, $0xF;
	v9, _, _ =	vpop (xrf2);
	(pc) =	sbr.rel @p0 .LBB2_39-.Ltmp21, $4  }
0x4dc: {  	v10 =	vor.u32 s14, v4;
	v11 =	vnsel vm0, $0x0, v8;
	(v2sf) =	vpush v9, $0xF  }
0x4dd: {  	s18 =	sadd.s32 $0x10, s18;
	vm0 =	vlt.s32 v10, v1;
	v8 =	vcvt.s32.f32 v7;
	vm1 =	vgt.s32 v7, $0x0;
	(xrf2) =	vadd.scan.msk.f32 $0xffff, v11  }
0x4de: {  	v9 =	vor.u32 v2, v10;
	vm1 =	vmand vm0, vm1;
	v11 =	vor.u32 s14, v0;
	s14 =	smov.u32 s20;
	v7 =	vld [tilespmem:s18+$0x0];
	s15 =	spop (v2sf)  }
0x4df: {  	v9 =	vxor.u32 v3, v9;
	vm0 =	vgt.s32 v10, v1;
	v10 =	vnsel vm1, $0x7FFFFFFF, v11;
	s15 =	sxor.u32 $0x80000000, s15;
	s17 =	spop (v2sf)  }
0x4e0: {  	_ =	sdelay $0x1  }
0x4e1: {  	v4 =	vor.u32 s14, v4  }
0x4e2: {  	v2 =	vor.u32 v2, v4;
	v11 =	vcvt.s32.f32 v7  }
0x4e3: {  	v8 =	vmul.f32 v8, v9;
	v2 =	vxor.u32 v3, v2  }
0x4e4: {  	v2 =	vmul.f32 v11, v2  }
0x4e5: {  	(xrf0) =	vmax.scan.msk.u32 $0xffff, v10;
	vm14 =	vgt.s32 v4, v1;
	v55 =	vnsel vm0, $0x0, v8  }
0x4e6: {  	vm1 =	vlt.s32 v4, v1;
	vm15 =	vgt.s32 v7, $0x0;
	(xrf2) =	vadd.scan.msk.f32 $0xffff, v55;
	v56 =	vnsel vm14, $0x0, v2  }
0x4e7: {  	v0 =	vor.u32 s14, v0;
	vm0 =	vmand vm1, vm15;
	(xrf2) =	vadd.scan.msk.f32 $0xffff, v56  }
0x4e8: {  	v0 =	vnsel vm0, $0x7FFFFFFF, v0  }
0x4e9: {  	(xrf0) =	vmax.scan.msk.u32 $0xffff, v0;
	_ =	sdelay $0x1  }
0x4ea: {  	v57, _, _ =	vpop (xrf0)  }
0x4eb: {  	v58, _, _ =	vpop (xrf2);
	(v2sf) =	vpush v57, $0xF  }
0x4ec: {  	(v2sf) =	vpush v58, $0xF;
	v59, _, _ =	vpop (xrf0)  }
0x4ed: {  	v60, _, _ =	vpop (xrf2);
	(v2sf) =	vpush v59, $0xF  }
0x4ee: {  	(v2sf) =	vpush v60, $0xF;
	v61, _, _ =	vpop (xrf0)  }
0x4ef: {  	(v2sf) =	vpush v61, $0xF;
	v62, _, _ =	vpop (xrf2)  }
0x4f0: {  	(v2sf) =	vpush v62, $0xF;
	v63, _, _ =	vpop (xrf2)  }
0x4f1: {  	(v2sf) =	vpush v63, $0xF  }
0x4f2: {  	(v2sf) =	vpush v5, $0x0  }
0x4f3: {  	(v2sf) =	vpush v6, $0x0;
	_ =	sdelay $0x2  }
0x4f4: {  	s21 =	spop (v2sf)  }
0x4f5: {  	p0 =	sgt.s32 s12, s15;
	s13 =	sadd.f32 s17, s13;
	s16 =	spop (v2sf)  }
0x4f6: {  	s15 =	smov.u32 @p0 s12;
	s12 =	sxor.u32 $0x80000000, s21;
	s22 =	spop (v2sf)  }
0x4f7: {  	p0 =	sgt.s32 s15, s12;
	s13 =	sadd.f32 s16, s13;
	s23 =	spop (v2sf)  }
0x4f8: {  	s12 =	smov.u32 @p0 s15;
	s14 =	sxor.u32 $0x80000000, s22;
	s24 =	spop (v2sf)  }
0x4f9: {  	p0 =	sgt.s32 s12, s14;
	s13 =	sadd.f32 s23, s13;
	s25 =	spop (v2sf)  }
0x4fa: {  	s14 =	smov.u32 @p0 s12;
	s12 =	sxor.u32 $0x80000000, s24;
	s26 =	spop (v2sf)  }
0x4fb: {  	p0 =	sgt.s32 s14, s12;
	s13 =	sadd.f32 s25, s13;
	s28 =	spop (v2sf)  }
0x4fc: {  	s12 =	smov.u32 @p0 s14;
	s14 =	sxor.u32 $0x80000000, s26;
	s29 =	spop (v2sf)  }
0x4fd: {  	p0 =	sgt.s32 s12, s14;
	s13 =	sadd.f32 s28, s13;
	s30 =	spop (v2sf)  }
0x4fe: {  	s14 =	smov.u32 @p0 s12;
	s12 =	sxor.u32 $0x80000000, s29;
	s31 =	spop (v2sf)  }
0x4ff: {  	p0 =	sgt.s32 s14, s12;
	s15 =	sadd.f32 s30, s13;
	s13 =	spop (v2sf)  }
0x500: {  	s12 =	smov.u32 @p0 s14;
	p0 =	sne.s32 s5, $0x0;
	s14 =	spop (v2sf)  }
0x501: {  	_ =	sfence.sel @p0 $0x180000  }
0x502: {  	[bflag:$0x0] =	sbarrier.arrive @p0 $0xFFFF  }
0x503: {  	_ =	strace @p0 $0x90000047  }
0x504: {  	[bflag:$0x2] =	sbarrier.arrive @p0 $0xFFFF  }
0x505: {  	s5 =	sadd.f32 s31, s15;
	_ =	shalt @p0  }
.LBB2_41:
0x506: {  	s15 =	simm.s32 $0xA480;
	s23 =	simm.s32 $0x2  }
0x507: {  	[tilespmem:s15], [sflag:$0x2] =	stream.linear.gather [spmem:s4], $0x100, $0x38;
	[tilespmem:$0xABA0] =	vst v63  }
0x508: {  	_ =	swait.ge [sflag:s23], $0x100  }
0x509: {  	[sflag:s23] =	ssyncset.done $0x0  }
0x50a: {  	s24 =	simm.s32 $0xA580;
	[sflag:s23] =	ssyncadd.s32 $0xFFFFFF00  }
0x50b: {  	[tilespmem:s24], [sflag:$0x2] =	stream.linear.gather [spmem:s3], $0x100, $0x38;
	[tilespmem:$0xABA0] =	vst v63  }
0x50c: {  	_ =	swait.ge [sflag:s23], $0x100  }
0x50d: {  	[sflag:s23] =	ssyncset.done $0x0  }
0x50e: {  	s25 =	simm.s32 $0x0;
	[sflag:s23] =	ssyncadd.s32 $0xFFFFFF00  }
0x50f: {  	v0 =	vld [tilespmem:s25+$0xA480];
	_ =	sdelay $0x4  }
0x510: {  	(xrf2) =	vadd.scan.msk.f32 $0xffff, v0;
	_ =	sdelay $0x7  }
0x511: {  	s26 =	simm.s32 $0x10  }
0x512: {  	s28 =	simm.s32 $0x20;
	v0 =	vld [tilespmem:s26+$0xA480]  }
0x513: {  	v1 =	vld [tilespmem:s28+$0xA480];
	v2, _, _ =	vpop (xrf2)  }
0x514: {  	(v2sf) =	vpush v2, $0xF;
	v2 =	vld [tilespmem:s25+$0xA580];
	_ =	sdelay $0x1  }
0x515: {  	v3 =	vld [tilespmem:s26+$0xA580]  }
0x516: {  	(xrf2) =	vadd.scan.msk.f32 $0xffff, v0  }
0x517: {  	v0 =	vimm.s32 $0x80000000;
	(xrf2) =	vadd.scan.msk.f32 $0xffff, v1;
	v1 =	vld [tilespmem:s28+$0xA580]  }
0x518: {  	vm0 =	vgt.s32 v0, v2  }
0x519: {  	s29 =	simm.s32 $0x30;
	v0 =	vsel vm0, v0, v2  }
0x51a: {  	v2 =	vld [tilespmem:s29+$0xA580];
	vm0 =	vgt.s32 v0, v3  }
0x51b: {  	v0 =	vsel vm0, v0, v3  }
0x51c: {  	vm0 =	vgt.s32 v0, v1  }
0x51d: {  	v4 =	vld [tilespmem:s29+$0xA480];
	v0 =	vsel vm0, v0, v1;
	_ =	sdelay $0x1  }
0x51e: {  	vm0 =	vgt.s32 v0, v2  }
0x51f: {  	v1 =	vsel vm0, v0, v2;
	v0, _, _ =	vpop (xrf2)  }
0x520: {  	s30 =	simm.s32 $0x40;
	(v2sf) =	vpush v0, $0xF;
	v2, _, _ =	vpop (xrf2)  }
0x521: {  	v5 =	vld [tilespmem:s30+$0xA480];
	(xrf2) =	vadd.scan.msk.f32 $0xffff, v4;
	(v2sf) =	vpush v2, $0xF  }
0x522: {  	v3 =	vld [tilespmem:s30+$0xA580];
	_ =	sdelay $0x3  }
0x523: {  	s31 =	simm.s32 $0x50;
	s17 =	simm.s32 $0x180;
	s16 =	simm.s32 $0x200;
	(xrf2) =	vadd.scan.msk.f32 $0xffff, v5  }
0x524: {  	s18 =	simm.s32 $0x280;
	s4 =	simm.f32 $0.0e+00;
	s15 =	simm.s32 $0x240;
	vm0 =	vgt.s32 v1, v3;
	v0 =	vld [tilespmem:s31+$0xA580]  }
0x525: {  	s3 =	ssub.s32 s11, s14;
	s14 =	simm.s32 $0x1C0;
	v1 =	vsel vm0, v1, v3;
	v2 =	vld [tilespmem:s31+$0xA480];
	s11 =	spop (v2sf)  }
.LBB2_42:
0x526: {  	p0 =	sne.s32 s18, $0x3C0  }
0x527: {  	s4 =	sadd.f32 s11, s4;
	s11 =	smov.u32 s18;
	s18 =	sadd.s32 $0x40, s18  }
.Ltmp22:
0x528: {  	v3, _, _ =	vpop (xrf2);
	(pc) =	sbr.rel @p0 .LBB2_42-.Ltmp22, $4  }
0x529: {  	s19 =	sshra.s32 s17, $0x2;
	s17 =	smov.u32 s14;
	s14 =	smov.u32 s16;
	vm0 =	vgt.s32 v1, v0;
	(v2sf) =	vpush v3, $0xF  }
0x52a: {  	s16 =	smov.u32 s15;
	s15 =	smov.u32 s11;
	v1 =	vsel vm0, v1, v0;
	v0 =	vld [tilespmem:s19+$0xA580];
	(xrf2) =	vadd.scan.msk.f32 $0xffff, v2  }
0x52b: {  	v2 =	vld [tilespmem:s19+$0xA480];
	_ =	sdelay $0x1  }
0x52c: {  	s11 =	spop (v2sf)  }
0x52d: {  	s17 =	sshra.s32 s17, $0x2  }
0x52e: {  	v3 =	vld [tilespmem:s17+$0xA580]  }
0x52f: {  	s14 =	sshra.s32 s14, $0x2;
	v4 =	vld [tilespmem:s17+$0xA480]  }
0x530: {  	v5 =	vld [tilespmem:s14+$0xA580]  }
0x531: {  	s23 =	sshra.s32 s16, $0x2;
	v6 =	vld [tilespmem:s14+$0xA480]  }
0x532: {  	v7 =	vld [tilespmem:s23+$0xA480]  }
0x533: {  	s24 =	sshra.s32 s15, $0x2;
	vm0 =	vgt.s32 v1, v0;
	v8 =	vld [tilespmem:s23+$0xA580]  }
0x534: {  	v49 =	vld [tilespmem:s24+$0xA480];
	v0 =	vsel vm0, v1, v0  }
0x535: {  	(xrf2) =	vadd.scan.msk.f32 $0xffff, v2;
	vm0 =	vgt.s32 v0, v3  }
0x536: {  	v50 =	vld [tilespmem:s24+$0xA580];
	(xrf2) =	vadd.scan.msk.f32 $0xffff, v4;
	v0 =	vsel vm0, v0, v3  }
0x537: {  	(xrf2) =	vadd.scan.msk.f32 $0xffff, v6;
	vm0 =	vgt.s32 v0, v5  }
0x538: {  	(xrf2) =	vadd.scan.msk.f32 $0xffff, v7;
	v0 =	vsel vm0, v0, v5  }
0x539: {  	(xrf2) =	vadd.scan.msk.f32 $0xffff, v49;
	vm0 =	vgt.s32 v0, v8  }
0x53a: {  	v0 =	vsel vm0, v0, v8  }
0x53b: {  	vm0 =	vgt.s32 v0, v50  }
0x53c: {  	v0 =	vsel vm0, v0, v50  }
0x53d: {  	v51, _, _ =	vpop (xrf2);
	v0 =	vxor.u32 $0x80000000, v0  }
0x53e: {  	(v2sf) =	vpush v51, $0xF;
	v52, _, _ =	vpop (xrf2);
	(xrf0) =	vmax.scan.msk.u32 $0xffff, v0  }
0x53f: {  	(v2sf) =	vpush v52, $0xF;
	v53, _, _ =	vpop (xrf2)  }
0x540: {  	(v2sf) =	vpush v53, $0xF;
	v54, _, _ =	vpop (xrf2)  }
0x541: {  	v55, _, _ =	vpop (xrf2);
	(v2sf) =	vpush v54, $0xF  }
0x542: {  	(v2sf) =	vpush v55, $0xF;
	v56, _, _ =	vpop (xrf2)  }
0x543: {  	(v2sf) =	vpush v56, $0xF;
	v57, _, _ =	vpop (xrf2)  }
0x544: {  	(v2sf) =	vpush v57, $0xF;
	v58, _, _ =	vpop (xrf0)  }
0x545: {  	(v2sf) =	vpush v58, $0xF;
	_ =	sdelay $0x4  }
0x546: {  	s25 =	spop (v2sf);
	s20 =	simm.s32 $0x0;
	s21 =	simm.s32 $0xA700  }
0x547: {  	[tilespmem:s21], [sflag:$0x2] =	stream.linear.gather [hbm4b:s2+s20], $0x10, $0x38;
	[tilespmem:$0xABA0] =	vst v63  }
0x548: {  	s26 =	spop (v2sf)  }
0x549: {  	s28 =	spop (v2sf)  }
0x54a: {  	s29 =	spop (v2sf)  }
0x54b: {  	s18 =	spop (v2sf)  }
0x54c: {  	s30 =	spop (v2sf)  }
0x54d: {  	s19 =	spop (v2sf)  }
0x54e: {  	s4 =	sadd.f32 s11, s4;
	s31 =	spop (v2sf)  }
0x54f: {  	s22 =	spop (v2sf)  }
0x550: {  	s24 =	simm.s32 $0x2;
	s4 =	sadd.f32 s25, s4;
	s23 =	spop (v2sf)  }
0x551: {  	_ =	swait.ge [sflag:s24], $0x10  }
0x552: {  	s4 =	sadd.f32 s26, s4;
	[sflag:s24] =	ssyncset.done $0x0  }
0x553: {  	[sflag:s24] =	ssyncadd.s32 $0xFFFFFFF0  }
0x554: {  	s4 =	sadd.f32 s28, s4;
	v59 =	vld [tilespmem:$0xA700];
	_ =	sdelay $0x1  }
0x555: {  	s4 =	sadd.f32 s29, s4;
	_ =	sdelay $0x1  }
0x556: {  	s4 =	sadd.f32 s18, s4  }
0x557: {  	(v2sf) =	vpush v59, $0x0  }
0x558: {  	s7 =	sadd.s32 s7, s8;
	s4 =	sadd.f32 s30, s4  }
0x559: {  	s7 =	sadd.s32 s9, s7  }
0x55a: {  	s3 =	sadd.s32 s3, s7;
	s25 =	sor.u32 s6, s10;
	s4 =	sadd.f32 s19, s4  }
0x55b: {  	s7 =	sxor.u32 $0x80000000, s25;
	s26 =	sor.u32 s6, s12;
	s28 =	scvt.s32.f32 s3  }
0x55c: {  	s6 =	sxor.u32 $0x80000000, s26;
	s4 =	sadd.f32 s31, s4;
	s8 =	sxor.u32 $0x80000000, s23  }
0x55d: {  	v60 =	vmov s7;
	s3 =	sadd.s32 s13, s3;
	s29 =	ssub.f32 $2.621400000e+04, s28;
	p0 =	sgt.s32 s8, s6  }
0x55e: {  	v61 =	vxor.u32 $0x7FFFFFFF, v60;
	vm14 =	vlt.s32 v60, $0x0;
	s2 =	sadd.f32 s22, s4;
	s6 =	smov.u32 @p0 s8;
	p0 =	slt.s32 s12, $0x0  }
0x55f: {  	v1 =	vnsel vm14, s7, v61;
	p1 =	sgt.s32 s3, $0x6666;
	s6 =	smov.u32 @p0 s8  }
0x560: {  	v1 =	vmul.f32 s29, v1;
	s2 =	sadd.f32 s2, s5;
	s6 =	smov.u32 @p1 s7  }
0x561: {  	v62 =	vmov s6  }
0x562: {  	v1 =	vadd.f32 s2, v1;
	v63 =	vxor.u32 $0x7FFFFFFF, v62;
	vm15 =	vlt.s32 v62, $0x0  }
0x563: {  	v2 =	vnsel vm15, s6, v63  }
0x564: {  	v1 =	vmul.f32 $3.814697270e-05, v1;
	v2 =	vmul.f32 $1.525878910e-05, v2;
	_ =	sdelay $0x1  }
0x565: {  	v0 =	vadd.f32 $0.0e+00, v59;
	v1 =	vadd.f32 v2, v1;
	s30 =	spop (v2sf)  }
0x566: {  	s2 =	sand.u32 $0x7FFFFFFF, s30  }
0x567: {  	v0 =	vbroadcast v0, $0x1;
	v1 =	vadd.f32 $-2.302571200e-02, v1;
	p6 =	sle.f32 s2, $9.999999740e-05;
	_ =	sdelay $0x1  }
0x568: {  	v0 =	vpsel p6, v0, v1  }
0x569: {  	s31 =	simm.s32 $0xA680;
	[tilespmem:$0xA680] =	vst v0  }
0x56a: {  	[hbm4b:s1+s20] =	stream.linear.scatter [tilespmem:s31], [sflag:$0x2], $0x80, $0x38;
	[tilespmem:$0xABA0] =	vst v63  }
0x56b: {  	_ =	swait.ge [sflag:s24], $0x80  }
0x56c: {  	[sflag:s24] =	ssyncset.done $0x0  }
0x56d: {  	[sflag:s24] =	ssyncadd.s32 $0xFFFFFF80  }
0x56e: {  	_ =	sfence.sel $0x180000  }
0x56f: {  	[bflag:$0x0] =	sbarrier.arrive $0xFFFF  }
0x570: {  	_ =	strace $0x90000047  }
0x571: {  	s0 =	sadd.s32 $0x100000, s0;
	[bflag:$0x2] =	sbarrier.arrive $0xFFFF  }
0x572: {  	[sflag:s0] =	ssyncadd.tile.s32 $0x1;
	_ =	shalt  }
.Lfunc_end2:
_tile_overlayer_lowered:
.L_overlay_start_2:
0x573: {  	(tag) =	ssettag $0x2  }
0x574: {  	s0 =	rddreg [dreg:$0x0];
	s2 =	stileid.u32  }
0x575: {  	s1 =	rddreg [dreg:$0x1];
	p0 =	sne.s32 s2, $0x0  }
0x576: {  	s3 =	rddreg [dreg:$0x2];
	[bflag:$0x3] =	sbarrier.arrive $0xFFFF;
	s2 =	simm.s32 @!p0 $0x1C02  }
0x577: {  	[timem:s3], [sflag:s2] =	dma.local @!p0 [hbm:s0], s1  }
0x578: {  	s0 =	simm.s32 @!p0 $0x2  }
0x579: {  	_ =	swait.ge @!p0 [sflag:s0], s1  }
0x57a: {  	s1 =	ssub.s32 @!p0 $0x0, s1;
	[sflag:s0] =	ssyncset.done @!p0 $0x0  }
0x57b: {  	[sflag:s0] =	ssyncadd.s32 @!p0 s1  }
0x57c: {  	[bflag:$0x3] =	sbarrier.arrive $0xFFFF  }
0x57d: {  	_ =	shalt  }

</sc_bundles>
